<compile_context>
chip_gen: v7x
topology: tpu7x:2x2x1
jax: 0.10.2.dev20260603
libtpu: 0.0.44.dev20260713+nightly
codegen_flags: <defaults>
</compile_context>

<pallas_src>
import jax
import jax.numpy as jnp
from jax import lax
from jax.experimental import pallas as pl
from jax.experimental.pallas import tpu as pltpu
from jax.experimental.pallas import tpu_sc as plsc

ROWS = 4096
COLS = 16384

NUM_CORES = 2
NUM_SUBCORES = 16
NUM_WORKERS = NUM_CORES * NUM_SUBCORES

CHUNK = COLS
N_BUF = 4


def _process_chunk(buf):
    lane = lax.iota(jnp.int32, 16)
    i0_init = lane * 4
    zero = jnp.zeros((16,), jnp.float32)

    @plsc.parallel_loop(0, CHUNK, step=64, unroll=4)
    def _loop(b):
        i0 = i0_init + b
        i1 = i0 + 1
        i2 = i0 + 2
        i3 = i0 + 3
        v0 = plsc.load_gather(buf, [i0])
        v1 = plsc.load_gather(buf, [i1])
        v2 = plsc.load_gather(buf, [i2])
        v3 = plsc.load_gather(buf, [i3])
        a0 = jnp.abs(v0)
        a1 = jnp.abs(v1)
        a2 = jnp.abs(v2)
        a3 = jnp.abs(v3)
        i01 = (a0 > a1).astype(jnp.int32)
        i02 = (a0 > a2).astype(jnp.int32)
        i03 = (a0 > a3).astype(jnp.int32)
        i12 = (a1 > a2).astype(jnp.int32)
        i13 = (a1 > a3).astype(jnp.int32)
        i23 = (a2 > a3).astype(jnp.int32)
        d0 = (i01 + i02) + i03 <= 1
        d1 = (i12 + i13) - i01 <= 0
        d2 = i23 - (i02 + i12) <= -1
        d3 = (i03 + i13) + i23 >= 2
        plsc.store_scatter(buf, [i0], zero, mask=d0)
        plsc.store_scatter(buf, [i1], zero, mask=d1)
        plsc.store_scatter(buf, [i2], zero, mask=d2)
        plsc.store_scatter(buf, [i3], zero, mask=d3)


def _sc_body(x_hbm, o_hbm, *refs):
    n_chunks = ROWS // NUM_WORKERS
    cid = lax.axis_index("c")
    sid = lax.axis_index("s")
    wid = sid * NUM_CORES + cid
    base = wid * n_chunks

    bufs = refs[:N_BUF]
    in_sems = refs[N_BUF:2 * N_BUF]
    out_sems = refs[2 * N_BUF:3 * N_BUF]

    def src(j):
        return x_hbm.at[base + j]

    def dst(j):
        return o_hbm.at[base + j]

    def do_chunk(j, par, wait_out_prev, issue_next):
        p = par % N_BUF
        pltpu.make_async_copy(src(j), bufs[p], in_sems[p]).wait()
        _process_chunk(bufs[p])
        pltpu.async_copy(bufs[p], dst(j), out_sems[p])
        if wait_out_prev:
            q = (par - 1) % N_BUF
            pltpu.make_async_copy(bufs[q], dst(j - 1), out_sems[q]).wait()
        if issue_next:
            n = (par + 3) % N_BUF
            pltpu.async_copy(src(j + 3), bufs[n], in_sems[n])

    for p in range(3):
        pltpu.async_copy(src(p), bufs[p], in_sems[p])
    do_chunk(0, 0, False, True)
    for k in range(1, N_BUF):
        do_chunk(k, k, True, True)

    def round_body(r, _):
        j0 = r * N_BUF
        for k in range(N_BUF):
            do_chunk(j0 + k, k, True, True)
        return 0

    lax.fori_loop(1, n_chunks // N_BUF - 1, round_body, 0)

    j0 = n_chunks - N_BUF
    do_chunk(j0, 0, True, True)
    for k in range(1, N_BUF):
        do_chunk(j0 + k, k, True, False)
    q = (n_chunks - 1) % N_BUF
    pltpu.make_async_copy(bufs[q], dst(n_chunks - 1), out_sems[q]).wait()


def _make_sc_call():
    mesh = plsc.VectorSubcoreMesh(
        core_axis_name="c", subcore_axis_name="s",
        num_cores=NUM_CORES, num_subcores=NUM_SUBCORES,
    )
    return pl.kernel(
        _sc_body,
        out_type=jax.ShapeDtypeStruct((ROWS, COLS), jnp.float32),
        mesh=mesh,
        scratch_types=(
            [pltpu.VMEM((CHUNK,), jnp.float32)] * N_BUF
            + [pltpu.SemaphoreType.DMA] * (2 * N_BUF)
        ),
        compiler_params=pltpu.CompilerParams(needs_layout_passes=False),
    )


@jax.jit
def kernel(inputs):
    return _make_sc_call()(inputs)

# --- scband reference (transcript-rebuilt; emitter-appended) ---
"""Pipeline reference for scband-sparsity-5196910428745 (READ-ONLY COPY).

The authoritative reference and input builder live on the scoring server;
editing this copy changes nothing except your own understanding.
"""

import jax, jax.numpy as jnp
import numpy as np

N_SPARSITY = 2
M_SPARSITY = 4


def get_pruning_n_m_mask(inputs, n, m):
    length = inputs.size
    if length % m != 0:
        raise ValueError(f'inputs size must be divisible by m, provided {length} and {m}')
    group = length // m
    a = jnp.abs(inputs)
    inputs_temp = a.reshape(group, m)
    # rank of each element within its group of m (double argsort)
    ranks = inputs_temp.argsort().argsort()
    mask = (ranks >= m - n).astype(inputs.dtype)
    return mask.reshape(inputs.shape)


def setup_inputs(seed: int = 0) -> dict:
    key = jax.random.key(seed)
    inputs = jax.random.normal(key, (4096, 16384), dtype=jnp.float32)
    return {"inputs": inputs}


def reference(inputs):
    # Faithful translation of get_sparsity_mask(type='STRUCTURED_NM') followed by
    # mask application (apply_mask=True path of sr_ste forward).
    mask = get_pruning_n_m_mask(inputs, N_SPARSITY, M_SPARSITY)
    updated_inputs = jnp.multiply(mask, inputs)
    return updated_inputs

if __name__ == "__main__":
    import jax
    _d = setup_inputs()
    print(jax.jit(kernel)(*tuple(_d.values())))

</pallas_src>

<mosaic_0001>
#map = affine_map<(d0, d1) -> (0, 0)>
module attributes {stable_mosaic.version = 14 : i64} {
  func.func @_sc_body(%arg0: i32, %arg1: i32, %arg2: memref<4096x16384xf32, #tpu.memory_space<hbm>>, %arg3: memref<4096x16384xf32, #tpu.memory_space<hbm>>, %arg4: memref<16384xf32, #tpu.memory_space<vmem>>, %arg5: memref<16384xf32, #tpu.memory_space<vmem>>, %arg6: memref<16384xf32, #tpu.memory_space<vmem>>, %arg7: memref<16384xf32, #tpu.memory_space<vmem>>, %arg8: memref<!tpu.dma_semaphore, #tpu.memory_space<semaphore_mem>>, %arg9: memref<!tpu.dma_semaphore, #tpu.memory_space<semaphore_mem>>, %arg10: memref<!tpu.dma_semaphore, #tpu.memory_space<semaphore_mem>>, %arg11: memref<!tpu.dma_semaphore, #tpu.memory_space<semaphore_mem>>, %arg12: memref<!tpu.dma_semaphore, #tpu.memory_space<semaphore_mem>>, %arg13: memref<!tpu.dma_semaphore, #tpu.memory_space<semaphore_mem>>, %arg14: memref<!tpu.dma_semaphore, #tpu.memory_space<semaphore_mem>>, %arg15: memref<!tpu.dma_semaphore, #tpu.memory_space<semaphore_mem>>) attributes {dimension_semantics = [#tpu.dimension_semantics<core_parallel>, #tpu.dimension_semantics<subcore_parallel>], iteration_bounds = array<i64: 2, 16>, scalar_prefetch = 0 : i64, scratch_operands = 12 : i64, tpu.core_type = #tpu.core_type<sc_vector_subcore>, window_params = [{transform_indices = #map}, {transform_indices = #map}]} {
    %mul3A = arith.constant 2 : i32
    %mul3A_0 = arith.muli %arg1, %mul3A : i32
    %add3A = arith.addi %mul3A_0, %arg0 : i32
    %mul3A_1 = arith.constant 128 : i32
    %mul3A_2 = arith.muli %add3A, %mul3A_1 : i32
    %add3A_3 = arith.constant 0 : i32
    %add3A_4 = arith.addi %mul3A_2, %add3A_3 : i32
    %dma_start3A = arith.constant 0 : i32
    %dma_start3A_5 = tpu.memref_slice %arg2[%add3A_4, %dma_start3A] : memref<4096x16384xf32, #tpu.memory_space<hbm>> -> memref<1x16384xf32, #tpu.memory_space<hbm>>
    %dma_start3A_6 = tpu.memref_squeeze %dma_start3A_5 : memref<1x16384xf32, #tpu.memory_space<hbm>> -> memref<16384xf32, #tpu.memory_space<hbm>>
    %dma_start3A_7 = arith.constant 0 : i32
    %dma_start3A_8 = tpu.memref_slice %arg2[%add3A_4, %dma_start3A_7] : memref<4096x16384xf32, #tpu.memory_space<hbm>> -> memref<1x16384xf32, #tpu.memory_space<hbm>>
    %dma_start3A_9 = tpu.memref_squeeze %dma_start3A_8 : memref<1x16384xf32, #tpu.memory_space<hbm>> -> memref<16384xf32, #tpu.memory_space<hbm>>
    tpu.enqueue_dma source(%dma_start3A_9 : memref<16384xf32, #tpu.memory_space<hbm>>) target(%arg4 : memref<16384xf32, #tpu.memory_space<vmem>>) target_semaphore(%arg8 : memref<!tpu.dma_semaphore, #tpu.memory_space<semaphore_mem>>)
    %add3A_10 = arith.constant 1 : i32
    %add3A_11 = arith.addi %mul3A_2, %add3A_10 : i32
    %dma_start3A_12 = arith.constant 0 : i32
    %dma_start3A_13 = tpu.memref_slice %arg2[%add3A_11, %dma_start3A_12] : memref<4096x16384xf32, #tpu.memory_space<hbm>> -> memref<1x16384xf32, #tpu.memory_space<hbm>>
    %dma_start3A_14 = tpu.memref_squeeze %dma_start3A_13 : memref<1x16384xf32, #tpu.memory_space<hbm>> -> memref<16384xf32, #tpu.memory_space<hbm>>
    %dma_start3A_15 = arith.constant 0 : i32
    %dma_start3A_16 = tpu.memref_slice %arg2[%add3A_11, %dma_start3A_15] : memref<4096x16384xf32, #tpu.memory_space<hbm>> -> memref<1x16384xf32, #tpu.memory_space<hbm>>
    %dma_start3A_17 = tpu.memref_squeeze %dma_start3A_16 : memref<1x16384xf32, #tpu.memory_space<hbm>> -> memref<16384xf32, #tpu.memory_space<hbm>>
    tpu.enqueue_dma source(%dma_start3A_17 : memref<16384xf32, #tpu.memory_space<hbm>>) target(%arg5 : memref<16384xf32, #tpu.memory_space<vmem>>) target_semaphore(%arg9 : memref<!tpu.dma_semaphore, #tpu.memory_space<semaphore_mem>>)
    %add3A_18 = arith.constant 2 : i32
    %add3A_19 = arith.addi %mul3A_2, %add3A_18 : i32
    %dma_start3A_20 = arith.constant 0 : i32
    %dma_start3A_21 = tpu.memref_slice %arg2[%add3A_19, %dma_start3A_20] : memref<4096x16384xf32, #tpu.memory_space<hbm>> -> memref<1x16384xf32, #tpu.memory_space<hbm>>
    %dma_start3A_22 = tpu.memref_squeeze %dma_start3A_21 : memref<1x16384xf32, #tpu.memory_space<hbm>> -> memref<16384xf32, #tpu.memory_space<hbm>>
    %dma_start3A_23 = arith.constant 0 : i32
    %dma_start3A_24 = tpu.memref_slice %arg2[%add3A_19, %dma_start3A_23] : memref<4096x16384xf32, #tpu.memory_space<hbm>> -> memref<1x16384xf32, #tpu.memory_space<hbm>>
    %dma_start3A_25 = tpu.memref_squeeze %dma_start3A_24 : memref<1x16384xf32, #tpu.memory_space<hbm>> -> memref<16384xf32, #tpu.memory_space<hbm>>
    tpu.enqueue_dma source(%dma_start3A_25 : memref<16384xf32, #tpu.memory_space<hbm>>) target(%arg6 : memref<16384xf32, #tpu.memory_space<vmem>>) target_semaphore(%arg10 : memref<!tpu.dma_semaphore, #tpu.memory_space<semaphore_mem>>)
    %add3A_26 = arith.constant 0 : i32
    %add3A_27 = arith.addi %mul3A_2, %add3A_26 : i32
    %dma_wait3A = arith.constant 0 : i32
    %dma_wait3A_28 = tpu.memref_slice %arg2[%add3A_27, %dma_wait3A] : memref<4096x16384xf32, #tpu.memory_space<hbm>> -> memref<1x16384xf32, #tpu.memory_space<hbm>>
    %dma_wait3A_29 = tpu.memref_squeeze %dma_wait3A_28 : memref<1x16384xf32, #tpu.memory_space<hbm>> -> memref<16384xf32, #tpu.memory_space<hbm>>
    %dma_wait3A_30 = arith.constant 0 : i32
    %dma_wait3A_31 = tpu.memref_slice %arg2[%add3A_27, %dma_wait3A_30] : memref<4096x16384xf32, #tpu.memory_space<hbm>> -> memref<1x16384xf32, #tpu.memory_space<hbm>>
    %dma_wait3A_32 = tpu.memref_squeeze %dma_wait3A_31 : memref<1x16384xf32, #tpu.memory_space<hbm>> -> memref<16384xf32, #tpu.memory_space<hbm>>
    tpu.wait_dma2 semaphore(%arg8 : memref<!tpu.dma_semaphore, #tpu.memory_space<semaphore_mem>>) src(%dma_wait3A_32 : memref<16384xf32, #tpu.memory_space<hbm>>) dst(%arg4 : memref<16384xf32, #tpu.memory_space<vmem>>)
    %iota3A = tpu.iota {dimensions = array<i32: 0>} : vector<16xi32>
    %mul3A_33 = arith.constant 4 : i32
    %mul3A_34 = vector.broadcast %mul3A_33 : i32 to vector<16xi32>
    %mul3A_35 = arith.muli %iota3A, %mul3A_34 : vector<16xi32>
    %broadcast_in_dim3A = arith.constant 0.000000e+00 : f32
    %broadcast_in_dim3A_36 = vector.broadcast %broadcast_in_dim3A : f32 to vector<16xf32>
    %parallel_loop3A = arith.constant 0 : i32
    %parallel_loop3A_37 = arith.constant 16384 : i32
    %parallel_loop3A_38 = arith.constant 64 : i32
    scf.for %parallel_loop3A_332 = %parallel_loop3A to %parallel_loop3A_37 step %parallel_loop3A_38  : i32 {
      %parallel_loop3A_333 = vector.broadcast %parallel_loop3A_332 : i32 to vector<16xi32>
      %parallel_loop3A_334 = arith.addi %mul3A_35, %parallel_loop3A_333 : vector<16xi32>
      %parallel_loop3A_335 = arith.constant 1 : i32
      %parallel_loop3A_336 = vector.broadcast %parallel_loop3A_335 : i32 to vector<16xi32>
      %parallel_loop3A_337 = arith.addi %parallel_loop3A_334, %parallel_loop3A_336 : vector<16xi32>
      %parallel_loop3A_338 = arith.constant 2 : i32
      %parallel_loop3A_339 = vector.broadcast %parallel_loop3A_338 : i32 to vector<16xi32>
      %parallel_loop3A_340 = arith.addi %parallel_loop3A_334, %parallel_loop3A_339 : vector<16xi32>
      %parallel_loop3A_341 = arith.constant 3 : i32
      %parallel_loop3A_342 = vector.broadcast %parallel_loop3A_341 : i32 to vector<16xi32>
      %parallel_loop3A_343 = arith.addi %parallel_loop3A_334, %parallel_loop3A_342 : vector<16xi32>
      %parallel_loop3A_344 = tpu.vector_load_idx %arg4[%parallel_loop3A_334] : memref<16384xf32, #tpu.memory_space<vmem>>[vector<16xi32>], vector<16xf32>,
      %parallel_loop3A_345 = tpu.vector_load_idx %arg4[%parallel_loop3A_337] : memref<16384xf32, #tpu.memory_space<vmem>>[vector<16xi32>], vector<16xf32>,
      %parallel_loop3A_346 = tpu.vector_load_idx %arg4[%parallel_loop3A_340] : memref<16384xf32, #tpu.memory_space<vmem>>[vector<16xi32>], vector<16xf32>,
      %parallel_loop3A_347 = tpu.vector_load_idx %arg4[%parallel_loop3A_343] : memref<16384xf32, #tpu.memory_space<vmem>>[vector<16xi32>], vector<16xf32>,
      %parallel_loop3A_348 = math.absf %parallel_loop3A_344 : vector<16xf32>
      %parallel_loop3A_349 = math.absf %parallel_loop3A_345 : vector<16xf32>
      %parallel_loop3A_350 = math.absf %parallel_loop3A_346 : vector<16xf32>
      %parallel_loop3A_351 = math.absf %parallel_loop3A_347 : vector<16xf32>
      %parallel_loop3A_352 = arith.cmpf ogt, %parallel_loop3A_348, %parallel_loop3A_349 : vector<16xf32>
      %parallel_loop3A_353 = arith.extui %parallel_loop3A_352 : vector<16xi1> to vector<16xi32>
      %parallel_loop3A_354 = arith.cmpf ogt, %parallel_loop3A_348, %parallel_loop3A_350 : vector<16xf32>
      %parallel_loop3A_355 = arith.extui %parallel_loop3A_354 : vector<16xi1> to vector<16xi32>
      %parallel_loop3A_356 = arith.cmpf ogt, %parallel_loop3A_348, %parallel_loop3A_351 : vector<16xf32>
      %parallel_loop3A_357 = arith.extui %parallel_loop3A_356 : vector<16xi1> to vector<16xi32>
      %parallel_loop3A_358 = arith.cmpf ogt, %parallel_loop3A_349, %parallel_loop3A_350 : vector<16xf32>
      %parallel_loop3A_359 = arith.extui %parallel_loop3A_358 : vector<16xi1> to vector<16xi32>
      %parallel_loop3A_360 = arith.cmpf ogt, %parallel_loop3A_349, %parallel_loop3A_351 : vector<16xf32>
      %parallel_loop3A_361 = arith.extui %parallel_loop3A_360 : vector<16xi1> to vector<16xi32>
      %parallel_loop3A_362 = arith.cmpf ogt, %parallel_loop3A_350, %parallel_loop3A_351 : vector<16xf32>
      %parallel_loop3A_363 = arith.extui %parallel_loop3A_362 : vector<16xi1> to vector<16xi32>
      %parallel_loop3A_364 = arith.addi %parallel_loop3A_353, %parallel_loop3A_355 : vector<16xi32>
      %parallel_loop3A_365 = arith.addi %parallel_loop3A_364, %parallel_loop3A_357 : vector<16xi32>
      %parallel_loop3A_366 = arith.constant 1 : i32
      %parallel_loop3A_367 = vector.broadcast %parallel_loop3A_366 : i32 to vector<16xi32>
      %parallel_loop3A_368 = arith.cmpi sle, %parallel_loop3A_365, %parallel_loop3A_367 : vector<16xi32>
      %parallel_loop3A_369 = arith.addi %parallel_loop3A_359, %parallel_loop3A_361 : vector<16xi32>
      %parallel_loop3A_370 = arith.subi %parallel_loop3A_369, %parallel_loop3A_353 : vector<16xi32>
      %parallel_loop3A_371 = arith.constant 0 : i32
      %parallel_loop3A_372 = vector.broadcast %parallel_loop3A_371 : i32 to vector<16xi32>
      %parallel_loop3A_373 = arith.cmpi sle, %parallel_loop3A_370, %parallel_loop3A_372 : vector<16xi32>
      %parallel_loop3A_374 = arith.addi %parallel_loop3A_355, %parallel_loop3A_359 : vector<16xi32>
      %parallel_loop3A_375 = arith.subi %parallel_loop3A_363, %parallel_loop3A_374 : vector<16xi32>
      %parallel_loop3A_376 = arith.constant -1 : i32
      %parallel_loop3A_377 = vector.broadcast %parallel_loop3A_376 : i32 to vector<16xi32>
      %parallel_loop3A_378 = arith.cmpi sle, %parallel_loop3A_375, %parallel_loop3A_377 : vector<16xi32>
      %parallel_loop3A_379 = arith.addi %parallel_loop3A_357, %parallel_loop3A_361 : vector<16xi32>
      %parallel_loop3A_380 = arith.addi %parallel_loop3A_379, %parallel_loop3A_363 : vector<16xi32>
      %parallel_loop3A_381 = arith.constant 2 : i32
      %parallel_loop3A_382 = vector.broadcast %parallel_loop3A_381 : i32 to vector<16xi32>
      %parallel_loop3A_383 = arith.cmpi sge, %parallel_loop3A_380, %parallel_loop3A_382 : vector<16xi32>
      tpu.vector_store_idx %arg4[%parallel_loop3A_334], %broadcast_in_dim3A_36 masked %parallel_loop3A_368 : memref<16384xf32, #tpu.memory_space<vmem>>[vector<16xi32>], vector<16xf32>, vector<16xi1>
      tpu.vector_store_idx %arg4[%parallel_loop3A_337], %broadcast_in_dim3A_36 masked %parallel_loop3A_373 : memref<16384xf32, #tpu.memory_space<vmem>>[vector<16xi32>], vector<16xf32>, vector<16xi1>
      tpu.vector_store_idx %arg4[%parallel_loop3A_340], %broadcast_in_dim3A_36 masked %parallel_loop3A_378 : memref<16384xf32, #tpu.memory_space<vmem>>[vector<16xi32>], vector<16xf32>, vector<16xi1>
      tpu.vector_store_idx %arg4[%parallel_loop3A_343], %broadcast_in_dim3A_36 masked %parallel_loop3A_383 : memref<16384xf32, #tpu.memory_space<vmem>>[vector<16xi32>], vector<16xf32>, vector<16xi1>
    } {sc.loop_unroll_factor = 4 : i64, sc.parallel_access}
    %add3A_39 = arith.constant 0 : i32
    %add3A_40 = arith.addi %mul3A_2, %add3A_39 : i32
    %dma_start3A_41 = arith.constant 0 : i32
    %dma_start3A_42 = tpu.memref_slice %arg3[%add3A_40, %dma_start3A_41] : memref<4096x16384xf32, #tpu.memory_space<hbm>> -> memref<1x16384xf32, #tpu.memory_space<hbm>>
    %dma_start3A_43 = tpu.memref_squeeze %dma_start3A_42 : memref<1x16384xf32, #tpu.memory_space<hbm>> -> memref<16384xf32, #tpu.memory_space<hbm>>
    %dma_start3A_44 = arith.constant 0 : i32
    %dma_start3A_45 = tpu.memref_slice %arg3[%add3A_40, %dma_start3A_44] : memref<4096x16384xf32, #tpu.memory_space<hbm>> -> memref<1x16384xf32, #tpu.memory_space<hbm>>
    %dma_start3A_46 = tpu.memref_squeeze %dma_start3A_45 : memref<1x16384xf32, #tpu.memory_space<hbm>> -> memref<16384xf32, #tpu.memory_space<hbm>>
    tpu.enqueue_dma source(%arg4 : memref<16384xf32, #tpu.memory_space<vmem>>) target(%dma_start3A_46 : memref<16384xf32, #tpu.memory_space<hbm>>) target_semaphore(%arg12 : memref<!tpu.dma_semaphore, #tpu.memory_space<semaphore_mem>>)
    %add3A_47 = arith.constant 3 : i32
    %add3A_48 = arith.addi %mul3A_2, %add3A_47 : i32
    %dma_start3A_49 = arith.constant 0 : i32
    %dma_start3A_50 = tpu.memref_slice %arg2[%add3A_48, %dma_start3A_49] : memref<4096x16384xf32, #tpu.memory_space<hbm>> -> memref<1x16384xf32, #tpu.memory_space<hbm>>
    %dma_start3A_51 = tpu.memref_squeeze %dma_start3A_50 : memref<1x16384xf32, #tpu.memory_space<hbm>> -> memref<16384xf32, #tpu.memory_space<hbm>>
    %dma_start3A_52 = arith.constant 0 : i32
    %dma_start3A_53 = tpu.memref_slice %arg2[%add3A_48, %dma_start3A_52] : memref<4096x16384xf32, #tpu.memory_space<hbm>> -> memref<1x16384xf32, #tpu.memory_space<hbm>>
    %dma_start3A_54 = tpu.memref_squeeze %dma_start3A_53 : memref<1x16384xf32, #tpu.memory_space<hbm>> -> memref<16384xf32, #tpu.memory_space<hbm>>
    tpu.enqueue_dma source(%dma_start3A_54 : memref<16384xf32, #tpu.memory_space<hbm>>) target(%arg7 : memref<16384xf32, #tpu.memory_space<vmem>>) target_semaphore(%arg11 : memref<!tpu.dma_semaphore, #tpu.memory_space<semaphore_mem>>)
    %add3A_55 = arith.constant 1 : i32
    %add3A_56 = arith.addi %mul3A_2, %add3A_55 : i32
    %dma_wait3A_57 = arith.constant 0 : i32
    %dma_wait3A_58 = tpu.memref_slice %arg2[%add3A_56, %dma_wait3A_57] : memref<4096x16384xf32, #tpu.memory_space<hbm>> -> memref<1x16384xf32, #tpu.memory_space<hbm>>
    %dma_wait3A_59 = tpu.memref_squeeze %dma_wait3A_58 : memref<1x16384xf32, #tpu.memory_space<hbm>> -> memref<16384xf32, #tpu.memory_space<hbm>>
    %dma_wait3A_60 = arith.constant 0 : i32
    %dma_wait3A_61 = tpu.memref_slice %arg2[%add3A_56, %dma_wait3A_60] : memref<4096x16384xf32, #tpu.memory_space<hbm>> -> memref<1x16384xf32, #tpu.memory_space<hbm>>
    %dma_wait3A_62 = tpu.memref_squeeze %dma_wait3A_61 : memref<1x16384xf32, #tpu.memory_space<hbm>> -> memref<16384xf32, #tpu.memory_space<hbm>>
    tpu.wait_dma2 semaphore(%arg9 : memref<!tpu.dma_semaphore, #tpu.memory_space<semaphore_mem>>) src(%dma_wait3A_62 : memref<16384xf32, #tpu.memory_space<hbm>>) dst(%arg5 : memref<16384xf32, #tpu.memory_space<vmem>>)
    %iota3A_63 = tpu.iota {dimensions = array<i32: 0>} : vector<16xi32>
    %mul3A_64 = arith.constant 4 : i32
    %mul3A_65 = vector.broadcast %mul3A_64 : i32 to vector<16xi32>
    %mul3A_66 = arith.muli %iota3A_63, %mul3A_65 : vector<16xi32>
    %broadcast_in_dim3A_67 = arith.constant 0.000000e+00 : f32
    %broadcast_in_dim3A_68 = vector.broadcast %broadcast_in_dim3A_67 : f32 to vector<16xf32>
    %parallel_loop3A_69 = arith.constant 0 : i32
    %parallel_loop3A_70 = arith.constant 16384 : i32
    %parallel_loop3A_71 = arith.constant 64 : i32
    scf.for %parallel_loop3A_332 = %parallel_loop3A_69 to %parallel_loop3A_70 step %parallel_loop3A_71  : i32 {
      %parallel_loop3A_333 = vector.broadcast %parallel_loop3A_332 : i32 to vector<16xi32>
      %parallel_loop3A_334 = arith.addi %mul3A_66, %parallel_loop3A_333 : vector<16xi32>
      %parallel_loop3A_335 = arith.constant 1 : i32
      %parallel_loop3A_336 = vector.broadcast %parallel_loop3A_335 : i32 to vector<16xi32>
      %parallel_loop3A_337 = arith.addi %parallel_loop3A_334, %parallel_loop3A_336 : vector<16xi32>
      %parallel_loop3A_338 = arith.constant 2 : i32
      %parallel_loop3A_339 = vector.broadcast %parallel_loop3A_338 : i32 to vector<16xi32>
      %parallel_loop3A_340 = arith.addi %parallel_loop3A_334, %parallel_loop3A_339 : vector<16xi32>
      %parallel_loop3A_341 = arith.constant 3 : i32
      %parallel_loop3A_342 = vector.broadcast %parallel_loop3A_341 : i32 to vector<16xi32>
      %parallel_loop3A_343 = arith.addi %parallel_loop3A_334, %parallel_loop3A_342 : vector<16xi32>
      %parallel_loop3A_344 = tpu.vector_load_idx %arg5[%parallel_loop3A_334] : memref<16384xf32, #tpu.memory_space<vmem>>[vector<16xi32>], vector<16xf32>,
      %parallel_loop3A_345 = tpu.vector_load_idx %arg5[%parallel_loop3A_337] : memref<16384xf32, #tpu.memory_space<vmem>>[vector<16xi32>], vector<16xf32>,
      %parallel_loop3A_346 = tpu.vector_load_idx %arg5[%parallel_loop3A_340] : memref<16384xf32, #tpu.memory_space<vmem>>[vector<16xi32>], vector<16xf32>,
      %parallel_loop3A_347 = tpu.vector_load_idx %arg5[%parallel_loop3A_343] : memref<16384xf32, #tpu.memory_space<vmem>>[vector<16xi32>], vector<16xf32>,
      %parallel_loop3A_348 = math.absf %parallel_loop3A_344 : vector<16xf32>
      %parallel_loop3A_349 = math.absf %parallel_loop3A_345 : vector<16xf32>
      %parallel_loop3A_350 = math.absf %parallel_loop3A_346 : vector<16xf32>
      %parallel_loop3A_351 = math.absf %parallel_loop3A_347 : vector<16xf32>
      %parallel_loop3A_352 = arith.cmpf ogt, %parallel_loop3A_348, %parallel_loop3A_349 : vector<16xf32>
      %parallel_loop3A_353 = arith.extui %parallel_loop3A_352 : vector<16xi1> to vector<16xi32>
      %parallel_loop3A_354 = arith.cmpf ogt, %parallel_loop3A_348, %parallel_loop3A_350 : vector<16xf32>
      %parallel_loop3A_355 = arith.extui %parallel_loop3A_354 : vector<16xi1> to vector<16xi32>
      %parallel_loop3A_356 = arith.cmpf ogt, %parallel_loop3A_348, %parallel_loop3A_351 : vector<16xf32>
      %parallel_loop3A_357 = arith.extui %parallel_loop3A_356 : vector<16xi1> to vector<16xi32>
      %parallel_loop3A_358 = arith.cmpf ogt, %parallel_loop3A_349, %parallel_loop3A_350 : vector<16xf32>
      %parallel_loop3A_359 = arith.extui %parallel_loop3A_358 : vector<16xi1> to vector<16xi32>
      %parallel_loop3A_360 = arith.cmpf ogt, %parallel_loop3A_349, %parallel_loop3A_351 : vector<16xf32>
      %parallel_loop3A_361 = arith.extui %parallel_loop3A_360 : vector<16xi1> to vector<16xi32>
      %parallel_loop3A_362 = arith.cmpf ogt, %parallel_loop3A_350, %parallel_loop3A_351 : vector<16xf32>
      %parallel_loop3A_363 = arith.extui %parallel_loop3A_362 : vector<16xi1> to vector<16xi32>
      %parallel_loop3A_364 = arith.addi %parallel_loop3A_353, %parallel_loop3A_355 : vector<16xi32>
      %parallel_loop3A_365 = arith.addi %parallel_loop3A_364, %parallel_loop3A_357 : vector<16xi32>
      %parallel_loop3A_366 = arith.constant 1 : i32
      %parallel_loop3A_367 = vector.broadcast %parallel_loop3A_366 : i32 to vector<16xi32>
      %parallel_loop3A_368 = arith.cmpi sle, %parallel_loop3A_365, %parallel_loop3A_367 : vector<16xi32>
      %parallel_loop3A_369 = arith.addi %parallel_loop3A_359, %parallel_loop3A_361 : vector<16xi32>
      %parallel_loop3A_370 = arith.subi %parallel_loop3A_369, %parallel_loop3A_353 : vector<16xi32>
      %parallel_loop3A_371 = arith.constant 0 : i32
      %parallel_loop3A_372 = vector.broadcast %parallel_loop3A_371 : i32 to vector<16xi32>
      %parallel_loop3A_373 = arith.cmpi sle, %parallel_loop3A_370, %parallel_loop3A_372 : vector<16xi32>
      %parallel_loop3A_374 = arith.addi %parallel_loop3A_355, %parallel_loop3A_359 : vector<16xi32>
      %parallel_loop3A_375 = arith.subi %parallel_loop3A_363, %parallel_loop3A_374 : vector<16xi32>
      %parallel_loop3A_376 = arith.constant -1 : i32
      %parallel_loop3A_377 = vector.broadcast %parallel_loop3A_376 : i32 to vector<16xi32>
      %parallel_loop3A_378 = arith.cmpi sle, %parallel_loop3A_375, %parallel_loop3A_377 : vector<16xi32>
      %parallel_loop3A_379 = arith.addi %parallel_loop3A_357, %parallel_loop3A_361 : vector<16xi32>
      %parallel_loop3A_380 = arith.addi %parallel_loop3A_379, %parallel_loop3A_363 : vector<16xi32>
      %parallel_loop3A_381 = arith.constant 2 : i32
      %parallel_loop3A_382 = vector.broadcast %parallel_loop3A_381 : i32 to vector<16xi32>
      %parallel_loop3A_383 = arith.cmpi sge, %parallel_loop3A_380, %parallel_loop3A_382 : vector<16xi32>
      tpu.vector_store_idx %arg5[%parallel_loop3A_334], %broadcast_in_dim3A_68 masked %parallel_loop3A_368 : memref<16384xf32, #tpu.memory_space<vmem>>[vector<16xi32>], vector<16xf32>, vector<16xi1>
      tpu.vector_store_idx %arg5[%parallel_loop3A_337], %broadcast_in_dim3A_68 masked %parallel_loop3A_373 : memref<16384xf32, #tpu.memory_space<vmem>>[vector<16xi32>], vector<16xf32>, vector<16xi1>
      tpu.vector_store_idx %arg5[%parallel_loop3A_340], %broadcast_in_dim3A_68 masked %parallel_loop3A_378 : memref<16384xf32, #tpu.memory_space<vmem>>[vector<16xi32>], vector<16xf32>, vector<16xi1>
      tpu.vector_store_idx %arg5[%parallel_loop3A_343], %broadcast_in_dim3A_68 masked %parallel_loop3A_383 : memref<16384xf32, #tpu.memory_space<vmem>>[vector<16xi32>], vector<16xf32>, vector<16xi1>
    } {sc.loop_unroll_factor = 4 : i64, sc.parallel_access}
    %add3A_72 = arith.constant 1 : i32
    %add3A_73 = arith.addi %mul3A_2, %add3A_72 : i32
    %dma_start3A_74 = arith.constant 0 : i32
    %dma_start3A_75 = tpu.memref_slice %arg3[%add3A_73, %dma_start3A_74] : memref<4096x16384xf32, #tpu.memory_space<hbm>> -> memref<1x16384xf32, #tpu.memory_space<hbm>>
    %dma_start3A_76 = tpu.memref_squeeze %dma_start3A_75 : memref<1x16384xf32, #tpu.memory_space<hbm>> -> memref<16384xf32, #tpu.memory_space<hbm>>
    %dma_start3A_77 = arith.constant 0 : i32
    %dma_start3A_78 = tpu.memref_slice %arg3[%add3A_73, %dma_start3A_77] : memref<4096x16384xf32, #tpu.memory_space<hbm>> -> memref<1x16384xf32, #tpu.memory_space<hbm>>
    %dma_start3A_79 = tpu.memref_squeeze %dma_start3A_78 : memref<1x16384xf32, #tpu.memory_space<hbm>> -> memref<16384xf32, #tpu.memory_space<hbm>>
    tpu.enqueue_dma source(%arg5 : memref<16384xf32, #tpu.memory_space<vmem>>) target(%dma_start3A_79 : memref<16384xf32, #tpu.memory_space<hbm>>) target_semaphore(%arg13 : memref<!tpu.dma_semaphore, #tpu.memory_space<semaphore_mem>>)
    %add3A_80 = arith.constant 0 : i32
    %add3A_81 = arith.addi %mul3A_2, %add3A_80 : i32
    %dma_wait3A_82 = arith.constant 0 : i32
    %dma_wait3A_83 = tpu.memref_slice %arg3[%add3A_81, %dma_wait3A_82] : memref<4096x16384xf32, #tpu.memory_space<hbm>> -> memref<1x16384xf32, #tpu.memory_space<hbm>>
    %dma_wait3A_84 = tpu.memref_squeeze %dma_wait3A_83 : memref<1x16384xf32, #tpu.memory_space<hbm>> -> memref<16384xf32, #tpu.memory_space<hbm>>
    %dma_wait3A_85 = arith.constant 0 : i32
    %dma_wait3A_86 = tpu.memref_slice %arg3[%add3A_81, %dma_wait3A_85] : memref<4096x16384xf32, #tpu.memory_space<hbm>> -> memref<1x16384xf32, #tpu.memory_space<hbm>>
    %dma_wait3A_87 = tpu.memref_squeeze %dma_wait3A_86 : memref<1x16384xf32, #tpu.memory_space<hbm>> -> memref<16384xf32, #tpu.memory_space<hbm>>
    tpu.wait_dma2 semaphore(%arg12 : memref<!tpu.dma_semaphore, #tpu.memory_space<semaphore_mem>>) src(%arg4 : memref<16384xf32, #tpu.memory_space<vmem>>) dst(%dma_wait3A_87 : memref<16384xf32, #tpu.memory_space<hbm>>)
    %add3A_88 = arith.constant 4 : i32
    %add3A_89 = arith.addi %mul3A_2, %add3A_88 : i32
    %dma_start3A_90 = arith.constant 0 : i32
    %dma_start3A_91 = tpu.memref_slice %arg2[%add3A_89, %dma_start3A_90] : memref<4096x16384xf32, #tpu.memory_space<hbm>> -> memref<1x16384xf32, #tpu.memory_space<hbm>>
    %dma_start3A_92 = tpu.memref_squeeze %dma_start3A_91 : memref<1x16384xf32, #tpu.memory_space<hbm>> -> memref<16384xf32, #tpu.memory_space<hbm>>
    %dma_start3A_93 = arith.constant 0 : i32
    %dma_start3A_94 = tpu.memref_slice %arg2[%add3A_89, %dma_start3A_93] : memref<4096x16384xf32, #tpu.memory_space<hbm>> -> memref<1x16384xf32, #tpu.memory_space<hbm>>
    %dma_start3A_95 = tpu.memref_squeeze %dma_start3A_94 : memref<1x16384xf32, #tpu.memory_space<hbm>> -> memref<16384xf32, #tpu.memory_space<hbm>>
    tpu.enqueue_dma source(%dma_start3A_95 : memref<16384xf32, #tpu.memory_space<hbm>>) target(%arg4 : memref<16384xf32, #tpu.memory_space<vmem>>) target_semaphore(%arg8 : memref<!tpu.dma_semaphore, #tpu.memory_space<semaphore_mem>>)
    %add3A_96 = arith.constant 2 : i32
    %add3A_97 = arith.addi %mul3A_2, %add3A_96 : i32
    %dma_wait3A_98 = arith.constant 0 : i32
    %dma_wait3A_99 = tpu.memref_slice %arg2[%add3A_97, %dma_wait3A_98] : memref<4096x16384xf32, #tpu.memory_space<hbm>> -> memref<1x16384xf32, #tpu.memory_space<hbm>>
    %dma_wait3A_100 = tpu.memref_squeeze %dma_wait3A_99 : memref<1x16384xf32, #tpu.memory_space<hbm>> -> memref<16384xf32, #tpu.memory_space<hbm>>
    %dma_wait3A_101 = arith.constant 0 : i32
    %dma_wait3A_102 = tpu.memref_slice %arg2[%add3A_97, %dma_wait3A_101] : memref<4096x16384xf32, #tpu.memory_space<hbm>> -> memref<1x16384xf32, #tpu.memory_space<hbm>>
    %dma_wait3A_103 = tpu.memref_squeeze %dma_wait3A_102 : memref<1x16384xf32, #tpu.memory_space<hbm>> -> memref<16384xf32, #tpu.memory_space<hbm>>
    tpu.wait_dma2 semaphore(%arg10 : memref<!tpu.dma_semaphore, #tpu.memory_space<semaphore_mem>>) src(%dma_wait3A_103 : memref<16384xf32, #tpu.memory_space<hbm>>) dst(%arg6 : memref<16384xf32, #tpu.memory_space<vmem>>)
    %iota3A_104 = tpu.iota {dimensions = array<i32: 0>} : vector<16xi32>
    %mul3A_105 = arith.constant 4 : i32
    %mul3A_106 = vector.broadcast %mul3A_105 : i32 to vector<16xi32>
    %mul3A_107 = arith.muli %iota3A_104, %mul3A_106 : vector<16xi32>
    %broadcast_in_dim3A_108 = arith.constant 0.000000e+00 : f32
    %broadcast_in_dim3A_109 = vector.broadcast %broadcast_in_dim3A_108 : f32 to vector<16xf32>
    %parallel_loop3A_110 = arith.constant 0 : i32
    %parallel_loop3A_111 = arith.constant 16384 : i32
    %parallel_loop3A_112 = arith.constant 64 : i32
    scf.for %parallel_loop3A_332 = %parallel_loop3A_110 to %parallel_loop3A_111 step %parallel_loop3A_112  : i32 {
      %parallel_loop3A_333 = vector.broadcast %parallel_loop3A_332 : i32 to vector<16xi32>
      %parallel_loop3A_334 = arith.addi %mul3A_107, %parallel_loop3A_333 : vector<16xi32>
      %parallel_loop3A_335 = arith.constant 1 : i32
      %parallel_loop3A_336 = vector.broadcast %parallel_loop3A_335 : i32 to vector<16xi32>
      %parallel_loop3A_337 = arith.addi %parallel_loop3A_334, %parallel_loop3A_336 : vector<16xi32>
      %parallel_loop3A_338 = arith.constant 2 : i32
      %parallel_loop3A_339 = vector.broadcast %parallel_loop3A_338 : i32 to vector<16xi32>
      %parallel_loop3A_340 = arith.addi %parallel_loop3A_334, %parallel_loop3A_339 : vector<16xi32>
      %parallel_loop3A_341 = arith.constant 3 : i32
      %parallel_loop3A_342 = vector.broadcast %parallel_loop3A_341 : i32 to vector<16xi32>
      %parallel_loop3A_343 = arith.addi %parallel_loop3A_334, %parallel_loop3A_342 : vector<16xi32>
      %parallel_loop3A_344 = tpu.vector_load_idx %arg6[%parallel_loop3A_334] : memref<16384xf32, #tpu.memory_space<vmem>>[vector<16xi32>], vector<16xf32>,
      %parallel_loop3A_345 = tpu.vector_load_idx %arg6[%parallel_loop3A_337] : memref<16384xf32, #tpu.memory_space<vmem>>[vector<16xi32>], vector<16xf32>,
      %parallel_loop3A_346 = tpu.vector_load_idx %arg6[%parallel_loop3A_340] : memref<16384xf32, #tpu.memory_space<vmem>>[vector<16xi32>], vector<16xf32>,
      %parallel_loop3A_347 = tpu.vector_load_idx %arg6[%parallel_loop3A_343] : memref<16384xf32, #tpu.memory_space<vmem>>[vector<16xi32>], vector<16xf32>,
      %parallel_loop3A_348 = math.absf %parallel_loop3A_344 : vector<16xf32>
      %parallel_loop3A_349 = math.absf %parallel_loop3A_345 : vector<16xf32>
      %parallel_loop3A_350 = math.absf %parallel_loop3A_346 : vector<16xf32>
      %parallel_loop3A_351 = math.absf %parallel_loop3A_347 : vector<16xf32>
      %parallel_loop3A_352 = arith.cmpf ogt, %parallel_loop3A_348, %parallel_loop3A_349 : vector<16xf32>
      %parallel_loop3A_353 = arith.extui %parallel_loop3A_352 : vector<16xi1> to vector<16xi32>
      %parallel_loop3A_354 = arith.cmpf ogt, %parallel_loop3A_348, %parallel_loop3A_350 : vector<16xf32>
      %parallel_loop3A_355 = arith.extui %parallel_loop3A_354 : vector<16xi1> to vector<16xi32>
      %parallel_loop3A_356 = arith.cmpf ogt, %parallel_loop3A_348, %parallel_loop3A_351 : vector<16xf32>
      %parallel_loop3A_357 = arith.extui %parallel_loop3A_356 : vector<16xi1> to vector<16xi32>
      %parallel_loop3A_358 = arith.cmpf ogt, %parallel_loop3A_349, %parallel_loop3A_350 : vector<16xf32>
      %parallel_loop3A_359 = arith.extui %parallel_loop3A_358 : vector<16xi1> to vector<16xi32>
      %parallel_loop3A_360 = arith.cmpf ogt, %parallel_loop3A_349, %parallel_loop3A_351 : vector<16xf32>
      %parallel_loop3A_361 = arith.extui %parallel_loop3A_360 : vector<16xi1> to vector<16xi32>
      %parallel_loop3A_362 = arith.cmpf ogt, %parallel_loop3A_350, %parallel_loop3A_351 : vector<16xf32>
      %parallel_loop3A_363 = arith.extui %parallel_loop3A_362 : vector<16xi1> to vector<16xi32>
      %parallel_loop3A_364 = arith.addi %parallel_loop3A_353, %parallel_loop3A_355 : vector<16xi32>
      %parallel_loop3A_365 = arith.addi %parallel_loop3A_364, %parallel_loop3A_357 : vector<16xi32>
      %parallel_loop3A_366 = arith.constant 1 : i32
      %parallel_loop3A_367 = vector.broadcast %parallel_loop3A_366 : i32 to vector<16xi32>
      %parallel_loop3A_368 = arith.cmpi sle, %parallel_loop3A_365, %parallel_loop3A_367 : vector<16xi32>
      %parallel_loop3A_369 = arith.addi %parallel_loop3A_359, %parallel_loop3A_361 : vector<16xi32>
      %parallel_loop3A_370 = arith.subi %parallel_loop3A_369, %parallel_loop3A_353 : vector<16xi32>
      %parallel_loop3A_371 = arith.constant 0 : i32
      %parallel_loop3A_372 = vector.broadcast %parallel_loop3A_371 : i32 to vector<16xi32>
      %parallel_loop3A_373 = arith.cmpi sle, %parallel_loop3A_370, %parallel_loop3A_372 : vector<16xi32>
      %parallel_loop3A_374 = arith.addi %parallel_loop3A_355, %parallel_loop3A_359 : vector<16xi32>
      %parallel_loop3A_375 = arith.subi %parallel_loop3A_363, %parallel_loop3A_374 : vector<16xi32>
      %parallel_loop3A_376 = arith.constant -1 : i32
      %parallel_loop3A_377 = vector.broadcast %parallel_loop3A_376 : i32 to vector<16xi32>
      %parallel_loop3A_378 = arith.cmpi sle, %parallel_loop3A_375, %parallel_loop3A_377 : vector<16xi32>
      %parallel_loop3A_379 = arith.addi %parallel_loop3A_357, %parallel_loop3A_361 : vector<16xi32>
      %parallel_loop3A_380 = arith.addi %parallel_loop3A_379, %parallel_loop3A_363 : vector<16xi32>
      %parallel_loop3A_381 = arith.constant 2 : i32
      %parallel_loop3A_382 = vector.broadcast %parallel_loop3A_381 : i32 to vector<16xi32>
      %parallel_loop3A_383 = arith.cmpi sge, %parallel_loop3A_380, %parallel_loop3A_382 : vector<16xi32>
      tpu.vector_store_idx %arg6[%parallel_loop3A_334], %broadcast_in_dim3A_109 masked %parallel_loop3A_368 : memref<16384xf32, #tpu.memory_space<vmem>>[vector<16xi32>], vector<16xf32>, vector<16xi1>
      tpu.vector_store_idx %arg6[%parallel_loop3A_337], %broadcast_in_dim3A_109 masked %parallel_loop3A_373 : memref<16384xf32, #tpu.memory_space<vmem>>[vector<16xi32>], vector<16xf32>, vector<16xi1>
      tpu.vector_store_idx %arg6[%parallel_loop3A_340], %broadcast_in_dim3A_109 masked %parallel_loop3A_378 : memref<16384xf32, #tpu.memory_space<vmem>>[vector<16xi32>], vector<16xf32>, vector<16xi1>
      tpu.vector_store_idx %arg6[%parallel_loop3A_343], %broadcast_in_dim3A_109 masked %parallel_loop3A_383 : memref<16384xf32, #tpu.memory_space<vmem>>[vector<16xi32>], vector<16xf32>, vector<16xi1>
    } {sc.loop_unroll_factor = 4 : i64, sc.parallel_access}
    %add3A_113 = arith.constant 2 : i32
    %add3A_114 = arith.addi %mul3A_2, %add3A_113 : i32
    %dma_start3A_115 = arith.constant 0 : i32
    %dma_start3A_116 = tpu.memref_slice %arg3[%add3A_114, %dma_start3A_115] : memref<4096x16384xf32, #tpu.memory_space<hbm>> -> memref<1x16384xf32, #tpu.memory_space<hbm>>
    %dma_start3A_117 = tpu.memref_squeeze %dma_start3A_116 : memref<1x16384xf32, #tpu.memory_space<hbm>> -> memref<16384xf32, #tpu.memory_space<hbm>>
    %dma_start3A_118 = arith.constant 0 : i32
    %dma_start3A_119 = tpu.memref_slice %arg3[%add3A_114, %dma_start3A_118] : memref<4096x16384xf32, #tpu.memory_space<hbm>> -> memref<1x16384xf32, #tpu.memory_space<hbm>>
    %dma_start3A_120 = tpu.memref_squeeze %dma_start3A_119 : memref<1x16384xf32, #tpu.memory_space<hbm>> -> memref<16384xf32, #tpu.memory_space<hbm>>
    tpu.enqueue_dma source(%arg6 : memref<16384xf32, #tpu.memory_space<vmem>>) target(%dma_start3A_120 : memref<16384xf32, #tpu.memory_space<hbm>>) target_semaphore(%arg14 : memref<!tpu.dma_semaphore, #tpu.memory_space<semaphore_mem>>)
    %add3A_121 = arith.constant 1 : i32
    %add3A_122 = arith.addi %mul3A_2, %add3A_121 : i32
    %dma_wait3A_123 = arith.constant 0 : i32
    %dma_wait3A_124 = tpu.memref_slice %arg3[%add3A_122, %dma_wait3A_123] : memref<4096x16384xf32, #tpu.memory_space<hbm>> -> memref<1x16384xf32, #tpu.memory_space<hbm>>
    %dma_wait3A_125 = tpu.memref_squeeze %dma_wait3A_124 : memref<1x16384xf32, #tpu.memory_space<hbm>> -> memref<16384xf32, #tpu.memory_space<hbm>>
    %dma_wait3A_126 = arith.constant 0 : i32
    %dma_wait3A_127 = tpu.memref_slice %arg3[%add3A_122, %dma_wait3A_126] : memref<4096x16384xf32, #tpu.memory_space<hbm>> -> memref<1x16384xf32, #tpu.memory_space<hbm>>
    %dma_wait3A_128 = tpu.memref_squeeze %dma_wait3A_127 : memref<1x16384xf32, #tpu.memory_space<hbm>> -> memref<16384xf32, #tpu.memory_space<hbm>>
    tpu.wait_dma2 semaphore(%arg13 : memref<!tpu.dma_semaphore, #tpu.memory_space<semaphore_mem>>) src(%arg5 : memref<16384xf32, #tpu.memory_space<vmem>>) dst(%dma_wait3A_128 : memref<16384xf32, #tpu.memory_space<hbm>>)
    %add3A_129 = arith.constant 5 : i32
    %add3A_130 = arith.addi %mul3A_2, %add3A_129 : i32
    %dma_start3A_131 = arith.constant 0 : i32
    %dma_start3A_132 = tpu.memref_slice %arg2[%add3A_130, %dma_start3A_131] : memref<4096x16384xf32, #tpu.memory_space<hbm>> -> memref<1x16384xf32, #tpu.memory_space<hbm>>
    %dma_start3A_133 = tpu.memref_squeeze %dma_start3A_132 : memref<1x16384xf32, #tpu.memory_space<hbm>> -> memref<16384xf32, #tpu.memory_space<hbm>>
    %dma_start3A_134 = arith.constant 0 : i32
    %dma_start3A_135 = tpu.memref_slice %arg2[%add3A_130, %dma_start3A_134] : memref<4096x16384xf32, #tpu.memory_space<hbm>> -> memref<1x16384xf32, #tpu.memory_space<hbm>>
    %dma_start3A_136 = tpu.memref_squeeze %dma_start3A_135 : memref<1x16384xf32, #tpu.memory_space<hbm>> -> memref<16384xf32, #tpu.memory_space<hbm>>
    tpu.enqueue_dma source(%dma_start3A_136 : memref<16384xf32, #tpu.memory_space<hbm>>) target(%arg5 : memref<16384xf32, #tpu.memory_space<vmem>>) target_semaphore(%arg9 : memref<!tpu.dma_semaphore, #tpu.memory_space<semaphore_mem>>)
    %add3A_137 = arith.constant 3 : i32
    %add3A_138 = arith.addi %mul3A_2, %add3A_137 : i32
    %dma_wait3A_139 = arith.constant 0 : i32
    %dma_wait3A_140 = tpu.memref_slice %arg2[%add3A_138, %dma_wait3A_139] : memref<4096x16384xf32, #tpu.memory_space<hbm>> -> memref<1x16384xf32, #tpu.memory_space<hbm>>
    %dma_wait3A_141 = tpu.memref_squeeze %dma_wait3A_140 : memref<1x16384xf32, #tpu.memory_space<hbm>> -> memref<16384xf32, #tpu.memory_space<hbm>>
    %dma_wait3A_142 = arith.constant 0 : i32
    %dma_wait3A_143 = tpu.memref_slice %arg2[%add3A_138, %dma_wait3A_142] : memref<4096x16384xf32, #tpu.memory_space<hbm>> -> memref<1x16384xf32, #tpu.memory_space<hbm>>
    %dma_wait3A_144 = tpu.memref_squeeze %dma_wait3A_143 : memref<1x16384xf32, #tpu.memory_space<hbm>> -> memref<16384xf32, #tpu.memory_space<hbm>>
    tpu.wait_dma2 semaphore(%arg11 : memref<!tpu.dma_semaphore, #tpu.memory_space<semaphore_mem>>) src(%dma_wait3A_144 : memref<16384xf32, #tpu.memory_space<hbm>>) dst(%arg7 : memref<16384xf32, #tpu.memory_space<vmem>>)
    %iota3A_145 = tpu.iota {dimensions = array<i32: 0>} : vector<16xi32>
    %mul3A_146 = arith.constant 4 : i32
    %mul3A_147 = vector.broadcast %mul3A_146 : i32 to vector<16xi32>
    %mul3A_148 = arith.muli %iota3A_145, %mul3A_147 : vector<16xi32>
    %broadcast_in_dim3A_149 = arith.constant 0.000000e+00 : f32
    %broadcast_in_dim3A_150 = vector.broadcast %broadcast_in_dim3A_149 : f32 to vector<16xf32>
    %parallel_loop3A_151 = arith.constant 0 : i32
    %parallel_loop3A_152 = arith.constant 16384 : i32
    %parallel_loop3A_153 = arith.constant 64 : i32
    scf.for %parallel_loop3A_332 = %parallel_loop3A_151 to %parallel_loop3A_152 step %parallel_loop3A_153  : i32 {
      %parallel_loop3A_333 = vector.broadcast %parallel_loop3A_332 : i32 to vector<16xi32>
      %parallel_loop3A_334 = arith.addi %mul3A_148, %parallel_loop3A_333 : vector<16xi32>
      %parallel_loop3A_335 = arith.constant 1 : i32
      %parallel_loop3A_336 = vector.broadcast %parallel_loop3A_335 : i32 to vector<16xi32>
      %parallel_loop3A_337 = arith.addi %parallel_loop3A_334, %parallel_loop3A_336 : vector<16xi32>
      %parallel_loop3A_338 = arith.constant 2 : i32
      %parallel_loop3A_339 = vector.broadcast %parallel_loop3A_338 : i32 to vector<16xi32>
      %parallel_loop3A_340 = arith.addi %parallel_loop3A_334, %parallel_loop3A_339 : vector<16xi32>
      %parallel_loop3A_341 = arith.constant 3 : i32
      %parallel_loop3A_342 = vector.broadcast %parallel_loop3A_341 : i32 to vector<16xi32>
      %parallel_loop3A_343 = arith.addi %parallel_loop3A_334, %parallel_loop3A_342 : vector<16xi32>
      %parallel_loop3A_344 = tpu.vector_load_idx %arg7[%parallel_loop3A_334] : memref<16384xf32, #tpu.memory_space<vmem>>[vector<16xi32>], vector<16xf32>,
      %parallel_loop3A_345 = tpu.vector_load_idx %arg7[%parallel_loop3A_337] : memref<16384xf32, #tpu.memory_space<vmem>>[vector<16xi32>], vector<16xf32>,
      %parallel_loop3A_346 = tpu.vector_load_idx %arg7[%parallel_loop3A_340] : memref<16384xf32, #tpu.memory_space<vmem>>[vector<16xi32>], vector<16xf32>,
      %parallel_loop3A_347 = tpu.vector_load_idx %arg7[%parallel_loop3A_343] : memref<16384xf32, #tpu.memory_space<vmem>>[vector<16xi32>], vector<16xf32>,
      %parallel_loop3A_348 = math.absf %parallel_loop3A_344 : vector<16xf32>
      %parallel_loop3A_349 = math.absf %parallel_loop3A_345 : vector<16xf32>
      %parallel_loop3A_350 = math.absf %parallel_loop3A_346 : vector<16xf32>
      %parallel_loop3A_351 = math.absf %parallel_loop3A_347 : vector<16xf32>
      %parallel_loop3A_352 = arith.cmpf ogt, %parallel_loop3A_348, %parallel_loop3A_349 : vector<16xf32>
      %parallel_loop3A_353 = arith.extui %parallel_loop3A_352 : vector<16xi1> to vector<16xi32>
      %parallel_loop3A_354 = arith.cmpf ogt, %parallel_loop3A_348, %parallel_loop3A_350 : vector<16xf32>
      %parallel_loop3A_355 = arith.extui %parallel_loop3A_354 : vector<16xi1> to vector<16xi32>
      %parallel_loop3A_356 = arith.cmpf ogt, %parallel_loop3A_348, %parallel_loop3A_351 : vector<16xf32>
      %parallel_loop3A_357 = arith.extui %parallel_loop3A_356 : vector<16xi1> to vector<16xi32>
      %parallel_loop3A_358 = arith.cmpf ogt, %parallel_loop3A_349, %parallel_loop3A_350 : vector<16xf32>
      %parallel_loop3A_359 = arith.extui %parallel_loop3A_358 : vector<16xi1> to vector<16xi32>
      %parallel_loop3A_360 = arith.cmpf ogt, %parallel_loop3A_349, %parallel_loop3A_351 : vector<16xf32>
      %parallel_loop3A_361 = arith.extui %parallel_loop3A_360 : vector<16xi1> to vector<16xi32>
      %parallel_loop3A_362 = arith.cmpf ogt, %parallel_loop3A_350, %parallel_loop3A_351 : vector<16xf32>
      %parallel_loop3A_363 = arith.extui %parallel_loop3A_362 : vector<16xi1> to vector<16xi32>
      %parallel_loop3A_364 = arith.addi %parallel_loop3A_353, %parallel_loop3A_355 : vector<16xi32>
      %parallel_loop3A_365 = arith.addi %parallel_loop3A_364, %parallel_loop3A_357 : vector<16xi32>
      %parallel_loop3A_366 = arith.constant 1 : i32
      %parallel_loop3A_367 = vector.broadcast %parallel_loop3A_366 : i32 to vector<16xi32>
      %parallel_loop3A_368 = arith.cmpi sle, %parallel_loop3A_365, %parallel_loop3A_367 : vector<16xi32>
      %parallel_loop3A_369 = arith.addi %parallel_loop3A_359, %parallel_loop3A_361 : vector<16xi32>
      %parallel_loop3A_370 = arith.subi %parallel_loop3A_369, %parallel_loop3A_353 : vector<16xi32>
      %parallel_loop3A_371 = arith.constant 0 : i32
      %parallel_loop3A_372 = vector.broadcast %parallel_loop3A_371 : i32 to vector<16xi32>
      %parallel_loop3A_373 = arith.cmpi sle, %parallel_loop3A_370, %parallel_loop3A_372 : vector<16xi32>
      %parallel_loop3A_374 = arith.addi %parallel_loop3A_355, %parallel_loop3A_359 : vector<16xi32>
      %parallel_loop3A_375 = arith.subi %parallel_loop3A_363, %parallel_loop3A_374 : vector<16xi32>
      %parallel_loop3A_376 = arith.constant -1 : i32
      %parallel_loop3A_377 = vector.broadcast %parallel_loop3A_376 : i32 to vector<16xi32>
      %parallel_loop3A_378 = arith.cmpi sle, %parallel_loop3A_375, %parallel_loop3A_377 : vector<16xi32>
      %parallel_loop3A_379 = arith.addi %parallel_loop3A_357, %parallel_loop3A_361 : vector<16xi32>
      %parallel_loop3A_380 = arith.addi %parallel_loop3A_379, %parallel_loop3A_363 : vector<16xi32>
      %parallel_loop3A_381 = arith.constant 2 : i32
      %parallel_loop3A_382 = vector.broadcast %parallel_loop3A_381 : i32 to vector<16xi32>
      %parallel_loop3A_383 = arith.cmpi sge, %parallel_loop3A_380, %parallel_loop3A_382 : vector<16xi32>
      tpu.vector_store_idx %arg7[%parallel_loop3A_334], %broadcast_in_dim3A_150 masked %parallel_loop3A_368 : memref<16384xf32, #tpu.memory_space<vmem>>[vector<16xi32>], vector<16xf32>, vector<16xi1>
      tpu.vector_store_idx %arg7[%parallel_loop3A_337], %broadcast_in_dim3A_150 masked %parallel_loop3A_373 : memref<16384xf32, #tpu.memory_space<vmem>>[vector<16xi32>], vector<16xf32>, vector<16xi1>
      tpu.vector_store_idx %arg7[%parallel_loop3A_340], %broadcast_in_dim3A_150 masked %parallel_loop3A_378 : memref<16384xf32, #tpu.memory_space<vmem>>[vector<16xi32>], vector<16xf32>, vector<16xi1>
      tpu.vector_store_idx %arg7[%parallel_loop3A_343], %broadcast_in_dim3A_150 masked %parallel_loop3A_383 : memref<16384xf32, #tpu.memory_space<vmem>>[vector<16xi32>], vector<16xf32>, vector<16xi1>
    } {sc.loop_unroll_factor = 4 : i64, sc.parallel_access}
    %add3A_154 = arith.constant 3 : i32
    %add3A_155 = arith.addi %mul3A_2, %add3A_154 : i32
    %dma_start3A_156 = arith.constant 0 : i32
    %dma_start3A_157 = tpu.memref_slice %arg3[%add3A_155, %dma_start3A_156] : memref<4096x16384xf32, #tpu.memory_space<hbm>> -> memref<1x16384xf32, #tpu.memory_space<hbm>>
    %dma_start3A_158 = tpu.memref_squeeze %dma_start3A_157 : memref<1x16384xf32, #tpu.memory_space<hbm>> -> memref<16384xf32, #tpu.memory_space<hbm>>
    %dma_start3A_159 = arith.constant 0 : i32
    %dma_start3A_160 = tpu.memref_slice %arg3[%add3A_155, %dma_start3A_159] : memref<4096x16384xf32, #tpu.memory_space<hbm>> -> memref<1x16384xf32, #tpu.memory_space<hbm>>
    %dma_start3A_161 = tpu.memref_squeeze %dma_start3A_160 : memref<1x16384xf32, #tpu.memory_space<hbm>> -> memref<16384xf32, #tpu.memory_space<hbm>>
    tpu.enqueue_dma source(%arg7 : memref<16384xf32, #tpu.memory_space<vmem>>) target(%dma_start3A_161 : memref<16384xf32, #tpu.memory_space<hbm>>) target_semaphore(%arg15 : memref<!tpu.dma_semaphore, #tpu.memory_space<semaphore_mem>>)
    %add3A_162 = arith.constant 2 : i32
    %add3A_163 = arith.addi %mul3A_2, %add3A_162 : i32
    %dma_wait3A_164 = arith.constant 0 : i32
    %dma_wait3A_165 = tpu.memref_slice %arg3[%add3A_163, %dma_wait3A_164] : memref<4096x16384xf32, #tpu.memory_space<hbm>> -> memref<1x16384xf32, #tpu.memory_space<hbm>>
    %dma_wait3A_166 = tpu.memref_squeeze %dma_wait3A_165 : memref<1x16384xf32, #tpu.memory_space<hbm>> -> memref<16384xf32, #tpu.memory_space<hbm>>
    %dma_wait3A_167 = arith.constant 0 : i32
    %dma_wait3A_168 = tpu.memref_slice %arg3[%add3A_163, %dma_wait3A_167] : memref<4096x16384xf32, #tpu.memory_space<hbm>> -> memref<1x16384xf32, #tpu.memory_space<hbm>>
    %dma_wait3A_169 = tpu.memref_squeeze %dma_wait3A_168 : memref<1x16384xf32, #tpu.memory_space<hbm>> -> memref<16384xf32, #tpu.memory_space<hbm>>
    tpu.wait_dma2 semaphore(%arg14 : memref<!tpu.dma_semaphore, #tpu.memory_space<semaphore_mem>>) src(%arg6 : memref<16384xf32, #tpu.memory_space<vmem>>) dst(%dma_wait3A_169 : memref<16384xf32, #tpu.memory_space<hbm>>)
    %add3A_170 = arith.constant 6 : i32
    %add3A_171 = arith.addi %mul3A_2, %add3A_170 : i32
    %dma_start3A_172 = arith.constant 0 : i32
    %dma_start3A_173 = tpu.memref_slice %arg2[%add3A_171, %dma_start3A_172] : memref<4096x16384xf32, #tpu.memory_space<hbm>> -> memref<1x16384xf32, #tpu.memory_space<hbm>>
    %dma_start3A_174 = tpu.memref_squeeze %dma_start3A_173 : memref<1x16384xf32, #tpu.memory_space<hbm>> -> memref<16384xf32, #tpu.memory_space<hbm>>
    %dma_start3A_175 = arith.constant 0 : i32
    %dma_start3A_176 = tpu.memref_slice %arg2[%add3A_171, %dma_start3A_175] : memref<4096x16384xf32, #tpu.memory_space<hbm>> -> memref<1x16384xf32, #tpu.memory_space<hbm>>
    %dma_start3A_177 = tpu.memref_squeeze %dma_start3A_176 : memref<1x16384xf32, #tpu.memory_space<hbm>> -> memref<16384xf32, #tpu.memory_space<hbm>>
    tpu.enqueue_dma source(%dma_start3A_177 : memref<16384xf32, #tpu.memory_space<hbm>>) target(%arg6 : memref<16384xf32, #tpu.memory_space<vmem>>) target_semaphore(%arg10 : memref<!tpu.dma_semaphore, #tpu.memory_space<semaphore_mem>>)
    %scan3A = arith.constant 0 : i32
    %scan3A_178 = arith.constant 1 : i32
    %scan3A_179 = arith.constant 30 : i32
    %scan3A_180 = arith.addi %scan3A_178, %scan3A_179 : i32
    %scan3A_181 = arith.constant 1 : i32
    %scan3A_182 = scf.for %scan3A_332 = %scan3A_178 to %scan3A_180 step %scan3A_181 iter_args(%scan3A_333 = %scan3A) -> (i32)  : i32 {
      %mul3A_334 = arith.constant 4 : i32
      %mul3A_335 = arith.muli %scan3A_332, %mul3A_334 : i32
      %add3A_336 = arith.constant 0 : i32
      %add3A_337 = arith.addi %mul3A_335, %add3A_336 : i32
      %add3A_338 = arith.addi %mul3A_2, %add3A_337 : i32
      %dma_wait3A_339 = arith.constant 0 : i32
      %dma_wait3A_340 = tpu.memref_slice %arg2[%add3A_338, %dma_wait3A_339] : memref<4096x16384xf32, #tpu.memory_space<hbm>> -> memref<1x16384xf32, #tpu.memory_space<hbm>>
      %dma_wait3A_341 = tpu.memref_squeeze %dma_wait3A_340 : memref<1x16384xf32, #tpu.memory_space<hbm>> -> memref<16384xf32, #tpu.memory_space<hbm>>
      %dma_wait3A_342 = arith.constant 0 : i32
      %dma_wait3A_343 = tpu.memref_slice %arg2[%add3A_338, %dma_wait3A_342] : memref<4096x16384xf32, #tpu.memory_space<hbm>> -> memref<1x16384xf32, #tpu.memory_space<hbm>>
      %dma_wait3A_344 = tpu.memref_squeeze %dma_wait3A_343 : memref<1x16384xf32, #tpu.memory_space<hbm>> -> memref<16384xf32, #tpu.memory_space<hbm>>
      tpu.wait_dma2 semaphore(%arg8 : memref<!tpu.dma_semaphore, #tpu.memory_space<semaphore_mem>>) src(%dma_wait3A_344 : memref<16384xf32, #tpu.memory_space<hbm>>) dst(%arg4 : memref<16384xf32, #tpu.memory_space<vmem>>)
      %iota3A_345 = tpu.iota {dimensions = array<i32: 0>} : vector<16xi32>
      %mul3A_346 = arith.constant 4 : i32
      %mul3A_347 = vector.broadcast %mul3A_346 : i32 to vector<16xi32>
      %mul3A_348 = arith.muli %iota3A_345, %mul3A_347 : vector<16xi32>
      %broadcast_in_dim3A_349 = arith.constant 0.000000e+00 : f32
      %broadcast_in_dim3A_350 = vector.broadcast %broadcast_in_dim3A_349 : f32 to vector<16xf32>
      %parallel_loop3A_351 = arith.constant 0 : i32
      %parallel_loop3A_352 = arith.constant 16384 : i32
      %parallel_loop3A_353 = arith.constant 64 : i32
      scf.for %parallel_loop3A_508 = %parallel_loop3A_351 to %parallel_loop3A_352 step %parallel_loop3A_353  : i32 {
        %parallel_loop3A_509 = vector.broadcast %parallel_loop3A_508 : i32 to vector<16xi32>
        %parallel_loop3A_510 = arith.addi %mul3A_348, %parallel_loop3A_509 : vector<16xi32>
        %parallel_loop3A_511 = arith.constant 1 : i32
        %parallel_loop3A_512 = vector.broadcast %parallel_loop3A_511 : i32 to vector<16xi32>
        %parallel_loop3A_513 = arith.addi %parallel_loop3A_510, %parallel_loop3A_512 : vector<16xi32>
        %parallel_loop3A_514 = arith.constant 2 : i32
        %parallel_loop3A_515 = vector.broadcast %parallel_loop3A_514 : i32 to vector<16xi32>
        %parallel_loop3A_516 = arith.addi %parallel_loop3A_510, %parallel_loop3A_515 : vector<16xi32>
        %parallel_loop3A_517 = arith.constant 3 : i32
        %parallel_loop3A_518 = vector.broadcast %parallel_loop3A_517 : i32 to vector<16xi32>
        %parallel_loop3A_519 = arith.addi %parallel_loop3A_510, %parallel_loop3A_518 : vector<16xi32>
        %parallel_loop3A_520 = tpu.vector_load_idx %arg4[%parallel_loop3A_510] : memref<16384xf32, #tpu.memory_space<vmem>>[vector<16xi32>], vector<16xf32>,
        %parallel_loop3A_521 = tpu.vector_load_idx %arg4[%parallel_loop3A_513] : memref<16384xf32, #tpu.memory_space<vmem>>[vector<16xi32>], vector<16xf32>,
        %parallel_loop3A_522 = tpu.vector_load_idx %arg4[%parallel_loop3A_516] : memref<16384xf32, #tpu.memory_space<vmem>>[vector<16xi32>], vector<16xf32>,
        %parallel_loop3A_523 = tpu.vector_load_idx %arg4[%parallel_loop3A_519] : memref<16384xf32, #tpu.memory_space<vmem>>[vector<16xi32>], vector<16xf32>,
        %parallel_loop3A_524 = math.absf %parallel_loop3A_520 : vector<16xf32>
        %parallel_loop3A_525 = math.absf %parallel_loop3A_521 : vector<16xf32>
        %parallel_loop3A_526 = math.absf %parallel_loop3A_522 : vector<16xf32>
        %parallel_loop3A_527 = math.absf %parallel_loop3A_523 : vector<16xf32>
        %parallel_loop3A_528 = arith.cmpf ogt, %parallel_loop3A_524, %parallel_loop3A_525 : vector<16xf32>
        %parallel_loop3A_529 = arith.extui %parallel_loop3A_528 : vector<16xi1> to vector<16xi32>
        %parallel_loop3A_530 = arith.cmpf ogt, %parallel_loop3A_524, %parallel_loop3A_526 : vector<16xf32>
        %parallel_loop3A_531 = arith.extui %parallel_loop3A_530 : vector<16xi1> to vector<16xi32>
        %parallel_loop3A_532 = arith.cmpf ogt, %parallel_loop3A_524, %parallel_loop3A_527 : vector<16xf32>
        %parallel_loop3A_533 = arith.extui %parallel_loop3A_532 : vector<16xi1> to vector<16xi32>
        %parallel_loop3A_534 = arith.cmpf ogt, %parallel_loop3A_525, %parallel_loop3A_526 : vector<16xf32>
        %parallel_loop3A_535 = arith.extui %parallel_loop3A_534 : vector<16xi1> to vector<16xi32>
        %parallel_loop3A_536 = arith.cmpf ogt, %parallel_loop3A_525, %parallel_loop3A_527 : vector<16xf32>
        %parallel_loop3A_537 = arith.extui %parallel_loop3A_536 : vector<16xi1> to vector<16xi32>
        %parallel_loop3A_538 = arith.cmpf ogt, %parallel_loop3A_526, %parallel_loop3A_527 : vector<16xf32>
        %parallel_loop3A_539 = arith.extui %parallel_loop3A_538 : vector<16xi1> to vector<16xi32>
        %parallel_loop3A_540 = arith.addi %parallel_loop3A_529, %parallel_loop3A_531 : vector<16xi32>
        %parallel_loop3A_541 = arith.addi %parallel_loop3A_540, %parallel_loop3A_533 : vector<16xi32>
        %parallel_loop3A_542 = arith.constant 1 : i32
        %parallel_loop3A_543 = vector.broadcast %parallel_loop3A_542 : i32 to vector<16xi32>
        %parallel_loop3A_544 = arith.cmpi sle, %parallel_loop3A_541, %parallel_loop3A_543 : vector<16xi32>
        %parallel_loop3A_545 = arith.addi %parallel_loop3A_535, %parallel_loop3A_537 : vector<16xi32>
        %parallel_loop3A_546 = arith.subi %parallel_loop3A_545, %parallel_loop3A_529 : vector<16xi32>
        %parallel_loop3A_547 = arith.constant 0 : i32
        %parallel_loop3A_548 = vector.broadcast %parallel_loop3A_547 : i32 to vector<16xi32>
        %parallel_loop3A_549 = arith.cmpi sle, %parallel_loop3A_546, %parallel_loop3A_548 : vector<16xi32>
        %parallel_loop3A_550 = arith.addi %parallel_loop3A_531, %parallel_loop3A_535 : vector<16xi32>
        %parallel_loop3A_551 = arith.subi %parallel_loop3A_539, %parallel_loop3A_550 : vector<16xi32>
        %parallel_loop3A_552 = arith.constant -1 : i32
        %parallel_loop3A_553 = vector.broadcast %parallel_loop3A_552 : i32 to vector<16xi32>
        %parallel_loop3A_554 = arith.cmpi sle, %parallel_loop3A_551, %parallel_loop3A_553 : vector<16xi32>
        %parallel_loop3A_555 = arith.addi %parallel_loop3A_533, %parallel_loop3A_537 : vector<16xi32>
        %parallel_loop3A_556 = arith.addi %parallel_loop3A_555, %parallel_loop3A_539 : vector<16xi32>
        %parallel_loop3A_557 = arith.constant 2 : i32
        %parallel_loop3A_558 = vector.broadcast %parallel_loop3A_557 : i32 to vector<16xi32>
        %parallel_loop3A_559 = arith.cmpi sge, %parallel_loop3A_556, %parallel_loop3A_558 : vector<16xi32>
        tpu.vector_store_idx %arg4[%parallel_loop3A_510], %broadcast_in_dim3A_350 masked %parallel_loop3A_544 : memref<16384xf32, #tpu.memory_space<vmem>>[vector<16xi32>], vector<16xf32>, vector<16xi1>
        tpu.vector_store_idx %arg4[%parallel_loop3A_513], %broadcast_in_dim3A_350 masked %parallel_loop3A_549 : memref<16384xf32, #tpu.memory_space<vmem>>[vector<16xi32>], vector<16xf32>, vector<16xi1>
        tpu.vector_store_idx %arg4[%parallel_loop3A_516], %broadcast_in_dim3A_350 masked %parallel_loop3A_554 : memref<16384xf32, #tpu.memory_space<vmem>>[vector<16xi32>], vector<16xf32>, vector<16xi1>
        tpu.vector_store_idx %arg4[%parallel_loop3A_519], %broadcast_in_dim3A_350 masked %parallel_loop3A_559 : memref<16384xf32, #tpu.memory_space<vmem>>[vector<16xi32>], vector<16xf32>, vector<16xi1>
      } {sc.loop_unroll_factor = 4 : i64, sc.parallel_access}
      %add3A_354 = arith.addi %mul3A_2, %add3A_337 : i32
      %dma_start3A_355 = arith.constant 0 : i32
      %dma_start3A_356 = tpu.memref_slice %arg3[%add3A_354, %dma_start3A_355] : memref<4096x16384xf32, #tpu.memory_space<hbm>> -> memref<1x16384xf32, #tpu.memory_space<hbm>>
      %dma_start3A_357 = tpu.memref_squeeze %dma_start3A_356 : memref<1x16384xf32, #tpu.memory_space<hbm>> -> memref<16384xf32, #tpu.memory_space<hbm>>
      %dma_start3A_358 = arith.constant 0 : i32
      %dma_start3A_359 = tpu.memref_slice %arg3[%add3A_354, %dma_start3A_358] : memref<4096x16384xf32, #tpu.memory_space<hbm>> -> memref<1x16384xf32, #tpu.memory_space<hbm>>
      %dma_start3A_360 = tpu.memref_squeeze %dma_start3A_359 : memref<1x16384xf32, #tpu.memory_space<hbm>> -> memref<16384xf32, #tpu.memory_space<hbm>>
      tpu.enqueue_dma source(%arg4 : memref<16384xf32, #tpu.memory_space<vmem>>) target(%dma_start3A_360 : memref<16384xf32, #tpu.memory_space<hbm>>) target_semaphore(%arg12 : memref<!tpu.dma_semaphore, #tpu.memory_space<semaphore_mem>>)
      %sub3A = arith.constant 1 : i32
      %sub3A_361 = arith.subi %add3A_337, %sub3A : i32
      %add3A_362 = arith.addi %mul3A_2, %sub3A_361 : i32
      %dma_wait3A_363 = arith.constant 0 : i32
      %dma_wait3A_364 = tpu.memref_slice %arg3[%add3A_362, %dma_wait3A_363] : memref<4096x16384xf32, #tpu.memory_space<hbm>> -> memref<1x16384xf32, #tpu.memory_space<hbm>>
      %dma_wait3A_365 = tpu.memref_squeeze %dma_wait3A_364 : memref<1x16384xf32, #tpu.memory_space<hbm>> -> memref<16384xf32, #tpu.memory_space<hbm>>
      %dma_wait3A_366 = arith.constant 0 : i32
      %dma_wait3A_367 = tpu.memref_slice %arg3[%add3A_362, %dma_wait3A_366] : memref<4096x16384xf32, #tpu.memory_space<hbm>> -> memref<1x16384xf32, #tpu.memory_space<hbm>>
      %dma_wait3A_368 = tpu.memref_squeeze %dma_wait3A_367 : memref<1x16384xf32, #tpu.memory_space<hbm>> -> memref<16384xf32, #tpu.memory_space<hbm>>
      tpu.wait_dma2 semaphore(%arg15 : memref<!tpu.dma_semaphore, #tpu.memory_space<semaphore_mem>>) src(%arg7 : memref<16384xf32, #tpu.memory_space<vmem>>) dst(%dma_wait3A_368 : memref<16384xf32, #tpu.memory_space<hbm>>)
      %add3A_369 = arith.constant 3 : i32
      %add3A_370 = arith.addi %add3A_337, %add3A_369 : i32
      %add3A_371 = arith.addi %mul3A_2, %add3A_370 : i32
      %dma_start3A_372 = arith.constant 0 : i32
      %dma_start3A_373 = tpu.memref_slice %arg2[%add3A_371, %dma_start3A_372] : memref<4096x16384xf32, #tpu.memory_space<hbm>> -> memref<1x16384xf32, #tpu.memory_space<hbm>>
      %dma_start3A_374 = tpu.memref_squeeze %dma_start3A_373 : memref<1x16384xf32, #tpu.memory_space<hbm>> -> memref<16384xf32, #tpu.memory_space<hbm>>
      %dma_start3A_375 = arith.constant 0 : i32
      %dma_start3A_376 = tpu.memref_slice %arg2[%add3A_371, %dma_start3A_375] : memref<4096x16384xf32, #tpu.memory_space<hbm>> -> memref<1x16384xf32, #tpu.memory_space<hbm>>
      %dma_start3A_377 = tpu.memref_squeeze %dma_start3A_376 : memref<1x16384xf32, #tpu.memory_space<hbm>> -> memref<16384xf32, #tpu.memory_space<hbm>>
      tpu.enqueue_dma source(%dma_start3A_377 : memref<16384xf32, #tpu.memory_space<hbm>>) target(%arg7 : memref<16384xf32, #tpu.memory_space<vmem>>) target_semaphore(%arg11 : memref<!tpu.dma_semaphore, #tpu.memory_space<semaphore_mem>>)
      %add3A_378 = arith.constant 1 : i32
      %add3A_379 = arith.addi %mul3A_335, %add3A_378 : i32
      %add3A_380 = arith.addi %mul3A_2, %add3A_379 : i32
      %dma_wait3A_381 = arith.constant 0 : i32
      %dma_wait3A_382 = tpu.memref_slice %arg2[%add3A_380, %dma_wait3A_381] : memref<4096x16384xf32, #tpu.memory_space<hbm>> -> memref<1x16384xf32, #tpu.memory_space<hbm>>
      %dma_wait3A_383 = tpu.memref_squeeze %dma_wait3A_382 : memref<1x16384xf32, #tpu.memory_space<hbm>> -> memref<16384xf32, #tpu.memory_space<hbm>>
      %dma_wait3A_384 = arith.constant 0 : i32
      %dma_wait3A_385 = tpu.memref_slice %arg2[%add3A_380, %dma_wait3A_384] : memref<4096x16384xf32, #tpu.memory_space<hbm>> -> memref<1x16384xf32, #tpu.memory_space<hbm>>
      %dma_wait3A_386 = tpu.memref_squeeze %dma_wait3A_385 : memref<1x16384xf32, #tpu.memory_space<hbm>> -> memref<16384xf32, #tpu.memory_space<hbm>>
      tpu.wait_dma2 semaphore(%arg9 : memref<!tpu.dma_semaphore, #tpu.memory_space<semaphore_mem>>) src(%dma_wait3A_386 : memref<16384xf32, #tpu.memory_space<hbm>>) dst(%arg5 : memref<16384xf32, #tpu.memory_space<vmem>>)
      %iota3A_387 = tpu.iota {dimensions = array<i32: 0>} : vector<16xi32>
      %mul3A_388 = arith.constant 4 : i32
      %mul3A_389 = vector.broadcast %mul3A_388 : i32 to vector<16xi32>
      %mul3A_390 = arith.muli %iota3A_387, %mul3A_389 : vector<16xi32>
      %broadcast_in_dim3A_391 = arith.constant 0.000000e+00 : f32
      %broadcast_in_dim3A_392 = vector.broadcast %broadcast_in_dim3A_391 : f32 to vector<16xf32>
      %parallel_loop3A_393 = arith.constant 0 : i32
      %parallel_loop3A_394 = arith.constant 16384 : i32
      %parallel_loop3A_395 = arith.constant 64 : i32
      scf.for %parallel_loop3A_508 = %parallel_loop3A_393 to %parallel_loop3A_394 step %parallel_loop3A_395  : i32 {
        %parallel_loop3A_509 = vector.broadcast %parallel_loop3A_508 : i32 to vector<16xi32>
        %parallel_loop3A_510 = arith.addi %mul3A_390, %parallel_loop3A_509 : vector<16xi32>
        %parallel_loop3A_511 = arith.constant 1 : i32
        %parallel_loop3A_512 = vector.broadcast %parallel_loop3A_511 : i32 to vector<16xi32>
        %parallel_loop3A_513 = arith.addi %parallel_loop3A_510, %parallel_loop3A_512 : vector<16xi32>
        %parallel_loop3A_514 = arith.constant 2 : i32
        %parallel_loop3A_515 = vector.broadcast %parallel_loop3A_514 : i32 to vector<16xi32>
        %parallel_loop3A_516 = arith.addi %parallel_loop3A_510, %parallel_loop3A_515 : vector<16xi32>
        %parallel_loop3A_517 = arith.constant 3 : i32
        %parallel_loop3A_518 = vector.broadcast %parallel_loop3A_517 : i32 to vector<16xi32>
        %parallel_loop3A_519 = arith.addi %parallel_loop3A_510, %parallel_loop3A_518 : vector<16xi32>
        %parallel_loop3A_520 = tpu.vector_load_idx %arg5[%parallel_loop3A_510] : memref<16384xf32, #tpu.memory_space<vmem>>[vector<16xi32>], vector<16xf32>,
        %parallel_loop3A_521 = tpu.vector_load_idx %arg5[%parallel_loop3A_513] : memref<16384xf32, #tpu.memory_space<vmem>>[vector<16xi32>], vector<16xf32>,
        %parallel_loop3A_522 = tpu.vector_load_idx %arg5[%parallel_loop3A_516] : memref<16384xf32, #tpu.memory_space<vmem>>[vector<16xi32>], vector<16xf32>,
        %parallel_loop3A_523 = tpu.vector_load_idx %arg5[%parallel_loop3A_519] : memref<16384xf32, #tpu.memory_space<vmem>>[vector<16xi32>], vector<16xf32>,
        %parallel_loop3A_524 = math.absf %parallel_loop3A_520 : vector<16xf32>
        %parallel_loop3A_525 = math.absf %parallel_loop3A_521 : vector<16xf32>
        %parallel_loop3A_526 = math.absf %parallel_loop3A_522 : vector<16xf32>
        %parallel_loop3A_527 = math.absf %parallel_loop3A_523 : vector<16xf32>
        %parallel_loop3A_528 = arith.cmpf ogt, %parallel_loop3A_524, %parallel_loop3A_525 : vector<16xf32>
        %parallel_loop3A_529 = arith.extui %parallel_loop3A_528 : vector<16xi1> to vector<16xi32>
        %parallel_loop3A_530 = arith.cmpf ogt, %parallel_loop3A_524, %parallel_loop3A_526 : vector<16xf32>
        %parallel_loop3A_531 = arith.extui %parallel_loop3A_530 : vector<16xi1> to vector<16xi32>
        %parallel_loop3A_532 = arith.cmpf ogt, %parallel_loop3A_524, %parallel_loop3A_527 : vector<16xf32>
        %parallel_loop3A_533 = arith.extui %parallel_loop3A_532 : vector<16xi1> to vector<16xi32>
        %parallel_loop3A_534 = arith.cmpf ogt, %parallel_loop3A_525, %parallel_loop3A_526 : vector<16xf32>
        %parallel_loop3A_535 = arith.extui %parallel_loop3A_534 : vector<16xi1> to vector<16xi32>
        %parallel_loop3A_536 = arith.cmpf ogt, %parallel_loop3A_525, %parallel_loop3A_527 : vector<16xf32>
        %parallel_loop3A_537 = arith.extui %parallel_loop3A_536 : vector<16xi1> to vector<16xi32>
        %parallel_loop3A_538 = arith.cmpf ogt, %parallel_loop3A_526, %parallel_loop3A_527 : vector<16xf32>
        %parallel_loop3A_539 = arith.extui %parallel_loop3A_538 : vector<16xi1> to vector<16xi32>
        %parallel_loop3A_540 = arith.addi %parallel_loop3A_529, %parallel_loop3A_531 : vector<16xi32>
        %parallel_loop3A_541 = arith.addi %parallel_loop3A_540, %parallel_loop3A_533 : vector<16xi32>
        %parallel_loop3A_542 = arith.constant 1 : i32
        %parallel_loop3A_543 = vector.broadcast %parallel_loop3A_542 : i32 to vector<16xi32>
        %parallel_loop3A_544 = arith.cmpi sle, %parallel_loop3A_541, %parallel_loop3A_543 : vector<16xi32>
        %parallel_loop3A_545 = arith.addi %parallel_loop3A_535, %parallel_loop3A_537 : vector<16xi32>
        %parallel_loop3A_546 = arith.subi %parallel_loop3A_545, %parallel_loop3A_529 : vector<16xi32>
        %parallel_loop3A_547 = arith.constant 0 : i32
        %parallel_loop3A_548 = vector.broadcast %parallel_loop3A_547 : i32 to vector<16xi32>
        %parallel_loop3A_549 = arith.cmpi sle, %parallel_loop3A_546, %parallel_loop3A_548 : vector<16xi32>
        %parallel_loop3A_550 = arith.addi %parallel_loop3A_531, %parallel_loop3A_535 : vector<16xi32>
        %parallel_loop3A_551 = arith.subi %parallel_loop3A_539, %parallel_loop3A_550 : vector<16xi32>
        %parallel_loop3A_552 = arith.constant -1 : i32
        %parallel_loop3A_553 = vector.broadcast %parallel_loop3A_552 : i32 to vector<16xi32>
        %parallel_loop3A_554 = arith.cmpi sle, %parallel_loop3A_551, %parallel_loop3A_553 : vector<16xi32>
        %parallel_loop3A_555 = arith.addi %parallel_loop3A_533, %parallel_loop3A_537 : vector<16xi32>
        %parallel_loop3A_556 = arith.addi %parallel_loop3A_555, %parallel_loop3A_539 : vector<16xi32>
        %parallel_loop3A_557 = arith.constant 2 : i32
        %parallel_loop3A_558 = vector.broadcast %parallel_loop3A_557 : i32 to vector<16xi32>
        %parallel_loop3A_559 = arith.cmpi sge, %parallel_loop3A_556, %parallel_loop3A_558 : vector<16xi32>
        tpu.vector_store_idx %arg5[%parallel_loop3A_510], %broadcast_in_dim3A_392 masked %parallel_loop3A_544 : memref<16384xf32, #tpu.memory_space<vmem>>[vector<16xi32>], vector<16xf32>, vector<16xi1>
        tpu.vector_store_idx %arg5[%parallel_loop3A_513], %broadcast_in_dim3A_392 masked %parallel_loop3A_549 : memref<16384xf32, #tpu.memory_space<vmem>>[vector<16xi32>], vector<16xf32>, vector<16xi1>
        tpu.vector_store_idx %arg5[%parallel_loop3A_516], %broadcast_in_dim3A_392 masked %parallel_loop3A_554 : memref<16384xf32, #tpu.memory_space<vmem>>[vector<16xi32>], vector<16xf32>, vector<16xi1>
        tpu.vector_store_idx %arg5[%parallel_loop3A_519], %broadcast_in_dim3A_392 masked %parallel_loop3A_559 : memref<16384xf32, #tpu.memory_space<vmem>>[vector<16xi32>], vector<16xf32>, vector<16xi1>
      } {sc.loop_unroll_factor = 4 : i64, sc.parallel_access}
      %add3A_396 = arith.addi %mul3A_2, %add3A_379 : i32
      %dma_start3A_397 = arith.constant 0 : i32
      %dma_start3A_398 = tpu.memref_slice %arg3[%add3A_396, %dma_start3A_397] : memref<4096x16384xf32, #tpu.memory_space<hbm>> -> memref<1x16384xf32, #tpu.memory_space<hbm>>
      %dma_start3A_399 = tpu.memref_squeeze %dma_start3A_398 : memref<1x16384xf32, #tpu.memory_space<hbm>> -> memref<16384xf32, #tpu.memory_space<hbm>>
      %dma_start3A_400 = arith.constant 0 : i32
      %dma_start3A_401 = tpu.memref_slice %arg3[%add3A_396, %dma_start3A_400] : memref<4096x16384xf32, #tpu.memory_space<hbm>> -> memref<1x16384xf32, #tpu.memory_space<hbm>>
      %dma_start3A_402 = tpu.memref_squeeze %dma_start3A_401 : memref<1x16384xf32, #tpu.memory_space<hbm>> -> memref<16384xf32, #tpu.memory_space<hbm>>
      tpu.enqueue_dma source(%arg5 : memref<16384xf32, #tpu.memory_space<vmem>>) target(%dma_start3A_402 : memref<16384xf32, #tpu.memory_space<hbm>>) target_semaphore(%arg13 : memref<!tpu.dma_semaphore, #tpu.memory_space<semaphore_mem>>)
      %sub3A_403 = arith.constant 1 : i32
      %sub3A_404 = arith.subi %add3A_379, %sub3A_403 : i32
      %add3A_405 = arith.addi %mul3A_2, %sub3A_404 : i32
      %dma_wait3A_406 = arith.constant 0 : i32
      %dma_wait3A_407 = tpu.memref_slice %arg3[%add3A_405, %dma_wait3A_406] : memref<4096x16384xf32, #tpu.memory_space<hbm>> -> memref<1x16384xf32, #tpu.memory_space<hbm>>
      %dma_wait3A_408 = tpu.memref_squeeze %dma_wait3A_407 : memref<1x16384xf32, #tpu.memory_space<hbm>> -> memref<16384xf32, #tpu.memory_space<hbm>>
      %dma_wait3A_409 = arith.constant 0 : i32
      %dma_wait3A_410 = tpu.memref_slice %arg3[%add3A_405, %dma_wait3A_409] : memref<4096x16384xf32, #tpu.memory_space<hbm>> -> memref<1x16384xf32, #tpu.memory_space<hbm>>
      %dma_wait3A_411 = tpu.memref_squeeze %dma_wait3A_410 : memref<1x16384xf32, #tpu.memory_space<hbm>> -> memref<16384xf32, #tpu.memory_space<hbm>>
      tpu.wait_dma2 semaphore(%arg12 : memref<!tpu.dma_semaphore, #tpu.memory_space<semaphore_mem>>) src(%arg4 : memref<16384xf32, #tpu.memory_space<vmem>>) dst(%dma_wait3A_411 : memref<16384xf32, #tpu.memory_space<hbm>>)
      %add3A_412 = arith.constant 3 : i32
      %add3A_413 = arith.addi %add3A_379, %add3A_412 : i32
      %add3A_414 = arith.addi %mul3A_2, %add3A_413 : i32
      %dma_start3A_415 = arith.constant 0 : i32
      %dma_start3A_416 = tpu.memref_slice %arg2[%add3A_414, %dma_start3A_415] : memref<4096x16384xf32, #tpu.memory_space<hbm>> -> memref<1x16384xf32, #tpu.memory_space<hbm>>
      %dma_start3A_417 = tpu.memref_squeeze %dma_start3A_416 : memref<1x16384xf32, #tpu.memory_space<hbm>> -> memref<16384xf32, #tpu.memory_space<hbm>>
      %dma_start3A_418 = arith.constant 0 : i32
      %dma_start3A_419 = tpu.memref_slice %arg2[%add3A_414, %dma_start3A_418] : memref<4096x16384xf32, #tpu.memory_space<hbm>> -> memref<1x16384xf32, #tpu.memory_space<hbm>>
      %dma_start3A_420 = tpu.memref_squeeze %dma_start3A_419 : memref<1x16384xf32, #tpu.memory_space<hbm>> -> memref<16384xf32, #tpu.memory_space<hbm>>
      tpu.enqueue_dma source(%dma_start3A_420 : memref<16384xf32, #tpu.memory_space<hbm>>) target(%arg4 : memref<16384xf32, #tpu.memory_space<vmem>>) target_semaphore(%arg8 : memref<!tpu.dma_semaphore, #tpu.memory_space<semaphore_mem>>)
      %add3A_421 = arith.constant 2 : i32
      %add3A_422 = arith.addi %mul3A_335, %add3A_421 : i32
      %add3A_423 = arith.addi %mul3A_2, %add3A_422 : i32
      %dma_wait3A_424 = arith.constant 0 : i32
      %dma_wait3A_425 = tpu.memref_slice %arg2[%add3A_423, %dma_wait3A_424] : memref<4096x16384xf32, #tpu.memory_space<hbm>> -> memref<1x16384xf32, #tpu.memory_space<hbm>>
      %dma_wait3A_426 = tpu.memref_squeeze %dma_wait3A_425 : memref<1x16384xf32, #tpu.memory_space<hbm>> -> memref<16384xf32, #tpu.memory_space<hbm>>
      %dma_wait3A_427 = arith.constant 0 : i32
      %dma_wait3A_428 = tpu.memref_slice %arg2[%add3A_423, %dma_wait3A_427] : memref<4096x16384xf32, #tpu.memory_space<hbm>> -> memref<1x16384xf32, #tpu.memory_space<hbm>>
      %dma_wait3A_429 = tpu.memref_squeeze %dma_wait3A_428 : memref<1x16384xf32, #tpu.memory_space<hbm>> -> memref<16384xf32, #tpu.memory_space<hbm>>
      tpu.wait_dma2 semaphore(%arg10 : memref<!tpu.dma_semaphore, #tpu.memory_space<semaphore_mem>>) src(%dma_wait3A_429 : memref<16384xf32, #tpu.memory_space<hbm>>) dst(%arg6 : memref<16384xf32, #tpu.memory_space<vmem>>)
      %iota3A_430 = tpu.iota {dimensions = array<i32: 0>} : vector<16xi32>
      %mul3A_431 = arith.constant 4 : i32
      %mul3A_432 = vector.broadcast %mul3A_431 : i32 to vector<16xi32>
      %mul3A_433 = arith.muli %iota3A_430, %mul3A_432 : vector<16xi32>
      %broadcast_in_dim3A_434 = arith.constant 0.000000e+00 : f32
      %broadcast_in_dim3A_435 = vector.broadcast %broadcast_in_dim3A_434 : f32 to vector<16xf32>
      %parallel_loop3A_436 = arith.constant 0 : i32
      %parallel_loop3A_437 = arith.constant 16384 : i32
      %parallel_loop3A_438 = arith.constant 64 : i32
      scf.for %parallel_loop3A_508 = %parallel_loop3A_436 to %parallel_loop3A_437 step %parallel_loop3A_438  : i32 {
        %parallel_loop3A_509 = vector.broadcast %parallel_loop3A_508 : i32 to vector<16xi32>
        %parallel_loop3A_510 = arith.addi %mul3A_433, %parallel_loop3A_509 : vector<16xi32>
        %parallel_loop3A_511 = arith.constant 1 : i32
        %parallel_loop3A_512 = vector.broadcast %parallel_loop3A_511 : i32 to vector<16xi32>
        %parallel_loop3A_513 = arith.addi %parallel_loop3A_510, %parallel_loop3A_512 : vector<16xi32>
        %parallel_loop3A_514 = arith.constant 2 : i32
        %parallel_loop3A_515 = vector.broadcast %parallel_loop3A_514 : i32 to vector<16xi32>
        %parallel_loop3A_516 = arith.addi %parallel_loop3A_510, %parallel_loop3A_515 : vector<16xi32>
        %parallel_loop3A_517 = arith.constant 3 : i32
        %parallel_loop3A_518 = vector.broadcast %parallel_loop3A_517 : i32 to vector<16xi32>
        %parallel_loop3A_519 = arith.addi %parallel_loop3A_510, %parallel_loop3A_518 : vector<16xi32>
        %parallel_loop3A_520 = tpu.vector_load_idx %arg6[%parallel_loop3A_510] : memref<16384xf32, #tpu.memory_space<vmem>>[vector<16xi32>], vector<16xf32>,
        %parallel_loop3A_521 = tpu.vector_load_idx %arg6[%parallel_loop3A_513] : memref<16384xf32, #tpu.memory_space<vmem>>[vector<16xi32>], vector<16xf32>,
        %parallel_loop3A_522 = tpu.vector_load_idx %arg6[%parallel_loop3A_516] : memref<16384xf32, #tpu.memory_space<vmem>>[vector<16xi32>], vector<16xf32>,
        %parallel_loop3A_523 = tpu.vector_load_idx %arg6[%parallel_loop3A_519] : memref<16384xf32, #tpu.memory_space<vmem>>[vector<16xi32>], vector<16xf32>,
        %parallel_loop3A_524 = math.absf %parallel_loop3A_520 : vector<16xf32>
        %parallel_loop3A_525 = math.absf %parallel_loop3A_521 : vector<16xf32>
        %parallel_loop3A_526 = math.absf %parallel_loop3A_522 : vector<16xf32>
        %parallel_loop3A_527 = math.absf %parallel_loop3A_523 : vector<16xf32>
        %parallel_loop3A_528 = arith.cmpf ogt, %parallel_loop3A_524, %parallel_loop3A_525 : vector<16xf32>
        %parallel_loop3A_529 = arith.extui %parallel_loop3A_528 : vector<16xi1> to vector<16xi32>
        %parallel_loop3A_530 = arith.cmpf ogt, %parallel_loop3A_524, %parallel_loop3A_526 : vector<16xf32>
        %parallel_loop3A_531 = arith.extui %parallel_loop3A_530 : vector<16xi1> to vector<16xi32>
        %parallel_loop3A_532 = arith.cmpf ogt, %parallel_loop3A_524, %parallel_loop3A_527 : vector<16xf32>
        %parallel_loop3A_533 = arith.extui %parallel_loop3A_532 : vector<16xi1> to vector<16xi32>
        %parallel_loop3A_534 = arith.cmpf ogt, %parallel_loop3A_525, %parallel_loop3A_526 : vector<16xf32>
        %parallel_loop3A_535 = arith.extui %parallel_loop3A_534 : vector<16xi1> to vector<16xi32>
        %parallel_loop3A_536 = arith.cmpf ogt, %parallel_loop3A_525, %parallel_loop3A_527 : vector<16xf32>
        %parallel_loop3A_537 = arith.extui %parallel_loop3A_536 : vector<16xi1> to vector<16xi32>
        %parallel_loop3A_538 = arith.cmpf ogt, %parallel_loop3A_526, %parallel_loop3A_527 : vector<16xf32>
        %parallel_loop3A_539 = arith.extui %parallel_loop3A_538 : vector<16xi1> to vector<16xi32>
        %parallel_loop3A_540 = arith.addi %parallel_loop3A_529, %parallel_loop3A_531 : vector<16xi32>
        %parallel_loop3A_541 = arith.addi %parallel_loop3A_540, %parallel_loop3A_533 : vector<16xi32>
        %parallel_loop3A_542 = arith.constant 1 : i32
        %parallel_loop3A_543 = vector.broadcast %parallel_loop3A_542 : i32 to vector<16xi32>
        %parallel_loop3A_544 = arith.cmpi sle, %parallel_loop3A_541, %parallel_loop3A_543 : vector<16xi32>
        %parallel_loop3A_545 = arith.addi %parallel_loop3A_535, %parallel_loop3A_537 : vector<16xi32>
        %parallel_loop3A_546 = arith.subi %parallel_loop3A_545, %parallel_loop3A_529 : vector<16xi32>
        %parallel_loop3A_547 = arith.constant 0 : i32
        %parallel_loop3A_548 = vector.broadcast %parallel_loop3A_547 : i32 to vector<16xi32>
        %parallel_loop3A_549 = arith.cmpi sle, %parallel_loop3A_546, %parallel_loop3A_548 : vector<16xi32>
        %parallel_loop3A_550 = arith.addi %parallel_loop3A_531, %parallel_loop3A_535 : vector<16xi32>
        %parallel_loop3A_551 = arith.subi %parallel_loop3A_539, %parallel_loop3A_550 : vector<16xi32>
        %parallel_loop3A_552 = arith.constant -1 : i32
        %parallel_loop3A_553 = vector.broadcast %parallel_loop3A_552 : i32 to vector<16xi32>
        %parallel_loop3A_554 = arith.cmpi sle, %parallel_loop3A_551, %parallel_loop3A_553 : vector<16xi32>
        %parallel_loop3A_555 = arith.addi %parallel_loop3A_533, %parallel_loop3A_537 : vector<16xi32>
        %parallel_loop3A_556 = arith.addi %parallel_loop3A_555, %parallel_loop3A_539 : vector<16xi32>
        %parallel_loop3A_557 = arith.constant 2 : i32
        %parallel_loop3A_558 = vector.broadcast %parallel_loop3A_557 : i32 to vector<16xi32>
        %parallel_loop3A_559 = arith.cmpi sge, %parallel_loop3A_556, %parallel_loop3A_558 : vector<16xi32>
        tpu.vector_store_idx %arg6[%parallel_loop3A_510], %broadcast_in_dim3A_435 masked %parallel_loop3A_544 : memref<16384xf32, #tpu.memory_space<vmem>>[vector<16xi32>], vector<16xf32>, vector<16xi1>
        tpu.vector_store_idx %arg6[%parallel_loop3A_513], %broadcast_in_dim3A_435 masked %parallel_loop3A_549 : memref<16384xf32, #tpu.memory_space<vmem>>[vector<16xi32>], vector<16xf32>, vector<16xi1>
        tpu.vector_store_idx %arg6[%parallel_loop3A_516], %broadcast_in_dim3A_435 masked %parallel_loop3A_554 : memref<16384xf32, #tpu.memory_space<vmem>>[vector<16xi32>], vector<16xf32>, vector<16xi1>
        tpu.vector_store_idx %arg6[%parallel_loop3A_519], %broadcast_in_dim3A_435 masked %parallel_loop3A_559 : memref<16384xf32, #tpu.memory_space<vmem>>[vector<16xi32>], vector<16xf32>, vector<16xi1>
      } {sc.loop_unroll_factor = 4 : i64, sc.parallel_access}
      %add3A_439 = arith.addi %mul3A_2, %add3A_422 : i32
      %dma_start3A_440 = arith.constant 0 : i32
      %dma_start3A_441 = tpu.memref_slice %arg3[%add3A_439, %dma_start3A_440] : memref<4096x16384xf32, #tpu.memory_space<hbm>> -> memref<1x16384xf32, #tpu.memory_space<hbm>>
      %dma_start3A_442 = tpu.memref_squeeze %dma_start3A_441 : memref<1x16384xf32, #tpu.memory_space<hbm>> -> memref<16384xf32, #tpu.memory_space<hbm>>
      %dma_start3A_443 = arith.constant 0 : i32
      %dma_start3A_444 = tpu.memref_slice %arg3[%add3A_439, %dma_start3A_443] : memref<4096x16384xf32, #tpu.memory_space<hbm>> -> memref<1x16384xf32, #tpu.memory_space<hbm>>
      %dma_start3A_445 = tpu.memref_squeeze %dma_start3A_444 : memref<1x16384xf32, #tpu.memory_space<hbm>> -> memref<16384xf32, #tpu.memory_space<hbm>>
      tpu.enqueue_dma source(%arg6 : memref<16384xf32, #tpu.memory_space<vmem>>) target(%dma_start3A_445 : memref<16384xf32, #tpu.memory_space<hbm>>) target_semaphore(%arg14 : memref<!tpu.dma_semaphore, #tpu.memory_space<semaphore_mem>>)
      %sub3A_446 = arith.constant 1 : i32
      %sub3A_447 = arith.subi %add3A_422, %sub3A_446 : i32
      %add3A_448 = arith.addi %mul3A_2, %sub3A_447 : i32
      %dma_wait3A_449 = arith.constant 0 : i32
      %dma_wait3A_450 = tpu.memref_slice %arg3[%add3A_448, %dma_wait3A_449] : memref<4096x16384xf32, #tpu.memory_space<hbm>> -> memref<1x16384xf32, #tpu.memory_space<hbm>>
      %dma_wait3A_451 = tpu.memref_squeeze %dma_wait3A_450 : memref<1x16384xf32, #tpu.memory_space<hbm>> -> memref<16384xf32, #tpu.memory_space<hbm>>
      %dma_wait3A_452 = arith.constant 0 : i32
      %dma_wait3A_453 = tpu.memref_slice %arg3[%add3A_448, %dma_wait3A_452] : memref<4096x16384xf32, #tpu.memory_space<hbm>> -> memref<1x16384xf32, #tpu.memory_space<hbm>>
      %dma_wait3A_454 = tpu.memref_squeeze %dma_wait3A_453 : memref<1x16384xf32, #tpu.memory_space<hbm>> -> memref<16384xf32, #tpu.memory_space<hbm>>
      tpu.wait_dma2 semaphore(%arg13 : memref<!tpu.dma_semaphore, #tpu.memory_space<semaphore_mem>>) src(%arg5 : memref<16384xf32, #tpu.memory_space<vmem>>) dst(%dma_wait3A_454 : memref<16384xf32, #tpu.memory_space<hbm>>)
      %add3A_455 = arith.constant 3 : i32
      %add3A_456 = arith.addi %add3A_422, %add3A_455 : i32
      %add3A_457 = arith.addi %mul3A_2, %add3A_456 : i32
      %dma_start3A_458 = arith.constant 0 : i32
      %dma_start3A_459 = tpu.memref_slice %arg2[%add3A_457, %dma_start3A_458] : memref<4096x16384xf32, #tpu.memory_space<hbm>> -> memref<1x16384xf32, #tpu.memory_space<hbm>>
      %dma_start3A_460 = tpu.memref_squeeze %dma_start3A_459 : memref<1x16384xf32, #tpu.memory_space<hbm>> -> memref<16384xf32, #tpu.memory_space<hbm>>
      %dma_start3A_461 = arith.constant 0 : i32
      %dma_start3A_462 = tpu.memref_slice %arg2[%add3A_457, %dma_start3A_461] : memref<4096x16384xf32, #tpu.memory_space<hbm>> -> memref<1x16384xf32, #tpu.memory_space<hbm>>
      %dma_start3A_463 = tpu.memref_squeeze %dma_start3A_462 : memref<1x16384xf32, #tpu.memory_space<hbm>> -> memref<16384xf32, #tpu.memory_space<hbm>>
      tpu.enqueue_dma source(%dma_start3A_463 : memref<16384xf32, #tpu.memory_space<hbm>>) target(%arg5 : memref<16384xf32, #tpu.memory_space<vmem>>) target_semaphore(%arg9 : memref<!tpu.dma_semaphore, #tpu.memory_space<semaphore_mem>>)
      %add3A_464 = arith.constant 3 : i32
      %add3A_465 = arith.addi %mul3A_335, %add3A_464 : i32
      %add3A_466 = arith.addi %mul3A_2, %add3A_465 : i32
      %dma_wait3A_467 = arith.constant 0 : i32
      %dma_wait3A_468 = tpu.memref_slice %arg2[%add3A_466, %dma_wait3A_467] : memref<4096x16384xf32, #tpu.memory_space<hbm>> -> memref<1x16384xf32, #tpu.memory_space<hbm>>
      %dma_wait3A_469 = tpu.memref_squeeze %dma_wait3A_468 : memref<1x16384xf32, #tpu.memory_space<hbm>> -> memref<16384xf32, #tpu.memory_space<hbm>>
      %dma_wait3A_470 = arith.constant 0 : i32
      %dma_wait3A_471 = tpu.memref_slice %arg2[%add3A_466, %dma_wait3A_470] : memref<4096x16384xf32, #tpu.memory_space<hbm>> -> memref<1x16384xf32, #tpu.memory_space<hbm>>
      %dma_wait3A_472 = tpu.memref_squeeze %dma_wait3A_471 : memref<1x16384xf32, #tpu.memory_space<hbm>> -> memref<16384xf32, #tpu.memory_space<hbm>>
      tpu.wait_dma2 semaphore(%arg11 : memref<!tpu.dma_semaphore, #tpu.memory_space<semaphore_mem>>) src(%dma_wait3A_472 : memref<16384xf32, #tpu.memory_space<hbm>>) dst(%arg7 : memref<16384xf32, #tpu.memory_space<vmem>>)
      %iota3A_473 = tpu.iota {dimensions = array<i32: 0>} : vector<16xi32>
      %mul3A_474 = arith.constant 4 : i32
      %mul3A_475 = vector.broadcast %mul3A_474 : i32 to vector<16xi32>
      %mul3A_476 = arith.muli %iota3A_473, %mul3A_475 : vector<16xi32>
      %broadcast_in_dim3A_477 = arith.constant 0.000000e+00 : f32
      %broadcast_in_dim3A_478 = vector.broadcast %broadcast_in_dim3A_477 : f32 to vector<16xf32>
      %parallel_loop3A_479 = arith.constant 0 : i32
      %parallel_loop3A_480 = arith.constant 16384 : i32
      %parallel_loop3A_481 = arith.constant 64 : i32
      scf.for %parallel_loop3A_508 = %parallel_loop3A_479 to %parallel_loop3A_480 step %parallel_loop3A_481  : i32 {
        %parallel_loop3A_509 = vector.broadcast %parallel_loop3A_508 : i32 to vector<16xi32>
        %parallel_loop3A_510 = arith.addi %mul3A_476, %parallel_loop3A_509 : vector<16xi32>
        %parallel_loop3A_511 = arith.constant 1 : i32
        %parallel_loop3A_512 = vector.broadcast %parallel_loop3A_511 : i32 to vector<16xi32>
        %parallel_loop3A_513 = arith.addi %parallel_loop3A_510, %parallel_loop3A_512 : vector<16xi32>
        %parallel_loop3A_514 = arith.constant 2 : i32
        %parallel_loop3A_515 = vector.broadcast %parallel_loop3A_514 : i32 to vector<16xi32>
        %parallel_loop3A_516 = arith.addi %parallel_loop3A_510, %parallel_loop3A_515 : vector<16xi32>
        %parallel_loop3A_517 = arith.constant 3 : i32
        %parallel_loop3A_518 = vector.broadcast %parallel_loop3A_517 : i32 to vector<16xi32>
        %parallel_loop3A_519 = arith.addi %parallel_loop3A_510, %parallel_loop3A_518 : vector<16xi32>
        %parallel_loop3A_520 = tpu.vector_load_idx %arg7[%parallel_loop3A_510] : memref<16384xf32, #tpu.memory_space<vmem>>[vector<16xi32>], vector<16xf32>,
        %parallel_loop3A_521 = tpu.vector_load_idx %arg7[%parallel_loop3A_513] : memref<16384xf32, #tpu.memory_space<vmem>>[vector<16xi32>], vector<16xf32>,
        %parallel_loop3A_522 = tpu.vector_load_idx %arg7[%parallel_loop3A_516] : memref<16384xf32, #tpu.memory_space<vmem>>[vector<16xi32>], vector<16xf32>,
        %parallel_loop3A_523 = tpu.vector_load_idx %arg7[%parallel_loop3A_519] : memref<16384xf32, #tpu.memory_space<vmem>>[vector<16xi32>], vector<16xf32>,
        %parallel_loop3A_524 = math.absf %parallel_loop3A_520 : vector<16xf32>
        %parallel_loop3A_525 = math.absf %parallel_loop3A_521 : vector<16xf32>
        %parallel_loop3A_526 = math.absf %parallel_loop3A_522 : vector<16xf32>
        %parallel_loop3A_527 = math.absf %parallel_loop3A_523 : vector<16xf32>
        %parallel_loop3A_528 = arith.cmpf ogt, %parallel_loop3A_524, %parallel_loop3A_525 : vector<16xf32>
        %parallel_loop3A_529 = arith.extui %parallel_loop3A_528 : vector<16xi1> to vector<16xi32>
        %parallel_loop3A_530 = arith.cmpf ogt, %parallel_loop3A_524, %parallel_loop3A_526 : vector<16xf32>
        %parallel_loop3A_531 = arith.extui %parallel_loop3A_530 : vector<16xi1> to vector<16xi32>
        %parallel_loop3A_532 = arith.cmpf ogt, %parallel_loop3A_524, %parallel_loop3A_527 : vector<16xf32>
        %parallel_loop3A_533 = arith.extui %parallel_loop3A_532 : vector<16xi1> to vector<16xi32>
        %parallel_loop3A_534 = arith.cmpf ogt, %parallel_loop3A_525, %parallel_loop3A_526 : vector<16xf32>
        %parallel_loop3A_535 = arith.extui %parallel_loop3A_534 : vector<16xi1> to vector<16xi32>
        %parallel_loop3A_536 = arith.cmpf ogt, %parallel_loop3A_525, %parallel_loop3A_527 : vector<16xf32>
        %parallel_loop3A_537 = arith.extui %parallel_loop3A_536 : vector<16xi1> to vector<16xi32>
        %parallel_loop3A_538 = arith.cmpf ogt, %parallel_loop3A_526, %parallel_loop3A_527 : vector<16xf32>
        %parallel_loop3A_539 = arith.extui %parallel_loop3A_538 : vector<16xi1> to vector<16xi32>
        %parallel_loop3A_540 = arith.addi %parallel_loop3A_529, %parallel_loop3A_531 : vector<16xi32>
        %parallel_loop3A_541 = arith.addi %parallel_loop3A_540, %parallel_loop3A_533 : vector<16xi32>
        %parallel_loop3A_542 = arith.constant 1 : i32
        %parallel_loop3A_543 = vector.broadcast %parallel_loop3A_542 : i32 to vector<16xi32>
        %parallel_loop3A_544 = arith.cmpi sle, %parallel_loop3A_541, %parallel_loop3A_543 : vector<16xi32>
        %parallel_loop3A_545 = arith.addi %parallel_loop3A_535, %parallel_loop3A_537 : vector<16xi32>
        %parallel_loop3A_546 = arith.subi %parallel_loop3A_545, %parallel_loop3A_529 : vector<16xi32>
        %parallel_loop3A_547 = arith.constant 0 : i32
        %parallel_loop3A_548 = vector.broadcast %parallel_loop3A_547 : i32 to vector<16xi32>
        %parallel_loop3A_549 = arith.cmpi sle, %parallel_loop3A_546, %parallel_loop3A_548 : vector<16xi32>
        %parallel_loop3A_550 = arith.addi %parallel_loop3A_531, %parallel_loop3A_535 : vector<16xi32>
        %parallel_loop3A_551 = arith.subi %parallel_loop3A_539, %parallel_loop3A_550 : vector<16xi32>
        %parallel_loop3A_552 = arith.constant -1 : i32
        %parallel_loop3A_553 = vector.broadcast %parallel_loop3A_552 : i32 to vector<16xi32>
        %parallel_loop3A_554 = arith.cmpi sle, %parallel_loop3A_551, %parallel_loop3A_553 : vector<16xi32>
        %parallel_loop3A_555 = arith.addi %parallel_loop3A_533, %parallel_loop3A_537 : vector<16xi32>
        %parallel_loop3A_556 = arith.addi %parallel_loop3A_555, %parallel_loop3A_539 : vector<16xi32>
        %parallel_loop3A_557 = arith.constant 2 : i32
        %parallel_loop3A_558 = vector.broadcast %parallel_loop3A_557 : i32 to vector<16xi32>
        %parallel_loop3A_559 = arith.cmpi sge, %parallel_loop3A_556, %parallel_loop3A_558 : vector<16xi32>
        tpu.vector_store_idx %arg7[%parallel_loop3A_510], %broadcast_in_dim3A_478 masked %parallel_loop3A_544 : memref<16384xf32, #tpu.memory_space<vmem>>[vector<16xi32>], vector<16xf32>, vector<16xi1>
        tpu.vector_store_idx %arg7[%parallel_loop3A_513], %broadcast_in_dim3A_478 masked %parallel_loop3A_549 : memref<16384xf32, #tpu.memory_space<vmem>>[vector<16xi32>], vector<16xf32>, vector<16xi1>
        tpu.vector_store_idx %arg7[%parallel_loop3A_516], %broadcast_in_dim3A_478 masked %parallel_loop3A_554 : memref<16384xf32, #tpu.memory_space<vmem>>[vector<16xi32>], vector<16xf32>, vector<16xi1>
        tpu.vector_store_idx %arg7[%parallel_loop3A_519], %broadcast_in_dim3A_478 masked %parallel_loop3A_559 : memref<16384xf32, #tpu.memory_space<vmem>>[vector<16xi32>], vector<16xf32>, vector<16xi1>
      } {sc.loop_unroll_factor = 4 : i64, sc.parallel_access}
      %add3A_482 = arith.addi %mul3A_2, %add3A_465 : i32
      %dma_start3A_483 = arith.constant 0 : i32
      %dma_start3A_484 = tpu.memref_slice %arg3[%add3A_482, %dma_start3A_483] : memref<4096x16384xf32, #tpu.memory_space<hbm>> -> memref<1x16384xf32, #tpu.memory_space<hbm>>
      %dma_start3A_485 = tpu.memref_squeeze %dma_start3A_484 : memref<1x16384xf32, #tpu.memory_space<hbm>> -> memref<16384xf32, #tpu.memory_space<hbm>>
      %dma_start3A_486 = arith.constant 0 : i32
      %dma_start3A_487 = tpu.memref_slice %arg3[%add3A_482, %dma_start3A_486] : memref<4096x16384xf32, #tpu.memory_space<hbm>> -> memref<1x16384xf32, #tpu.memory_space<hbm>>
      %dma_start3A_488 = tpu.memref_squeeze %dma_start3A_487 : memref<1x16384xf32, #tpu.memory_space<hbm>> -> memref<16384xf32, #tpu.memory_space<hbm>>
      tpu.enqueue_dma source(%arg7 : memref<16384xf32, #tpu.memory_space<vmem>>) target(%dma_start3A_488 : memref<16384xf32, #tpu.memory_space<hbm>>) target_semaphore(%arg15 : memref<!tpu.dma_semaphore, #tpu.memory_space<semaphore_mem>>)
      %sub3A_489 = arith.constant 1 : i32
      %sub3A_490 = arith.subi %add3A_465, %sub3A_489 : i32
      %add3A_491 = arith.addi %mul3A_2, %sub3A_490 : i32
      %dma_wait3A_492 = arith.constant 0 : i32
      %dma_wait3A_493 = tpu.memref_slice %arg3[%add3A_491, %dma_wait3A_492] : memref<4096x16384xf32, #tpu.memory_space<hbm>> -> memref<1x16384xf32, #tpu.memory_space<hbm>>
      %dma_wait3A_494 = tpu.memref_squeeze %dma_wait3A_493 : memref<1x16384xf32, #tpu.memory_space<hbm>> -> memref<16384xf32, #tpu.memory_space<hbm>>
      %dma_wait3A_495 = arith.constant 0 : i32
      %dma_wait3A_496 = tpu.memref_slice %arg3[%add3A_491, %dma_wait3A_495] : memref<4096x16384xf32, #tpu.memory_space<hbm>> -> memref<1x16384xf32, #tpu.memory_space<hbm>>
      %dma_wait3A_497 = tpu.memref_squeeze %dma_wait3A_496 : memref<1x16384xf32, #tpu.memory_space<hbm>> -> memref<16384xf32, #tpu.memory_space<hbm>>
      tpu.wait_dma2 semaphore(%arg14 : memref<!tpu.dma_semaphore, #tpu.memory_space<semaphore_mem>>) src(%arg6 : memref<16384xf32, #tpu.memory_space<vmem>>) dst(%dma_wait3A_497 : memref<16384xf32, #tpu.memory_space<hbm>>)
      %add3A_498 = arith.constant 3 : i32
      %add3A_499 = arith.addi %add3A_465, %add3A_498 : i32
      %add3A_500 = arith.addi %mul3A_2, %add3A_499 : i32
      %dma_start3A_501 = arith.constant 0 : i32
      %dma_start3A_502 = tpu.memref_slice %arg2[%add3A_500, %dma_start3A_501] : memref<4096x16384xf32, #tpu.memory_space<hbm>> -> memref<1x16384xf32, #tpu.memory_space<hbm>>
      %dma_start3A_503 = tpu.memref_squeeze %dma_start3A_502 : memref<1x16384xf32, #tpu.memory_space<hbm>> -> memref<16384xf32, #tpu.memory_space<hbm>>
      %dma_start3A_504 = arith.constant 0 : i32
      %dma_start3A_505 = tpu.memref_slice %arg2[%add3A_500, %dma_start3A_504] : memref<4096x16384xf32, #tpu.memory_space<hbm>> -> memref<1x16384xf32, #tpu.memory_space<hbm>>
      %dma_start3A_506 = tpu.memref_squeeze %dma_start3A_505 : memref<1x16384xf32, #tpu.memory_space<hbm>> -> memref<16384xf32, #tpu.memory_space<hbm>>
      tpu.enqueue_dma source(%dma_start3A_506 : memref<16384xf32, #tpu.memory_space<hbm>>) target(%arg6 : memref<16384xf32, #tpu.memory_space<vmem>>) target_semaphore(%arg10 : memref<!tpu.dma_semaphore, #tpu.memory_space<semaphore_mem>>)
      %scan3A_507 = arith.constant 0 : i32
      scf.yield %scan3A_507 : i32
    }
    %scan3A_183 = arith.constant 30 : i32
    %add3A_184 = arith.constant 124 : i32
    %add3A_185 = arith.addi %mul3A_2, %add3A_184 : i32
    %dma_wait3A_186 = arith.constant 0 : i32
    %dma_wait3A_187 = tpu.memref_slice %arg2[%add3A_185, %dma_wait3A_186] : memref<4096x16384xf32, #tpu.memory_space<hbm>> -> memref<1x16384xf32, #tpu.memory_space<hbm>>
    %dma_wait3A_188 = tpu.memref_squeeze %dma_wait3A_187 : memref<1x16384xf32, #tpu.memory_space<hbm>> -> memref<16384xf32, #tpu.memory_space<hbm>>
    %dma_wait3A_189 = arith.constant 0 : i32
    %dma_wait3A_190 = tpu.memref_slice %arg2[%add3A_185, %dma_wait3A_189] : memref<4096x16384xf32, #tpu.memory_space<hbm>> -> memref<1x16384xf32, #tpu.memory_space<hbm>>
    %dma_wait3A_191 = tpu.memref_squeeze %dma_wait3A_190 : memref<1x16384xf32, #tpu.memory_space<hbm>> -> memref<16384xf32, #tpu.memory_space<hbm>>
    tpu.wait_dma2 semaphore(%arg8 : memref<!tpu.dma_semaphore, #tpu.memory_space<semaphore_mem>>) src(%dma_wait3A_191 : memref<16384xf32, #tpu.memory_space<hbm>>) dst(%arg4 : memref<16384xf32, #tpu.memory_space<vmem>>)
    %iota3A_192 = tpu.iota {dimensions = array<i32: 0>} : vector<16xi32>
    %mul3A_193 = arith.constant 4 : i32
    %mul3A_194 = vector.broadcast %mul3A_193 : i32 to vector<16xi32>
    %mul3A_195 = arith.muli %iota3A_192, %mul3A_194 : vector<16xi32>
    %broadcast_in_dim3A_196 = arith.constant 0.000000e+00 : f32
    %broadcast_in_dim3A_197 = vector.broadcast %broadcast_in_dim3A_196 : f32 to vector<16xf32>
    %parallel_loop3A_198 = arith.constant 0 : i32
    %parallel_loop3A_199 = arith.constant 16384 : i32
    %parallel_loop3A_200 = arith.constant 64 : i32
    scf.for %parallel_loop3A_332 = %parallel_loop3A_198 to %parallel_loop3A_199 step %parallel_loop3A_200  : i32 {
      %parallel_loop3A_333 = vector.broadcast %parallel_loop3A_332 : i32 to vector<16xi32>
      %parallel_loop3A_334 = arith.addi %mul3A_195, %parallel_loop3A_333 : vector<16xi32>
      %parallel_loop3A_335 = arith.constant 1 : i32
      %parallel_loop3A_336 = vector.broadcast %parallel_loop3A_335 : i32 to vector<16xi32>
      %parallel_loop3A_337 = arith.addi %parallel_loop3A_334, %parallel_loop3A_336 : vector<16xi32>
      %parallel_loop3A_338 = arith.constant 2 : i32
      %parallel_loop3A_339 = vector.broadcast %parallel_loop3A_338 : i32 to vector<16xi32>
      %parallel_loop3A_340 = arith.addi %parallel_loop3A_334, %parallel_loop3A_339 : vector<16xi32>
      %parallel_loop3A_341 = arith.constant 3 : i32
      %parallel_loop3A_342 = vector.broadcast %parallel_loop3A_341 : i32 to vector<16xi32>
      %parallel_loop3A_343 = arith.addi %parallel_loop3A_334, %parallel_loop3A_342 : vector<16xi32>
      %parallel_loop3A_344 = tpu.vector_load_idx %arg4[%parallel_loop3A_334] : memref<16384xf32, #tpu.memory_space<vmem>>[vector<16xi32>], vector<16xf32>,
      %parallel_loop3A_345 = tpu.vector_load_idx %arg4[%parallel_loop3A_337] : memref<16384xf32, #tpu.memory_space<vmem>>[vector<16xi32>], vector<16xf32>,
      %parallel_loop3A_346 = tpu.vector_load_idx %arg4[%parallel_loop3A_340] : memref<16384xf32, #tpu.memory_space<vmem>>[vector<16xi32>], vector<16xf32>,
      %parallel_loop3A_347 = tpu.vector_load_idx %arg4[%parallel_loop3A_343] : memref<16384xf32, #tpu.memory_space<vmem>>[vector<16xi32>], vector<16xf32>,
      %parallel_loop3A_348 = math.absf %parallel_loop3A_344 : vector<16xf32>
      %parallel_loop3A_349 = math.absf %parallel_loop3A_345 : vector<16xf32>
      %parallel_loop3A_350 = math.absf %parallel_loop3A_346 : vector<16xf32>
      %parallel_loop3A_351 = math.absf %parallel_loop3A_347 : vector<16xf32>
      %parallel_loop3A_352 = arith.cmpf ogt, %parallel_loop3A_348, %parallel_loop3A_349 : vector<16xf32>
      %parallel_loop3A_353 = arith.extui %parallel_loop3A_352 : vector<16xi1> to vector<16xi32>
      %parallel_loop3A_354 = arith.cmpf ogt, %parallel_loop3A_348, %parallel_loop3A_350 : vector<16xf32>
      %parallel_loop3A_355 = arith.extui %parallel_loop3A_354 : vector<16xi1> to vector<16xi32>
      %parallel_loop3A_356 = arith.cmpf ogt, %parallel_loop3A_348, %parallel_loop3A_351 : vector<16xf32>
      %parallel_loop3A_357 = arith.extui %parallel_loop3A_356 : vector<16xi1> to vector<16xi32>
      %parallel_loop3A_358 = arith.cmpf ogt, %parallel_loop3A_349, %parallel_loop3A_350 : vector<16xf32>
      %parallel_loop3A_359 = arith.extui %parallel_loop3A_358 : vector<16xi1> to vector<16xi32>
      %parallel_loop3A_360 = arith.cmpf ogt, %parallel_loop3A_349, %parallel_loop3A_351 : vector<16xf32>
      %parallel_loop3A_361 = arith.extui %parallel_loop3A_360 : vector<16xi1> to vector<16xi32>
      %parallel_loop3A_362 = arith.cmpf ogt, %parallel_loop3A_350, %parallel_loop3A_351 : vector<16xf32>
      %parallel_loop3A_363 = arith.extui %parallel_loop3A_362 : vector<16xi1> to vector<16xi32>
      %parallel_loop3A_364 = arith.addi %parallel_loop3A_353, %parallel_loop3A_355 : vector<16xi32>
      %parallel_loop3A_365 = arith.addi %parallel_loop3A_364, %parallel_loop3A_357 : vector<16xi32>
      %parallel_loop3A_366 = arith.constant 1 : i32
      %parallel_loop3A_367 = vector.broadcast %parallel_loop3A_366 : i32 to vector<16xi32>
      %parallel_loop3A_368 = arith.cmpi sle, %parallel_loop3A_365, %parallel_loop3A_367 : vector<16xi32>
      %parallel_loop3A_369 = arith.addi %parallel_loop3A_359, %parallel_loop3A_361 : vector<16xi32>
      %parallel_loop3A_370 = arith.subi %parallel_loop3A_369, %parallel_loop3A_353 : vector<16xi32>
      %parallel_loop3A_371 = arith.constant 0 : i32
      %parallel_loop3A_372 = vector.broadcast %parallel_loop3A_371 : i32 to vector<16xi32>
      %parallel_loop3A_373 = arith.cmpi sle, %parallel_loop3A_370, %parallel_loop3A_372 : vector<16xi32>
      %parallel_loop3A_374 = arith.addi %parallel_loop3A_355, %parallel_loop3A_359 : vector<16xi32>
      %parallel_loop3A_375 = arith.subi %parallel_loop3A_363, %parallel_loop3A_374 : vector<16xi32>
      %parallel_loop3A_376 = arith.constant -1 : i32
      %parallel_loop3A_377 = vector.broadcast %parallel_loop3A_376 : i32 to vector<16xi32>
      %parallel_loop3A_378 = arith.cmpi sle, %parallel_loop3A_375, %parallel_loop3A_377 : vector<16xi32>
      %parallel_loop3A_379 = arith.addi %parallel_loop3A_357, %parallel_loop3A_361 : vector<16xi32>
      %parallel_loop3A_380 = arith.addi %parallel_loop3A_379, %parallel_loop3A_363 : vector<16xi32>
      %parallel_loop3A_381 = arith.constant 2 : i32
      %parallel_loop3A_382 = vector.broadcast %parallel_loop3A_381 : i32 to vector<16xi32>
      %parallel_loop3A_383 = arith.cmpi sge, %parallel_loop3A_380, %parallel_loop3A_382 : vector<16xi32>
      tpu.vector_store_idx %arg4[%parallel_loop3A_334], %broadcast_in_dim3A_197 masked %parallel_loop3A_368 : memref<16384xf32, #tpu.memory_space<vmem>>[vector<16xi32>], vector<16xf32>, vector<16xi1>
      tpu.vector_store_idx %arg4[%parallel_loop3A_337], %broadcast_in_dim3A_197 masked %parallel_loop3A_373 : memref<16384xf32, #tpu.memory_space<vmem>>[vector<16xi32>], vector<16xf32>, vector<16xi1>
      tpu.vector_store_idx %arg4[%parallel_loop3A_340], %broadcast_in_dim3A_197 masked %parallel_loop3A_378 : memref<16384xf32, #tpu.memory_space<vmem>>[vector<16xi32>], vector<16xf32>, vector<16xi1>
      tpu.vector_store_idx %arg4[%parallel_loop3A_343], %broadcast_in_dim3A_197 masked %parallel_loop3A_383 : memref<16384xf32, #tpu.memory_space<vmem>>[vector<16xi32>], vector<16xf32>, vector<16xi1>
    } {sc.loop_unroll_factor = 4 : i64, sc.parallel_access}
    %add3A_201 = arith.constant 124 : i32
    %add3A_202 = arith.addi %mul3A_2, %add3A_201 : i32
    %dma_start3A_203 = arith.constant 0 : i32
    %dma_start3A_204 = tpu.memref_slice %arg3[%add3A_202, %dma_start3A_203] : memref<4096x16384xf32, #tpu.memory_space<hbm>> -> memref<1x16384xf32, #tpu.memory_space<hbm>>
    %dma_start3A_205 = tpu.memref_squeeze %dma_start3A_204 : memref<1x16384xf32, #tpu.memory_space<hbm>> -> memref<16384xf32, #tpu.memory_space<hbm>>
    %dma_start3A_206 = arith.constant 0 : i32
    %dma_start3A_207 = tpu.memref_slice %arg3[%add3A_202, %dma_start3A_206] : memref<4096x16384xf32, #tpu.memory_space<hbm>> -> memref<1x16384xf32, #tpu.memory_space<hbm>>
    %dma_start3A_208 = tpu.memref_squeeze %dma_start3A_207 : memref<1x16384xf32, #tpu.memory_space<hbm>> -> memref<16384xf32, #tpu.memory_space<hbm>>
    tpu.enqueue_dma source(%arg4 : memref<16384xf32, #tpu.memory_space<vmem>>) target(%dma_start3A_208 : memref<16384xf32, #tpu.memory_space<hbm>>) target_semaphore(%arg12 : memref<!tpu.dma_semaphore, #tpu.memory_space<semaphore_mem>>)
    %add3A_209 = arith.constant 123 : i32
    %add3A_210 = arith.addi %mul3A_2, %add3A_209 : i32
    %dma_wait3A_211 = arith.constant 0 : i32
    %dma_wait3A_212 = tpu.memref_slice %arg3[%add3A_210, %dma_wait3A_211] : memref<4096x16384xf32, #tpu.memory_space<hbm>> -> memref<1x16384xf32, #tpu.memory_space<hbm>>
    %dma_wait3A_213 = tpu.memref_squeeze %dma_wait3A_212 : memref<1x16384xf32, #tpu.memory_space<hbm>> -> memref<16384xf32, #tpu.memory_space<hbm>>
    %dma_wait3A_214 = arith.constant 0 : i32
    %dma_wait3A_215 = tpu.memref_slice %arg3[%add3A_210, %dma_wait3A_214] : memref<4096x16384xf32, #tpu.memory_space<hbm>> -> memref<1x16384xf32, #tpu.memory_space<hbm>>
    %dma_wait3A_216 = tpu.memref_squeeze %dma_wait3A_215 : memref<1x16384xf32, #tpu.memory_space<hbm>> -> memref<16384xf32, #tpu.memory_space<hbm>>
    tpu.wait_dma2 semaphore(%arg15 : memref<!tpu.dma_semaphore, #tpu.memory_space<semaphore_mem>>) src(%arg7 : memref<16384xf32, #tpu.memory_space<vmem>>) dst(%dma_wait3A_216 : memref<16384xf32, #tpu.memory_space<hbm>>)
    %add3A_217 = arith.constant 127 : i32
    %add3A_218 = arith.addi %mul3A_2, %add3A_217 : i32
    %dma_start3A_219 = arith.constant 0 : i32
    %dma_start3A_220 = tpu.memref_slice %arg2[%add3A_218, %dma_start3A_219] : memref<4096x16384xf32, #tpu.memory_space<hbm>> -> memref<1x16384xf32, #tpu.memory_space<hbm>>
    %dma_start3A_221 = tpu.memref_squeeze %dma_start3A_220 : memref<1x16384xf32, #tpu.memory_space<hbm>> -> memref<16384xf32, #tpu.memory_space<hbm>>
    %dma_start3A_222 = arith.constant 0 : i32
    %dma_start3A_223 = tpu.memref_slice %arg2[%add3A_218, %dma_start3A_222] : memref<4096x16384xf32, #tpu.memory_space<hbm>> -> memref<1x16384xf32, #tpu.memory_space<hbm>>
    %dma_start3A_224 = tpu.memref_squeeze %dma_start3A_223 : memref<1x16384xf32, #tpu.memory_space<hbm>> -> memref<16384xf32, #tpu.memory_space<hbm>>
    tpu.enqueue_dma source(%dma_start3A_224 : memref<16384xf32, #tpu.memory_space<hbm>>) target(%arg7 : memref<16384xf32, #tpu.memory_space<vmem>>) target_semaphore(%arg11 : memref<!tpu.dma_semaphore, #tpu.memory_space<semaphore_mem>>)
    %add3A_225 = arith.constant 125 : i32
    %add3A_226 = arith.addi %mul3A_2, %add3A_225 : i32
    %dma_wait3A_227 = arith.constant 0 : i32
    %dma_wait3A_228 = tpu.memref_slice %arg2[%add3A_226, %dma_wait3A_227] : memref<4096x16384xf32, #tpu.memory_space<hbm>> -> memref<1x16384xf32, #tpu.memory_space<hbm>>
    %dma_wait3A_229 = tpu.memref_squeeze %dma_wait3A_228 : memref<1x16384xf32, #tpu.memory_space<hbm>> -> memref<16384xf32, #tpu.memory_space<hbm>>
    %dma_wait3A_230 = arith.constant 0 : i32
    %dma_wait3A_231 = tpu.memref_slice %arg2[%add3A_226, %dma_wait3A_230] : memref<4096x16384xf32, #tpu.memory_space<hbm>> -> memref<1x16384xf32, #tpu.memory_space<hbm>>
    %dma_wait3A_232 = tpu.memref_squeeze %dma_wait3A_231 : memref<1x16384xf32, #tpu.memory_space<hbm>> -> memref<16384xf32, #tpu.memory_space<hbm>>
    tpu.wait_dma2 semaphore(%arg9 : memref<!tpu.dma_semaphore, #tpu.memory_space<semaphore_mem>>) src(%dma_wait3A_232 : memref<16384xf32, #tpu.memory_space<hbm>>) dst(%arg5 : memref<16384xf32, #tpu.memory_space<vmem>>)
    %iota3A_233 = tpu.iota {dimensions = array<i32: 0>} : vector<16xi32>
    %mul3A_234 = arith.constant 4 : i32
    %mul3A_235 = vector.broadcast %mul3A_234 : i32 to vector<16xi32>
    %mul3A_236 = arith.muli %iota3A_233, %mul3A_235 : vector<16xi32>
    %broadcast_in_dim3A_237 = arith.constant 0.000000e+00 : f32
    %broadcast_in_dim3A_238 = vector.broadcast %broadcast_in_dim3A_237 : f32 to vector<16xf32>
    %parallel_loop3A_239 = arith.constant 0 : i32
    %parallel_loop3A_240 = arith.constant 16384 : i32
    %parallel_loop3A_241 = arith.constant 64 : i32
    scf.for %parallel_loop3A_332 = %parallel_loop3A_239 to %parallel_loop3A_240 step %parallel_loop3A_241  : i32 {
      %parallel_loop3A_333 = vector.broadcast %parallel_loop3A_332 : i32 to vector<16xi32>
      %parallel_loop3A_334 = arith.addi %mul3A_236, %parallel_loop3A_333 : vector<16xi32>
      %parallel_loop3A_335 = arith.constant 1 : i32
      %parallel_loop3A_336 = vector.broadcast %parallel_loop3A_335 : i32 to vector<16xi32>
      %parallel_loop3A_337 = arith.addi %parallel_loop3A_334, %parallel_loop3A_336 : vector<16xi32>
      %parallel_loop3A_338 = arith.constant 2 : i32
      %parallel_loop3A_339 = vector.broadcast %parallel_loop3A_338 : i32 to vector<16xi32>
      %parallel_loop3A_340 = arith.addi %parallel_loop3A_334, %parallel_loop3A_339 : vector<16xi32>
      %parallel_loop3A_341 = arith.constant 3 : i32
      %parallel_loop3A_342 = vector.broadcast %parallel_loop3A_341 : i32 to vector<16xi32>
      %parallel_loop3A_343 = arith.addi %parallel_loop3A_334, %parallel_loop3A_342 : vector<16xi32>
      %parallel_loop3A_344 = tpu.vector_load_idx %arg5[%parallel_loop3A_334] : memref<16384xf32, #tpu.memory_space<vmem>>[vector<16xi32>], vector<16xf32>,
      %parallel_loop3A_345 = tpu.vector_load_idx %arg5[%parallel_loop3A_337] : memref<16384xf32, #tpu.memory_space<vmem>>[vector<16xi32>], vector<16xf32>,
      %parallel_loop3A_346 = tpu.vector_load_idx %arg5[%parallel_loop3A_340] : memref<16384xf32, #tpu.memory_space<vmem>>[vector<16xi32>], vector<16xf32>,
      %parallel_loop3A_347 = tpu.vector_load_idx %arg5[%parallel_loop3A_343] : memref<16384xf32, #tpu.memory_space<vmem>>[vector<16xi32>], vector<16xf32>,
      %parallel_loop3A_348 = math.absf %parallel_loop3A_344 : vector<16xf32>
      %parallel_loop3A_349 = math.absf %parallel_loop3A_345 : vector<16xf32>
      %parallel_loop3A_350 = math.absf %parallel_loop3A_346 : vector<16xf32>
      %parallel_loop3A_351 = math.absf %parallel_loop3A_347 : vector<16xf32>
      %parallel_loop3A_352 = arith.cmpf ogt, %parallel_loop3A_348, %parallel_loop3A_349 : vector<16xf32>
      %parallel_loop3A_353 = arith.extui %parallel_loop3A_352 : vector<16xi1> to vector<16xi32>
      %parallel_loop3A_354 = arith.cmpf ogt, %parallel_loop3A_348, %parallel_loop3A_350 : vector<16xf32>
      %parallel_loop3A_355 = arith.extui %parallel_loop3A_354 : vector<16xi1> to vector<16xi32>
      %parallel_loop3A_356 = arith.cmpf ogt, %parallel_loop3A_348, %parallel_loop3A_351 : vector<16xf32>
      %parallel_loop3A_357 = arith.extui %parallel_loop3A_356 : vector<16xi1> to vector<16xi32>
      %parallel_loop3A_358 = arith.cmpf ogt, %parallel_loop3A_349, %parallel_loop3A_350 : vector<16xf32>
      %parallel_loop3A_359 = arith.extui %parallel_loop3A_358 : vector<16xi1> to vector<16xi32>
      %parallel_loop3A_360 = arith.cmpf ogt, %parallel_loop3A_349, %parallel_loop3A_351 : vector<16xf32>
      %parallel_loop3A_361 = arith.extui %parallel_loop3A_360 : vector<16xi1> to vector<16xi32>
      %parallel_loop3A_362 = arith.cmpf ogt, %parallel_loop3A_350, %parallel_loop3A_351 : vector<16xf32>
      %parallel_loop3A_363 = arith.extui %parallel_loop3A_362 : vector<16xi1> to vector<16xi32>
      %parallel_loop3A_364 = arith.addi %parallel_loop3A_353, %parallel_loop3A_355 : vector<16xi32>
      %parallel_loop3A_365 = arith.addi %parallel_loop3A_364, %parallel_loop3A_357 : vector<16xi32>
      %parallel_loop3A_366 = arith.constant 1 : i32
      %parallel_loop3A_367 = vector.broadcast %parallel_loop3A_366 : i32 to vector<16xi32>
      %parallel_loop3A_368 = arith.cmpi sle, %parallel_loop3A_365, %parallel_loop3A_367 : vector<16xi32>
      %parallel_loop3A_369 = arith.addi %parallel_loop3A_359, %parallel_loop3A_361 : vector<16xi32>
      %parallel_loop3A_370 = arith.subi %parallel_loop3A_369, %parallel_loop3A_353 : vector<16xi32>
      %parallel_loop3A_371 = arith.constant 0 : i32
      %parallel_loop3A_372 = vector.broadcast %parallel_loop3A_371 : i32 to vector<16xi32>
      %parallel_loop3A_373 = arith.cmpi sle, %parallel_loop3A_370, %parallel_loop3A_372 : vector<16xi32>
      %parallel_loop3A_374 = arith.addi %parallel_loop3A_355, %parallel_loop3A_359 : vector<16xi32>
      %parallel_loop3A_375 = arith.subi %parallel_loop3A_363, %parallel_loop3A_374 : vector<16xi32>
      %parallel_loop3A_376 = arith.constant -1 : i32
      %parallel_loop3A_377 = vector.broadcast %parallel_loop3A_376 : i32 to vector<16xi32>
      %parallel_loop3A_378 = arith.cmpi sle, %parallel_loop3A_375, %parallel_loop3A_377 : vector<16xi32>
      %parallel_loop3A_379 = arith.addi %parallel_loop3A_357, %parallel_loop3A_361 : vector<16xi32>
      %parallel_loop3A_380 = arith.addi %parallel_loop3A_379, %parallel_loop3A_363 : vector<16xi32>
      %parallel_loop3A_381 = arith.constant 2 : i32
      %parallel_loop3A_382 = vector.broadcast %parallel_loop3A_381 : i32 to vector<16xi32>
      %parallel_loop3A_383 = arith.cmpi sge, %parallel_loop3A_380, %parallel_loop3A_382 : vector<16xi32>
      tpu.vector_store_idx %arg5[%parallel_loop3A_334], %broadcast_in_dim3A_238 masked %parallel_loop3A_368 : memref<16384xf32, #tpu.memory_space<vmem>>[vector<16xi32>], vector<16xf32>, vector<16xi1>
      tpu.vector_store_idx %arg5[%parallel_loop3A_337], %broadcast_in_dim3A_238 masked %parallel_loop3A_373 : memref<16384xf32, #tpu.memory_space<vmem>>[vector<16xi32>], vector<16xf32>, vector<16xi1>
      tpu.vector_store_idx %arg5[%parallel_loop3A_340], %broadcast_in_dim3A_238 masked %parallel_loop3A_378 : memref<16384xf32, #tpu.memory_space<vmem>>[vector<16xi32>], vector<16xf32>, vector<16xi1>
      tpu.vector_store_idx %arg5[%parallel_loop3A_343], %broadcast_in_dim3A_238 masked %parallel_loop3A_383 : memref<16384xf32, #tpu.memory_space<vmem>>[vector<16xi32>], vector<16xf32>, vector<16xi1>
    } {sc.loop_unroll_factor = 4 : i64, sc.parallel_access}
    %add3A_242 = arith.constant 125 : i32
    %add3A_243 = arith.addi %mul3A_2, %add3A_242 : i32
    %dma_start3A_244 = arith.constant 0 : i32
    %dma_start3A_245 = tpu.memref_slice %arg3[%add3A_243, %dma_start3A_244] : memref<4096x16384xf32, #tpu.memory_space<hbm>> -> memref<1x16384xf32, #tpu.memory_space<hbm>>
    %dma_start3A_246 = tpu.memref_squeeze %dma_start3A_245 : memref<1x16384xf32, #tpu.memory_space<hbm>> -> memref<16384xf32, #tpu.memory_space<hbm>>
    %dma_start3A_247 = arith.constant 0 : i32
    %dma_start3A_248 = tpu.memref_slice %arg3[%add3A_243, %dma_start3A_247] : memref<4096x16384xf32, #tpu.memory_space<hbm>> -> memref<1x16384xf32, #tpu.memory_space<hbm>>
    %dma_start3A_249 = tpu.memref_squeeze %dma_start3A_248 : memref<1x16384xf32, #tpu.memory_space<hbm>> -> memref<16384xf32, #tpu.memory_space<hbm>>
    tpu.enqueue_dma source(%arg5 : memref<16384xf32, #tpu.memory_space<vmem>>) target(%dma_start3A_249 : memref<16384xf32, #tpu.memory_space<hbm>>) target_semaphore(%arg13 : memref<!tpu.dma_semaphore, #tpu.memory_space<semaphore_mem>>)
    %add3A_250 = arith.constant 124 : i32
    %add3A_251 = arith.addi %mul3A_2, %add3A_250 : i32
    %dma_wait3A_252 = arith.constant 0 : i32
    %dma_wait3A_253 = tpu.memref_slice %arg3[%add3A_251, %dma_wait3A_252] : memref<4096x16384xf32, #tpu.memory_space<hbm>> -> memref<1x16384xf32, #tpu.memory_space<hbm>>
    %dma_wait3A_254 = tpu.memref_squeeze %dma_wait3A_253 : memref<1x16384xf32, #tpu.memory_space<hbm>> -> memref<16384xf32, #tpu.memory_space<hbm>>
    %dma_wait3A_255 = arith.constant 0 : i32
    %dma_wait3A_256 = tpu.memref_slice %arg3[%add3A_251, %dma_wait3A_255] : memref<4096x16384xf32, #tpu.memory_space<hbm>> -> memref<1x16384xf32, #tpu.memory_space<hbm>>
    %dma_wait3A_257 = tpu.memref_squeeze %dma_wait3A_256 : memref<1x16384xf32, #tpu.memory_space<hbm>> -> memref<16384xf32, #tpu.memory_space<hbm>>
    tpu.wait_dma2 semaphore(%arg12 : memref<!tpu.dma_semaphore, #tpu.memory_space<semaphore_mem>>) src(%arg4 : memref<16384xf32, #tpu.memory_space<vmem>>) dst(%dma_wait3A_257 : memref<16384xf32, #tpu.memory_space<hbm>>)
    %add3A_258 = arith.constant 126 : i32
    %add3A_259 = arith.addi %mul3A_2, %add3A_258 : i32
    %dma_wait3A_260 = arith.constant 0 : i32
    %dma_wait3A_261 = tpu.memref_slice %arg2[%add3A_259, %dma_wait3A_260] : memref<4096x16384xf32, #tpu.memory_space<hbm>> -> memref<1x16384xf32, #tpu.memory_space<hbm>>
    %dma_wait3A_262 = tpu.memref_squeeze %dma_wait3A_261 : memref<1x16384xf32, #tpu.memory_space<hbm>> -> memref<16384xf32, #tpu.memory_space<hbm>>
    %dma_wait3A_263 = arith.constant 0 : i32
    %dma_wait3A_264 = tpu.memref_slice %arg2[%add3A_259, %dma_wait3A_263] : memref<4096x16384xf32, #tpu.memory_space<hbm>> -> memref<1x16384xf32, #tpu.memory_space<hbm>>
    %dma_wait3A_265 = tpu.memref_squeeze %dma_wait3A_264 : memref<1x16384xf32, #tpu.memory_space<hbm>> -> memref<16384xf32, #tpu.memory_space<hbm>>
    tpu.wait_dma2 semaphore(%arg10 : memref<!tpu.dma_semaphore, #tpu.memory_space<semaphore_mem>>) src(%dma_wait3A_265 : memref<16384xf32, #tpu.memory_space<hbm>>) dst(%arg6 : memref<16384xf32, #tpu.memory_space<vmem>>)
    %iota3A_266 = tpu.iota {dimensions = array<i32: 0>} : vector<16xi32>
    %mul3A_267 = arith.constant 4 : i32
    %mul3A_268 = vector.broadcast %mul3A_267 : i32 to vector<16xi32>
    %mul3A_269 = arith.muli %iota3A_266, %mul3A_268 : vector<16xi32>
    %broadcast_in_dim3A_270 = arith.constant 0.000000e+00 : f32
    %broadcast_in_dim3A_271 = vector.broadcast %broadcast_in_dim3A_270 : f32 to vector<16xf32>
    %parallel_loop3A_272 = arith.constant 0 : i32
    %parallel_loop3A_273 = arith.constant 16384 : i32
    %parallel_loop3A_274 = arith.constant 64 : i32
    scf.for %parallel_loop3A_332 = %parallel_loop3A_272 to %parallel_loop3A_273 step %parallel_loop3A_274  : i32 {
      %parallel_loop3A_333 = vector.broadcast %parallel_loop3A_332 : i32 to vector<16xi32>
      %parallel_loop3A_334 = arith.addi %mul3A_269, %parallel_loop3A_333 : vector<16xi32>
      %parallel_loop3A_335 = arith.constant 1 : i32
      %parallel_loop3A_336 = vector.broadcast %parallel_loop3A_335 : i32 to vector<16xi32>
      %parallel_loop3A_337 = arith.addi %parallel_loop3A_334, %parallel_loop3A_336 : vector<16xi32>
      %parallel_loop3A_338 = arith.constant 2 : i32
      %parallel_loop3A_339 = vector.broadcast %parallel_loop3A_338 : i32 to vector<16xi32>
      %parallel_loop3A_340 = arith.addi %parallel_loop3A_334, %parallel_loop3A_339 : vector<16xi32>
      %parallel_loop3A_341 = arith.constant 3 : i32
      %parallel_loop3A_342 = vector.broadcast %parallel_loop3A_341 : i32 to vector<16xi32>
      %parallel_loop3A_343 = arith.addi %parallel_loop3A_334, %parallel_loop3A_342 : vector<16xi32>
      %parallel_loop3A_344 = tpu.vector_load_idx %arg6[%parallel_loop3A_334] : memref<16384xf32, #tpu.memory_space<vmem>>[vector<16xi32>], vector<16xf32>,
      %parallel_loop3A_345 = tpu.vector_load_idx %arg6[%parallel_loop3A_337] : memref<16384xf32, #tpu.memory_space<vmem>>[vector<16xi32>], vector<16xf32>,
      %parallel_loop3A_346 = tpu.vector_load_idx %arg6[%parallel_loop3A_340] : memref<16384xf32, #tpu.memory_space<vmem>>[vector<16xi32>], vector<16xf32>,
      %parallel_loop3A_347 = tpu.vector_load_idx %arg6[%parallel_loop3A_343] : memref<16384xf32, #tpu.memory_space<vmem>>[vector<16xi32>], vector<16xf32>,
      %parallel_loop3A_348 = math.absf %parallel_loop3A_344 : vector<16xf32>
      %parallel_loop3A_349 = math.absf %parallel_loop3A_345 : vector<16xf32>
      %parallel_loop3A_350 = math.absf %parallel_loop3A_346 : vector<16xf32>
      %parallel_loop3A_351 = math.absf %parallel_loop3A_347 : vector<16xf32>
      %parallel_loop3A_352 = arith.cmpf ogt, %parallel_loop3A_348, %parallel_loop3A_349 : vector<16xf32>
      %parallel_loop3A_353 = arith.extui %parallel_loop3A_352 : vector<16xi1> to vector<16xi32>
      %parallel_loop3A_354 = arith.cmpf ogt, %parallel_loop3A_348, %parallel_loop3A_350 : vector<16xf32>
      %parallel_loop3A_355 = arith.extui %parallel_loop3A_354 : vector<16xi1> to vector<16xi32>
      %parallel_loop3A_356 = arith.cmpf ogt, %parallel_loop3A_348, %parallel_loop3A_351 : vector<16xf32>
      %parallel_loop3A_357 = arith.extui %parallel_loop3A_356 : vector<16xi1> to vector<16xi32>
      %parallel_loop3A_358 = arith.cmpf ogt, %parallel_loop3A_349, %parallel_loop3A_350 : vector<16xf32>
      %parallel_loop3A_359 = arith.extui %parallel_loop3A_358 : vector<16xi1> to vector<16xi32>
      %parallel_loop3A_360 = arith.cmpf ogt, %parallel_loop3A_349, %parallel_loop3A_351 : vector<16xf32>
      %parallel_loop3A_361 = arith.extui %parallel_loop3A_360 : vector<16xi1> to vector<16xi32>
      %parallel_loop3A_362 = arith.cmpf ogt, %parallel_loop3A_350, %parallel_loop3A_351 : vector<16xf32>
      %parallel_loop3A_363 = arith.extui %parallel_loop3A_362 : vector<16xi1> to vector<16xi32>
      %parallel_loop3A_364 = arith.addi %parallel_loop3A_353, %parallel_loop3A_355 : vector<16xi32>
      %parallel_loop3A_365 = arith.addi %parallel_loop3A_364, %parallel_loop3A_357 : vector<16xi32>
      %parallel_loop3A_366 = arith.constant 1 : i32
      %parallel_loop3A_367 = vector.broadcast %parallel_loop3A_366 : i32 to vector<16xi32>
      %parallel_loop3A_368 = arith.cmpi sle, %parallel_loop3A_365, %parallel_loop3A_367 : vector<16xi32>
      %parallel_loop3A_369 = arith.addi %parallel_loop3A_359, %parallel_loop3A_361 : vector<16xi32>
      %parallel_loop3A_370 = arith.subi %parallel_loop3A_369, %parallel_loop3A_353 : vector<16xi32>
      %parallel_loop3A_371 = arith.constant 0 : i32
      %parallel_loop3A_372 = vector.broadcast %parallel_loop3A_371 : i32 to vector<16xi32>
      %parallel_loop3A_373 = arith.cmpi sle, %parallel_loop3A_370, %parallel_loop3A_372 : vector<16xi32>
      %parallel_loop3A_374 = arith.addi %parallel_loop3A_355, %parallel_loop3A_359 : vector<16xi32>
      %parallel_loop3A_375 = arith.subi %parallel_loop3A_363, %parallel_loop3A_374 : vector<16xi32>
      %parallel_loop3A_376 = arith.constant -1 : i32
      %parallel_loop3A_377 = vector.broadcast %parallel_loop3A_376 : i32 to vector<16xi32>
      %parallel_loop3A_378 = arith.cmpi sle, %parallel_loop3A_375, %parallel_loop3A_377 : vector<16xi32>
      %parallel_loop3A_379 = arith.addi %parallel_loop3A_357, %parallel_loop3A_361 : vector<16xi32>
      %parallel_loop3A_380 = arith.addi %parallel_loop3A_379, %parallel_loop3A_363 : vector<16xi32>
      %parallel_loop3A_381 = arith.constant 2 : i32
      %parallel_loop3A_382 = vector.broadcast %parallel_loop3A_381 : i32 to vector<16xi32>
      %parallel_loop3A_383 = arith.cmpi sge, %parallel_loop3A_380, %parallel_loop3A_382 : vector<16xi32>
      tpu.vector_store_idx %arg6[%parallel_loop3A_334], %broadcast_in_dim3A_271 masked %parallel_loop3A_368 : memref<16384xf32, #tpu.memory_space<vmem>>[vector<16xi32>], vector<16xf32>, vector<16xi1>
      tpu.vector_store_idx %arg6[%parallel_loop3A_337], %broadcast_in_dim3A_271 masked %parallel_loop3A_373 : memref<16384xf32, #tpu.memory_space<vmem>>[vector<16xi32>], vector<16xf32>, vector<16xi1>
      tpu.vector_store_idx %arg6[%parallel_loop3A_340], %broadcast_in_dim3A_271 masked %parallel_loop3A_378 : memref<16384xf32, #tpu.memory_space<vmem>>[vector<16xi32>], vector<16xf32>, vector<16xi1>
      tpu.vector_store_idx %arg6[%parallel_loop3A_343], %broadcast_in_dim3A_271 masked %parallel_loop3A_383 : memref<16384xf32, #tpu.memory_space<vmem>>[vector<16xi32>], vector<16xf32>, vector<16xi1>
    } {sc.loop_unroll_factor = 4 : i64, sc.parallel_access}
    %add3A_275 = arith.constant 126 : i32
    %add3A_276 = arith.addi %mul3A_2, %add3A_275 : i32
    %dma_start3A_277 = arith.constant 0 : i32
    %dma_start3A_278 = tpu.memref_slice %arg3[%add3A_276, %dma_start3A_277] : memref<4096x16384xf32, #tpu.memory_space<hbm>> -> memref<1x16384xf32, #tpu.memory_space<hbm>>
    %dma_start3A_279 = tpu.memref_squeeze %dma_start3A_278 : memref<1x16384xf32, #tpu.memory_space<hbm>> -> memref<16384xf32, #tpu.memory_space<hbm>>
    %dma_start3A_280 = arith.constant 0 : i32
    %dma_start3A_281 = tpu.memref_slice %arg3[%add3A_276, %dma_start3A_280] : memref<4096x16384xf32, #tpu.memory_space<hbm>> -> memref<1x16384xf32, #tpu.memory_space<hbm>>
    %dma_start3A_282 = tpu.memref_squeeze %dma_start3A_281 : memref<1x16384xf32, #tpu.memory_space<hbm>> -> memref<16384xf32, #tpu.memory_space<hbm>>
    tpu.enqueue_dma source(%arg6 : memref<16384xf32, #tpu.memory_space<vmem>>) target(%dma_start3A_282 : memref<16384xf32, #tpu.memory_space<hbm>>) target_semaphore(%arg14 : memref<!tpu.dma_semaphore, #tpu.memory_space<semaphore_mem>>)
    %add3A_283 = arith.constant 125 : i32
    %add3A_284 = arith.addi %mul3A_2, %add3A_283 : i32
    %dma_wait3A_285 = arith.constant 0 : i32
    %dma_wait3A_286 = tpu.memref_slice %arg3[%add3A_284, %dma_wait3A_285] : memref<4096x16384xf32, #tpu.memory_space<hbm>> -> memref<1x16384xf32, #tpu.memory_space<hbm>>
    %dma_wait3A_287 = tpu.memref_squeeze %dma_wait3A_286 : memref<1x16384xf32, #tpu.memory_space<hbm>> -> memref<16384xf32, #tpu.memory_space<hbm>>
    %dma_wait3A_288 = arith.constant 0 : i32
    %dma_wait3A_289 = tpu.memref_slice %arg3[%add3A_284, %dma_wait3A_288] : memref<4096x16384xf32, #tpu.memory_space<hbm>> -> memref<1x16384xf32, #tpu.memory_space<hbm>>
    %dma_wait3A_290 = tpu.memref_squeeze %dma_wait3A_289 : memref<1x16384xf32, #tpu.memory_space<hbm>> -> memref<16384xf32, #tpu.memory_space<hbm>>
    tpu.wait_dma2 semaphore(%arg13 : memref<!tpu.dma_semaphore, #tpu.memory_space<semaphore_mem>>) src(%arg5 : memref<16384xf32, #tpu.memory_space<vmem>>) dst(%dma_wait3A_290 : memref<16384xf32, #tpu.memory_space<hbm>>)
    %add3A_291 = arith.constant 127 : i32
    %add3A_292 = arith.addi %mul3A_2, %add3A_291 : i32
    %dma_wait3A_293 = arith.constant 0 : i32
    %dma_wait3A_294 = tpu.memref_slice %arg2[%add3A_292, %dma_wait3A_293] : memref<4096x16384xf32, #tpu.memory_space<hbm>> -> memref<1x16384xf32, #tpu.memory_space<hbm>>
    %dma_wait3A_295 = tpu.memref_squeeze %dma_wait3A_294 : memref<1x16384xf32, #tpu.memory_space<hbm>> -> memref<16384xf32, #tpu.memory_space<hbm>>
    %dma_wait3A_296 = arith.constant 0 : i32
    %dma_wait3A_297 = tpu.memref_slice %arg2[%add3A_292, %dma_wait3A_296] : memref<4096x16384xf32, #tpu.memory_space<hbm>> -> memref<1x16384xf32, #tpu.memory_space<hbm>>
    %dma_wait3A_298 = tpu.memref_squeeze %dma_wait3A_297 : memref<1x16384xf32, #tpu.memory_space<hbm>> -> memref<16384xf32, #tpu.memory_space<hbm>>
    tpu.wait_dma2 semaphore(%arg11 : memref<!tpu.dma_semaphore, #tpu.memory_space<semaphore_mem>>) src(%dma_wait3A_298 : memref<16384xf32, #tpu.memory_space<hbm>>) dst(%arg7 : memref<16384xf32, #tpu.memory_space<vmem>>)
    %iota3A_299 = tpu.iota {dimensions = array<i32: 0>} : vector<16xi32>
    %mul3A_300 = arith.constant 4 : i32
    %mul3A_301 = vector.broadcast %mul3A_300 : i32 to vector<16xi32>
    %mul3A_302 = arith.muli %iota3A_299, %mul3A_301 : vector<16xi32>
    %broadcast_in_dim3A_303 = arith.constant 0.000000e+00 : f32
    %broadcast_in_dim3A_304 = vector.broadcast %broadcast_in_dim3A_303 : f32 to vector<16xf32>
    %parallel_loop3A_305 = arith.constant 0 : i32
    %parallel_loop3A_306 = arith.constant 16384 : i32
    %parallel_loop3A_307 = arith.constant 64 : i32
    scf.for %parallel_loop3A_332 = %parallel_loop3A_305 to %parallel_loop3A_306 step %parallel_loop3A_307  : i32 {
      %parallel_loop3A_333 = vector.broadcast %parallel_loop3A_332 : i32 to vector<16xi32>
      %parallel_loop3A_334 = arith.addi %mul3A_302, %parallel_loop3A_333 : vector<16xi32>
      %parallel_loop3A_335 = arith.constant 1 : i32
      %parallel_loop3A_336 = vector.broadcast %parallel_loop3A_335 : i32 to vector<16xi32>
      %parallel_loop3A_337 = arith.addi %parallel_loop3A_334, %parallel_loop3A_336 : vector<16xi32>
      %parallel_loop3A_338 = arith.constant 2 : i32
      %parallel_loop3A_339 = vector.broadcast %parallel_loop3A_338 : i32 to vector<16xi32>
      %parallel_loop3A_340 = arith.addi %parallel_loop3A_334, %parallel_loop3A_339 : vector<16xi32>
      %parallel_loop3A_341 = arith.constant 3 : i32
      %parallel_loop3A_342 = vector.broadcast %parallel_loop3A_341 : i32 to vector<16xi32>
      %parallel_loop3A_343 = arith.addi %parallel_loop3A_334, %parallel_loop3A_342 : vector<16xi32>
      %parallel_loop3A_344 = tpu.vector_load_idx %arg7[%parallel_loop3A_334] : memref<16384xf32, #tpu.memory_space<vmem>>[vector<16xi32>], vector<16xf32>,
      %parallel_loop3A_345 = tpu.vector_load_idx %arg7[%parallel_loop3A_337] : memref<16384xf32, #tpu.memory_space<vmem>>[vector<16xi32>], vector<16xf32>,
      %parallel_loop3A_346 = tpu.vector_load_idx %arg7[%parallel_loop3A_340] : memref<16384xf32, #tpu.memory_space<vmem>>[vector<16xi32>], vector<16xf32>,
      %parallel_loop3A_347 = tpu.vector_load_idx %arg7[%parallel_loop3A_343] : memref<16384xf32, #tpu.memory_space<vmem>>[vector<16xi32>], vector<16xf32>,
      %parallel_loop3A_348 = math.absf %parallel_loop3A_344 : vector<16xf32>
      %parallel_loop3A_349 = math.absf %parallel_loop3A_345 : vector<16xf32>
      %parallel_loop3A_350 = math.absf %parallel_loop3A_346 : vector<16xf32>
      %parallel_loop3A_351 = math.absf %parallel_loop3A_347 : vector<16xf32>
      %parallel_loop3A_352 = arith.cmpf ogt, %parallel_loop3A_348, %parallel_loop3A_349 : vector<16xf32>
      %parallel_loop3A_353 = arith.extui %parallel_loop3A_352 : vector<16xi1> to vector<16xi32>
      %parallel_loop3A_354 = arith.cmpf ogt, %parallel_loop3A_348, %parallel_loop3A_350 : vector<16xf32>
      %parallel_loop3A_355 = arith.extui %parallel_loop3A_354 : vector<16xi1> to vector<16xi32>
      %parallel_loop3A_356 = arith.cmpf ogt, %parallel_loop3A_348, %parallel_loop3A_351 : vector<16xf32>
      %parallel_loop3A_357 = arith.extui %parallel_loop3A_356 : vector<16xi1> to vector<16xi32>
      %parallel_loop3A_358 = arith.cmpf ogt, %parallel_loop3A_349, %parallel_loop3A_350 : vector<16xf32>
      %parallel_loop3A_359 = arith.extui %parallel_loop3A_358 : vector<16xi1> to vector<16xi32>
      %parallel_loop3A_360 = arith.cmpf ogt, %parallel_loop3A_349, %parallel_loop3A_351 : vector<16xf32>
      %parallel_loop3A_361 = arith.extui %parallel_loop3A_360 : vector<16xi1> to vector<16xi32>
      %parallel_loop3A_362 = arith.cmpf ogt, %parallel_loop3A_350, %parallel_loop3A_351 : vector<16xf32>
      %parallel_loop3A_363 = arith.extui %parallel_loop3A_362 : vector<16xi1> to vector<16xi32>
      %parallel_loop3A_364 = arith.addi %parallel_loop3A_353, %parallel_loop3A_355 : vector<16xi32>
      %parallel_loop3A_365 = arith.addi %parallel_loop3A_364, %parallel_loop3A_357 : vector<16xi32>
      %parallel_loop3A_366 = arith.constant 1 : i32
      %parallel_loop3A_367 = vector.broadcast %parallel_loop3A_366 : i32 to vector<16xi32>
      %parallel_loop3A_368 = arith.cmpi sle, %parallel_loop3A_365, %parallel_loop3A_367 : vector<16xi32>
      %parallel_loop3A_369 = arith.addi %parallel_loop3A_359, %parallel_loop3A_361 : vector<16xi32>
      %parallel_loop3A_370 = arith.subi %parallel_loop3A_369, %parallel_loop3A_353 : vector<16xi32>
      %parallel_loop3A_371 = arith.constant 0 : i32
      %parallel_loop3A_372 = vector.broadcast %parallel_loop3A_371 : i32 to vector<16xi32>
      %parallel_loop3A_373 = arith.cmpi sle, %parallel_loop3A_370, %parallel_loop3A_372 : vector<16xi32>
      %parallel_loop3A_374 = arith.addi %parallel_loop3A_355, %parallel_loop3A_359 : vector<16xi32>
      %parallel_loop3A_375 = arith.subi %parallel_loop3A_363, %parallel_loop3A_374 : vector<16xi32>
      %parallel_loop3A_376 = arith.constant -1 : i32
      %parallel_loop3A_377 = vector.broadcast %parallel_loop3A_376 : i32 to vector<16xi32>
      %parallel_loop3A_378 = arith.cmpi sle, %parallel_loop3A_375, %parallel_loop3A_377 : vector<16xi32>
      %parallel_loop3A_379 = arith.addi %parallel_loop3A_357, %parallel_loop3A_361 : vector<16xi32>
      %parallel_loop3A_380 = arith.addi %parallel_loop3A_379, %parallel_loop3A_363 : vector<16xi32>
      %parallel_loop3A_381 = arith.constant 2 : i32
      %parallel_loop3A_382 = vector.broadcast %parallel_loop3A_381 : i32 to vector<16xi32>
      %parallel_loop3A_383 = arith.cmpi sge, %parallel_loop3A_380, %parallel_loop3A_382 : vector<16xi32>
      tpu.vector_store_idx %arg7[%parallel_loop3A_334], %broadcast_in_dim3A_304 masked %parallel_loop3A_368 : memref<16384xf32, #tpu.memory_space<vmem>>[vector<16xi32>], vector<16xf32>, vector<16xi1>
      tpu.vector_store_idx %arg7[%parallel_loop3A_337], %broadcast_in_dim3A_304 masked %parallel_loop3A_373 : memref<16384xf32, #tpu.memory_space<vmem>>[vector<16xi32>], vector<16xf32>, vector<16xi1>
      tpu.vector_store_idx %arg7[%parallel_loop3A_340], %broadcast_in_dim3A_304 masked %parallel_loop3A_378 : memref<16384xf32, #tpu.memory_space<vmem>>[vector<16xi32>], vector<16xf32>, vector<16xi1>
      tpu.vector_store_idx %arg7[%parallel_loop3A_343], %broadcast_in_dim3A_304 masked %parallel_loop3A_383 : memref<16384xf32, #tpu.memory_space<vmem>>[vector<16xi32>], vector<16xf32>, vector<16xi1>
    } {sc.loop_unroll_factor = 4 : i64, sc.parallel_access}
    %add3A_308 = arith.constant 127 : i32
    %add3A_309 = arith.addi %mul3A_2, %add3A_308 : i32
    %dma_start3A_310 = arith.constant 0 : i32
    %dma_start3A_311 = tpu.memref_slice %arg3[%add3A_309, %dma_start3A_310] : memref<4096x16384xf32, #tpu.memory_space<hbm>> -> memref<1x16384xf32, #tpu.memory_space<hbm>>
    %dma_start3A_312 = tpu.memref_squeeze %dma_start3A_311 : memref<1x16384xf32, #tpu.memory_space<hbm>> -> memref<16384xf32, #tpu.memory_space<hbm>>
    %dma_start3A_313 = arith.constant 0 : i32
    %dma_start3A_314 = tpu.memref_slice %arg3[%add3A_309, %dma_start3A_313] : memref<4096x16384xf32, #tpu.memory_space<hbm>> -> memref<1x16384xf32, #tpu.memory_space<hbm>>
    %dma_start3A_315 = tpu.memref_squeeze %dma_start3A_314 : memref<1x16384xf32, #tpu.memory_space<hbm>> -> memref<16384xf32, #tpu.memory_space<hbm>>
    tpu.enqueue_dma source(%arg7 : memref<16384xf32, #tpu.memory_space<vmem>>) target(%dma_start3A_315 : memref<16384xf32, #tpu.memory_space<hbm>>) target_semaphore(%arg15 : memref<!tpu.dma_semaphore, #tpu.memory_space<semaphore_mem>>)
    %add3A_316 = arith.constant 126 : i32
    %add3A_317 = arith.addi %mul3A_2, %add3A_316 : i32
    %dma_wait3A_318 = arith.constant 0 : i32
    %dma_wait3A_319 = tpu.memref_slice %arg3[%add3A_317, %dma_wait3A_318] : memref<4096x16384xf32, #tpu.memory_space<hbm>> -> memref<1x16384xf32, #tpu.memory_space<hbm>>
    %dma_wait3A_320 = tpu.memref_squeeze %dma_wait3A_319 : memref<1x16384xf32, #tpu.memory_space<hbm>> -> memref<16384xf32, #tpu.memory_space<hbm>>
    %dma_wait3A_321 = arith.constant 0 : i32
    %dma_wait3A_322 = tpu.memref_slice %arg3[%add3A_317, %dma_wait3A_321] : memref<4096x16384xf32, #tpu.memory_space<hbm>> -> memref<1x16384xf32, #tpu.memory_space<hbm>>
    %dma_wait3A_323 = tpu.memref_squeeze %dma_wait3A_322 : memref<1x16384xf32, #tpu.memory_space<hbm>> -> memref<16384xf32, #tpu.memory_space<hbm>>
    tpu.wait_dma2 semaphore(%arg14 : memref<!tpu.dma_semaphore, #tpu.memory_space<semaphore_mem>>) src(%arg6 : memref<16384xf32, #tpu.memory_space<vmem>>) dst(%dma_wait3A_323 : memref<16384xf32, #tpu.memory_space<hbm>>)
    %add3A_324 = arith.constant 127 : i32
    %add3A_325 = arith.addi %mul3A_2, %add3A_324 : i32
    %dma_wait3A_326 = arith.constant 0 : i32
    %dma_wait3A_327 = tpu.memref_slice %arg3[%add3A_325, %dma_wait3A_326] : memref<4096x16384xf32, #tpu.memory_space<hbm>> -> memref<1x16384xf32, #tpu.memory_space<hbm>>
    %dma_wait3A_328 = tpu.memref_squeeze %dma_wait3A_327 : memref<1x16384xf32, #tpu.memory_space<hbm>> -> memref<16384xf32, #tpu.memory_space<hbm>>
    %dma_wait3A_329 = arith.constant 0 : i32
    %dma_wait3A_330 = tpu.memref_slice %arg3[%add3A_325, %dma_wait3A_329] : memref<4096x16384xf32, #tpu.memory_space<hbm>> -> memref<1x16384xf32, #tpu.memory_space<hbm>>
    %dma_wait3A_331 = tpu.memref_squeeze %dma_wait3A_330 : memref<1x16384xf32, #tpu.memory_space<hbm>> -> memref<16384xf32, #tpu.memory_space<hbm>>
    tpu.wait_dma2 semaphore(%arg15 : memref<!tpu.dma_semaphore, #tpu.memory_space<semaphore_mem>>) src(%arg7 : memref<16384xf32, #tpu.memory_space<vmem>>) dst(%dma_wait3A_331 : memref<16384xf32, #tpu.memory_space<hbm>>)
    return
  }
}

</mosaic_0001>

<sc_bundles>
// kernel: kernel.3.cloned.1.call-start
scs
__scs_entry_jumppad:
0x0: {  	(pc) =	sbr.rel $0x88, $3  }
0x1: {  	(tag) =	ssettag $0x0;
	lr =	simm.s32 $0x1  }
0x2: {  	[smem:$0x3FA0] =	sst lr;
	_ =	strace $0xD0000000  }
0x3: {  	_ = 	snop  }
0x4: {  	_ = 	snop  }
0x5: {  	_ = 	snop  }
0x6: {  	_ = 	snop  }
0x7: {  	_ = 	snop  }
__scs_overlays_trampoline_lowered:
0x8: {  	[smem:$0x3FAF] =	sst s0  }
0x9: {  	[smem:$0x3FB0] =	sst s1  }
0xa: {  	[smem:$0x3FB1] =	sst s2  }
0xb: {  	[smem:$0x3FB2] =	sst s3  }
0xc: {  	[smem:$0x3FB3] =	sst s4  }
0xd: {  	[smem:$0x3FB4] =	sst s5  }
0xe: {  	[smem:$0x3FB5] =	sst s6  }
0xf: {  	[smem:$0x3FB6] =	sst s7  }
0x10: {  	[smem:$0x3FB7] =	sst s8  }
0x11: {  	[smem:$0x3FB8] =	sst s9;
	s0 =	simm.s32 @!p0 $0x0  }
0x12: {  	s1 =	sld [smem:$0x3F9E];
	s0 =	simm.s32 @p0 $0x1  }
0x13: {  	[smem:$0x3FB9] =	sst s0;
	s0 =	simm.s32 @!p1 $0x0  }
0x14: {  	s2 =	sld [smem:$0x3F9D];
	s0 =	simm.s32 @p1 $0x1  }
0x15: {  	[smem:$0x3FBA] =	sst s0;
	s0 =	simm.s32 @!p2 $0x0  }
0x16: {  	s3 =	sld [smem:$0x3FDB];
	s0 =	simm.s32 @p2 $0x1  }
0x17: {  	s4 =	simm.s32 $0x1BF5;
	[smem:$0x3FBC] =	sst s0  }
0x18: {  	s0 =	sld [smem:$0x3F9F];
	_ =	swait.ge [sflag:s4], $0x0  }
0x19: {  	s7 =	sld [smem:$0x3FA0]  }
0x1a: {  	s8 =	sadd.s32 $0xFFFFE003, lr  }
0x1b: {  	s9 =	sadd.s32 $0xFFFFFEF7, lr;
	s5 =	simm.s32 $0xFFFFFFFF;
	p2 =	slt.u32 s8, $0xFFFFF086  }
0x1c: {  	p1 =	slt.u32 s9, $0xF7A;
	s5 =	simm.s32 @!p2 $0x0  }
0x1d: {  	s5 =	simm.s32 @p1 $0x1;
	p0 =	seq.s32 s7, s2  }
0x1e: {  	s7 =	smul.u32 @!p0 $0xF7A, s2;
	p2 =	seq.s32 @!p0 s5, $0x0  }
0x1f: {  	s9 =	smul.u32 $0xF7A, s1;
	s8 =	simm.s32 @!p0 $0x1BF5;
	p2 =	por !p2, p0  }
0x20: {  	[sflag:s8] =	ssyncset.s32 @!p0 $0xFFFFF086;
	s6 =	sadd.s32 @!p0 s3, s7;
	s7 =	simm.s32 @!p0 $0x108  }
0x21: {  	s3 =	sadd.s32 s3, s9;
	s6 =	sadd.s32 @!p0 $0x88, s6;
	s7 =	simm.s32 @p2 $0x1082  }
0x22: {  	[simem:s7], [sflag:s8] =	dma.local @!p0 [hbm:s6], $0xF7A  }
0x23: {  	s9 =	sor.u32 $0xD0000000, s2;
	s6 =	simm.s32 $0x108;
	_ =	swait.ge @!p0 [sflag:s8], $0x0  }
0x24: {  	s3 =	sadd.s32 $0x88, s3;
	s6 =	simm.s32 @!p1 $0x1082;
	[sflag:s4] =	ssyncset.s32 $0xFFFFF086  }
0x25: {  	[simem:s6], [sflag:s4] =	dma.local [hbm:s3], $0xF7A  }
0x26: {  	[smem:$0x3FA0] =	sst s1;
	(tag) =	ssettag s2;
	_ =	strace s9  }
0x27: {  	s1 =	sld [smem:$0x3FB0]  }
0x28: {  	s2 =	sld [smem:$0x3FB1]  }
0x29: {  	s4 =	sld [smem:$0x3FB3]  }
0x2a: {  	p0 =	seq.s32 s5, $0x0;
	s5 =	sld [smem:$0x3FB4]  }
0x2b: {  	s6 =	sld [smem:$0x3FB5]  }
0x2c: {  	s7 =	sld [smem:$0x3FB6]  }
0x2d: {  	s3 =	simm.s32 $0x108;
	s8 =	sld [smem:$0x3FB7]  }
0x2e: {  	s3 =	simm.s32 @!p0 $0x1082;
	s9 =	sld [smem:$0x3FB8]  }
0x2f: {  	lr =	sadd.s32 s0, s3;
	s0 =	sld [smem:$0x3FAF]  }
0x30: {  	s3 =	sld [smem:$0x3FB2]  }
0x31: {  	[smem:$0x3FBB] =	sst s10  }
0x32: {  	s10 =	sld [smem:$0x3FB9];
	_ =	sdelay $0x3  }
0x33: {  	p0 =	seq.s32 s10, $0x1;
	s10 =	sld [smem:$0x3FBB];
	_ =	sdelay $0x3  }
0x34: {  	[smem:$0x3FBB] =	sst s10  }
0x35: {  	s10 =	sld [smem:$0x3FBA];
	_ =	sdelay $0x3  }
0x36: {  	p1 =	seq.s32 s10, $0x1;
	s10 =	sld [smem:$0x3FBB];
	_ =	sdelay $0x3  }
0x37: {  	[smem:$0x3FBB] =	sst s10  }
0x38: {  	s10 =	sld [smem:$0x3FBC]  }
0x39: {  	_ = 	snop;
	(pc) =	sbr.ind lr, $3  }
0x3a: {  	_ = 	snop  }
0x3b: {  	_ = 	snop  }
0x3c: {  	p2 =	seq.s32 s10, $0x1;
	s10 =	sld [smem:$0x3FBB]  }
0x3d: {  	_ =	shalt  }
0x3e: {  	_ =	shalt  }
0x3f: {  	_ =	shalt  }
0x40: {  	_ =	shalt  }
0x41: {  	_ =	shalt  }
0x42: {  	_ =	shalt  }
0x43: {  	_ =	shalt  }
0x44: {  	_ =	shalt  }
0x45: {  	_ =	shalt  }
0x46: {  	_ =	shalt  }
0x47: {  	_ =	shalt  }
0x48: {  	_ =	shalt  }
0x49: {  	_ =	shalt  }
0x4a: {  	_ =	shalt  }
0x4b: {  	_ =	shalt  }
0x4c: {  	_ =	shalt  }
0x4d: {  	_ =	shalt  }
0x4e: {  	_ =	shalt  }
0x4f: {  	_ =	shalt  }
0x50: {  	_ =	shalt  }
0x51: {  	_ =	shalt  }
0x52: {  	_ =	shalt  }
0x53: {  	_ =	shalt  }
0x54: {  	_ =	shalt  }
0x55: {  	_ =	shalt  }
0x56: {  	_ =	shalt  }
0x57: {  	_ =	shalt  }
0x58: {  	_ =	shalt  }
0x59: {  	_ =	shalt  }
0x5a: {  	_ =	shalt  }
0x5b: {  	_ =	shalt  }
0x5c: {  	_ =	shalt  }
0x5d: {  	_ =	shalt  }
0x5e: {  	_ =	shalt  }
0x5f: {  	_ =	shalt  }
0x60: {  	_ =	shalt  }
0x61: {  	_ =	shalt  }
0x62: {  	_ =	shalt  }
0x63: {  	_ =	shalt  }
0x64: {  	_ =	shalt  }
0x65: {  	_ =	shalt  }
0x66: {  	_ =	shalt  }
0x67: {  	_ =	shalt  }
0x68: {  	_ =	shalt  }
0x69: {  	_ =	shalt  }
0x6a: {  	_ =	shalt  }
0x6b: {  	_ =	shalt  }
0x6c: {  	_ =	shalt  }
0x6d: {  	_ =	shalt  }
0x6e: {  	_ =	shalt  }
0x6f: {  	_ =	shalt  }
0x70: {  	_ =	shalt  }
0x71: {  	_ =	shalt  }
0x72: {  	_ =	shalt  }
0x73: {  	_ =	shalt  }
0x74: {  	_ =	shalt  }
0x75: {  	_ =	shalt  }
0x76: {  	_ =	shalt  }
0x77: {  	_ =	shalt  }
0x78: {  	_ =	shalt  }
0x79: {  	_ =	shalt  }
0x7a: {  	_ =	shalt  }
0x7b: {  	_ =	shalt  }
0x7c: {  	_ =	shalt  }
0x7d: {  	_ =	shalt  }
0x7e: {  	_ =	shalt  }
0x7f: {  	_ =	shalt  }
0x80: {  	_ =	shalt  }
0x81: {  	_ =	shalt  }
0x82: {  	_ =	shalt  }
0x83: {  	_ =	shalt  }
0x84: {  	_ =	shalt  }
0x85: {  	_ =	shalt  }
0x86: {  	_ =	shalt  }
0x87: {  	_ =	shalt  }
.Lfunc_end0:
.L_simem_size_0:
called_computation_lowered:
.L_overlay_start_0:
0x88: {  	s2 =	sld [smem:$0x3FD9]  }
0x89: {  	s3 =	sld [smem:$0x3FFE];
	_ =	sdelay $0x1  }
0x8a: {  	s1 =	srdreg.scid  }
0x8b: {  	s0 =	sand.u32 $0x1, s1  }
0x8c: {  	s18 =	sshll.u32 s0, $0xA;
	s2 =	sadd.s32 s3, s2  }
0x8d: {  	s2 =	sadd.s32 s2, s18  }
0x8e: {  	[smem:$0x3FC7] =	sst s2  }
0x8f: {  	_ = 	snop  }
0x90: {  	s2 =	sld [smem:$0x3FC9]  }
0x91: {  	s19 =	sld [smem:$0x3FD0];
	(tm) =	ssettm $0x1  }
0x92: {  	s4 =	sld [smem:$0x3FFB];
	_ =	sdelay $0x3  }
0x93: {  	_ =	strace s4  }
0x94: {  	s4 =	sld [smem:$0x3FFC];
	_ =	sdelay $0x3  }
0x95: {  	_ =	strace s4  }
0x96: {  	s4 =	sld [smem:$0x3FFD];
	_ =	sdelay $0x3  }
0x97: {  	_ =	strace s4  }
0x98: {  	_ =	strace $0x8FFFFFFF  }
0x99: {  	s20 =	sld [smem:$0x3FDB];
	_ =	sdelay $0x1  }
0x9a: {  	s5 =	simm.s32 $_scs_section_size  }
0x9b: {  	s6 =	simm.s32 $_size__tile_overlayer_lowered;
	s7 =	simm.s32 $_tile_overlayer_lowered  }
0x9c: {  	s23 =	simm.s32 $0x1BFF;
	s22 =	sshll.u32 s7, $0x1;
	s4 =	sadd.s32 s5, s20  }
0x9d: {  	s8 =	simm.s32 $0x0;
	s21 =	sshll.u32 s6, $0x1;
	s6 =	sadd.s32 s22, s4  }
0x9e: {  	[timem:s8], [sflag:s23] =	dma.local [hbm:s6], s21  }
0x9f: {  	_ =	swait.ge [sflag:s23], s21  }
0xa0: {  	s5 =	ssub.s32 $0x0, s21;
	[sflag:s23] =	ssyncset.done $0x0  }
0xa1: {  	[sflag:s23] =	ssyncadd.s32 s5;
	_ =	sdelay $0x1  }
0xa2: {  	s24 =	simm.s32 $0x1B8B  }
0xa3: {  	_ =	swait.ge [sflag:s24], $0x1  }
0xa4: {  	[sflag:s24] =	ssyncset.done $0x0  }
0xa5: {  	s25 =	simm.s32 $0x1B8E;
	[sflag:s24] =	ssyncadd.s32 $0xFFFFFFFF  }
0xa6: {  	s26 =	simm.s32 $execute0_lowered;
	[smem:$0x3FD2] =	sst s25  }
0xa7: {  	s5 =	sshll.u32 s26, $0x1;
	_ =	strace $0x80000046;
	[dreg:$0x1] =	wrdreg $0xFFFFFFFF  }
0xa8: {  	s28 =	simm.s32 $_size_execute0_lowered;
	s4 =	sadd.s32 s4, s5;
	[dreg:$0x0] =	wrdreg $0x0  }
0xa9: {  	s5 =	sshll.u32 s28, $0x1;
	[dreg:$0x2] =	wrdreg s4  }
0xaa: {  	[dreg:$0x3] =	wrdreg s5  }
0xab: {  	[dreg:$0x4] =	wrdreg $0xC0  }
0xac: {  	_ =	task [dreg:s8], $0x5FFFF  }
0xad: {  	[dreg:$0x1] =	wrdreg $0xFFFFFFFF  }
0xae: {  	[dreg:$0x0] =	wrdreg $0x60  }
0xaf: {  	[dreg:$0x2] =	wrdreg s2  }
0xb0: {  	[dreg:$0x3] =	wrdreg s19  }
0xb1: {  	[dreg:$0x4] =	wrdreg $0x9  }
0xb2: {  	_ =	task.clear_ibuf [dreg:s8], $0x5FFFF;
	_ =	strace $0x90000046  }
0xb3: {  	s29 =	simm.s32 $0x9;
	_ =	strace $0x80000048  }
0xb4: {  	_ =	swait.ge [sflag:s29], $0x1  }
0xb5: {  	[sflag:s29] =	ssyncadd.s32 $0xFFFFFFFF  }
0xb6: {  	_ =	strace $0x90000048  }
0xb7: {  	_ =	sfence  }
0xb8: {  	s30 =	sld [smem:$0x0];
	_ =	sdelay $0x2  }
0xb9: {  	s31 =	sshll.u32 s1, $0xD;
	s1 =	sshrl.u32 s1, $0x2  }
0xba: {  	s3 =	sand.u32 $0x4000, s31;
	s1 =	sadd.s32 s1, s30  }
0xbb: {  	s0 =	sor.u32 s3, s0;
	s1 =	sshll.u32 s1, $0x11  }
0xbc: {  	s0 =	sor.u32 s1, s0  }
0xbd: {  	s0 =	sadd.s32 $0x8F2B, s0  }
0xbe: {  	[sflag:s0] =	ssyncadd.remote.s32 $0x1  }
0xbf: {  	_ =	sfence.sel $0xFFFF  }
0xc0: {  	[dreg:$0x0] =	wrdreg $0xFFFFFFFF;
	(pc) =	sbr.abs _section_cstart, $3  }
0xc1: {  	[dreg:$0x1] =	wrdreg $0xFFFFFFFF  }
0xc2: {  	_ =	task.clear_ibuf [dreg:s8], $0x2FFFF;
	_ =	strace $0x9FFFFFFF  }
0xc3: {  	(tm) =	ssettm $0x7FFFFFFF  }
tec
execute0_lowered:
.L_overlay_start_1:
0x0: {  	(tag) =	ssettag $0x1  }
0x1: {  	s0 =	srdreg.scid  }
0x2: {  	s1 =	stileid.u32;
	s0 =	sand.u32 $0x1, s0  }
0x3: {  	s2 =	rddreg [dreg:$0x0];
	s1 =	sshll.u32 s1, $0x8;
	s5 =	sshll.u32 s0, $0x7  }
0x4: {  	s3 =	rddreg [dreg:$0x1];
	s4 =	simm.s32 $0x0;
	s5 =	sor.u32 s5, s1  }
0x5: {  	s28 =	simm.s32 $0x1;
	s29 =	simm.s32 $0xC000;
	s7 =	sshll.u32 s5, $0xB  }
0x6: {  	s30 =	simm.s32 $0x2;
	[smem:$0x7FF] =	sst s4;
	s15 =	sor.u32 $0x10, s7  }
0x7: {  	_ =	strace $0x80000047;
	s16 =	sor.u32 $0x20, s7;
	s8 =	sadd.s32 s2, s15  }
0x8: {  	s10 =	sor.u32 $0x30, s7;
	s9 =	sadd.s32 s2, s16;
	[dreg:$0x3] =	wrdreg s8  }
0x9: {  	s31 =	simm.s32 $0x5;
	s11 =	sadd.s32 s2, s10;
	[dreg:$0x4] =	wrdreg s9  }
0xa: {  	s6 =	sadd.s32 s2, s7;
	s1 =	sadd.s32 s3, s15;
	[dreg:$0x5] =	wrdreg s11  }
0xb: {  	s0 =	ssub.s32 $0x2, s0;
	s17 =	sadd.s32 $0x40, s6;
	[dreg:$0x6] =	wrdreg s1  }
0xc: {  	s14 =	sshrl.u32 s0, $0x1;
	s18 =	sadd.s32 s3, s16;
	[dreg:$0x7] =	wrdreg s17  }
0xd: {  	s0 =	ssub.s32 s0, s14;
	s19 =	sadd.s32 $0x50, s6;
	[dreg:$0x8] =	wrdreg s18  }
0xe: {  	s21 =	sor.u32 $0x3C070, s7;
	s20 =	sadd.s32 s3, s10;
	[dreg:$0x9] =	wrdreg s19  }
0xf: {  	s22 =	sadd.s32 $0x60, s6;
	s24 =	sadd.s32 s2, s21;
	[dreg:$0xa] =	wrdreg s20  }
0x10: {  	s21 =	sadd.s32 s3, s21;
	s10 =	simm.s32 $0x8;
	[dreg:$0xb] =	wrdreg s22  }
0x11: {  	v0 =	vlaneseq.u32;
	s9 =	sadd.s32 s3, s7;
	[dreg:$0xd] =	wrdreg s24;
	s22 =	smax.u32 s0, $0x1  }
0x12: {  	v0 =	vmul.u32 $0x4, v0;
	s24 =	simm.s32 $0x400;
	s0 =	simm.s32 $0x3;
	s23 =	sadd.s32 $0x3C040, s9  }
0x13: {  	s1 =	simm.s32 $0x6;
	s25 =	sadd.s32 $0x3C050, s9;
	[dreg:$0xc] =	wrdreg s23  }
0x14: {  	v4 =	vimm.s32 $0x0;
	v5 =	vimm.f32 $0.0e+00;
	v1 =	vor.u32 $0x1, v0;
	s7 =	simm.s32 $0x4;
	s26 =	sadd.s32 $0x3C060, s9;
	[dreg:$0xe] =	wrdreg s25  }
0x15: {  	v2 =	vor.u32 $0x2, v0;
	v3 =	vor.u32 $0x3, v0;
	v6 =	vor.u32 $0x40, v0;
	s8 =	simm.s32 $0x7;
	s11 =	simm.s32 $0x0;
	[dreg:$0xf] =	wrdreg s26  }
0x16: {  	v7 =	vor.u32 $0x41, v0;
	v8 =	vor.u32 $0x42, v0;
	v9 =	vor.u32 $0x43, v0;
	s23 =	simm.s32 $0x80;
	s25 =	simm.s32 $0x4000;
	s26 =	simm.s32 $0x8000  }
.LBB2_1:
0x17: {  	[tilespmem:s4], [sflag:$0x1] =	stream.strided.gather [hbm4b:s6+s23], $0x4000, s24, s23, $0x38;
	[tilespmem:$0x10000] =	vst v63  }
0x18: {  	s12 =	rddreg [dreg:$0x3];
	s19 =	simm.s32 $0x80  }
0x19: {  	[tilespmem:s25], [sflag:$0x2] =	stream.strided.gather [hbm4b:s12+s23], $0x4000, s24, s23, $0x38;
	[tilespmem:$0x10000] =	vst v63  }
0x1a: {  	s13 =	rddreg [dreg:$0x4];
	v10 =	vor.u32 s19, v0  }
0x1b: {  	v18 =	vor.u32 s19, v1;
	[tilespmem:s26], [sflag:$0x3] =	stream.strided.gather [hbm4b:s13+s23], $0x4000, s24, s23, $0x38;
	[tilespmem:$0x10000] =	vst v63  }
0x1c: {  	v12 =	vor.u32 s19, v2;
	_ =	swait.ge [sflag:s28], $0x4000  }
0x1d: {  	s20 =	simm.s32 $0xC0;
	v14 =	vor.u32 s19, v3;
	[sflag:s28] =	ssyncset.done $0x0  }
0x1e: {  	v21 =	vor.u32 s20, v9;
	[sflag:s28] =	ssyncadd.s32 $0xFFFFC000  }
0x1f: {  	v22 =	vor.u32 s20, v8;
	v16 =	vld.idx.msk [tilespmem:v10+s4+$0x0], $0xffff  }
0x20: {  	v11 =	vor.u32 s20, v7;
	v17 =	vld.idx.msk [tilespmem:v18+s4+$0x0], $0xffff  }
0x21: {  	v13 =	vor.u32 s20, v6;
	v25 =	vld.idx.msk [tilespmem:v12+s4+$0x0], $0xffff  }
0x22: {  	v26 =	vor.u32 s4, v0;
	v27 =	vld.idx.msk [tilespmem:v14+s4+$0x0], $0xffff  }
0x23: {  	v19 =	vor.u32 s4, v7;
	v28 =	vld.idx.msk [tilespmem:v21+s4+$0x0], $0xffff  }
0x24: {  	v15 =	vor.u32 s4, v3;
	v30 =	vld.idx.msk [tilespmem:v22+s4+$0x0], $0xffff  }
0x25: {  	v20 =	vor.u32 s4, v2;
	v33 =	vld.idx.msk [tilespmem:v11+s4+$0x0], $0xffff  }
0x26: {  	v24 =	vor.u32 s4, v1;
	v34 =	vld.idx.msk [tilespmem:v13+s4+$0x0], $0xffff  }
0x27: {  	v37 =	vld.idx.msk [tilespmem:v26+s4+$0x0], $0xffff  }
0x28: {  	v58 =	vld.idx.msk [tilespmem:v19+s4+$0x0], $0xffff  }
0x29: {  	v39 =	vld.idx.msk [tilespmem:v15+s4+$0x0], $0xffff  }
0x2a: {  	v42 =	vld.idx.msk [tilespmem:v20+s4+$0x0], $0xffff  }
0x2b: {  	v23 =	vor.u32 s4, v6;
	v44 =	vld.idx.msk [tilespmem:v24+s4+$0x0], $0xffff;
	v31 =	vand.u32 $0x7FFFFFFF, v16  }
0x2c: {  	v32 =	vand.u32 $0x7FFFFFFF, v17;
	v16 =	vor.u32 s4, v8;
	v17 =	vor.u32 s4, v9  }
0x2d: {  	v25 =	vand.u32 $0x7FFFFFFF, v25;
	v27 =	vand.u32 $0x7FFFFFFF, v27;
	v36 =	vand.u32 $0x7FFFFFFF, v28  }
0x2e: {  	v57 =	vand.u32 $0x7FFFFFFF, v30;
	v33 =	vand.u32 $0x7FFFFFFF, v33;
	v30 =	vand.u32 $0x7FFFFFFF, v34  }
0x2f: {  	v59 =	vand.u32 $0x7FFFFFFF, v58;
	v46 =	vand.u32 $0x7FFFFFFF, v39;
	v47 =	vand.u32 $0x7FFFFFFF, v37  }
0x30: {  	v44 =	vand.u32 $0x7FFFFFFF, v44;
	v42 =	vand.u32 $0x7FFFFFFF, v42;
	vm0 =	vgt.f32 v31, v32  }
0x31: {  	vm1 =	vgt.f32 v32, v25;
	vm3 =	vgt.f32 v25, v27;
	vm4 =	vgt.f32 v31, v25  }
0x32: {  	vm2 =	vgt.f32 v30, v33;
	vm5 =	vgt.f32 v30, v36;
	vm7 =	vgt.f32 v47, v42  }
0x33: {  	vm8 =	vgt.f32 v44, v42;
	vm14 =	vgt.f32 v42, v46;
	vm15 =	vgt.f32 v44, v46  }
0x34: {  	v35 =	vsel vm0, $0x1, v4;
	vm0 =	vgt.f32 v31, v27;
	v28 =	vsel vm1, $0x1, v4  }
0x35: {  	vm1 =	vgt.f32 v33, v57;
	v39 =	vsel vm4, $0x1, v4;
	v51 =	vsel vm7, $0x1, v4  }
0x36: {  	v48 =	vsel vm8, $0x1, v4;
	v62 =	vsel vm14, $0x1, v4;
	v29 =	vsel vm0, $0x1, v4  }
0x37: {  	vm0 =	vgt.f32 v32, v27;
	v27 =	vsel vm1, $0x1, v4;
	vm1 =	vgt.f32 v30, v57  }
0x38: {  	v60 =	vld.idx.msk [tilespmem:v23+s4+$0x0], $0xffff;
	v30 =	vsel vm5, $0x1, v4;
	v32 =	vsel vm3, $0x1, v4;
	vm3 =	vgt.f32 v33, v36  }
0x39: {  	vm5 =	vgt.f32 v47, v46;
	v52 =	vadd.s32 v48, v51;
	v45 =	vadd.s32 v35, v39;
	v38 =	vld.idx.msk [tilespmem:v17+s4+$0x0], $0xffff  }
0x3a: {  	v46 =	vsel vm15, $0x1, v4;
	v25 =	vsel vm0, $0x1, v4;
	v33 =	vsel vm1, $0x1, v4;
	v40 =	vld.idx.msk [tilespmem:v16+s4+$0x0], $0xffff  }
0x3b: {  	v49 =	vsel vm5, $0x1, v4;
	v48 =	vadd.s32 v48, v46;
	v31 =	vadd.s32 v28, v25  }
0x3c: {  	v25 =	vadd.s32 v25, v29;
	vm0 =	vle.u32 v31, v35;
	v31 =	vsel vm2, $0x1, v4  }
0x3d: {  	v63 =	vadd.s32 v46, v49;
	vm2 =	vgt.f32 v57, v36;
	v61 =	vadd.s32 v31, v33  }
0x3e: {  	v25 =	vadd.s32 v32, v25;
	v36 =	vadd.s32 v62, v63;
	v41 =	vadd.s32 v30, v61  }
0x3f: {  	v43 =	vand.u32 $0x7FFFFFFF, v38;
	v40 =	vand.u32 $0x7FFFFFFF, v40;
	v38 =	vand.u32 $0x7FFFFFFF, v60  }
0x40: {  	vm1 =	vgt.f32 v59, v43;
	vm6 =	vgt.f32 v59, v40;
	vm4 =	vgt.f32 v40, v43  }
0x41: {  	v37 =	vsel vm6, $0x1, v4;
	v34 =	vsel vm1, $0x1, v4;
	v42 =	vsel vm4, $0x1, v4  }
0x42: {  	vm1 =	vgt.f32 v47, v44;
	vm4 =	vgt.f32 v38, v59;
	v35 =	vadd.s32 v37, v34  }
0x43: {  	v50 =	vsel vm1, $0x1, v4;
	v47 =	vsel vm4, $0x1, v4;
	vm4 =	vgt.f32 v38, v40  }
0x44: {  	s12 =	simm.s32 $0x100;
	vm1 =	vgt.u32 v52, v62;
	v51 =	vadd.s32 v50, v51;
	v46 =	vsel vm4, $0x1, v4  }
.LBB2_2:
0x45: {  	s14 =	sadd.s32 $0x80, s12  }
0x46: {  	p0 =	slt.u32 s12, $0x3F00;
	vm4 =	vgt.u32 v36, $0x1;
	vm6 =	vgt.f32 v38, v43;
	vm5 =	vle.u32 v35, v47;
	s13 =	smov.u32 s12;
	s12 =	sadd.s32 $0x100, s12  }
0x47: {  	v43 =	vor.u32 s14, v0;
	v44 =	vor.u32 s14, v1;
	s15 =	sadd.s32 $0xC0, s13;
	v52 =	vsel vm6, $0x1, v4  }
0x48: {  	v40 =	vor.u32 s13, v6;
	v38 =	vor.u32 s14, v2;
	v53 =	vor.u32 s15, v6  }
0x49: {  	v35 =	vor.u32 s14, v3;
	v36 =	vor.u32 s15, v8;
	v54 =	vadd.s32 v34, v52  }
0x4a: {  	v55 =	vor.u32 s15, v7;
	v34 =	vor.u32 s15, v9;
	v54 =	vadd.s32 v42, v54  }
0x4b: {  	v49 =	vadd.s32 v49, v51;
	vm8 =	vle.u32 v48, v50;
	vm6 =	vgt.u32 v54, $0x1  }
0x4c: {  	v47 =	vadd.s32 v47, v46;
	v29 =	vadd.s32 v29, v45;
	v28 =	vadd.s32 v28, v39;
	v48 =	vld.idx.msk [tilespmem:v43+s4+$0x0], $0xffff  }
0x4d: {  	vm13 =	vlt.u32 v41, $0x2;
	vm11 =	vlt.u32 v29, $0x2;
	v45 =	vadd.s32 v52, v47;
	v39 =	vld.idx.msk [tilespmem:v44+s4+$0x0], $0xffff  }
0x4e: {  	v41 =	vsel vm3, $0x1, v4;
	vm10 =	vlt.u32 v45, $0x2;
	v45 =	vsel vm2, $0x1, v4;
	v29 =	vld.idx.msk [tilespmem:v38+s4+$0x0], $0xffff  }
0x4f: {  	v37 =	vadd.s32 v37, v46;
	vm9 =	vgt.u32 v28, v32;
	v28 =	vadd.s32 v27, v41;
	v47 =	vld.idx.msk [tilespmem:v34+s4+$0x0], $0xffff  }
0x50: {  	vm7 =	vgt.u32 v37, v42;
	vm14 =	vle.u32 v28, v31;
	v28 =	vadd.s32 v41, v30;
	v32 =	vld.idx.msk [tilespmem:v35+s4+$0x0], $0xffff  }
0x51: {  	vm12 =	vlt.u32 v49, $0x2;
	v27 =	vadd.s32 v27, v33;
	v28 =	vadd.s32 v45, v28;
	v30 =	vld.idx.msk [tilespmem:v36+s4+$0x0], $0xffff  }
0x52: {  	v46 =	vor.u32 s13, v0;
	v49 =	vor.u32 s13, v3;
	vm2 =	vgt.u32 v28, $0x1;
	v31 =	vld.idx.msk [tilespmem:v53+s4+$0x0], $0xffff  }
0x53: {  	vm3 =	vgt.u32 v27, v45;
	v33 =	vand.u32 $0x7FFFFFFF, v48;
	v28 =	vand.u32 $0x7FFFFFFF, v39;
	v37 =	vld.idx.msk [tilespmem:v55+s4+$0x0], $0xffff  }
0x54: {  	v50 =	vor.u32 s13, v8;
	v51 =	vor.u32 s13, v9;
	v48 =	vor.u32 s13, v7;
	[tilespmem:v13+s4+$0x0] =	vst.idx.msk vm13, v5;
	v13 =	vmovc v53  }
0x55: {  	v52 =	vor.u32 s13, v1;
	v53 =	vor.u32 s13, v2;
	vm13 =	vgt.f32 v33, v28;
	[tilespmem:v10+s4+$0x0] =	vst.idx.msk vm11, v5;
	v10 =	vmovc v43  }
0x56: {  	v27 =	vand.u32 $0x7FFFFFFF, v29;
	v32 =	vand.u32 $0x7FFFFFFF, v32;
	v42 =	vsel vm13, $0x1, v4;
	[tilespmem:v11+s4+$0x0] =	vst.idx.msk vm14, v5;
	v11 =	vmovc v55  }
0x57: {  	v39 =	vand.u32 $0x7FFFFFFF, v47;
	vm13 =	vgt.f32 v28, v27;
	vm11 =	vgt.f32 v33, v32;
	[tilespmem:v26+s4+$0x0] =	vst.idx.msk vm12, v5  }
0x58: {  	vm14 =	vgt.f32 v28, v32;
	v41 =	vand.u32 $0x7FFFFFFF, v30;
	v29 =	vsel vm11, $0x1, v4;
	v26 =	vld.idx.msk [tilespmem:v46+s4+$0x0], $0xffff;
	[tilespmem:v23+s4+$0x0] =	vst.idx.msk vm10, v5  }
0x59: {  	vm11 =	vgt.f32 v27, v32;
	v30 =	vand.u32 $0x7FFFFFFF, v31;
	v37 =	vand.u32 $0x7FFFFFFF, v37;
	v23 =	vld.idx.msk [tilespmem:v51+s4+$0x0], $0xffff;
	[tilespmem:v18+s4+$0x0] =	vst.idx.msk vm0, v5  }
0x5a: {  	v28 =	vsel vm13, $0x1, v4;
	vm12 =	vgt.u32 v25, $0x1;
	vm0 =	vgt.f32 v37, v41;
	v18 =	vld.idx.msk [tilespmem:v48+s4+$0x0], $0xffff;
	[tilespmem:v22+s4+$0x0] =	vst.idx.msk vm3, v5  }
0x5b: {  	v25 =	vsel vm14, $0x1, v4;
	vm10 =	vgt.f32 v33, v27;
	v27 =	vsel vm0, $0x1, v4;
	v22 =	vld.idx.msk [tilespmem:v49+s4+$0x0], $0xffff;
	[tilespmem:v21+s4+$0x0] =	vst.idx.msk vm2, v5  }
0x5c: {  	v31 =	vadd.s32 v28, v25;
	v25 =	vadd.s32 v25, v29;
	vm13 =	vgt.f32 v30, v41;
	v21 =	vld.idx.msk [tilespmem:v50+s4+$0x0], $0xffff  }
0x5d: {  	vm0 =	vle.u32 v31, v42;
	vm3 =	vgt.f32 v30, v39;
	vm2 =	vgt.f32 v30, v37;
	v45 =	vld.idx.msk [tilespmem:v53+s4+$0x0], $0xffff  }
0x5e: {  	v30 =	vsel vm3, $0x1, v4;
	v31 =	vsel vm2, $0x1, v4;
	vm2 =	vgt.f32 v41, v39;
	v47 =	vld.idx.msk [tilespmem:v52+s4+$0x0], $0xffff;
	[tilespmem:v24+s4+$0x0] =	vst.idx.msk vm8, v5  }
0x5f: {  	v32 =	vsel vm11, $0x1, v4;
	vm3 =	vgt.f32 v37, v39;
	v43 =	vand.u32 $0x7FFFFFFF, v23;
	v24 =	vld.idx.msk [tilespmem:v40+s4+$0x0], $0xffff;
	[tilespmem:v12+s4+$0x0] =	vst.idx.msk vm9, v5  }
0x60: {  	v25 =	vadd.s32 v32, v25;
	v33 =	vsel vm13, $0x1, v4;
	v54 =	vand.u32 $0x7FFFFFFF, v18;
	v18 =	vmovc v44;
	[tilespmem:v14+s4+$0x0] =	vst.idx.msk vm12, v5  }
0x61: {  	v12 =	vadd.s32 v31, v33;
	v44 =	vand.u32 $0x7FFFFFFF, v22;
	vm8 =	vgt.f32 v54, v43;
	[tilespmem:v19+s4+$0x0] =	vst.idx.msk vm5, v5  }
0x62: {  	v55 =	vand.u32 $0x7FFFFFFF, v26;
	v23 =	vmovc v40;
	v41 =	vadd.s32 v30, v12;
	v56 =	vand.u32 $0x7FFFFFFF, v21;
	[tilespmem:v20+s4+$0x0] =	vst.idx.msk vm1, v5  }
0x63: {  	v39 =	vsel vm10, $0x1, v4;
	vm1 =	vgt.f32 v55, v44;
	vm5 =	vgt.f32 v54, v56;
	[tilespmem:v15+s4+$0x0] =	vst.idx.msk vm4, v5  }
0x64: {  	v12 =	vmovc v38;
	v20 =	vand.u32 $0x7FFFFFFF, v47;
	v15 =	vand.u32 $0x7FFFFFFF, v45;
	vm4 =	vgt.f32 v56, v43;
	[tilespmem:v16+s4+$0x0] =	vst.idx.msk vm7, v5  }
0x65: {  	v37 =	vsel vm5, $0x1, v4;
	vm7 =	vgt.f32 v55, v15;
	vm9 =	vgt.f32 v20, v15;
	[tilespmem:v17+s4+$0x0] =	vst.idx.msk vm6, v5  }
0x66: {  	v14 =	vmovc v35;
	v22 =	vmovc v36;
	v38 =	vand.u32 $0x7FFFFFFF, v24;
	v40 =	vsel vm7, $0x1, v4;
	v17 =	vsel vm9, $0x1, v4  }
0x67: {  	v21 =	vmovc v34;
	v45 =	vadd.s32 v42, v39;
	vm5 =	vgt.f32 v15, v44;
	v36 =	vadd.s32 v17, v40  }
0x68: {  	v26 =	vmovc v46;
	v34 =	vsel vm8, $0x1, v4;
	v42 =	vsel vm4, $0x1, v4;
	vm6 =	vgt.f32 v20, v44;
	v15 =	vmovc v49  }
.Ltmp0:
0x69: {  	v19 =	vmovc v48;
	v35 =	vadd.s32 v37, v34;
	v16 =	vmovc v50;
	v49 =	vsel vm1, $0x1, v4;
	v44 =	vsel vm6, $0x1, v4;
	(pc) =	sbr.rel @p0 .LBB2_2-.Ltmp0, $4  }
0x6a: {  	vm4 =	vgt.f32 v38, v54;
	vm1 =	vgt.f32 v55, v20;
	v48 =	vadd.s32 v17, v44;
	v17 =	vmovc v51  }
0x6b: {  	v24 =	vmovc v52;
	v47 =	vsel vm4, $0x1, v4;
	vm4 =	vgt.f32 v38, v56;
	v20 =	vmovc v53;
	v50 =	vsel vm1, $0x1, v4  }
0x6c: {  	v46 =	vsel vm5, $0x1, v4;
	v51 =	vadd.s32 v50, v40;
	v40 =	vadd.s32 v44, v49  }
0x6d: {  	vm1 =	vgt.u32 v36, v46;
	v36 =	vadd.s32 v46, v40;
	v46 =	vsel vm4, $0x1, v4  }
0x6e: {  	v29 =	vadd.s32 v29, v45;
	vm5 =	vlt.u32 v41, $0x2  }
0x6f: {  	v63 =	vsel vm3, $0x1, v4;
	v45 =	vadd.s32 v49, v51;
	vm3 =	vlt.u32 v29, $0x2  }
0x70: {  	vm4 =	vgt.f32 v38, v43;
	v29 =	vadd.s32 v27, v63;
	vm6 =	vlt.u32 v45, $0x2  }
0x71: {  	v49 =	vadd.s32 v47, v46;
	v40 =	vsel vm4, $0x1, v4;
	vm4 =	vle.u32 v29, v31  }
0x72: {  	v29 =	vadd.s32 v40, v49  }
0x73: {  	v27 =	vadd.s32 v27, v33;
	vm7 =	vlt.u32 v29, $0x2;
	v29 =	vsel vm2, $0x1, v4  }
0x74: {  	v30 =	vadd.s32 v63, v30;
	vm2 =	vgt.u32 v27, v29;
	[tilespmem:v13+s4+$0x0] =	vst.idx.msk vm5, v5  }
0x75: {  	vm11 =	vle.u32 v35, v47;
	v30 =	vadd.s32 v29, v30;
	[tilespmem:v10+s4+$0x0] =	vst.idx.msk vm3, v5  }
0x76: {  	vm5 =	vgt.u32 v30, $0x1;
	[tilespmem:v26+s4+$0x0] =	vst.idx.msk vm6, v5  }
0x77: {  	vm3 =	vle.u32 v48, v50;
	v10 =	vadd.s32 v28, v39;
	[tilespmem:v11+s4+$0x0] =	vst.idx.msk vm4, v5  }
0x78: {  	vm4 =	vgt.u32 v10, v32;
	[tilespmem:v18+s4+$0x0] =	vst.idx.msk vm0, v5  }
0x79: {  	[tilespmem:v23+s4+$0x0] =	vst.idx.msk vm7, v5  }
0x7a: {  	vm10 =	vgt.u32 v25, $0x1;
	[tilespmem:v22+s4+$0x0] =	vst.idx.msk vm2, v5  }
0x7b: {  	vm0 =	vgt.u32 v36, $0x1;
	v10 =	vadd.s32 v34, v40;
	v11 =	vadd.s32 v37, v46;
	[tilespmem:v19+s4+$0x0] =	vst.idx.msk vm11, v5  }
0x7c: {  	v10 =	vadd.s32 v42, v10;
	vm2 =	vgt.u32 v11, v42;
	[tilespmem:v21+s4+$0x0] =	vst.idx.msk vm5, v5  }
0x7d: {  	[tilespmem:v24+s4+$0x0] =	vst.idx.msk vm3, v5;
	vm3 =	vgt.u32 v10, $0x1  }
0x7e: {  	[tilespmem:v12+s4+$0x0] =	vst.idx.msk vm4, v5  }
0x7f: {  	[tilespmem:v20+s4+$0x0] =	vst.idx.msk vm1, v5  }
0x80: {  	[tilespmem:v14+s4+$0x0] =	vst.idx.msk vm10, v5  }
0x81: {  	[tilespmem:v15+s4+$0x0] =	vst.idx.msk vm0, v5  }
0x82: {  	[tilespmem:v16+s4+$0x0] =	vst.idx.msk vm2, v5  }
0x83: {  	s12 =	simm.s32 $0x0;
	s13 =	simm.s32 $0x80;
	[tilespmem:v17+s4+$0x0] =	vst.idx.msk vm3, v5  }
0x84: {  	[hbm4b:s9+s23] =	stream.strided.scatter [tilespmem:s12], [sflag:$0x5], $0x4000, s24, s23, $0x38;
	[tilespmem:$0x10000] =	vst v63  }
0x85: {  	v10 =	vor.u32 s13, v0;
	s14 =	rddreg [dreg:$0x5]  }
0x86: {  	v18 =	vor.u32 s13, v1;
	[tilespmem:s29], [sflag:$0x4] =	stream.strided.gather [hbm4b:s14+s23], $0x4000, s24, s23, $0x38;
	[tilespmem:$0x10000] =	vst v63  }
0x87: {  	v12 =	vor.u32 s13, v2;
	_ =	swait.ge [sflag:s30], $0x4000  }
0x88: {  	s20 =	simm.s32 $0xC0;
	v14 =	vor.u32 s13, v3;
	[sflag:s30] =	ssyncset.done $0x0  }
0x89: {  	v21 =	vor.u32 s20, v9;
	[sflag:s30] =	ssyncadd.s32 $0xFFFFC000  }
0x8a: {  	v22 =	vor.u32 s20, v8;
	v16 =	vld.idx.msk [tilespmem:v10+s25+$0x0], $0xffff  }
0x8b: {  	v11 =	vor.u32 s20, v7;
	v17 =	vld.idx.msk [tilespmem:v18+s25+$0x0], $0xffff  }
0x8c: {  	v13 =	vor.u32 s20, v6;
	v25 =	vld.idx.msk [tilespmem:v12+s25+$0x0], $0xffff  }
0x8d: {  	v26 =	vor.u32 s12, v0;
	v27 =	vld.idx.msk [tilespmem:v14+s25+$0x0], $0xffff  }
0x8e: {  	v19 =	vor.u32 s12, v7;
	v28 =	vld.idx.msk [tilespmem:v21+s25+$0x0], $0xffff  }
0x8f: {  	v20 =	vor.u32 s12, v2;
	v30 =	vld.idx.msk [tilespmem:v22+s25+$0x0], $0xffff  }
0x90: {  	v24 =	vor.u32 s12, v1;
	v52 =	vld.idx.msk [tilespmem:v11+s25+$0x0], $0xffff  }
0x91: {  	v23 =	vor.u32 s12, v6;
	v53 =	vld.idx.msk [tilespmem:v13+s25+$0x0], $0xffff  }
0x92: {  	v55 =	vld.idx.msk [tilespmem:v26+s25+$0x0], $0xffff  }
0x93: {  	v59 =	vld.idx.msk [tilespmem:v19+s25+$0x0], $0xffff  }
0x94: {  	v62 =	vld.idx.msk [tilespmem:v20+s25+$0x0], $0xffff  }
0x95: {  	v44 =	vld.idx.msk [tilespmem:v24+s25+$0x0], $0xffff  }
0x96: {  	v15 =	vor.u32 s12, v3;
	v56 =	vld.idx.msk [tilespmem:v23+s25+$0x0], $0xffff;
	v31 =	vand.u32 $0x7FFFFFFF, v16  }
0x97: {  	v51 =	vand.u32 $0x7FFFFFFF, v17;
	v16 =	vor.u32 s12, v8;
	v17 =	vor.u32 s12, v9  }
0x98: {  	v25 =	vand.u32 $0x7FFFFFFF, v25;
	v27 =	vand.u32 $0x7FFFFFFF, v27;
	v54 =	vand.u32 $0x7FFFFFFF, v28  }
0x99: {  	v57 =	vand.u32 $0x7FFFFFFF, v30;
	v33 =	vand.u32 $0x7FFFFFFF, v52;
	v30 =	vand.u32 $0x7FFFFFFF, v53  }
0x9a: {  	v63 =	vand.u32 $0x7FFFFFFF, v59;
	v59 =	vand.u32 $0x7FFFFFFF, v55;
	v44 =	vand.u32 $0x7FFFFFFF, v44  }
0x9b: {  	v42 =	vand.u32 $0x7FFFFFFF, v62;
	v38 =	vand.u32 $0x7FFFFFFF, v56;
	vm0 =	vgt.f32 v31, v51  }
0x9c: {  	vm1 =	vgt.f32 v51, v25;
	vm3 =	vgt.f32 v25, v27;
	vm4 =	vgt.f32 v31, v25  }
0x9d: {  	vm2 =	vgt.f32 v30, v33;
	vm5 =	vgt.f32 v30, v54;
	vm13 =	vgt.f32 v59, v42  }
0x9e: {  	vm8 =	vgt.f32 v44, v42;
	v35 =	vsel vm0, $0x1, v4;
	vm0 =	vgt.f32 v31, v27  }
0x9f: {  	v28 =	vsel vm1, $0x1, v4;
	vm1 =	vgt.f32 v33, v57;
	v32 =	vsel vm3, $0x1, v4  }
0xa0: {  	v60 =	vld.idx.msk [tilespmem:v15+s25+$0x0], $0xffff;
	vm3 =	vgt.f32 v33, v54;
	v39 =	vsel vm4, $0x1, v4;
	v29 =	vsel vm0, $0x1, v4  }
0xa1: {  	vm0 =	vgt.f32 v51, v27;
	v27 =	vsel vm1, $0x1, v4;
	vm1 =	vgt.f32 v30, v57  }
0xa2: {  	v30 =	vsel vm5, $0x1, v4;
	v45 =	vadd.s32 v35, v39;
	v25 =	vsel vm0, $0x1, v4;
	v58 =	vld.idx.msk [tilespmem:v17+s25+$0x0], $0xffff  }
0xa3: {  	v33 =	vsel vm1, $0x1, v4;
	v31 =	vadd.s32 v28, v25;
	v25 =	vadd.s32 v25, v29;
	v61 =	vld.idx.msk [tilespmem:v16+s25+$0x0], $0xffff  }
0xa4: {  	vm0 =	vle.u32 v31, v35;
	v31 =	vsel vm2, $0x1, v4;
	vm2 =	vgt.f32 v57, v54  }
0xa5: {  	v25 =	vadd.s32 v32, v25;
	v57 =	vand.u32 $0x7FFFFFFF, v60;
	v60 =	vsel vm13, $0x1, v4  }
0xa6: {  	vm5 =	vgt.f32 v59, v57;
	vm14 =	vgt.f32 v42, v57;
	vm15 =	vgt.f32 v44, v57  }
0xa7: {  	v49 =	vsel vm5, $0x1, v4;
	v46 =	vsel vm15, $0x1, v4;
	v62 =	vsel vm14, $0x1, v4  }
0xa8: {  	v43 =	vand.u32 $0x7FFFFFFF, v58;
	v58 =	vadd.s32 v31, v33;
	v40 =	vand.u32 $0x7FFFFFFF, v61  }
0xa9: {  	v61 =	vsel vm8, $0x1, v4;
	vm1 =	vgt.f32 v63, v43;
	v41 =	vadd.s32 v30, v58  }
0xaa: {  	vm12 =	vgt.f32 v63, v40;
	vm4 =	vgt.f32 v40, v43;
	v52 =	vadd.s32 v61, v60  }
0xab: {  	v48 =	vadd.s32 v61, v46;
	v37 =	vsel vm12, $0x1, v4;
	v34 =	vsel vm1, $0x1, v4  }
0xac: {  	v42 =	vsel vm4, $0x1, v4;
	vm1 =	vgt.f32 v59, v44;
	vm4 =	vgt.f32 v38, v63  }
0xad: {  	v63 =	vadd.s32 v46, v49;
	v35 =	vadd.s32 v37, v34;
	v50 =	vsel vm1, $0x1, v4  }
0xae: {  	v47 =	vsel vm4, $0x1, v4;
	vm4 =	vgt.f32 v38, v40;
	vm1 =	vgt.u32 v52, v62  }
0xaf: {  	s12 =	simm.s32 $0x100;
	v36 =	vadd.s32 v62, v63;
	v51 =	vadd.s32 v50, v60;
	v46 =	vsel vm4, $0x1, v4  }
.LBB2_4:
0xb0: {  	s14 =	sadd.s32 $0x80, s12  }
0xb1: {  	p0 =	slt.u32 s12, $0x3F00;
	vm4 =	vgt.u32 v36, $0x1;
	vm6 =	vgt.f32 v38, v43;
	vm5 =	vle.u32 v35, v47;
	s13 =	smov.u32 s12;
	s12 =	sadd.s32 $0x100, s12  }
0xb2: {  	v43 =	vor.u32 s14, v0;
	v44 =	vor.u32 s14, v1;
	s15 =	sadd.s32 $0xC0, s13;
	v52 =	vsel vm6, $0x1, v4  }
0xb3: {  	v40 =	vor.u32 s13, v6;
	v38 =	vor.u32 s14, v2;
	v53 =	vor.u32 s15, v6  }
0xb4: {  	v35 =	vor.u32 s14, v3;
	v36 =	vor.u32 s15, v8;
	v54 =	vadd.s32 v34, v52  }
0xb5: {  	v55 =	vor.u32 s15, v7;
	v34 =	vor.u32 s15, v9;
	v54 =	vadd.s32 v42, v54  }
0xb6: {  	v49 =	vadd.s32 v49, v51;
	vm8 =	vle.u32 v48, v50;
	vm6 =	vgt.u32 v54, $0x1  }
0xb7: {  	v47 =	vadd.s32 v47, v46;
	v29 =	vadd.s32 v29, v45;
	v28 =	vadd.s32 v28, v39;
	v48 =	vld.idx.msk [tilespmem:v43+s25+$0x0], $0xffff  }
0xb8: {  	vm13 =	vlt.u32 v41, $0x2;
	vm11 =	vlt.u32 v29, $0x2;
	v45 =	vadd.s32 v52, v47;
	v39 =	vld.idx.msk [tilespmem:v44+s25+$0x0], $0xffff  }
0xb9: {  	v41 =	vsel vm3, $0x1, v4;
	vm10 =	vlt.u32 v45, $0x2;
	v45 =	vsel vm2, $0x1, v4;
	v29 =	vld.idx.msk [tilespmem:v38+s25+$0x0], $0xffff  }
0xba: {  	v37 =	vadd.s32 v37, v46;
	vm9 =	vgt.u32 v28, v32;
	v28 =	vadd.s32 v27, v41;
	v47 =	vld.idx.msk [tilespmem:v34+s25+$0x0], $0xffff  }
0xbb: {  	vm7 =	vgt.u32 v37, v42;
	vm14 =	vle.u32 v28, v31;
	v28 =	vadd.s32 v41, v30;
	v32 =	vld.idx.msk [tilespmem:v35+s25+$0x0], $0xffff  }
0xbc: {  	vm12 =	vlt.u32 v49, $0x2;
	v27 =	vadd.s32 v27, v33;
	v28 =	vadd.s32 v45, v28;
	v30 =	vld.idx.msk [tilespmem:v36+s25+$0x0], $0xffff  }
0xbd: {  	v46 =	vor.u32 s13, v0;
	v49 =	vor.u32 s13, v3;
	vm2 =	vgt.u32 v28, $0x1;
	v31 =	vld.idx.msk [tilespmem:v53+s25+$0x0], $0xffff  }
0xbe: {  	vm3 =	vgt.u32 v27, v45;
	v33 =	vand.u32 $0x7FFFFFFF, v48;
	v28 =	vand.u32 $0x7FFFFFFF, v39;
	v37 =	vld.idx.msk [tilespmem:v55+s25+$0x0], $0xffff  }
0xbf: {  	v50 =	vor.u32 s13, v8;
	v51 =	vor.u32 s13, v9;
	v48 =	vor.u32 s13, v7;
	[tilespmem:v13+s25+$0x0] =	vst.idx.msk vm13, v5;
	v13 =	vmovc v53  }
0xc0: {  	v52 =	vor.u32 s13, v1;
	v53 =	vor.u32 s13, v2;
	vm13 =	vgt.f32 v33, v28;
	[tilespmem:v10+s25+$0x0] =	vst.idx.msk vm11, v5;
	v10 =	vmovc v43  }
0xc1: {  	v27 =	vand.u32 $0x7FFFFFFF, v29;
	v32 =	vand.u32 $0x7FFFFFFF, v32;
	v42 =	vsel vm13, $0x1, v4;
	[tilespmem:v11+s25+$0x0] =	vst.idx.msk vm14, v5;
	v11 =	vmovc v55  }
0xc2: {  	v39 =	vand.u32 $0x7FFFFFFF, v47;
	vm13 =	vgt.f32 v28, v27;
	vm11 =	vgt.f32 v33, v32;
	[tilespmem:v26+s25+$0x0] =	vst.idx.msk vm12, v5  }
0xc3: {  	vm14 =	vgt.f32 v28, v32;
	v41 =	vand.u32 $0x7FFFFFFF, v30;
	v29 =	vsel vm11, $0x1, v4;
	v26 =	vld.idx.msk [tilespmem:v46+s25+$0x0], $0xffff;
	[tilespmem:v23+s25+$0x0] =	vst.idx.msk vm10, v5  }
0xc4: {  	vm11 =	vgt.f32 v27, v32;
	v30 =	vand.u32 $0x7FFFFFFF, v31;
	v37 =	vand.u32 $0x7FFFFFFF, v37;
	v23 =	vld.idx.msk [tilespmem:v51+s25+$0x0], $0xffff;
	[tilespmem:v18+s25+$0x0] =	vst.idx.msk vm0, v5  }
0xc5: {  	v28 =	vsel vm13, $0x1, v4;
	vm12 =	vgt.u32 v25, $0x1;
	vm0 =	vgt.f32 v37, v41;
	v18 =	vld.idx.msk [tilespmem:v48+s25+$0x0], $0xffff;
	[tilespmem:v22+s25+$0x0] =	vst.idx.msk vm3, v5  }
0xc6: {  	v25 =	vsel vm14, $0x1, v4;
	vm10 =	vgt.f32 v33, v27;
	v27 =	vsel vm0, $0x1, v4;
	v22 =	vld.idx.msk [tilespmem:v49+s25+$0x0], $0xffff;
	[tilespmem:v21+s25+$0x0] =	vst.idx.msk vm2, v5  }
0xc7: {  	v31 =	vadd.s32 v28, v25;
	v25 =	vadd.s32 v25, v29;
	vm13 =	vgt.f32 v30, v41;
	v21 =	vld.idx.msk [tilespmem:v50+s25+$0x0], $0xffff  }
0xc8: {  	vm0 =	vle.u32 v31, v42;
	vm3 =	vgt.f32 v30, v39;
	vm2 =	vgt.f32 v30, v37;
	v45 =	vld.idx.msk [tilespmem:v53+s25+$0x0], $0xffff  }
0xc9: {  	v30 =	vsel vm3, $0x1, v4;
	v31 =	vsel vm2, $0x1, v4;
	vm2 =	vgt.f32 v41, v39;
	v47 =	vld.idx.msk [tilespmem:v52+s25+$0x0], $0xffff;
	[tilespmem:v24+s25+$0x0] =	vst.idx.msk vm8, v5  }
0xca: {  	v32 =	vsel vm11, $0x1, v4;
	vm3 =	vgt.f32 v37, v39;
	v43 =	vand.u32 $0x7FFFFFFF, v23;
	v24 =	vld.idx.msk [tilespmem:v40+s25+$0x0], $0xffff;
	[tilespmem:v12+s25+$0x0] =	vst.idx.msk vm9, v5  }
0xcb: {  	v25 =	vadd.s32 v32, v25;
	v33 =	vsel vm13, $0x1, v4;
	v54 =	vand.u32 $0x7FFFFFFF, v18;
	v18 =	vmovc v44;
	[tilespmem:v14+s25+$0x0] =	vst.idx.msk vm12, v5  }
0xcc: {  	v12 =	vadd.s32 v31, v33;
	v44 =	vand.u32 $0x7FFFFFFF, v22;
	vm8 =	vgt.f32 v54, v43;
	[tilespmem:v19+s25+$0x0] =	vst.idx.msk vm5, v5  }
0xcd: {  	v55 =	vand.u32 $0x7FFFFFFF, v26;
	v23 =	vmovc v40;
	v41 =	vadd.s32 v30, v12;
	v56 =	vand.u32 $0x7FFFFFFF, v21;
	[tilespmem:v20+s25+$0x0] =	vst.idx.msk vm1, v5  }
0xce: {  	v39 =	vsel vm10, $0x1, v4;
	vm1 =	vgt.f32 v55, v44;
	vm5 =	vgt.f32 v54, v56;
	[tilespmem:v15+s25+$0x0] =	vst.idx.msk vm4, v5  }
0xcf: {  	v12 =	vmovc v38;
	v20 =	vand.u32 $0x7FFFFFFF, v47;
	v15 =	vand.u32 $0x7FFFFFFF, v45;
	vm4 =	vgt.f32 v56, v43;
	[tilespmem:v16+s25+$0x0] =	vst.idx.msk vm7, v5  }
0xd0: {  	v37 =	vsel vm5, $0x1, v4;
	vm7 =	vgt.f32 v55, v15;
	vm9 =	vgt.f32 v20, v15;
	[tilespmem:v17+s25+$0x0] =	vst.idx.msk vm6, v5  }
0xd1: {  	v14 =	vmovc v35;
	v22 =	vmovc v36;
	v38 =	vand.u32 $0x7FFFFFFF, v24;
	v40 =	vsel vm7, $0x1, v4;
	v17 =	vsel vm9, $0x1, v4  }
0xd2: {  	v21 =	vmovc v34;
	v45 =	vadd.s32 v42, v39;
	vm5 =	vgt.f32 v15, v44;
	v36 =	vadd.s32 v17, v40  }
0xd3: {  	v26 =	vmovc v46;
	v34 =	vsel vm8, $0x1, v4;
	v42 =	vsel vm4, $0x1, v4;
	vm6 =	vgt.f32 v20, v44;
	v15 =	vmovc v49  }
.Ltmp1:
0xd4: {  	v19 =	vmovc v48;
	v35 =	vadd.s32 v37, v34;
	v16 =	vmovc v50;
	v49 =	vsel vm1, $0x1, v4;
	v44 =	vsel vm6, $0x1, v4;
	(pc) =	sbr.rel @p0 .LBB2_4-.Ltmp1, $4  }
0xd5: {  	vm4 =	vgt.f32 v38, v54;
	vm1 =	vgt.f32 v55, v20;
	v48 =	vadd.s32 v17, v44;
	v17 =	vmovc v51  }
0xd6: {  	v24 =	vmovc v52;
	v47 =	vsel vm4, $0x1, v4;
	vm4 =	vgt.f32 v38, v56;
	v20 =	vmovc v53;
	v50 =	vsel vm1, $0x1, v4  }
0xd7: {  	v46 =	vsel vm5, $0x1, v4;
	v51 =	vadd.s32 v50, v40;
	v40 =	vadd.s32 v44, v49  }
0xd8: {  	vm1 =	vgt.u32 v36, v46;
	v36 =	vadd.s32 v46, v40;
	v46 =	vsel vm4, $0x1, v4  }
0xd9: {  	v29 =	vadd.s32 v29, v45;
	vm5 =	vlt.u32 v41, $0x2  }
0xda: {  	v63 =	vsel vm3, $0x1, v4;
	v45 =	vadd.s32 v49, v51;
	vm3 =	vlt.u32 v29, $0x2  }
0xdb: {  	vm4 =	vgt.f32 v38, v43;
	v29 =	vadd.s32 v27, v63;
	vm6 =	vlt.u32 v45, $0x2  }
0xdc: {  	v49 =	vadd.s32 v47, v46;
	v40 =	vsel vm4, $0x1, v4;
	vm4 =	vle.u32 v29, v31  }
0xdd: {  	v29 =	vadd.s32 v40, v49  }
0xde: {  	v27 =	vadd.s32 v27, v33;
	vm7 =	vlt.u32 v29, $0x2;
	v29 =	vsel vm2, $0x1, v4  }
0xdf: {  	v30 =	vadd.s32 v63, v30;
	vm2 =	vgt.u32 v27, v29;
	[tilespmem:v13+s25+$0x0] =	vst.idx.msk vm5, v5  }
0xe0: {  	vm11 =	vle.u32 v35, v47;
	v30 =	vadd.s32 v29, v30;
	[tilespmem:v10+s25+$0x0] =	vst.idx.msk vm3, v5  }
0xe1: {  	vm5 =	vgt.u32 v30, $0x1;
	[tilespmem:v26+s25+$0x0] =	vst.idx.msk vm6, v5  }
0xe2: {  	vm3 =	vle.u32 v48, v50;
	v10 =	vadd.s32 v28, v39;
	[tilespmem:v11+s25+$0x0] =	vst.idx.msk vm4, v5  }
0xe3: {  	vm4 =	vgt.u32 v10, v32;
	[tilespmem:v18+s25+$0x0] =	vst.idx.msk vm0, v5  }
0xe4: {  	[tilespmem:v23+s25+$0x0] =	vst.idx.msk vm7, v5  }
0xe5: {  	vm10 =	vgt.u32 v25, $0x1;
	[tilespmem:v22+s25+$0x0] =	vst.idx.msk vm2, v5  }
0xe6: {  	vm0 =	vgt.u32 v36, $0x1;
	v10 =	vadd.s32 v34, v40;
	v11 =	vadd.s32 v37, v46;
	[tilespmem:v19+s25+$0x0] =	vst.idx.msk vm11, v5  }
0xe7: {  	v10 =	vadd.s32 v42, v10;
	vm2 =	vgt.u32 v11, v42;
	[tilespmem:v21+s25+$0x0] =	vst.idx.msk vm5, v5  }
0xe8: {  	[tilespmem:v24+s25+$0x0] =	vst.idx.msk vm3, v5;
	vm3 =	vgt.u32 v10, $0x1  }
0xe9: {  	[tilespmem:v12+s25+$0x0] =	vst.idx.msk vm4, v5  }
0xea: {  	[tilespmem:v20+s25+$0x0] =	vst.idx.msk vm1, v5  }
0xeb: {  	[tilespmem:v14+s25+$0x0] =	vst.idx.msk vm10, v5  }
0xec: {  	[tilespmem:v15+s25+$0x0] =	vst.idx.msk vm0, v5  }
0xed: {  	[tilespmem:v16+s25+$0x0] =	vst.idx.msk vm2, v5  }
0xee: {  	[tilespmem:v17+s25+$0x0] =	vst.idx.msk vm3, v5  }
0xef: {  	s12 =	rddreg [dreg:$0x6]  }
0xf0: {  	[hbm4b:s12+s23] =	stream.strided.scatter [tilespmem:s25], [sflag:$0x6], $0x4000, s24, s23, $0x38;
	[tilespmem:$0x10000] =	vst v63  }
0xf1: {  	_ =	swait.ge [sflag:s31], $0x4000  }
0xf2: {  	s19 =	simm.s32 $0x80;
	[sflag:s31] =	ssyncset.done $0x0  }
0xf3: {  	s13 =	simm.s32 $0x0;
	v10 =	vor.u32 s19, v0;
	s14 =	rddreg [dreg:$0x7];
	[sflag:s31] =	ssyncadd.s32 $0xFFFFC000  }
0xf4: {  	v18 =	vor.u32 s19, v1;
	[tilespmem:s13], [sflag:$0x1] =	stream.strided.gather [hbm4b:s14+s23], $0x4000, s24, s23, $0x38;
	[tilespmem:$0x10000] =	vst v63  }
0xf5: {  	v12 =	vor.u32 s19, v2;
	_ =	swait.ge [sflag:s0], $0x4000  }
0xf6: {  	s20 =	simm.s32 $0xC0;
	v14 =	vor.u32 s19, v3;
	[sflag:s0] =	ssyncset.done $0x0  }
0xf7: {  	v21 =	vor.u32 s20, v9;
	[sflag:s0] =	ssyncadd.s32 $0xFFFFC000  }
0xf8: {  	v22 =	vor.u32 s20, v8;
	v16 =	vld.idx.msk [tilespmem:v10+s26+$0x0], $0xffff  }
0xf9: {  	v11 =	vor.u32 s20, v7;
	v17 =	vld.idx.msk [tilespmem:v18+s26+$0x0], $0xffff  }
0xfa: {  	v13 =	vor.u32 s20, v6;
	v25 =	vld.idx.msk [tilespmem:v12+s26+$0x0], $0xffff  }
0xfb: {  	v26 =	vor.u32 s13, v0;
	v27 =	vld.idx.msk [tilespmem:v14+s26+$0x0], $0xffff  }
0xfc: {  	v19 =	vor.u32 s13, v7;
	v28 =	vld.idx.msk [tilespmem:v21+s26+$0x0], $0xffff  }
0xfd: {  	v20 =	vor.u32 s13, v2;
	v30 =	vld.idx.msk [tilespmem:v22+s26+$0x0], $0xffff  }
0xfe: {  	v24 =	vor.u32 s13, v1;
	v52 =	vld.idx.msk [tilespmem:v11+s26+$0x0], $0xffff  }
0xff: {  	v23 =	vor.u32 s13, v6;
	v53 =	vld.idx.msk [tilespmem:v13+s26+$0x0], $0xffff  }
0x100: {  	v55 =	vld.idx.msk [tilespmem:v26+s26+$0x0], $0xffff  }
0x101: {  	v59 =	vld.idx.msk [tilespmem:v19+s26+$0x0], $0xffff  }
0x102: {  	v62 =	vld.idx.msk [tilespmem:v20+s26+$0x0], $0xffff  }
0x103: {  	v44 =	vld.idx.msk [tilespmem:v24+s26+$0x0], $0xffff  }
0x104: {  	v15 =	vor.u32 s13, v3;
	v56 =	vld.idx.msk [tilespmem:v23+s26+$0x0], $0xffff;
	v31 =	vand.u32 $0x7FFFFFFF, v16  }
0x105: {  	v51 =	vand.u32 $0x7FFFFFFF, v17;
	v16 =	vor.u32 s13, v8;
	v17 =	vor.u32 s13, v9  }
0x106: {  	v25 =	vand.u32 $0x7FFFFFFF, v25;
	v27 =	vand.u32 $0x7FFFFFFF, v27;
	v54 =	vand.u32 $0x7FFFFFFF, v28  }
0x107: {  	v57 =	vand.u32 $0x7FFFFFFF, v30;
	v33 =	vand.u32 $0x7FFFFFFF, v52;
	v30 =	vand.u32 $0x7FFFFFFF, v53  }
0x108: {  	v63 =	vand.u32 $0x7FFFFFFF, v59;
	v59 =	vand.u32 $0x7FFFFFFF, v55;
	v44 =	vand.u32 $0x7FFFFFFF, v44  }
0x109: {  	v42 =	vand.u32 $0x7FFFFFFF, v62;
	v38 =	vand.u32 $0x7FFFFFFF, v56;
	vm0 =	vgt.f32 v31, v51  }
0x10a: {  	vm1 =	vgt.f32 v51, v25;
	vm3 =	vgt.f32 v25, v27;
	vm4 =	vgt.f32 v31, v25  }
0x10b: {  	vm2 =	vgt.f32 v30, v33;
	vm5 =	vgt.f32 v30, v54;
	vm13 =	vgt.f32 v59, v42  }
0x10c: {  	vm8 =	vgt.f32 v44, v42;
	v35 =	vsel vm0, $0x1, v4;
	vm0 =	vgt.f32 v31, v27  }
0x10d: {  	v28 =	vsel vm1, $0x1, v4;
	vm1 =	vgt.f32 v33, v57;
	v32 =	vsel vm3, $0x1, v4  }
0x10e: {  	v60 =	vld.idx.msk [tilespmem:v15+s26+$0x0], $0xffff;
	vm3 =	vgt.f32 v33, v54;
	v39 =	vsel vm4, $0x1, v4;
	v29 =	vsel vm0, $0x1, v4  }
0x10f: {  	vm0 =	vgt.f32 v51, v27;
	v27 =	vsel vm1, $0x1, v4;
	vm1 =	vgt.f32 v30, v57  }
0x110: {  	v30 =	vsel vm5, $0x1, v4;
	v45 =	vadd.s32 v35, v39;
	v25 =	vsel vm0, $0x1, v4;
	v58 =	vld.idx.msk [tilespmem:v17+s26+$0x0], $0xffff  }
0x111: {  	v33 =	vsel vm1, $0x1, v4;
	v31 =	vadd.s32 v28, v25;
	v25 =	vadd.s32 v25, v29;
	v61 =	vld.idx.msk [tilespmem:v16+s26+$0x0], $0xffff  }
0x112: {  	vm0 =	vle.u32 v31, v35;
	v31 =	vsel vm2, $0x1, v4;
	vm2 =	vgt.f32 v57, v54  }
0x113: {  	v25 =	vadd.s32 v32, v25;
	v57 =	vand.u32 $0x7FFFFFFF, v60;
	v60 =	vsel vm13, $0x1, v4  }
0x114: {  	vm5 =	vgt.f32 v59, v57;
	vm14 =	vgt.f32 v42, v57;
	vm15 =	vgt.f32 v44, v57  }
0x115: {  	v49 =	vsel vm5, $0x1, v4;
	v46 =	vsel vm15, $0x1, v4;
	v62 =	vsel vm14, $0x1, v4  }
0x116: {  	v43 =	vand.u32 $0x7FFFFFFF, v58;
	v58 =	vadd.s32 v31, v33;
	v40 =	vand.u32 $0x7FFFFFFF, v61  }
0x117: {  	v61 =	vsel vm8, $0x1, v4;
	vm1 =	vgt.f32 v63, v43;
	v41 =	vadd.s32 v30, v58  }
0x118: {  	vm12 =	vgt.f32 v63, v40;
	vm4 =	vgt.f32 v40, v43;
	v52 =	vadd.s32 v61, v60  }
0x119: {  	v48 =	vadd.s32 v61, v46;
	v37 =	vsel vm12, $0x1, v4;
	v34 =	vsel vm1, $0x1, v4  }
0x11a: {  	v42 =	vsel vm4, $0x1, v4;
	vm1 =	vgt.f32 v59, v44;
	vm4 =	vgt.f32 v38, v63  }
0x11b: {  	v63 =	vadd.s32 v46, v49;
	v35 =	vadd.s32 v37, v34;
	v50 =	vsel vm1, $0x1, v4  }
0x11c: {  	v47 =	vsel vm4, $0x1, v4;
	vm4 =	vgt.f32 v38, v40;
	vm1 =	vgt.u32 v52, v62  }
0x11d: {  	s12 =	simm.s32 $0x100;
	v36 =	vadd.s32 v62, v63;
	v51 =	vadd.s32 v50, v60;
	v46 =	vsel vm4, $0x1, v4  }
.LBB2_6:
0x11e: {  	s14 =	sadd.s32 $0x80, s12  }
0x11f: {  	p0 =	slt.u32 s12, $0x3F00;
	vm4 =	vgt.u32 v36, $0x1;
	vm6 =	vgt.f32 v38, v43;
	vm5 =	vle.u32 v35, v47;
	s13 =	smov.u32 s12;
	s12 =	sadd.s32 $0x100, s12  }
0x120: {  	v43 =	vor.u32 s14, v0;
	v44 =	vor.u32 s14, v1;
	s15 =	sadd.s32 $0xC0, s13;
	v52 =	vsel vm6, $0x1, v4  }
0x121: {  	v40 =	vor.u32 s13, v6;
	v38 =	vor.u32 s14, v2;
	v53 =	vor.u32 s15, v6  }
0x122: {  	v35 =	vor.u32 s14, v3;
	v36 =	vor.u32 s15, v8;
	v54 =	vadd.s32 v34, v52  }
0x123: {  	v55 =	vor.u32 s15, v7;
	v34 =	vor.u32 s15, v9;
	v54 =	vadd.s32 v42, v54  }
0x124: {  	v49 =	vadd.s32 v49, v51;
	vm8 =	vle.u32 v48, v50;
	vm6 =	vgt.u32 v54, $0x1  }
0x125: {  	v47 =	vadd.s32 v47, v46;
	v29 =	vadd.s32 v29, v45;
	v28 =	vadd.s32 v28, v39;
	v48 =	vld.idx.msk [tilespmem:v43+s26+$0x0], $0xffff  }
0x126: {  	vm13 =	vlt.u32 v41, $0x2;
	vm11 =	vlt.u32 v29, $0x2;
	v45 =	vadd.s32 v52, v47;
	v39 =	vld.idx.msk [tilespmem:v44+s26+$0x0], $0xffff  }
0x127: {  	v41 =	vsel vm3, $0x1, v4;
	vm10 =	vlt.u32 v45, $0x2;
	v45 =	vsel vm2, $0x1, v4;
	v29 =	vld.idx.msk [tilespmem:v38+s26+$0x0], $0xffff  }
0x128: {  	v37 =	vadd.s32 v37, v46;
	vm9 =	vgt.u32 v28, v32;
	v28 =	vadd.s32 v27, v41;
	v47 =	vld.idx.msk [tilespmem:v34+s26+$0x0], $0xffff  }
0x129: {  	vm7 =	vgt.u32 v37, v42;
	vm14 =	vle.u32 v28, v31;
	v28 =	vadd.s32 v41, v30;
	v32 =	vld.idx.msk [tilespmem:v35+s26+$0x0], $0xffff  }
0x12a: {  	vm12 =	vlt.u32 v49, $0x2;
	v27 =	vadd.s32 v27, v33;
	v28 =	vadd.s32 v45, v28;
	v30 =	vld.idx.msk [tilespmem:v36+s26+$0x0], $0xffff  }
0x12b: {  	v46 =	vor.u32 s13, v0;
	v49 =	vor.u32 s13, v3;
	vm2 =	vgt.u32 v28, $0x1;
	v31 =	vld.idx.msk [tilespmem:v53+s26+$0x0], $0xffff  }
0x12c: {  	vm3 =	vgt.u32 v27, v45;
	v33 =	vand.u32 $0x7FFFFFFF, v48;
	v28 =	vand.u32 $0x7FFFFFFF, v39;
	v37 =	vld.idx.msk [tilespmem:v55+s26+$0x0], $0xffff  }
0x12d: {  	v50 =	vor.u32 s13, v8;
	v51 =	vor.u32 s13, v9;
	v48 =	vor.u32 s13, v7;
	[tilespmem:v13+s26+$0x0] =	vst.idx.msk vm13, v5;
	v13 =	vmovc v53  }
0x12e: {  	v52 =	vor.u32 s13, v1;
	v53 =	vor.u32 s13, v2;
	vm13 =	vgt.f32 v33, v28;
	[tilespmem:v10+s26+$0x0] =	vst.idx.msk vm11, v5;
	v10 =	vmovc v43  }
0x12f: {  	v27 =	vand.u32 $0x7FFFFFFF, v29;
	v32 =	vand.u32 $0x7FFFFFFF, v32;
	v42 =	vsel vm13, $0x1, v4;
	[tilespmem:v11+s26+$0x0] =	vst.idx.msk vm14, v5;
	v11 =	vmovc v55  }
0x130: {  	v39 =	vand.u32 $0x7FFFFFFF, v47;
	vm13 =	vgt.f32 v28, v27;
	vm11 =	vgt.f32 v33, v32;
	[tilespmem:v26+s26+$0x0] =	vst.idx.msk vm12, v5  }
0x131: {  	vm14 =	vgt.f32 v28, v32;
	v41 =	vand.u32 $0x7FFFFFFF, v30;
	v29 =	vsel vm11, $0x1, v4;
	v26 =	vld.idx.msk [tilespmem:v46+s26+$0x0], $0xffff;
	[tilespmem:v23+s26+$0x0] =	vst.idx.msk vm10, v5  }
0x132: {  	vm11 =	vgt.f32 v27, v32;
	v30 =	vand.u32 $0x7FFFFFFF, v31;
	v37 =	vand.u32 $0x7FFFFFFF, v37;
	v23 =	vld.idx.msk [tilespmem:v51+s26+$0x0], $0xffff;
	[tilespmem:v18+s26+$0x0] =	vst.idx.msk vm0, v5  }
0x133: {  	v28 =	vsel vm13, $0x1, v4;
	vm12 =	vgt.u32 v25, $0x1;
	vm0 =	vgt.f32 v37, v41;
	v18 =	vld.idx.msk [tilespmem:v48+s26+$0x0], $0xffff;
	[tilespmem:v22+s26+$0x0] =	vst.idx.msk vm3, v5  }
0x134: {  	v25 =	vsel vm14, $0x1, v4;
	vm10 =	vgt.f32 v33, v27;
	v27 =	vsel vm0, $0x1, v4;
	v22 =	vld.idx.msk [tilespmem:v49+s26+$0x0], $0xffff;
	[tilespmem:v21+s26+$0x0] =	vst.idx.msk vm2, v5  }
0x135: {  	v31 =	vadd.s32 v28, v25;
	v25 =	vadd.s32 v25, v29;
	vm13 =	vgt.f32 v30, v41;
	v21 =	vld.idx.msk [tilespmem:v50+s26+$0x0], $0xffff  }
0x136: {  	vm0 =	vle.u32 v31, v42;
	vm3 =	vgt.f32 v30, v39;
	vm2 =	vgt.f32 v30, v37;
	v45 =	vld.idx.msk [tilespmem:v53+s26+$0x0], $0xffff  }
0x137: {  	v30 =	vsel vm3, $0x1, v4;
	v31 =	vsel vm2, $0x1, v4;
	vm2 =	vgt.f32 v41, v39;
	v47 =	vld.idx.msk [tilespmem:v52+s26+$0x0], $0xffff;
	[tilespmem:v24+s26+$0x0] =	vst.idx.msk vm8, v5  }
0x138: {  	v32 =	vsel vm11, $0x1, v4;
	vm3 =	vgt.f32 v37, v39;
	v43 =	vand.u32 $0x7FFFFFFF, v23;
	v24 =	vld.idx.msk [tilespmem:v40+s26+$0x0], $0xffff;
	[tilespmem:v12+s26+$0x0] =	vst.idx.msk vm9, v5  }
0x139: {  	v25 =	vadd.s32 v32, v25;
	v33 =	vsel vm13, $0x1, v4;
	v54 =	vand.u32 $0x7FFFFFFF, v18;
	v18 =	vmovc v44;
	[tilespmem:v14+s26+$0x0] =	vst.idx.msk vm12, v5  }
0x13a: {  	v12 =	vadd.s32 v31, v33;
	v44 =	vand.u32 $0x7FFFFFFF, v22;
	vm8 =	vgt.f32 v54, v43;
	[tilespmem:v19+s26+$0x0] =	vst.idx.msk vm5, v5  }
0x13b: {  	v55 =	vand.u32 $0x7FFFFFFF, v26;
	v23 =	vmovc v40;
	v41 =	vadd.s32 v30, v12;
	v56 =	vand.u32 $0x7FFFFFFF, v21;
	[tilespmem:v20+s26+$0x0] =	vst.idx.msk vm1, v5  }
0x13c: {  	v39 =	vsel vm10, $0x1, v4;
	vm1 =	vgt.f32 v55, v44;
	vm5 =	vgt.f32 v54, v56;
	[tilespmem:v15+s26+$0x0] =	vst.idx.msk vm4, v5  }
0x13d: {  	v12 =	vmovc v38;
	v20 =	vand.u32 $0x7FFFFFFF, v47;
	v15 =	vand.u32 $0x7FFFFFFF, v45;
	vm4 =	vgt.f32 v56, v43;
	[tilespmem:v16+s26+$0x0] =	vst.idx.msk vm7, v5  }
0x13e: {  	v37 =	vsel vm5, $0x1, v4;
	vm7 =	vgt.f32 v55, v15;
	vm9 =	vgt.f32 v20, v15;
	[tilespmem:v17+s26+$0x0] =	vst.idx.msk vm6, v5  }
0x13f: {  	v14 =	vmovc v35;
	v22 =	vmovc v36;
	v38 =	vand.u32 $0x7FFFFFFF, v24;
	v40 =	vsel vm7, $0x1, v4;
	v17 =	vsel vm9, $0x1, v4  }
0x140: {  	v21 =	vmovc v34;
	v45 =	vadd.s32 v42, v39;
	vm5 =	vgt.f32 v15, v44;
	v36 =	vadd.s32 v17, v40  }
0x141: {  	v26 =	vmovc v46;
	v34 =	vsel vm8, $0x1, v4;
	v42 =	vsel vm4, $0x1, v4;
	vm6 =	vgt.f32 v20, v44;
	v15 =	vmovc v49  }
.Ltmp2:
0x142: {  	v19 =	vmovc v48;
	v35 =	vadd.s32 v37, v34;
	v16 =	vmovc v50;
	v49 =	vsel vm1, $0x1, v4;
	v44 =	vsel vm6, $0x1, v4;
	(pc) =	sbr.rel @p0 .LBB2_6-.Ltmp2, $4  }
0x143: {  	vm4 =	vgt.f32 v38, v54;
	vm1 =	vgt.f32 v55, v20;
	v48 =	vadd.s32 v17, v44;
	v17 =	vmovc v51  }
0x144: {  	v24 =	vmovc v52;
	v47 =	vsel vm4, $0x1, v4;
	vm4 =	vgt.f32 v38, v56;
	v20 =	vmovc v53;
	v50 =	vsel vm1, $0x1, v4  }
0x145: {  	v46 =	vsel vm5, $0x1, v4;
	v51 =	vadd.s32 v50, v40;
	v40 =	vadd.s32 v44, v49  }
0x146: {  	vm1 =	vgt.u32 v36, v46;
	v36 =	vadd.s32 v46, v40;
	v46 =	vsel vm4, $0x1, v4  }
0x147: {  	v29 =	vadd.s32 v29, v45;
	vm5 =	vlt.u32 v41, $0x2  }
0x148: {  	v63 =	vsel vm3, $0x1, v4;
	v45 =	vadd.s32 v49, v51;
	vm3 =	vlt.u32 v29, $0x2  }
0x149: {  	vm4 =	vgt.f32 v38, v43;
	v29 =	vadd.s32 v27, v63;
	vm6 =	vlt.u32 v45, $0x2  }
0x14a: {  	v49 =	vadd.s32 v47, v46;
	v40 =	vsel vm4, $0x1, v4;
	vm4 =	vle.u32 v29, v31  }
0x14b: {  	v29 =	vadd.s32 v40, v49  }
0x14c: {  	v27 =	vadd.s32 v27, v33;
	vm7 =	vlt.u32 v29, $0x2;
	v29 =	vsel vm2, $0x1, v4  }
0x14d: {  	v30 =	vadd.s32 v63, v30;
	vm2 =	vgt.u32 v27, v29;
	[tilespmem:v13+s26+$0x0] =	vst.idx.msk vm5, v5  }
0x14e: {  	vm11 =	vle.u32 v35, v47;
	v30 =	vadd.s32 v29, v30;
	[tilespmem:v10+s26+$0x0] =	vst.idx.msk vm3, v5  }
0x14f: {  	vm5 =	vgt.u32 v30, $0x1;
	[tilespmem:v26+s26+$0x0] =	vst.idx.msk vm6, v5  }
0x150: {  	vm3 =	vle.u32 v48, v50;
	v10 =	vadd.s32 v28, v39;
	[tilespmem:v11+s26+$0x0] =	vst.idx.msk vm4, v5  }
0x151: {  	vm4 =	vgt.u32 v10, v32;
	[tilespmem:v18+s26+$0x0] =	vst.idx.msk vm0, v5  }
0x152: {  	[tilespmem:v23+s26+$0x0] =	vst.idx.msk vm7, v5  }
0x153: {  	vm10 =	vgt.u32 v25, $0x1;
	[tilespmem:v22+s26+$0x0] =	vst.idx.msk vm2, v5  }
0x154: {  	vm0 =	vgt.u32 v36, $0x1;
	v10 =	vadd.s32 v34, v40;
	v11 =	vadd.s32 v37, v46;
	[tilespmem:v19+s26+$0x0] =	vst.idx.msk vm11, v5  }
0x155: {  	v10 =	vadd.s32 v42, v10;
	vm2 =	vgt.u32 v11, v42;
	[tilespmem:v21+s26+$0x0] =	vst.idx.msk vm5, v5  }
0x156: {  	[tilespmem:v24+s26+$0x0] =	vst.idx.msk vm3, v5;
	vm3 =	vgt.u32 v10, $0x1  }
0x157: {  	[tilespmem:v12+s26+$0x0] =	vst.idx.msk vm4, v5  }
0x158: {  	[tilespmem:v20+s26+$0x0] =	vst.idx.msk vm1, v5  }
0x159: {  	[tilespmem:v14+s26+$0x0] =	vst.idx.msk vm10, v5  }
0x15a: {  	[tilespmem:v15+s26+$0x0] =	vst.idx.msk vm0, v5  }
0x15b: {  	[tilespmem:v16+s26+$0x0] =	vst.idx.msk vm2, v5  }
0x15c: {  	[tilespmem:v17+s26+$0x0] =	vst.idx.msk vm3, v5  }
0x15d: {  	s12 =	rddreg [dreg:$0x8]  }
0x15e: {  	[hbm4b:s12+s23] =	stream.strided.scatter [tilespmem:s26], [sflag:$0x7], $0x4000, s24, s23, $0x38;
	[tilespmem:$0x10000] =	vst v63  }
0x15f: {  	_ =	swait.ge [sflag:s1], $0x4000  }
0x160: {  	s18 =	simm.s32 $0x80;
	[sflag:s1] =	ssyncset.done $0x0  }
0x161: {  	v10 =	vor.u32 s18, v0;
	s13 =	rddreg [dreg:$0x9];
	[sflag:s1] =	ssyncadd.s32 $0xFFFFC000  }
0x162: {  	v18 =	vor.u32 s18, v1;
	[tilespmem:s25], [sflag:$0x2] =	stream.strided.gather [hbm4b:s13+s23], $0x4000, s24, s23, $0x38;
	[tilespmem:$0x10000] =	vst v63  }
0x163: {  	v12 =	vor.u32 s18, v2;
	_ =	swait.ge [sflag:s7], $0x4000  }
0x164: {  	s19 =	simm.s32 $0xC0;
	v14 =	vor.u32 s18, v3;
	[sflag:s7] =	ssyncset.done $0x0  }
0x165: {  	v21 =	vor.u32 s19, v9;
	[sflag:s7] =	ssyncadd.s32 $0xFFFFC000  }
0x166: {  	v22 =	vor.u32 s19, v8;
	v16 =	vld.idx.msk [tilespmem:v10+s29+$0x0], $0xffff  }
0x167: {  	v11 =	vor.u32 s19, v7;
	v17 =	vld.idx.msk [tilespmem:v18+s29+$0x0], $0xffff  }
0x168: {  	s20 =	simm.s32 $0x0;
	v13 =	vor.u32 s19, v6;
	v25 =	vld.idx.msk [tilespmem:v12+s29+$0x0], $0xffff  }
0x169: {  	v26 =	vor.u32 s20, v0;
	v27 =	vld.idx.msk [tilespmem:v14+s29+$0x0], $0xffff  }
0x16a: {  	v19 =	vor.u32 s20, v7;
	v28 =	vld.idx.msk [tilespmem:v21+s29+$0x0], $0xffff  }
0x16b: {  	v20 =	vor.u32 s20, v2;
	v30 =	vld.idx.msk [tilespmem:v22+s29+$0x0], $0xffff  }
0x16c: {  	v24 =	vor.u32 s20, v1;
	v52 =	vld.idx.msk [tilespmem:v11+s29+$0x0], $0xffff  }
0x16d: {  	v23 =	vor.u32 s20, v6;
	v53 =	vld.idx.msk [tilespmem:v13+s29+$0x0], $0xffff  }
0x16e: {  	v55 =	vld.idx.msk [tilespmem:v26+s29+$0x0], $0xffff  }
0x16f: {  	v59 =	vld.idx.msk [tilespmem:v19+s29+$0x0], $0xffff  }
0x170: {  	v62 =	vld.idx.msk [tilespmem:v20+s29+$0x0], $0xffff  }
0x171: {  	v44 =	vld.idx.msk [tilespmem:v24+s29+$0x0], $0xffff  }
0x172: {  	v15 =	vor.u32 s20, v3;
	v56 =	vld.idx.msk [tilespmem:v23+s29+$0x0], $0xffff;
	v31 =	vand.u32 $0x7FFFFFFF, v16  }
0x173: {  	v51 =	vand.u32 $0x7FFFFFFF, v17;
	v16 =	vor.u32 s20, v8;
	v17 =	vor.u32 s20, v9  }
0x174: {  	v25 =	vand.u32 $0x7FFFFFFF, v25;
	v27 =	vand.u32 $0x7FFFFFFF, v27;
	v54 =	vand.u32 $0x7FFFFFFF, v28  }
0x175: {  	v57 =	vand.u32 $0x7FFFFFFF, v30;
	v33 =	vand.u32 $0x7FFFFFFF, v52;
	v30 =	vand.u32 $0x7FFFFFFF, v53  }
0x176: {  	v63 =	vand.u32 $0x7FFFFFFF, v59;
	v59 =	vand.u32 $0x7FFFFFFF, v55;
	v44 =	vand.u32 $0x7FFFFFFF, v44  }
0x177: {  	v42 =	vand.u32 $0x7FFFFFFF, v62;
	v38 =	vand.u32 $0x7FFFFFFF, v56;
	vm0 =	vgt.f32 v31, v51  }
0x178: {  	vm1 =	vgt.f32 v51, v25;
	vm3 =	vgt.f32 v25, v27;
	vm4 =	vgt.f32 v31, v25  }
0x179: {  	vm2 =	vgt.f32 v30, v33;
	vm5 =	vgt.f32 v30, v54;
	vm13 =	vgt.f32 v59, v42  }
0x17a: {  	vm8 =	vgt.f32 v44, v42;
	v35 =	vsel vm0, $0x1, v4;
	vm0 =	vgt.f32 v31, v27  }
0x17b: {  	v28 =	vsel vm1, $0x1, v4;
	vm1 =	vgt.f32 v33, v57;
	v32 =	vsel vm3, $0x1, v4  }
0x17c: {  	v60 =	vld.idx.msk [tilespmem:v15+s29+$0x0], $0xffff;
	vm3 =	vgt.f32 v33, v54;
	v39 =	vsel vm4, $0x1, v4;
	v29 =	vsel vm0, $0x1, v4  }
0x17d: {  	vm0 =	vgt.f32 v51, v27;
	v27 =	vsel vm1, $0x1, v4;
	vm1 =	vgt.f32 v30, v57  }
0x17e: {  	v30 =	vsel vm5, $0x1, v4;
	v45 =	vadd.s32 v35, v39;
	v25 =	vsel vm0, $0x1, v4;
	v58 =	vld.idx.msk [tilespmem:v17+s29+$0x0], $0xffff  }
0x17f: {  	v33 =	vsel vm1, $0x1, v4;
	v31 =	vadd.s32 v28, v25;
	v25 =	vadd.s32 v25, v29;
	v61 =	vld.idx.msk [tilespmem:v16+s29+$0x0], $0xffff  }
0x180: {  	vm0 =	vle.u32 v31, v35;
	v31 =	vsel vm2, $0x1, v4;
	vm2 =	vgt.f32 v57, v54  }
0x181: {  	v25 =	vadd.s32 v32, v25;
	v57 =	vand.u32 $0x7FFFFFFF, v60;
	v60 =	vsel vm13, $0x1, v4  }
0x182: {  	vm5 =	vgt.f32 v59, v57;
	vm14 =	vgt.f32 v42, v57;
	vm15 =	vgt.f32 v44, v57  }
0x183: {  	v49 =	vsel vm5, $0x1, v4;
	v46 =	vsel vm15, $0x1, v4;
	v62 =	vsel vm14, $0x1, v4  }
0x184: {  	v43 =	vand.u32 $0x7FFFFFFF, v58;
	v58 =	vadd.s32 v31, v33;
	v40 =	vand.u32 $0x7FFFFFFF, v61  }
0x185: {  	v61 =	vsel vm8, $0x1, v4;
	vm1 =	vgt.f32 v63, v43;
	v41 =	vadd.s32 v30, v58  }
0x186: {  	vm12 =	vgt.f32 v63, v40;
	vm4 =	vgt.f32 v40, v43;
	v52 =	vadd.s32 v61, v60  }
0x187: {  	v48 =	vadd.s32 v61, v46;
	v37 =	vsel vm12, $0x1, v4;
	v34 =	vsel vm1, $0x1, v4  }
0x188: {  	v42 =	vsel vm4, $0x1, v4;
	vm1 =	vgt.f32 v59, v44;
	vm4 =	vgt.f32 v38, v63  }
0x189: {  	v63 =	vadd.s32 v46, v49;
	v35 =	vadd.s32 v37, v34;
	v50 =	vsel vm1, $0x1, v4  }
0x18a: {  	v47 =	vsel vm4, $0x1, v4;
	vm4 =	vgt.f32 v38, v40;
	vm1 =	vgt.u32 v52, v62  }
0x18b: {  	s12 =	simm.s32 $0x100;
	v36 =	vadd.s32 v62, v63;
	v51 =	vadd.s32 v50, v60;
	v46 =	vsel vm4, $0x1, v4  }
.LBB2_8:
0x18c: {  	s14 =	sadd.s32 $0x80, s12  }
0x18d: {  	p0 =	slt.u32 s12, $0x3F00;
	vm4 =	vgt.u32 v36, $0x1;
	vm6 =	vgt.f32 v38, v43;
	vm5 =	vle.u32 v35, v47;
	s13 =	smov.u32 s12;
	s12 =	sadd.s32 $0x100, s12  }
0x18e: {  	v43 =	vor.u32 s14, v0;
	v44 =	vor.u32 s14, v1;
	s15 =	sadd.s32 $0xC0, s13;
	v52 =	vsel vm6, $0x1, v4  }
0x18f: {  	v40 =	vor.u32 s13, v6;
	v38 =	vor.u32 s14, v2;
	v53 =	vor.u32 s15, v6  }
0x190: {  	v35 =	vor.u32 s14, v3;
	v36 =	vor.u32 s15, v8;
	v54 =	vadd.s32 v34, v52  }
0x191: {  	v55 =	vor.u32 s15, v7;
	v34 =	vor.u32 s15, v9;
	v54 =	vadd.s32 v42, v54  }
0x192: {  	v49 =	vadd.s32 v49, v51;
	vm8 =	vle.u32 v48, v50;
	vm6 =	vgt.u32 v54, $0x1  }
0x193: {  	v47 =	vadd.s32 v47, v46;
	v29 =	vadd.s32 v29, v45;
	v28 =	vadd.s32 v28, v39;
	v48 =	vld.idx.msk [tilespmem:v43+s29+$0x0], $0xffff  }
0x194: {  	vm13 =	vlt.u32 v41, $0x2;
	vm11 =	vlt.u32 v29, $0x2;
	v45 =	vadd.s32 v52, v47;
	v39 =	vld.idx.msk [tilespmem:v44+s29+$0x0], $0xffff  }
0x195: {  	v41 =	vsel vm3, $0x1, v4;
	vm10 =	vlt.u32 v45, $0x2;
	v45 =	vsel vm2, $0x1, v4;
	v29 =	vld.idx.msk [tilespmem:v38+s29+$0x0], $0xffff  }
0x196: {  	v37 =	vadd.s32 v37, v46;
	vm9 =	vgt.u32 v28, v32;
	v28 =	vadd.s32 v27, v41;
	v47 =	vld.idx.msk [tilespmem:v34+s29+$0x0], $0xffff  }
0x197: {  	vm7 =	vgt.u32 v37, v42;
	vm14 =	vle.u32 v28, v31;
	v28 =	vadd.s32 v41, v30;
	v32 =	vld.idx.msk [tilespmem:v35+s29+$0x0], $0xffff  }
0x198: {  	vm12 =	vlt.u32 v49, $0x2;
	v27 =	vadd.s32 v27, v33;
	v28 =	vadd.s32 v45, v28;
	v30 =	vld.idx.msk [tilespmem:v36+s29+$0x0], $0xffff  }
0x199: {  	v46 =	vor.u32 s13, v0;
	v49 =	vor.u32 s13, v3;
	vm2 =	vgt.u32 v28, $0x1;
	v31 =	vld.idx.msk [tilespmem:v53+s29+$0x0], $0xffff  }
0x19a: {  	vm3 =	vgt.u32 v27, v45;
	v33 =	vand.u32 $0x7FFFFFFF, v48;
	v28 =	vand.u32 $0x7FFFFFFF, v39;
	v37 =	vld.idx.msk [tilespmem:v55+s29+$0x0], $0xffff  }
0x19b: {  	v50 =	vor.u32 s13, v8;
	v51 =	vor.u32 s13, v9;
	v48 =	vor.u32 s13, v7;
	[tilespmem:v13+s29+$0x0] =	vst.idx.msk vm13, v5;
	v13 =	vmovc v53  }
0x19c: {  	v52 =	vor.u32 s13, v1;
	v53 =	vor.u32 s13, v2;
	vm13 =	vgt.f32 v33, v28;
	[tilespmem:v10+s29+$0x0] =	vst.idx.msk vm11, v5;
	v10 =	vmovc v43  }
0x19d: {  	v27 =	vand.u32 $0x7FFFFFFF, v29;
	v32 =	vand.u32 $0x7FFFFFFF, v32;
	v42 =	vsel vm13, $0x1, v4;
	[tilespmem:v11+s29+$0x0] =	vst.idx.msk vm14, v5;
	v11 =	vmovc v55  }
0x19e: {  	v39 =	vand.u32 $0x7FFFFFFF, v47;
	vm13 =	vgt.f32 v28, v27;
	vm11 =	vgt.f32 v33, v32;
	[tilespmem:v26+s29+$0x0] =	vst.idx.msk vm12, v5  }
0x19f: {  	vm14 =	vgt.f32 v28, v32;
	v41 =	vand.u32 $0x7FFFFFFF, v30;
	v29 =	vsel vm11, $0x1, v4;
	v26 =	vld.idx.msk [tilespmem:v46+s29+$0x0], $0xffff;
	[tilespmem:v23+s29+$0x0] =	vst.idx.msk vm10, v5  }
0x1a0: {  	vm11 =	vgt.f32 v27, v32;
	v30 =	vand.u32 $0x7FFFFFFF, v31;
	v37 =	vand.u32 $0x7FFFFFFF, v37;
	v23 =	vld.idx.msk [tilespmem:v51+s29+$0x0], $0xffff;
	[tilespmem:v18+s29+$0x0] =	vst.idx.msk vm0, v5  }
0x1a1: {  	v28 =	vsel vm13, $0x1, v4;
	vm12 =	vgt.u32 v25, $0x1;
	vm0 =	vgt.f32 v37, v41;
	v18 =	vld.idx.msk [tilespmem:v48+s29+$0x0], $0xffff;
	[tilespmem:v22+s29+$0x0] =	vst.idx.msk vm3, v5  }
0x1a2: {  	v25 =	vsel vm14, $0x1, v4;
	vm10 =	vgt.f32 v33, v27;
	v27 =	vsel vm0, $0x1, v4;
	v22 =	vld.idx.msk [tilespmem:v49+s29+$0x0], $0xffff;
	[tilespmem:v21+s29+$0x0] =	vst.idx.msk vm2, v5  }
0x1a3: {  	v31 =	vadd.s32 v28, v25;
	v25 =	vadd.s32 v25, v29;
	vm13 =	vgt.f32 v30, v41;
	v21 =	vld.idx.msk [tilespmem:v50+s29+$0x0], $0xffff  }
0x1a4: {  	vm0 =	vle.u32 v31, v42;
	vm3 =	vgt.f32 v30, v39;
	vm2 =	vgt.f32 v30, v37;
	v45 =	vld.idx.msk [tilespmem:v53+s29+$0x0], $0xffff  }
0x1a5: {  	v30 =	vsel vm3, $0x1, v4;
	v31 =	vsel vm2, $0x1, v4;
	vm2 =	vgt.f32 v41, v39;
	v47 =	vld.idx.msk [tilespmem:v52+s29+$0x0], $0xffff;
	[tilespmem:v24+s29+$0x0] =	vst.idx.msk vm8, v5  }
0x1a6: {  	v32 =	vsel vm11, $0x1, v4;
	vm3 =	vgt.f32 v37, v39;
	v43 =	vand.u32 $0x7FFFFFFF, v23;
	v24 =	vld.idx.msk [tilespmem:v40+s29+$0x0], $0xffff;
	[tilespmem:v12+s29+$0x0] =	vst.idx.msk vm9, v5  }
0x1a7: {  	v25 =	vadd.s32 v32, v25;
	v33 =	vsel vm13, $0x1, v4;
	v54 =	vand.u32 $0x7FFFFFFF, v18;
	v18 =	vmovc v44;
	[tilespmem:v14+s29+$0x0] =	vst.idx.msk vm12, v5  }
0x1a8: {  	v12 =	vadd.s32 v31, v33;
	v44 =	vand.u32 $0x7FFFFFFF, v22;
	vm8 =	vgt.f32 v54, v43;
	[tilespmem:v19+s29+$0x0] =	vst.idx.msk vm5, v5  }
0x1a9: {  	v55 =	vand.u32 $0x7FFFFFFF, v26;
	v23 =	vmovc v40;
	v41 =	vadd.s32 v30, v12;
	v56 =	vand.u32 $0x7FFFFFFF, v21;
	[tilespmem:v20+s29+$0x0] =	vst.idx.msk vm1, v5  }
0x1aa: {  	v39 =	vsel vm10, $0x1, v4;
	vm1 =	vgt.f32 v55, v44;
	vm5 =	vgt.f32 v54, v56;
	[tilespmem:v15+s29+$0x0] =	vst.idx.msk vm4, v5  }
0x1ab: {  	v12 =	vmovc v38;
	v20 =	vand.u32 $0x7FFFFFFF, v47;
	v15 =	vand.u32 $0x7FFFFFFF, v45;
	vm4 =	vgt.f32 v56, v43;
	[tilespmem:v16+s29+$0x0] =	vst.idx.msk vm7, v5  }
0x1ac: {  	v37 =	vsel vm5, $0x1, v4;
	vm7 =	vgt.f32 v55, v15;
	vm9 =	vgt.f32 v20, v15;
	[tilespmem:v17+s29+$0x0] =	vst.idx.msk vm6, v5  }
0x1ad: {  	v14 =	vmovc v35;
	v22 =	vmovc v36;
	v38 =	vand.u32 $0x7FFFFFFF, v24;
	v40 =	vsel vm7, $0x1, v4;
	v17 =	vsel vm9, $0x1, v4  }
0x1ae: {  	v21 =	vmovc v34;
	v45 =	vadd.s32 v42, v39;
	vm5 =	vgt.f32 v15, v44;
	v36 =	vadd.s32 v17, v40  }
0x1af: {  	v26 =	vmovc v46;
	v34 =	vsel vm8, $0x1, v4;
	v42 =	vsel vm4, $0x1, v4;
	vm6 =	vgt.f32 v20, v44;
	v15 =	vmovc v49  }
.Ltmp3:
0x1b0: {  	v19 =	vmovc v48;
	v35 =	vadd.s32 v37, v34;
	v16 =	vmovc v50;
	v49 =	vsel vm1, $0x1, v4;
	v44 =	vsel vm6, $0x1, v4;
	(pc) =	sbr.rel @p0 .LBB2_8-.Ltmp3, $4  }
0x1b1: {  	vm4 =	vgt.f32 v38, v54;
	vm1 =	vgt.f32 v55, v20;
	v48 =	vadd.s32 v17, v44;
	v17 =	vmovc v51  }
0x1b2: {  	v24 =	vmovc v52;
	v47 =	vsel vm4, $0x1, v4;
	vm4 =	vgt.f32 v38, v56;
	v20 =	vmovc v53;
	v50 =	vsel vm1, $0x1, v4  }
0x1b3: {  	v46 =	vsel vm5, $0x1, v4;
	v51 =	vadd.s32 v50, v40;
	v40 =	vadd.s32 v44, v49  }
0x1b4: {  	vm1 =	vgt.u32 v36, v46;
	v36 =	vadd.s32 v46, v40;
	v46 =	vsel vm4, $0x1, v4  }
0x1b5: {  	v29 =	vadd.s32 v29, v45;
	vm5 =	vlt.u32 v41, $0x2  }
0x1b6: {  	v57 =	vsel vm3, $0x1, v4;
	v59 =	vadd.s32 v49, v51;
	vm13 =	vlt.u32 v29, $0x2  }
0x1b7: {  	v58 =	vadd.s32 v27, v57;
	vm6 =	vlt.u32 v59, $0x2  }
0x1b8: {  	vm4 =	vgt.f32 v38, v43;
	vm14 =	vle.u32 v58, v31  }
0x1b9: {  	v60 =	vadd.s32 v47, v46;
	v40 =	vsel vm4, $0x1, v4  }
0x1ba: {  	vm9 =	vle.u32 v48, v50;
	v61 =	vadd.s32 v40, v60  }
0x1bb: {  	v62 =	vsel vm2, $0x1, v4;
	v63 =	vadd.s32 v27, v33;
	vm7 =	vlt.u32 v61, $0x2;
	[tilespmem:v13+s29+$0x0] =	vst.idx.msk vm5, v5  }
0x1bc: {  	v30 =	vadd.s32 v57, v30;
	vm2 =	vgt.u32 v63, v62;
	[tilespmem:v10+s29+$0x0] =	vst.idx.msk vm13, v5  }
0x1bd: {  	v30 =	vadd.s32 v62, v30;
	[tilespmem:v26+s29+$0x0] =	vst.idx.msk vm6, v5  }
0x1be: {  	vm15 =	vgt.u32 v30, $0x1;
	[tilespmem:v11+s29+$0x0] =	vst.idx.msk vm14, v5  }
0x1bf: {  	vm12 =	vle.u32 v35, v47;
	[tilespmem:v18+s29+$0x0] =	vst.idx.msk vm0, v5  }
0x1c0: {  	v10 =	vadd.s32 v28, v39;
	vm13 =	vgt.u32 v36, $0x1;
	[tilespmem:v24+s29+$0x0] =	vst.idx.msk vm9, v5  }
0x1c1: {  	vm10 =	vgt.u32 v10, v32;
	[tilespmem:v23+s29+$0x0] =	vst.idx.msk vm7, v5  }
0x1c2: {  	vm11 =	vgt.u32 v25, $0x1;
	v10 =	vadd.s32 v34, v40;
	v11 =	vadd.s32 v37, v46;
	[tilespmem:v22+s29+$0x0] =	vst.idx.msk vm2, v5  }
0x1c3: {  	v10 =	vadd.s32 v42, v10;
	vm14 =	vgt.u32 v11, v42;
	[tilespmem:v20+s29+$0x0] =	vst.idx.msk vm1, v5  }
0x1c4: {  	[tilespmem:v21+s29+$0x0] =	vst.idx.msk vm15, v5;
	vm15 =	vgt.u32 v10, $0x1  }
0x1c5: {  	[tilespmem:v19+s29+$0x0] =	vst.idx.msk vm12, v5  }
0x1c6: {  	[tilespmem:v15+s29+$0x0] =	vst.idx.msk vm13, v5  }
0x1c7: {  	[tilespmem:v12+s29+$0x0] =	vst.idx.msk vm10, v5  }
0x1c8: {  	[tilespmem:v14+s29+$0x0] =	vst.idx.msk vm11, v5  }
0x1c9: {  	[tilespmem:v16+s29+$0x0] =	vst.idx.msk vm14, v5  }
0x1ca: {  	[tilespmem:v17+s29+$0x0] =	vst.idx.msk vm15, v5  }
0x1cb: {  	s12 =	rddreg [dreg:$0xa]  }
0x1cc: {  	[hbm4b:s12+s23] =	stream.strided.scatter [tilespmem:s29], [sflag:$0x8], $0x4000, s24, s23, $0x38;
	[tilespmem:$0x10000] =	vst v63  }
0x1cd: {  	_ =	swait.ge [sflag:s8], $0x4000  }
0x1ce: {  	[sflag:s8] =	ssyncset.done $0x0  }
0x1cf: {  	s12 =	simm.s32 $0x1;
	s20 =	rddreg [dreg:$0xb];
	[sflag:s8] =	ssyncadd.s32 $0xFFFFC000  }
0x1d0: {  	[tilespmem:s26], [sflag:$0x3] =	stream.strided.gather [hbm4b:s20+s23], $0x4000, s24, s23, $0x38;
	[tilespmem:$0x10000] =	vst v63  }
.LBB2_10:
0x1d1: {  	s13 =	simm.s32 $0x80  }
0x1d2: {  	v10 =	vor.u32 s13, v0  }
0x1d3: {  	v18 =	vor.u32 s13, v1  }
0x1d4: {  	_ =	swait.ge [sflag:s28], $0x4000;
	v12 =	vor.u32 s13, v2  }
0x1d5: {  	s14 =	simm.s32 $0xC0;
	[sflag:s28] =	ssyncset.done $0x0;
	v14 =	vor.u32 s13, v3  }
0x1d6: {  	v21 =	vor.u32 s14, v9;
	[sflag:s28] =	ssyncadd.s32 $0xFFFFC000  }
0x1d7: {  	v22 =	vor.u32 s14, v8;
	v16 =	vld.idx.msk [tilespmem:v10+s4+$0x0], $0xffff  }
0x1d8: {  	v11 =	vor.u32 s14, v7;
	v17 =	vld.idx.msk [tilespmem:v18+s4+$0x0], $0xffff  }
0x1d9: {  	s20 =	simm.s32 $0x0;
	v13 =	vor.u32 s14, v6;
	v25 =	vld.idx.msk [tilespmem:v12+s4+$0x0], $0xffff  }
0x1da: {  	v26 =	vor.u32 s20, v0;
	v27 =	vld.idx.msk [tilespmem:v14+s4+$0x0], $0xffff  }
0x1db: {  	v19 =	vor.u32 s20, v7;
	v28 =	vld.idx.msk [tilespmem:v21+s4+$0x0], $0xffff  }
0x1dc: {  	v15 =	vor.u32 s20, v3;
	v30 =	vld.idx.msk [tilespmem:v22+s4+$0x0], $0xffff  }
0x1dd: {  	v20 =	vor.u32 s20, v2;
	v33 =	vld.idx.msk [tilespmem:v11+s4+$0x0], $0xffff  }
0x1de: {  	v24 =	vor.u32 s20, v1;
	v34 =	vld.idx.msk [tilespmem:v13+s4+$0x0], $0xffff  }
0x1df: {  	v37 =	vld.idx.msk [tilespmem:v26+s4+$0x0], $0xffff  }
0x1e0: {  	v58 =	vld.idx.msk [tilespmem:v19+s4+$0x0], $0xffff  }
0x1e1: {  	v39 =	vld.idx.msk [tilespmem:v15+s4+$0x0], $0xffff  }
0x1e2: {  	v42 =	vld.idx.msk [tilespmem:v20+s4+$0x0], $0xffff  }
0x1e3: {  	v23 =	vor.u32 s20, v6;
	v44 =	vld.idx.msk [tilespmem:v24+s4+$0x0], $0xffff;
	v31 =	vand.u32 $0x7FFFFFFF, v16  }
0x1e4: {  	v32 =	vand.u32 $0x7FFFFFFF, v17;
	v17 =	vor.u32 s20, v8;
	v16 =	vor.u32 s20, v9  }
0x1e5: {  	v25 =	vand.u32 $0x7FFFFFFF, v25;
	v27 =	vand.u32 $0x7FFFFFFF, v27;
	v36 =	vand.u32 $0x7FFFFFFF, v28  }
0x1e6: {  	v57 =	vand.u32 $0x7FFFFFFF, v30;
	v33 =	vand.u32 $0x7FFFFFFF, v33;
	v30 =	vand.u32 $0x7FFFFFFF, v34  }
0x1e7: {  	v59 =	vand.u32 $0x7FFFFFFF, v58;
	v46 =	vand.u32 $0x7FFFFFFF, v39;
	v47 =	vand.u32 $0x7FFFFFFF, v37  }
0x1e8: {  	v44 =	vand.u32 $0x7FFFFFFF, v44;
	v42 =	vand.u32 $0x7FFFFFFF, v42;
	vm0 =	vgt.f32 v31, v32  }
0x1e9: {  	vm1 =	vgt.f32 v32, v25;
	vm3 =	vgt.f32 v25, v27;
	vm4 =	vgt.f32 v31, v25  }
0x1ea: {  	vm2 =	vgt.f32 v30, v33;
	vm5 =	vgt.f32 v30, v36;
	vm7 =	vgt.f32 v47, v42  }
0x1eb: {  	vm8 =	vgt.f32 v44, v42;
	vm14 =	vgt.f32 v42, v46;
	vm15 =	vgt.f32 v44, v46  }
0x1ec: {  	v35 =	vsel vm0, $0x1, v4;
	vm0 =	vgt.f32 v31, v27;
	v28 =	vsel vm1, $0x1, v4  }
0x1ed: {  	vm1 =	vgt.f32 v33, v57;
	v39 =	vsel vm4, $0x1, v4;
	v51 =	vsel vm7, $0x1, v4  }
0x1ee: {  	v48 =	vsel vm8, $0x1, v4;
	v62 =	vsel vm14, $0x1, v4;
	v29 =	vsel vm0, $0x1, v4  }
0x1ef: {  	vm0 =	vgt.f32 v32, v27;
	v27 =	vsel vm1, $0x1, v4;
	vm1 =	vgt.f32 v30, v57  }
0x1f0: {  	v60 =	vld.idx.msk [tilespmem:v23+s4+$0x0], $0xffff;
	v30 =	vsel vm5, $0x1, v4;
	v32 =	vsel vm3, $0x1, v4;
	vm3 =	vgt.f32 v33, v36  }
0x1f1: {  	vm5 =	vgt.f32 v47, v46;
	v52 =	vadd.s32 v48, v51;
	v45 =	vadd.s32 v35, v39;
	v38 =	vld.idx.msk [tilespmem:v16+s4+$0x0], $0xffff  }
0x1f2: {  	v46 =	vsel vm15, $0x1, v4;
	v25 =	vsel vm0, $0x1, v4;
	v33 =	vsel vm1, $0x1, v4;
	v40 =	vld.idx.msk [tilespmem:v17+s4+$0x0], $0xffff  }
0x1f3: {  	v49 =	vsel vm5, $0x1, v4;
	v48 =	vadd.s32 v48, v46;
	v31 =	vadd.s32 v28, v25  }
0x1f4: {  	v25 =	vadd.s32 v25, v29;
	vm0 =	vle.u32 v31, v35;
	v31 =	vsel vm2, $0x1, v4  }
0x1f5: {  	v63 =	vadd.s32 v46, v49;
	vm2 =	vgt.f32 v57, v36;
	v61 =	vadd.s32 v31, v33  }
0x1f6: {  	v25 =	vadd.s32 v32, v25;
	v36 =	vadd.s32 v62, v63;
	v41 =	vadd.s32 v30, v61  }
0x1f7: {  	v43 =	vand.u32 $0x7FFFFFFF, v38;
	v40 =	vand.u32 $0x7FFFFFFF, v40;
	v38 =	vand.u32 $0x7FFFFFFF, v60  }
0x1f8: {  	vm1 =	vgt.f32 v59, v43;
	vm6 =	vgt.f32 v59, v40;
	vm4 =	vgt.f32 v40, v43  }
0x1f9: {  	v37 =	vsel vm6, $0x1, v4;
	v34 =	vsel vm1, $0x1, v4;
	v42 =	vsel vm4, $0x1, v4  }
0x1fa: {  	vm1 =	vgt.f32 v47, v44;
	vm4 =	vgt.f32 v38, v59;
	v35 =	vadd.s32 v37, v34  }
0x1fb: {  	v50 =	vsel vm1, $0x1, v4;
	v47 =	vsel vm4, $0x1, v4;
	vm4 =	vgt.f32 v38, v40  }
0x1fc: {  	s13 =	simm.s32 $0x100;
	vm1 =	vgt.u32 v52, v62;
	v51 =	vadd.s32 v50, v51;
	v46 =	vsel vm4, $0x1, v4  }
.LBB2_11:
0x1fd: {  	s15 =	sadd.s32 $0x80, s13  }
0x1fe: {  	p0 =	slt.u32 s13, $0x3F00;
	vm4 =	vgt.u32 v36, $0x1;
	vm6 =	vgt.f32 v38, v43;
	vm5 =	vle.u32 v35, v47;
	s14 =	smov.u32 s13;
	s13 =	sadd.s32 $0x100, s13  }
0x1ff: {  	v43 =	vor.u32 s15, v0;
	v44 =	vor.u32 s15, v1;
	s16 =	sadd.s32 $0xC0, s14;
	v52 =	vsel vm6, $0x1, v4  }
0x200: {  	v40 =	vor.u32 s14, v6;
	v38 =	vor.u32 s15, v2;
	v53 =	vor.u32 s16, v6  }
0x201: {  	v35 =	vor.u32 s15, v3;
	v36 =	vor.u32 s16, v8;
	v54 =	vadd.s32 v34, v52  }
0x202: {  	v55 =	vor.u32 s16, v7;
	v34 =	vor.u32 s16, v9;
	v54 =	vadd.s32 v42, v54  }
0x203: {  	v49 =	vadd.s32 v49, v51;
	vm8 =	vle.u32 v48, v50;
	vm6 =	vgt.u32 v54, $0x1  }
0x204: {  	v47 =	vadd.s32 v47, v46;
	v29 =	vadd.s32 v29, v45;
	v28 =	vadd.s32 v28, v39;
	v48 =	vld.idx.msk [tilespmem:v43+s4+$0x0], $0xffff  }
0x205: {  	vm13 =	vlt.u32 v41, $0x2;
	vm11 =	vlt.u32 v29, $0x2;
	v45 =	vadd.s32 v52, v47;
	v39 =	vld.idx.msk [tilespmem:v44+s4+$0x0], $0xffff  }
0x206: {  	v41 =	vsel vm3, $0x1, v4;
	vm10 =	vlt.u32 v45, $0x2;
	v45 =	vsel vm2, $0x1, v4;
	v29 =	vld.idx.msk [tilespmem:v38+s4+$0x0], $0xffff  }
0x207: {  	v37 =	vadd.s32 v37, v46;
	vm9 =	vgt.u32 v28, v32;
	v28 =	vadd.s32 v27, v41;
	v47 =	vld.idx.msk [tilespmem:v34+s4+$0x0], $0xffff  }
0x208: {  	vm7 =	vgt.u32 v37, v42;
	vm14 =	vle.u32 v28, v31;
	v28 =	vadd.s32 v41, v30;
	v32 =	vld.idx.msk [tilespmem:v35+s4+$0x0], $0xffff  }
0x209: {  	vm12 =	vlt.u32 v49, $0x2;
	v27 =	vadd.s32 v27, v33;
	v28 =	vadd.s32 v45, v28;
	v30 =	vld.idx.msk [tilespmem:v36+s4+$0x0], $0xffff  }
0x20a: {  	v46 =	vor.u32 s14, v0;
	v49 =	vor.u32 s14, v3;
	vm2 =	vgt.u32 v28, $0x1;
	v31 =	vld.idx.msk [tilespmem:v53+s4+$0x0], $0xffff  }
0x20b: {  	vm3 =	vgt.u32 v27, v45;
	v33 =	vand.u32 $0x7FFFFFFF, v48;
	v28 =	vand.u32 $0x7FFFFFFF, v39;
	v37 =	vld.idx.msk [tilespmem:v55+s4+$0x0], $0xffff  }
0x20c: {  	v50 =	vor.u32 s14, v8;
	v51 =	vor.u32 s14, v9;
	v48 =	vor.u32 s14, v7;
	[tilespmem:v13+s4+$0x0] =	vst.idx.msk vm13, v5;
	v13 =	vmovc v53  }
0x20d: {  	v52 =	vor.u32 s14, v1;
	v53 =	vor.u32 s14, v2;
	vm13 =	vgt.f32 v33, v28;
	[tilespmem:v10+s4+$0x0] =	vst.idx.msk vm11, v5;
	v10 =	vmovc v43  }
0x20e: {  	v27 =	vand.u32 $0x7FFFFFFF, v29;
	v32 =	vand.u32 $0x7FFFFFFF, v32;
	v42 =	vsel vm13, $0x1, v4;
	[tilespmem:v11+s4+$0x0] =	vst.idx.msk vm14, v5;
	v11 =	vmovc v55  }
0x20f: {  	v39 =	vand.u32 $0x7FFFFFFF, v47;
	vm13 =	vgt.f32 v28, v27;
	vm11 =	vgt.f32 v33, v32;
	[tilespmem:v26+s4+$0x0] =	vst.idx.msk vm12, v5  }
0x210: {  	vm14 =	vgt.f32 v28, v32;
	v41 =	vand.u32 $0x7FFFFFFF, v30;
	v29 =	vsel vm11, $0x1, v4;
	v26 =	vld.idx.msk [tilespmem:v46+s4+$0x0], $0xffff;
	[tilespmem:v23+s4+$0x0] =	vst.idx.msk vm10, v5  }
0x211: {  	vm11 =	vgt.f32 v27, v32;
	v30 =	vand.u32 $0x7FFFFFFF, v31;
	v37 =	vand.u32 $0x7FFFFFFF, v37;
	v23 =	vld.idx.msk [tilespmem:v51+s4+$0x0], $0xffff;
	[tilespmem:v18+s4+$0x0] =	vst.idx.msk vm0, v5  }
0x212: {  	v28 =	vsel vm13, $0x1, v4;
	vm12 =	vgt.u32 v25, $0x1;
	vm0 =	vgt.f32 v37, v41;
	v18 =	vld.idx.msk [tilespmem:v48+s4+$0x0], $0xffff;
	[tilespmem:v22+s4+$0x0] =	vst.idx.msk vm3, v5  }
0x213: {  	v25 =	vsel vm14, $0x1, v4;
	vm10 =	vgt.f32 v33, v27;
	v27 =	vsel vm0, $0x1, v4;
	v22 =	vld.idx.msk [tilespmem:v49+s4+$0x0], $0xffff;
	[tilespmem:v21+s4+$0x0] =	vst.idx.msk vm2, v5  }
0x214: {  	v31 =	vadd.s32 v28, v25;
	v25 =	vadd.s32 v25, v29;
	vm13 =	vgt.f32 v30, v41;
	v21 =	vld.idx.msk [tilespmem:v50+s4+$0x0], $0xffff  }
0x215: {  	vm0 =	vle.u32 v31, v42;
	vm3 =	vgt.f32 v30, v39;
	vm2 =	vgt.f32 v30, v37;
	v45 =	vld.idx.msk [tilespmem:v53+s4+$0x0], $0xffff  }
0x216: {  	v30 =	vsel vm3, $0x1, v4;
	v31 =	vsel vm2, $0x1, v4;
	vm2 =	vgt.f32 v41, v39;
	v47 =	vld.idx.msk [tilespmem:v52+s4+$0x0], $0xffff;
	[tilespmem:v24+s4+$0x0] =	vst.idx.msk vm8, v5  }
0x217: {  	v32 =	vsel vm11, $0x1, v4;
	vm3 =	vgt.f32 v37, v39;
	v43 =	vand.u32 $0x7FFFFFFF, v23;
	v24 =	vld.idx.msk [tilespmem:v40+s4+$0x0], $0xffff;
	[tilespmem:v12+s4+$0x0] =	vst.idx.msk vm9, v5  }
0x218: {  	v25 =	vadd.s32 v32, v25;
	v33 =	vsel vm13, $0x1, v4;
	v54 =	vand.u32 $0x7FFFFFFF, v18;
	v18 =	vmovc v44;
	[tilespmem:v14+s4+$0x0] =	vst.idx.msk vm12, v5  }
0x219: {  	v12 =	vadd.s32 v31, v33;
	v44 =	vand.u32 $0x7FFFFFFF, v22;
	vm8 =	vgt.f32 v54, v43;
	[tilespmem:v19+s4+$0x0] =	vst.idx.msk vm5, v5  }
0x21a: {  	v55 =	vand.u32 $0x7FFFFFFF, v26;
	v23 =	vmovc v40;
	v41 =	vadd.s32 v30, v12;
	v56 =	vand.u32 $0x7FFFFFFF, v21;
	[tilespmem:v20+s4+$0x0] =	vst.idx.msk vm1, v5  }
0x21b: {  	v39 =	vsel vm10, $0x1, v4;
	vm1 =	vgt.f32 v55, v44;
	vm5 =	vgt.f32 v54, v56;
	[tilespmem:v15+s4+$0x0] =	vst.idx.msk vm4, v5  }
0x21c: {  	v12 =	vmovc v38;
	v20 =	vand.u32 $0x7FFFFFFF, v47;
	v15 =	vand.u32 $0x7FFFFFFF, v45;
	vm4 =	vgt.f32 v56, v43;
	[tilespmem:v17+s4+$0x0] =	vst.idx.msk vm7, v5  }
0x21d: {  	v37 =	vsel vm5, $0x1, v4;
	vm7 =	vgt.f32 v55, v15;
	vm9 =	vgt.f32 v20, v15;
	[tilespmem:v16+s4+$0x0] =	vst.idx.msk vm6, v5  }
0x21e: {  	v14 =	vmovc v35;
	v22 =	vmovc v36;
	v38 =	vand.u32 $0x7FFFFFFF, v24;
	v40 =	vsel vm7, $0x1, v4;
	v16 =	vsel vm9, $0x1, v4  }
0x21f: {  	v21 =	vmovc v34;
	v45 =	vadd.s32 v42, v39;
	vm5 =	vgt.f32 v15, v44;
	v36 =	vadd.s32 v16, v40  }
0x220: {  	v26 =	vmovc v46;
	v34 =	vsel vm8, $0x1, v4;
	v42 =	vsel vm4, $0x1, v4;
	vm6 =	vgt.f32 v20, v44;
	v15 =	vmovc v49  }
.Ltmp4:
0x221: {  	v19 =	vmovc v48;
	v35 =	vadd.s32 v37, v34;
	v17 =	vmovc v50;
	v49 =	vsel vm1, $0x1, v4;
	v44 =	vsel vm6, $0x1, v4;
	(pc) =	sbr.rel @p0 .LBB2_11-.Ltmp4, $4  }
0x222: {  	vm4 =	vgt.f32 v38, v54;
	vm1 =	vgt.f32 v55, v20;
	v48 =	vadd.s32 v16, v44;
	v16 =	vmovc v51  }
0x223: {  	v24 =	vmovc v52;
	v47 =	vsel vm4, $0x1, v4;
	vm4 =	vgt.f32 v38, v56;
	v20 =	vmovc v53;
	v50 =	vsel vm1, $0x1, v4  }
0x224: {  	v46 =	vsel vm5, $0x1, v4;
	v51 =	vadd.s32 v50, v40;
	v40 =	vadd.s32 v44, v49  }
0x225: {  	vm1 =	vgt.u32 v36, v46;
	v36 =	vadd.s32 v46, v40;
	v46 =	vsel vm4, $0x1, v4  }
0x226: {  	v29 =	vadd.s32 v29, v45;
	vm5 =	vlt.u32 v41, $0x2  }
0x227: {  	v63 =	vsel vm3, $0x1, v4;
	v45 =	vadd.s32 v49, v51;
	vm3 =	vlt.u32 v29, $0x2  }
0x228: {  	vm4 =	vgt.f32 v38, v43;
	v29 =	vadd.s32 v27, v63;
	vm6 =	vlt.u32 v45, $0x2  }
0x229: {  	v49 =	vadd.s32 v47, v46;
	v40 =	vsel vm4, $0x1, v4;
	vm4 =	vle.u32 v29, v31  }
0x22a: {  	v29 =	vadd.s32 v40, v49  }
0x22b: {  	v27 =	vadd.s32 v27, v33;
	vm7 =	vlt.u32 v29, $0x2;
	v29 =	vsel vm2, $0x1, v4  }
0x22c: {  	v30 =	vadd.s32 v63, v30;
	vm2 =	vgt.u32 v27, v29;
	[tilespmem:v13+s4+$0x0] =	vst.idx.msk vm5, v5  }
0x22d: {  	vm11 =	vle.u32 v35, v47;
	v30 =	vadd.s32 v29, v30;
	[tilespmem:v10+s4+$0x0] =	vst.idx.msk vm3, v5  }
0x22e: {  	vm5 =	vgt.u32 v30, $0x1;
	[tilespmem:v26+s4+$0x0] =	vst.idx.msk vm6, v5  }
0x22f: {  	vm3 =	vle.u32 v48, v50;
	v10 =	vadd.s32 v28, v39;
	[tilespmem:v11+s4+$0x0] =	vst.idx.msk vm4, v5  }
0x230: {  	vm4 =	vgt.u32 v10, v32;
	[tilespmem:v18+s4+$0x0] =	vst.idx.msk vm0, v5  }
0x231: {  	[tilespmem:v23+s4+$0x0] =	vst.idx.msk vm7, v5  }
0x232: {  	vm10 =	vgt.u32 v25, $0x1;
	[tilespmem:v22+s4+$0x0] =	vst.idx.msk vm2, v5  }
0x233: {  	vm0 =	vgt.u32 v36, $0x1;
	v10 =	vadd.s32 v34, v40;
	v11 =	vadd.s32 v37, v46;
	[tilespmem:v19+s4+$0x0] =	vst.idx.msk vm11, v5  }
0x234: {  	v10 =	vadd.s32 v42, v10;
	vm2 =	vgt.u32 v11, v42;
	[tilespmem:v21+s4+$0x0] =	vst.idx.msk vm5, v5  }
0x235: {  	[tilespmem:v24+s4+$0x0] =	vst.idx.msk vm3, v5;
	vm3 =	vgt.u32 v10, $0x1  }
0x236: {  	[tilespmem:v12+s4+$0x0] =	vst.idx.msk vm4, v5  }
0x237: {  	s13 =	sshll.u32 s12, $0x2;
	[tilespmem:v20+s4+$0x0] =	vst.idx.msk vm1, v5  }
0x238: {  	s15 =	sshll.u32 s12, $0x6;
	s14 =	sadd.s32 s5, s13;
	[tilespmem:v14+s4+$0x0] =	vst.idx.msk vm10, v5  }
0x239: {  	s16 =	sand.u32 $0x40, s15;
	s14 =	sshll.u32 s14, $0xB;
	[tilespmem:v15+s4+$0x0] =	vst.idx.msk vm0, v5  }
0x23a: {  	s18 =	sadd.s32 s3, s16;
	s15 =	sand.u32 $0x7FC000, s14;
	[tilespmem:v17+s4+$0x0] =	vst.idx.msk vm2, v5  }
0x23b: {  	s17 =	simm.s32 $0x0;
	s14 =	sadd.s32 s15, s18;
	[tilespmem:v16+s4+$0x0] =	vst.idx.msk vm3, v5  }
0x23c: {  	[hbm4b:s14+s23] =	stream.strided.scatter [tilespmem:s17], [sflag:$0x5], $0x4000, s24, s23, $0x38;
	[tilespmem:$0x10000] =	vst v63  }
0x23d: {  	s19 =	sor.u32 s16, s15;
	_ =	swait.ge [sflag:s10], $0x4000  }
0x23e: {  	s18 =	simm.s32 $0x80;
	s14 =	sor.u32 $0x30, s19;
	[sflag:s10] =	ssyncset.done $0x0  }
0x23f: {  	v10 =	vor.u32 s18, v0;
	s19 =	sadd.s32 s2, s14;
	[sflag:s10] =	ssyncadd.s32 $0xFFFFC000  }
0x240: {  	v18 =	vor.u32 s18, v1;
	[tilespmem:s29], [sflag:$0x4] =	stream.strided.gather [hbm4b:s19+s23], $0x4000, s24, s23, $0x38;
	[tilespmem:$0x10000] =	vst v63  }
0x241: {  	v12 =	vor.u32 s18, v2;
	_ =	swait.ge [sflag:s30], $0x4000  }
0x242: {  	s20 =	simm.s32 $0xC0;
	v14 =	vor.u32 s18, v3;
	[sflag:s30] =	ssyncset.done $0x0  }
0x243: {  	v21 =	vor.u32 s20, v9;
	[sflag:s30] =	ssyncadd.s32 $0xFFFFC000  }
0x244: {  	v22 =	vor.u32 s20, v8;
	v16 =	vld.idx.msk [tilespmem:v10+s25+$0x0], $0xffff  }
0x245: {  	v11 =	vor.u32 s20, v7;
	v17 =	vld.idx.msk [tilespmem:v18+s25+$0x0], $0xffff  }
0x246: {  	v13 =	vor.u32 s20, v6;
	v25 =	vld.idx.msk [tilespmem:v12+s25+$0x0], $0xffff  }
0x247: {  	v26 =	vor.u32 s17, v0;
	v27 =	vld.idx.msk [tilespmem:v14+s25+$0x0], $0xffff  }
0x248: {  	v19 =	vor.u32 s17, v7;
	v28 =	vld.idx.msk [tilespmem:v21+s25+$0x0], $0xffff  }
0x249: {  	v20 =	vor.u32 s17, v2;
	v30 =	vld.idx.msk [tilespmem:v22+s25+$0x0], $0xffff  }
0x24a: {  	v24 =	vor.u32 s17, v1;
	v52 =	vld.idx.msk [tilespmem:v11+s25+$0x0], $0xffff  }
0x24b: {  	v23 =	vor.u32 s17, v6;
	v53 =	vld.idx.msk [tilespmem:v13+s25+$0x0], $0xffff  }
0x24c: {  	v55 =	vld.idx.msk [tilespmem:v26+s25+$0x0], $0xffff  }
0x24d: {  	v59 =	vld.idx.msk [tilespmem:v19+s25+$0x0], $0xffff  }
0x24e: {  	v62 =	vld.idx.msk [tilespmem:v20+s25+$0x0], $0xffff  }
0x24f: {  	v44 =	vld.idx.msk [tilespmem:v24+s25+$0x0], $0xffff  }
0x250: {  	v15 =	vor.u32 s17, v3;
	v56 =	vld.idx.msk [tilespmem:v23+s25+$0x0], $0xffff;
	v31 =	vand.u32 $0x7FFFFFFF, v16  }
0x251: {  	v51 =	vand.u32 $0x7FFFFFFF, v17;
	v17 =	vor.u32 s17, v8;
	v16 =	vor.u32 s17, v9  }
0x252: {  	v25 =	vand.u32 $0x7FFFFFFF, v25;
	v27 =	vand.u32 $0x7FFFFFFF, v27;
	v54 =	vand.u32 $0x7FFFFFFF, v28  }
0x253: {  	v57 =	vand.u32 $0x7FFFFFFF, v30;
	v33 =	vand.u32 $0x7FFFFFFF, v52;
	v30 =	vand.u32 $0x7FFFFFFF, v53  }
0x254: {  	v63 =	vand.u32 $0x7FFFFFFF, v59;
	v59 =	vand.u32 $0x7FFFFFFF, v55;
	v44 =	vand.u32 $0x7FFFFFFF, v44  }
0x255: {  	v42 =	vand.u32 $0x7FFFFFFF, v62;
	v38 =	vand.u32 $0x7FFFFFFF, v56;
	vm0 =	vgt.f32 v31, v51  }
0x256: {  	vm1 =	vgt.f32 v51, v25;
	vm3 =	vgt.f32 v25, v27;
	vm4 =	vgt.f32 v31, v25  }
0x257: {  	vm2 =	vgt.f32 v30, v33;
	vm5 =	vgt.f32 v30, v54;
	vm13 =	vgt.f32 v59, v42  }
0x258: {  	vm8 =	vgt.f32 v44, v42;
	v35 =	vsel vm0, $0x1, v4;
	vm0 =	vgt.f32 v31, v27  }
0x259: {  	v28 =	vsel vm1, $0x1, v4;
	vm1 =	vgt.f32 v33, v57;
	v32 =	vsel vm3, $0x1, v4  }
0x25a: {  	v60 =	vld.idx.msk [tilespmem:v15+s25+$0x0], $0xffff;
	vm3 =	vgt.f32 v33, v54;
	v39 =	vsel vm4, $0x1, v4;
	v29 =	vsel vm0, $0x1, v4  }
0x25b: {  	vm0 =	vgt.f32 v51, v27;
	v27 =	vsel vm1, $0x1, v4;
	vm1 =	vgt.f32 v30, v57  }
0x25c: {  	v30 =	vsel vm5, $0x1, v4;
	v45 =	vadd.s32 v35, v39;
	v25 =	vsel vm0, $0x1, v4;
	v58 =	vld.idx.msk [tilespmem:v16+s25+$0x0], $0xffff  }
0x25d: {  	v33 =	vsel vm1, $0x1, v4;
	v31 =	vadd.s32 v28, v25;
	v25 =	vadd.s32 v25, v29;
	v61 =	vld.idx.msk [tilespmem:v17+s25+$0x0], $0xffff  }
0x25e: {  	vm0 =	vle.u32 v31, v35;
	v31 =	vsel vm2, $0x1, v4;
	vm2 =	vgt.f32 v57, v54  }
0x25f: {  	v25 =	vadd.s32 v32, v25;
	v57 =	vand.u32 $0x7FFFFFFF, v60;
	v60 =	vsel vm13, $0x1, v4  }
0x260: {  	vm5 =	vgt.f32 v59, v57;
	vm14 =	vgt.f32 v42, v57;
	vm15 =	vgt.f32 v44, v57  }
0x261: {  	v49 =	vsel vm5, $0x1, v4;
	v46 =	vsel vm15, $0x1, v4;
	v62 =	vsel vm14, $0x1, v4  }
0x262: {  	v43 =	vand.u32 $0x7FFFFFFF, v58;
	v58 =	vadd.s32 v31, v33;
	v40 =	vand.u32 $0x7FFFFFFF, v61  }
0x263: {  	v61 =	vsel vm8, $0x1, v4;
	vm1 =	vgt.f32 v63, v43;
	v41 =	vadd.s32 v30, v58  }
0x264: {  	vm12 =	vgt.f32 v63, v40;
	vm4 =	vgt.f32 v40, v43;
	v52 =	vadd.s32 v61, v60  }
0x265: {  	v48 =	vadd.s32 v61, v46;
	v37 =	vsel vm12, $0x1, v4;
	v34 =	vsel vm1, $0x1, v4  }
0x266: {  	v42 =	vsel vm4, $0x1, v4;
	vm1 =	vgt.f32 v59, v44;
	vm4 =	vgt.f32 v38, v63  }
0x267: {  	v63 =	vadd.s32 v46, v49;
	v35 =	vadd.s32 v37, v34;
	v50 =	vsel vm1, $0x1, v4  }
0x268: {  	v47 =	vsel vm4, $0x1, v4;
	vm4 =	vgt.f32 v38, v40;
	vm1 =	vgt.u32 v52, v62  }
0x269: {  	s17 =	simm.s32 $0x100;
	v36 =	vadd.s32 v62, v63;
	v51 =	vadd.s32 v50, v60;
	v46 =	vsel vm4, $0x1, v4  }
.LBB2_13:
0x26a: {  	s19 =	sadd.s32 $0x80, s17  }
0x26b: {  	p0 =	slt.u32 s17, $0x3F00;
	vm4 =	vgt.u32 v36, $0x1;
	vm6 =	vgt.f32 v38, v43;
	vm5 =	vle.u32 v35, v47;
	s18 =	smov.u32 s17;
	s17 =	sadd.s32 $0x100, s17  }
0x26c: {  	v43 =	vor.u32 s19, v0;
	v44 =	vor.u32 s19, v1;
	s20 =	sadd.s32 $0xC0, s18;
	v52 =	vsel vm6, $0x1, v4  }
0x26d: {  	v40 =	vor.u32 s18, v6;
	v38 =	vor.u32 s19, v2;
	v53 =	vor.u32 s20, v6  }
0x26e: {  	v35 =	vor.u32 s19, v3;
	v36 =	vor.u32 s20, v8;
	v54 =	vadd.s32 v34, v52  }
0x26f: {  	v55 =	vor.u32 s20, v7;
	v34 =	vor.u32 s20, v9;
	v54 =	vadd.s32 v42, v54  }
0x270: {  	v49 =	vadd.s32 v49, v51;
	vm8 =	vle.u32 v48, v50;
	vm6 =	vgt.u32 v54, $0x1  }
0x271: {  	v47 =	vadd.s32 v47, v46;
	v29 =	vadd.s32 v29, v45;
	v28 =	vadd.s32 v28, v39;
	v48 =	vld.idx.msk [tilespmem:v43+s25+$0x0], $0xffff  }
0x272: {  	vm13 =	vlt.u32 v41, $0x2;
	vm11 =	vlt.u32 v29, $0x2;
	v45 =	vadd.s32 v52, v47;
	v39 =	vld.idx.msk [tilespmem:v44+s25+$0x0], $0xffff  }
0x273: {  	v41 =	vsel vm3, $0x1, v4;
	vm10 =	vlt.u32 v45, $0x2;
	v45 =	vsel vm2, $0x1, v4;
	v29 =	vld.idx.msk [tilespmem:v38+s25+$0x0], $0xffff  }
0x274: {  	v37 =	vadd.s32 v37, v46;
	vm9 =	vgt.u32 v28, v32;
	v28 =	vadd.s32 v27, v41;
	v47 =	vld.idx.msk [tilespmem:v34+s25+$0x0], $0xffff  }
0x275: {  	vm7 =	vgt.u32 v37, v42;
	vm14 =	vle.u32 v28, v31;
	v28 =	vadd.s32 v41, v30;
	v32 =	vld.idx.msk [tilespmem:v35+s25+$0x0], $0xffff  }
0x276: {  	vm12 =	vlt.u32 v49, $0x2;
	v27 =	vadd.s32 v27, v33;
	v28 =	vadd.s32 v45, v28;
	v30 =	vld.idx.msk [tilespmem:v36+s25+$0x0], $0xffff  }
0x277: {  	v46 =	vor.u32 s18, v0;
	v49 =	vor.u32 s18, v3;
	vm2 =	vgt.u32 v28, $0x1;
	v31 =	vld.idx.msk [tilespmem:v53+s25+$0x0], $0xffff  }
0x278: {  	vm3 =	vgt.u32 v27, v45;
	v33 =	vand.u32 $0x7FFFFFFF, v48;
	v28 =	vand.u32 $0x7FFFFFFF, v39;
	v37 =	vld.idx.msk [tilespmem:v55+s25+$0x0], $0xffff  }
0x279: {  	v50 =	vor.u32 s18, v8;
	v51 =	vor.u32 s18, v9;
	v48 =	vor.u32 s18, v7;
	[tilespmem:v13+s25+$0x0] =	vst.idx.msk vm13, v5;
	v13 =	vmovc v53  }
0x27a: {  	v52 =	vor.u32 s18, v1;
	v53 =	vor.u32 s18, v2;
	vm13 =	vgt.f32 v33, v28;
	[tilespmem:v10+s25+$0x0] =	vst.idx.msk vm11, v5;
	v10 =	vmovc v43  }
0x27b: {  	v27 =	vand.u32 $0x7FFFFFFF, v29;
	v32 =	vand.u32 $0x7FFFFFFF, v32;
	v42 =	vsel vm13, $0x1, v4;
	[tilespmem:v11+s25+$0x0] =	vst.idx.msk vm14, v5;
	v11 =	vmovc v55  }
0x27c: {  	v39 =	vand.u32 $0x7FFFFFFF, v47;
	vm13 =	vgt.f32 v28, v27;
	vm11 =	vgt.f32 v33, v32;
	[tilespmem:v26+s25+$0x0] =	vst.idx.msk vm12, v5  }
0x27d: {  	vm14 =	vgt.f32 v28, v32;
	v41 =	vand.u32 $0x7FFFFFFF, v30;
	v29 =	vsel vm11, $0x1, v4;
	v26 =	vld.idx.msk [tilespmem:v46+s25+$0x0], $0xffff;
	[tilespmem:v23+s25+$0x0] =	vst.idx.msk vm10, v5  }
0x27e: {  	vm11 =	vgt.f32 v27, v32;
	v30 =	vand.u32 $0x7FFFFFFF, v31;
	v37 =	vand.u32 $0x7FFFFFFF, v37;
	v23 =	vld.idx.msk [tilespmem:v51+s25+$0x0], $0xffff;
	[tilespmem:v18+s25+$0x0] =	vst.idx.msk vm0, v5  }
0x27f: {  	v28 =	vsel vm13, $0x1, v4;
	vm12 =	vgt.u32 v25, $0x1;
	vm0 =	vgt.f32 v37, v41;
	v18 =	vld.idx.msk [tilespmem:v48+s25+$0x0], $0xffff;
	[tilespmem:v22+s25+$0x0] =	vst.idx.msk vm3, v5  }
0x280: {  	v25 =	vsel vm14, $0x1, v4;
	vm10 =	vgt.f32 v33, v27;
	v27 =	vsel vm0, $0x1, v4;
	v22 =	vld.idx.msk [tilespmem:v49+s25+$0x0], $0xffff;
	[tilespmem:v21+s25+$0x0] =	vst.idx.msk vm2, v5  }
0x281: {  	v31 =	vadd.s32 v28, v25;
	v25 =	vadd.s32 v25, v29;
	vm13 =	vgt.f32 v30, v41;
	v21 =	vld.idx.msk [tilespmem:v50+s25+$0x0], $0xffff  }
0x282: {  	vm0 =	vle.u32 v31, v42;
	vm3 =	vgt.f32 v30, v39;
	vm2 =	vgt.f32 v30, v37;
	v45 =	vld.idx.msk [tilespmem:v53+s25+$0x0], $0xffff  }
0x283: {  	v30 =	vsel vm3, $0x1, v4;
	v31 =	vsel vm2, $0x1, v4;
	vm2 =	vgt.f32 v41, v39;
	v47 =	vld.idx.msk [tilespmem:v52+s25+$0x0], $0xffff;
	[tilespmem:v24+s25+$0x0] =	vst.idx.msk vm8, v5  }
0x284: {  	v32 =	vsel vm11, $0x1, v4;
	vm3 =	vgt.f32 v37, v39;
	v43 =	vand.u32 $0x7FFFFFFF, v23;
	v24 =	vld.idx.msk [tilespmem:v40+s25+$0x0], $0xffff;
	[tilespmem:v12+s25+$0x0] =	vst.idx.msk vm9, v5  }
0x285: {  	v25 =	vadd.s32 v32, v25;
	v33 =	vsel vm13, $0x1, v4;
	v54 =	vand.u32 $0x7FFFFFFF, v18;
	v18 =	vmovc v44;
	[tilespmem:v14+s25+$0x0] =	vst.idx.msk vm12, v5  }
0x286: {  	v12 =	vadd.s32 v31, v33;
	v44 =	vand.u32 $0x7FFFFFFF, v22;
	vm8 =	vgt.f32 v54, v43;
	[tilespmem:v19+s25+$0x0] =	vst.idx.msk vm5, v5  }
0x287: {  	v55 =	vand.u32 $0x7FFFFFFF, v26;
	v23 =	vmovc v40;
	v41 =	vadd.s32 v30, v12;
	v56 =	vand.u32 $0x7FFFFFFF, v21;
	[tilespmem:v20+s25+$0x0] =	vst.idx.msk vm1, v5  }
0x288: {  	v39 =	vsel vm10, $0x1, v4;
	vm1 =	vgt.f32 v55, v44;
	vm5 =	vgt.f32 v54, v56;
	[tilespmem:v15+s25+$0x0] =	vst.idx.msk vm4, v5  }
0x289: {  	v12 =	vmovc v38;
	v20 =	vand.u32 $0x7FFFFFFF, v47;
	v15 =	vand.u32 $0x7FFFFFFF, v45;
	vm4 =	vgt.f32 v56, v43;
	[tilespmem:v17+s25+$0x0] =	vst.idx.msk vm7, v5  }
0x28a: {  	v37 =	vsel vm5, $0x1, v4;
	vm7 =	vgt.f32 v55, v15;
	vm9 =	vgt.f32 v20, v15;
	[tilespmem:v16+s25+$0x0] =	vst.idx.msk vm6, v5  }
0x28b: {  	v14 =	vmovc v35;
	v22 =	vmovc v36;
	v38 =	vand.u32 $0x7FFFFFFF, v24;
	v40 =	vsel vm7, $0x1, v4;
	v16 =	vsel vm9, $0x1, v4  }
0x28c: {  	v21 =	vmovc v34;
	v45 =	vadd.s32 v42, v39;
	vm5 =	vgt.f32 v15, v44;
	v36 =	vadd.s32 v16, v40  }
0x28d: {  	v26 =	vmovc v46;
	v34 =	vsel vm8, $0x1, v4;
	v42 =	vsel vm4, $0x1, v4;
	vm6 =	vgt.f32 v20, v44;
	v15 =	vmovc v49  }
.Ltmp5:
0x28e: {  	v19 =	vmovc v48;
	v35 =	vadd.s32 v37, v34;
	v17 =	vmovc v50;
	v49 =	vsel vm1, $0x1, v4;
	v44 =	vsel vm6, $0x1, v4;
	(pc) =	sbr.rel @p0 .LBB2_13-.Ltmp5, $4  }
0x28f: {  	vm4 =	vgt.f32 v38, v54;
	vm1 =	vgt.f32 v55, v20;
	v48 =	vadd.s32 v16, v44;
	v16 =	vmovc v51  }
0x290: {  	v24 =	vmovc v52;
	v47 =	vsel vm4, $0x1, v4;
	vm4 =	vgt.f32 v38, v56;
	v20 =	vmovc v53;
	v50 =	vsel vm1, $0x1, v4  }
0x291: {  	v46 =	vsel vm5, $0x1, v4;
	v51 =	vadd.s32 v50, v40;
	v40 =	vadd.s32 v44, v49  }
0x292: {  	vm1 =	vgt.u32 v36, v46;
	v36 =	vadd.s32 v46, v40;
	v46 =	vsel vm4, $0x1, v4  }
0x293: {  	v29 =	vadd.s32 v29, v45;
	vm5 =	vlt.u32 v41, $0x2  }
0x294: {  	v63 =	vsel vm3, $0x1, v4;
	v45 =	vadd.s32 v49, v51;
	vm3 =	vlt.u32 v29, $0x2  }
0x295: {  	vm4 =	vgt.f32 v38, v43;
	v29 =	vadd.s32 v27, v63;
	vm6 =	vlt.u32 v45, $0x2  }
0x296: {  	v49 =	vadd.s32 v47, v46;
	v40 =	vsel vm4, $0x1, v4;
	vm4 =	vle.u32 v29, v31  }
0x297: {  	v29 =	vadd.s32 v40, v49  }
0x298: {  	v27 =	vadd.s32 v27, v33;
	vm7 =	vlt.u32 v29, $0x2;
	v29 =	vsel vm2, $0x1, v4  }
0x299: {  	v30 =	vadd.s32 v63, v30;
	vm2 =	vgt.u32 v27, v29;
	[tilespmem:v13+s25+$0x0] =	vst.idx.msk vm5, v5  }
0x29a: {  	vm11 =	vle.u32 v35, v47;
	v30 =	vadd.s32 v29, v30;
	[tilespmem:v10+s25+$0x0] =	vst.idx.msk vm3, v5  }
0x29b: {  	vm5 =	vgt.u32 v30, $0x1;
	[tilespmem:v26+s25+$0x0] =	vst.idx.msk vm6, v5  }
0x29c: {  	vm3 =	vle.u32 v48, v50;
	v10 =	vadd.s32 v28, v39;
	[tilespmem:v11+s25+$0x0] =	vst.idx.msk vm4, v5  }
0x29d: {  	vm4 =	vgt.u32 v10, v32;
	[tilespmem:v18+s25+$0x0] =	vst.idx.msk vm0, v5  }
0x29e: {  	[tilespmem:v23+s25+$0x0] =	vst.idx.msk vm7, v5  }
0x29f: {  	vm10 =	vgt.u32 v25, $0x1;
	[tilespmem:v22+s25+$0x0] =	vst.idx.msk vm2, v5  }
0x2a0: {  	vm0 =	vgt.u32 v36, $0x1;
	v10 =	vadd.s32 v34, v40;
	v11 =	vadd.s32 v37, v46;
	[tilespmem:v19+s25+$0x0] =	vst.idx.msk vm11, v5  }
0x2a1: {  	v10 =	vadd.s32 v42, v10;
	vm2 =	vgt.u32 v11, v42;
	[tilespmem:v21+s25+$0x0] =	vst.idx.msk vm5, v5  }
0x2a2: {  	[tilespmem:v24+s25+$0x0] =	vst.idx.msk vm3, v5;
	vm3 =	vgt.u32 v10, $0x1  }
0x2a3: {  	[tilespmem:v12+s25+$0x0] =	vst.idx.msk vm4, v5  }
0x2a4: {  	[tilespmem:v20+s25+$0x0] =	vst.idx.msk vm1, v5  }
0x2a5: {  	[tilespmem:v14+s25+$0x0] =	vst.idx.msk vm10, v5  }
0x2a6: {  	s16 =	sadd.s32 s16, s3;
	[tilespmem:v15+s25+$0x0] =	vst.idx.msk vm0, v5  }
0x2a7: {  	s18 =	sadd.s32 $0x4, s13;
	s15 =	sadd.s32 s15, s16;
	[tilespmem:v17+s25+$0x0] =	vst.idx.msk vm2, v5  }
0x2a8: {  	s17 =	sadd.s32 s5, s18;
	s16 =	sadd.s32 $0x10, s15;
	[tilespmem:v16+s25+$0x0] =	vst.idx.msk vm3, v5  }
0x2a9: {  	[hbm4b:s16+s23] =	stream.strided.scatter [tilespmem:s25], [sflag:$0x6], $0x4000, s24, s23, $0x38;
	[tilespmem:$0x10000] =	vst v63  }
0x2aa: {  	s17 =	sshll.u32 s17, $0xB;
	s16 =	sshll.u32 s18, $0x4  }
0x2ab: {  	s17 =	sand.u32 $0xFFC000, s17;
	_ =	swait.ge [sflag:s31], $0x4000;
	s16 =	sand.u32 $0x40, s16  }
0x2ac: {  	s18 =	simm.s32 $0x80;
	[sflag:s31] =	ssyncset.done $0x0;
	s16 =	sadd.s32 s2, s16  }
0x2ad: {  	s19 =	simm.s32 $0x0;
	v10 =	vor.u32 s18, v0;
	[sflag:s31] =	ssyncadd.s32 $0xFFFFC000;
	s16 =	sadd.s32 s17, s16  }
0x2ae: {  	v18 =	vor.u32 s18, v1;
	[tilespmem:s19], [sflag:$0x1] =	stream.strided.gather [hbm4b:s16+s23], $0x4000, s24, s23, $0x38;
	[tilespmem:$0x10000] =	vst v63  }
0x2af: {  	v12 =	vor.u32 s18, v2;
	_ =	swait.ge [sflag:s0], $0x4000  }
0x2b0: {  	s20 =	simm.s32 $0xC0;
	v14 =	vor.u32 s18, v3;
	[sflag:s0] =	ssyncset.done $0x0  }
0x2b1: {  	v21 =	vor.u32 s20, v9;
	[sflag:s0] =	ssyncadd.s32 $0xFFFFC000  }
0x2b2: {  	v22 =	vor.u32 s20, v8;
	v16 =	vld.idx.msk [tilespmem:v10+s26+$0x0], $0xffff  }
0x2b3: {  	v11 =	vor.u32 s20, v7;
	v17 =	vld.idx.msk [tilespmem:v18+s26+$0x0], $0xffff  }
0x2b4: {  	v13 =	vor.u32 s20, v6;
	v25 =	vld.idx.msk [tilespmem:v12+s26+$0x0], $0xffff  }
0x2b5: {  	v26 =	vor.u32 s19, v0;
	v27 =	vld.idx.msk [tilespmem:v14+s26+$0x0], $0xffff  }
0x2b6: {  	v19 =	vor.u32 s19, v7;
	v28 =	vld.idx.msk [tilespmem:v21+s26+$0x0], $0xffff  }
0x2b7: {  	v20 =	vor.u32 s19, v2;
	v30 =	vld.idx.msk [tilespmem:v22+s26+$0x0], $0xffff  }
0x2b8: {  	v24 =	vor.u32 s19, v1;
	v52 =	vld.idx.msk [tilespmem:v11+s26+$0x0], $0xffff  }
0x2b9: {  	v23 =	vor.u32 s19, v6;
	v53 =	vld.idx.msk [tilespmem:v13+s26+$0x0], $0xffff  }
0x2ba: {  	v55 =	vld.idx.msk [tilespmem:v26+s26+$0x0], $0xffff  }
0x2bb: {  	v59 =	vld.idx.msk [tilespmem:v19+s26+$0x0], $0xffff  }
0x2bc: {  	v62 =	vld.idx.msk [tilespmem:v20+s26+$0x0], $0xffff  }
0x2bd: {  	v44 =	vld.idx.msk [tilespmem:v24+s26+$0x0], $0xffff  }
0x2be: {  	v15 =	vor.u32 s19, v3;
	v56 =	vld.idx.msk [tilespmem:v23+s26+$0x0], $0xffff;
	v31 =	vand.u32 $0x7FFFFFFF, v16  }
0x2bf: {  	v51 =	vand.u32 $0x7FFFFFFF, v17;
	v16 =	vor.u32 s19, v8;
	v17 =	vor.u32 s19, v9  }
0x2c0: {  	v25 =	vand.u32 $0x7FFFFFFF, v25;
	v27 =	vand.u32 $0x7FFFFFFF, v27;
	v54 =	vand.u32 $0x7FFFFFFF, v28  }
0x2c1: {  	v57 =	vand.u32 $0x7FFFFFFF, v30;
	v33 =	vand.u32 $0x7FFFFFFF, v52;
	v30 =	vand.u32 $0x7FFFFFFF, v53  }
0x2c2: {  	v63 =	vand.u32 $0x7FFFFFFF, v59;
	v59 =	vand.u32 $0x7FFFFFFF, v55;
	v44 =	vand.u32 $0x7FFFFFFF, v44  }
0x2c3: {  	v42 =	vand.u32 $0x7FFFFFFF, v62;
	v38 =	vand.u32 $0x7FFFFFFF, v56;
	vm0 =	vgt.f32 v31, v51  }
0x2c4: {  	vm1 =	vgt.f32 v51, v25;
	vm3 =	vgt.f32 v25, v27;
	vm4 =	vgt.f32 v31, v25  }
0x2c5: {  	vm2 =	vgt.f32 v30, v33;
	vm5 =	vgt.f32 v30, v54;
	vm13 =	vgt.f32 v59, v42  }
0x2c6: {  	vm8 =	vgt.f32 v44, v42;
	v35 =	vsel vm0, $0x1, v4;
	vm0 =	vgt.f32 v31, v27  }
0x2c7: {  	v28 =	vsel vm1, $0x1, v4;
	vm1 =	vgt.f32 v33, v57;
	v32 =	vsel vm3, $0x1, v4  }
0x2c8: {  	v60 =	vld.idx.msk [tilespmem:v15+s26+$0x0], $0xffff;
	vm3 =	vgt.f32 v33, v54;
	v39 =	vsel vm4, $0x1, v4;
	v29 =	vsel vm0, $0x1, v4  }
0x2c9: {  	vm0 =	vgt.f32 v51, v27;
	v27 =	vsel vm1, $0x1, v4;
	vm1 =	vgt.f32 v30, v57  }
0x2ca: {  	v30 =	vsel vm5, $0x1, v4;
	v45 =	vadd.s32 v35, v39;
	v25 =	vsel vm0, $0x1, v4;
	v58 =	vld.idx.msk [tilespmem:v17+s26+$0x0], $0xffff  }
0x2cb: {  	v33 =	vsel vm1, $0x1, v4;
	v31 =	vadd.s32 v28, v25;
	v25 =	vadd.s32 v25, v29;
	v61 =	vld.idx.msk [tilespmem:v16+s26+$0x0], $0xffff  }
0x2cc: {  	vm0 =	vle.u32 v31, v35;
	v31 =	vsel vm2, $0x1, v4;
	vm2 =	vgt.f32 v57, v54  }
0x2cd: {  	v25 =	vadd.s32 v32, v25;
	v57 =	vand.u32 $0x7FFFFFFF, v60;
	v60 =	vsel vm13, $0x1, v4  }
0x2ce: {  	vm5 =	vgt.f32 v59, v57;
	vm14 =	vgt.f32 v42, v57;
	vm15 =	vgt.f32 v44, v57  }
0x2cf: {  	v49 =	vsel vm5, $0x1, v4;
	v46 =	vsel vm15, $0x1, v4;
	v62 =	vsel vm14, $0x1, v4  }
0x2d0: {  	v43 =	vand.u32 $0x7FFFFFFF, v58;
	v58 =	vadd.s32 v31, v33;
	v40 =	vand.u32 $0x7FFFFFFF, v61  }
0x2d1: {  	v61 =	vsel vm8, $0x1, v4;
	vm1 =	vgt.f32 v63, v43;
	v41 =	vadd.s32 v30, v58  }
0x2d2: {  	vm12 =	vgt.f32 v63, v40;
	vm4 =	vgt.f32 v40, v43;
	v52 =	vadd.s32 v61, v60  }
0x2d3: {  	v48 =	vadd.s32 v61, v46;
	v37 =	vsel vm12, $0x1, v4;
	v34 =	vsel vm1, $0x1, v4  }
0x2d4: {  	v42 =	vsel vm4, $0x1, v4;
	vm1 =	vgt.f32 v59, v44;
	vm4 =	vgt.f32 v38, v63  }
0x2d5: {  	v63 =	vadd.s32 v46, v49;
	v35 =	vadd.s32 v37, v34;
	v50 =	vsel vm1, $0x1, v4  }
0x2d6: {  	v47 =	vsel vm4, $0x1, v4;
	vm4 =	vgt.f32 v38, v40;
	vm1 =	vgt.u32 v52, v62  }
0x2d7: {  	s16 =	simm.s32 $0x100;
	v36 =	vadd.s32 v62, v63;
	v51 =	vadd.s32 v50, v60;
	v46 =	vsel vm4, $0x1, v4  }
.LBB2_15:
0x2d8: {  	s18 =	sadd.s32 $0x80, s16  }
0x2d9: {  	p0 =	slt.u32 s16, $0x3F00;
	vm4 =	vgt.u32 v36, $0x1;
	vm6 =	vgt.f32 v38, v43;
	vm5 =	vle.u32 v35, v47;
	s17 =	smov.u32 s16;
	s16 =	sadd.s32 $0x100, s16  }
0x2da: {  	v43 =	vor.u32 s18, v0;
	v44 =	vor.u32 s18, v1;
	s19 =	sadd.s32 $0xC0, s17;
	v52 =	vsel vm6, $0x1, v4  }
0x2db: {  	v40 =	vor.u32 s17, v6;
	v38 =	vor.u32 s18, v2;
	v53 =	vor.u32 s19, v6  }
0x2dc: {  	v35 =	vor.u32 s18, v3;
	v36 =	vor.u32 s19, v8;
	v54 =	vadd.s32 v34, v52  }
0x2dd: {  	v55 =	vor.u32 s19, v7;
	v34 =	vor.u32 s19, v9;
	v54 =	vadd.s32 v42, v54  }
0x2de: {  	v49 =	vadd.s32 v49, v51;
	vm8 =	vle.u32 v48, v50;
	vm6 =	vgt.u32 v54, $0x1  }
0x2df: {  	v47 =	vadd.s32 v47, v46;
	v29 =	vadd.s32 v29, v45;
	v28 =	vadd.s32 v28, v39;
	v48 =	vld.idx.msk [tilespmem:v43+s26+$0x0], $0xffff  }
0x2e0: {  	vm13 =	vlt.u32 v41, $0x2;
	vm11 =	vlt.u32 v29, $0x2;
	v45 =	vadd.s32 v52, v47;
	v39 =	vld.idx.msk [tilespmem:v44+s26+$0x0], $0xffff  }
0x2e1: {  	v41 =	vsel vm3, $0x1, v4;
	vm10 =	vlt.u32 v45, $0x2;
	v45 =	vsel vm2, $0x1, v4;
	v29 =	vld.idx.msk [tilespmem:v38+s26+$0x0], $0xffff  }
0x2e2: {  	v37 =	vadd.s32 v37, v46;
	vm9 =	vgt.u32 v28, v32;
	v28 =	vadd.s32 v27, v41;
	v47 =	vld.idx.msk [tilespmem:v34+s26+$0x0], $0xffff  }
0x2e3: {  	vm7 =	vgt.u32 v37, v42;
	vm14 =	vle.u32 v28, v31;
	v28 =	vadd.s32 v41, v30;
	v32 =	vld.idx.msk [tilespmem:v35+s26+$0x0], $0xffff  }
0x2e4: {  	vm12 =	vlt.u32 v49, $0x2;
	v27 =	vadd.s32 v27, v33;
	v28 =	vadd.s32 v45, v28;
	v30 =	vld.idx.msk [tilespmem:v36+s26+$0x0], $0xffff  }
0x2e5: {  	v46 =	vor.u32 s17, v0;
	v49 =	vor.u32 s17, v3;
	vm2 =	vgt.u32 v28, $0x1;
	v31 =	vld.idx.msk [tilespmem:v53+s26+$0x0], $0xffff  }
0x2e6: {  	vm3 =	vgt.u32 v27, v45;
	v33 =	vand.u32 $0x7FFFFFFF, v48;
	v28 =	vand.u32 $0x7FFFFFFF, v39;
	v37 =	vld.idx.msk [tilespmem:v55+s26+$0x0], $0xffff  }
0x2e7: {  	v50 =	vor.u32 s17, v8;
	v51 =	vor.u32 s17, v9;
	v48 =	vor.u32 s17, v7;
	[tilespmem:v13+s26+$0x0] =	vst.idx.msk vm13, v5;
	v13 =	vmovc v53  }
0x2e8: {  	v52 =	vor.u32 s17, v1;
	v53 =	vor.u32 s17, v2;
	vm13 =	vgt.f32 v33, v28;
	[tilespmem:v10+s26+$0x0] =	vst.idx.msk vm11, v5;
	v10 =	vmovc v43  }
0x2e9: {  	v27 =	vand.u32 $0x7FFFFFFF, v29;
	v32 =	vand.u32 $0x7FFFFFFF, v32;
	v42 =	vsel vm13, $0x1, v4;
	[tilespmem:v11+s26+$0x0] =	vst.idx.msk vm14, v5;
	v11 =	vmovc v55  }
0x2ea: {  	v39 =	vand.u32 $0x7FFFFFFF, v47;
	vm13 =	vgt.f32 v28, v27;
	vm11 =	vgt.f32 v33, v32;
	[tilespmem:v26+s26+$0x0] =	vst.idx.msk vm12, v5  }
0x2eb: {  	vm14 =	vgt.f32 v28, v32;
	v41 =	vand.u32 $0x7FFFFFFF, v30;
	v29 =	vsel vm11, $0x1, v4;
	v26 =	vld.idx.msk [tilespmem:v46+s26+$0x0], $0xffff;
	[tilespmem:v23+s26+$0x0] =	vst.idx.msk vm10, v5  }
0x2ec: {  	vm11 =	vgt.f32 v27, v32;
	v30 =	vand.u32 $0x7FFFFFFF, v31;
	v37 =	vand.u32 $0x7FFFFFFF, v37;
	v23 =	vld.idx.msk [tilespmem:v51+s26+$0x0], $0xffff;
	[tilespmem:v18+s26+$0x0] =	vst.idx.msk vm0, v5  }
0x2ed: {  	v28 =	vsel vm13, $0x1, v4;
	vm12 =	vgt.u32 v25, $0x1;
	vm0 =	vgt.f32 v37, v41;
	v18 =	vld.idx.msk [tilespmem:v48+s26+$0x0], $0xffff;
	[tilespmem:v22+s26+$0x0] =	vst.idx.msk vm3, v5  }
0x2ee: {  	v25 =	vsel vm14, $0x1, v4;
	vm10 =	vgt.f32 v33, v27;
	v27 =	vsel vm0, $0x1, v4;
	v22 =	vld.idx.msk [tilespmem:v49+s26+$0x0], $0xffff;
	[tilespmem:v21+s26+$0x0] =	vst.idx.msk vm2, v5  }
0x2ef: {  	v31 =	vadd.s32 v28, v25;
	v25 =	vadd.s32 v25, v29;
	vm13 =	vgt.f32 v30, v41;
	v21 =	vld.idx.msk [tilespmem:v50+s26+$0x0], $0xffff  }
0x2f0: {  	vm0 =	vle.u32 v31, v42;
	vm3 =	vgt.f32 v30, v39;
	vm2 =	vgt.f32 v30, v37;
	v45 =	vld.idx.msk [tilespmem:v53+s26+$0x0], $0xffff  }
0x2f1: {  	v30 =	vsel vm3, $0x1, v4;
	v31 =	vsel vm2, $0x1, v4;
	vm2 =	vgt.f32 v41, v39;
	v47 =	vld.idx.msk [tilespmem:v52+s26+$0x0], $0xffff;
	[tilespmem:v24+s26+$0x0] =	vst.idx.msk vm8, v5  }
0x2f2: {  	v32 =	vsel vm11, $0x1, v4;
	vm3 =	vgt.f32 v37, v39;
	v43 =	vand.u32 $0x7FFFFFFF, v23;
	v24 =	vld.idx.msk [tilespmem:v40+s26+$0x0], $0xffff;
	[tilespmem:v12+s26+$0x0] =	vst.idx.msk vm9, v5  }
0x2f3: {  	v25 =	vadd.s32 v32, v25;
	v33 =	vsel vm13, $0x1, v4;
	v54 =	vand.u32 $0x7FFFFFFF, v18;
	v18 =	vmovc v44;
	[tilespmem:v14+s26+$0x0] =	vst.idx.msk vm12, v5  }
0x2f4: {  	v12 =	vadd.s32 v31, v33;
	v44 =	vand.u32 $0x7FFFFFFF, v22;
	vm8 =	vgt.f32 v54, v43;
	[tilespmem:v19+s26+$0x0] =	vst.idx.msk vm5, v5  }
0x2f5: {  	v55 =	vand.u32 $0x7FFFFFFF, v26;
	v23 =	vmovc v40;
	v41 =	vadd.s32 v30, v12;
	v56 =	vand.u32 $0x7FFFFFFF, v21;
	[tilespmem:v20+s26+$0x0] =	vst.idx.msk vm1, v5  }
0x2f6: {  	v39 =	vsel vm10, $0x1, v4;
	vm1 =	vgt.f32 v55, v44;
	vm5 =	vgt.f32 v54, v56;
	[tilespmem:v15+s26+$0x0] =	vst.idx.msk vm4, v5  }
0x2f7: {  	v12 =	vmovc v38;
	v20 =	vand.u32 $0x7FFFFFFF, v47;
	v15 =	vand.u32 $0x7FFFFFFF, v45;
	vm4 =	vgt.f32 v56, v43;
	[tilespmem:v16+s26+$0x0] =	vst.idx.msk vm7, v5  }
0x2f8: {  	v37 =	vsel vm5, $0x1, v4;
	vm7 =	vgt.f32 v55, v15;
	vm9 =	vgt.f32 v20, v15;
	[tilespmem:v17+s26+$0x0] =	vst.idx.msk vm6, v5  }
0x2f9: {  	v14 =	vmovc v35;
	v22 =	vmovc v36;
	v38 =	vand.u32 $0x7FFFFFFF, v24;
	v40 =	vsel vm7, $0x1, v4;
	v17 =	vsel vm9, $0x1, v4  }
0x2fa: {  	v21 =	vmovc v34;
	v45 =	vadd.s32 v42, v39;
	vm5 =	vgt.f32 v15, v44;
	v36 =	vadd.s32 v17, v40  }
0x2fb: {  	v26 =	vmovc v46;
	v34 =	vsel vm8, $0x1, v4;
	v42 =	vsel vm4, $0x1, v4;
	vm6 =	vgt.f32 v20, v44;
	v15 =	vmovc v49  }
.Ltmp6:
0x2fc: {  	v19 =	vmovc v48;
	v35 =	vadd.s32 v37, v34;
	v16 =	vmovc v50;
	v49 =	vsel vm1, $0x1, v4;
	v44 =	vsel vm6, $0x1, v4;
	(pc) =	sbr.rel @p0 .LBB2_15-.Ltmp6, $4  }
0x2fd: {  	vm4 =	vgt.f32 v38, v54;
	vm1 =	vgt.f32 v55, v20;
	v48 =	vadd.s32 v17, v44;
	v17 =	vmovc v51  }
0x2fe: {  	v24 =	vmovc v52;
	v47 =	vsel vm4, $0x1, v4;
	vm4 =	vgt.f32 v38, v56;
	v20 =	vmovc v53;
	v50 =	vsel vm1, $0x1, v4  }
0x2ff: {  	v46 =	vsel vm5, $0x1, v4;
	v51 =	vadd.s32 v50, v40;
	v40 =	vadd.s32 v44, v49  }
0x300: {  	vm1 =	vgt.u32 v36, v46;
	v36 =	vadd.s32 v46, v40;
	v46 =	vsel vm4, $0x1, v4  }
0x301: {  	v29 =	vadd.s32 v29, v45;
	vm5 =	vlt.u32 v41, $0x2  }
0x302: {  	v63 =	vsel vm3, $0x1, v4;
	v45 =	vadd.s32 v49, v51;
	vm3 =	vlt.u32 v29, $0x2  }
0x303: {  	vm4 =	vgt.f32 v38, v43;
	v29 =	vadd.s32 v27, v63;
	vm6 =	vlt.u32 v45, $0x2  }
0x304: {  	v49 =	vadd.s32 v47, v46;
	v40 =	vsel vm4, $0x1, v4;
	vm4 =	vle.u32 v29, v31  }
0x305: {  	v29 =	vadd.s32 v40, v49  }
0x306: {  	v27 =	vadd.s32 v27, v33;
	vm7 =	vlt.u32 v29, $0x2;
	v29 =	vsel vm2, $0x1, v4  }
0x307: {  	v30 =	vadd.s32 v63, v30;
	vm2 =	vgt.u32 v27, v29;
	[tilespmem:v13+s26+$0x0] =	vst.idx.msk vm5, v5  }
0x308: {  	vm11 =	vle.u32 v35, v47;
	v30 =	vadd.s32 v29, v30;
	[tilespmem:v10+s26+$0x0] =	vst.idx.msk vm3, v5  }
0x309: {  	vm5 =	vgt.u32 v30, $0x1;
	[tilespmem:v26+s26+$0x0] =	vst.idx.msk vm6, v5  }
0x30a: {  	vm3 =	vle.u32 v48, v50;
	v10 =	vadd.s32 v28, v39;
	[tilespmem:v11+s26+$0x0] =	vst.idx.msk vm4, v5  }
0x30b: {  	vm4 =	vgt.u32 v10, v32;
	[tilespmem:v18+s26+$0x0] =	vst.idx.msk vm0, v5  }
0x30c: {  	[tilespmem:v23+s26+$0x0] =	vst.idx.msk vm7, v5  }
0x30d: {  	vm10 =	vgt.u32 v25, $0x1;
	[tilespmem:v22+s26+$0x0] =	vst.idx.msk vm2, v5  }
0x30e: {  	vm0 =	vgt.u32 v36, $0x1;
	v10 =	vadd.s32 v34, v40;
	v11 =	vadd.s32 v37, v46;
	[tilespmem:v19+s26+$0x0] =	vst.idx.msk vm11, v5  }
0x30f: {  	v10 =	vadd.s32 v42, v10;
	vm2 =	vgt.u32 v11, v42;
	[tilespmem:v21+s26+$0x0] =	vst.idx.msk vm5, v5  }
0x310: {  	[tilespmem:v24+s26+$0x0] =	vst.idx.msk vm3, v5;
	vm3 =	vgt.u32 v10, $0x1  }
0x311: {  	[tilespmem:v12+s26+$0x0] =	vst.idx.msk vm4, v5  }
0x312: {  	[tilespmem:v20+s26+$0x0] =	vst.idx.msk vm1, v5  }
0x313: {  	[tilespmem:v14+s26+$0x0] =	vst.idx.msk vm10, v5  }
0x314: {  	[tilespmem:v15+s26+$0x0] =	vst.idx.msk vm0, v5  }
0x315: {  	[tilespmem:v16+s26+$0x0] =	vst.idx.msk vm2, v5  }
0x316: {  	s15 =	sadd.s32 $0x20, s15;
	s18 =	sadd.s32 $0x5, s13;
	[tilespmem:v17+s26+$0x0] =	vst.idx.msk vm3, v5  }
0x317: {  	[hbm4b:s15+s23] =	stream.strided.scatter [tilespmem:s26], [sflag:$0x7], $0x4000, s24, s23, $0x38;
	[tilespmem:$0x10000] =	vst v63  }
0x318: {  	s17 =	simm.s32 $0x80;
	s16 =	sadd.s32 s5, s18;
	s15 =	sshll.u32 s18, $0x4  }
0x319: {  	s16 =	sshll.u32 s16, $0xB;
	_ =	swait.ge [sflag:s1], $0x4000;
	s15 =	sand.u32 $0x50, s15  }
0x31a: {  	s16 =	sand.u32 $0xFFC000, s16;
	[sflag:s1] =	ssyncset.done $0x0;
	s15 =	sadd.s32 s2, s15  }
0x31b: {  	v10 =	vor.u32 s17, v0;
	[sflag:s1] =	ssyncadd.s32 $0xFFFFC000;
	s15 =	sadd.s32 s16, s15  }
0x31c: {  	v18 =	vor.u32 s17, v1;
	[tilespmem:s25], [sflag:$0x2] =	stream.strided.gather [hbm4b:s15+s23], $0x4000, s24, s23, $0x38;
	[tilespmem:$0x10000] =	vst v63  }
0x31d: {  	v12 =	vor.u32 s17, v2;
	_ =	swait.ge [sflag:s7], $0x4000  }
0x31e: {  	s19 =	simm.s32 $0xC0;
	v14 =	vor.u32 s17, v3;
	[sflag:s7] =	ssyncset.done $0x0  }
0x31f: {  	v21 =	vor.u32 s19, v9;
	[sflag:s7] =	ssyncadd.s32 $0xFFFFC000  }
0x320: {  	v22 =	vor.u32 s19, v8;
	v16 =	vld.idx.msk [tilespmem:v10+s29+$0x0], $0xffff  }
0x321: {  	v11 =	vor.u32 s19, v7;
	v17 =	vld.idx.msk [tilespmem:v18+s29+$0x0], $0xffff  }
0x322: {  	s20 =	simm.s32 $0x0;
	v13 =	vor.u32 s19, v6;
	v25 =	vld.idx.msk [tilespmem:v12+s29+$0x0], $0xffff  }
0x323: {  	v26 =	vor.u32 s20, v0;
	v27 =	vld.idx.msk [tilespmem:v14+s29+$0x0], $0xffff  }
0x324: {  	v19 =	vor.u32 s20, v7;
	v28 =	vld.idx.msk [tilespmem:v21+s29+$0x0], $0xffff  }
0x325: {  	v20 =	vor.u32 s20, v2;
	v30 =	vld.idx.msk [tilespmem:v22+s29+$0x0], $0xffff  }
0x326: {  	v24 =	vor.u32 s20, v1;
	v52 =	vld.idx.msk [tilespmem:v11+s29+$0x0], $0xffff  }
0x327: {  	v23 =	vor.u32 s20, v6;
	v53 =	vld.idx.msk [tilespmem:v13+s29+$0x0], $0xffff  }
0x328: {  	v55 =	vld.idx.msk [tilespmem:v26+s29+$0x0], $0xffff  }
0x329: {  	v59 =	vld.idx.msk [tilespmem:v19+s29+$0x0], $0xffff  }
0x32a: {  	v62 =	vld.idx.msk [tilespmem:v20+s29+$0x0], $0xffff  }
0x32b: {  	v44 =	vld.idx.msk [tilespmem:v24+s29+$0x0], $0xffff  }
0x32c: {  	v15 =	vor.u32 s20, v3;
	v56 =	vld.idx.msk [tilespmem:v23+s29+$0x0], $0xffff;
	v31 =	vand.u32 $0x7FFFFFFF, v16  }
0x32d: {  	v51 =	vand.u32 $0x7FFFFFFF, v17;
	v16 =	vor.u32 s20, v8;
	v17 =	vor.u32 s20, v9  }
0x32e: {  	v25 =	vand.u32 $0x7FFFFFFF, v25;
	v27 =	vand.u32 $0x7FFFFFFF, v27;
	v54 =	vand.u32 $0x7FFFFFFF, v28  }
0x32f: {  	v57 =	vand.u32 $0x7FFFFFFF, v30;
	v33 =	vand.u32 $0x7FFFFFFF, v52;
	v30 =	vand.u32 $0x7FFFFFFF, v53  }
0x330: {  	v63 =	vand.u32 $0x7FFFFFFF, v59;
	v59 =	vand.u32 $0x7FFFFFFF, v55;
	v44 =	vand.u32 $0x7FFFFFFF, v44  }
0x331: {  	v42 =	vand.u32 $0x7FFFFFFF, v62;
	v38 =	vand.u32 $0x7FFFFFFF, v56;
	vm0 =	vgt.f32 v31, v51  }
0x332: {  	vm1 =	vgt.f32 v51, v25;
	vm3 =	vgt.f32 v25, v27;
	vm4 =	vgt.f32 v31, v25  }
0x333: {  	vm2 =	vgt.f32 v30, v33;
	vm5 =	vgt.f32 v30, v54;
	vm13 =	vgt.f32 v59, v42  }
0x334: {  	vm8 =	vgt.f32 v44, v42;
	v35 =	vsel vm0, $0x1, v4;
	vm0 =	vgt.f32 v31, v27  }
0x335: {  	v28 =	vsel vm1, $0x1, v4;
	vm1 =	vgt.f32 v33, v57;
	v32 =	vsel vm3, $0x1, v4  }
0x336: {  	v60 =	vld.idx.msk [tilespmem:v15+s29+$0x0], $0xffff;
	vm3 =	vgt.f32 v33, v54;
	v39 =	vsel vm4, $0x1, v4;
	v29 =	vsel vm0, $0x1, v4  }
0x337: {  	vm0 =	vgt.f32 v51, v27;
	v27 =	vsel vm1, $0x1, v4;
	vm1 =	vgt.f32 v30, v57  }
0x338: {  	v30 =	vsel vm5, $0x1, v4;
	v45 =	vadd.s32 v35, v39;
	v25 =	vsel vm0, $0x1, v4;
	v58 =	vld.idx.msk [tilespmem:v17+s29+$0x0], $0xffff  }
0x339: {  	v33 =	vsel vm1, $0x1, v4;
	v31 =	vadd.s32 v28, v25;
	v25 =	vadd.s32 v25, v29;
	v61 =	vld.idx.msk [tilespmem:v16+s29+$0x0], $0xffff  }
0x33a: {  	vm0 =	vle.u32 v31, v35;
	v31 =	vsel vm2, $0x1, v4;
	vm2 =	vgt.f32 v57, v54  }
0x33b: {  	v25 =	vadd.s32 v32, v25;
	v57 =	vand.u32 $0x7FFFFFFF, v60;
	v60 =	vsel vm13, $0x1, v4  }
0x33c: {  	vm5 =	vgt.f32 v59, v57;
	vm14 =	vgt.f32 v42, v57;
	vm15 =	vgt.f32 v44, v57  }
0x33d: {  	v49 =	vsel vm5, $0x1, v4;
	v46 =	vsel vm15, $0x1, v4;
	v62 =	vsel vm14, $0x1, v4  }
0x33e: {  	v43 =	vand.u32 $0x7FFFFFFF, v58;
	v58 =	vadd.s32 v31, v33;
	v40 =	vand.u32 $0x7FFFFFFF, v61  }
0x33f: {  	v61 =	vsel vm8, $0x1, v4;
	vm1 =	vgt.f32 v63, v43;
	v41 =	vadd.s32 v30, v58  }
0x340: {  	vm12 =	vgt.f32 v63, v40;
	vm4 =	vgt.f32 v40, v43;
	v52 =	vadd.s32 v61, v60  }
0x341: {  	v48 =	vadd.s32 v61, v46;
	v37 =	vsel vm12, $0x1, v4;
	v34 =	vsel vm1, $0x1, v4  }
0x342: {  	v42 =	vsel vm4, $0x1, v4;
	vm1 =	vgt.f32 v59, v44;
	vm4 =	vgt.f32 v38, v63  }
0x343: {  	v63 =	vadd.s32 v46, v49;
	v35 =	vadd.s32 v37, v34;
	v50 =	vsel vm1, $0x1, v4  }
0x344: {  	v47 =	vsel vm4, $0x1, v4;
	vm4 =	vgt.f32 v38, v40;
	vm1 =	vgt.u32 v52, v62  }
0x345: {  	s15 =	simm.s32 $0x100;
	v36 =	vadd.s32 v62, v63;
	v51 =	vadd.s32 v50, v60;
	v46 =	vsel vm4, $0x1, v4  }
.LBB2_17:
0x346: {  	s17 =	sadd.s32 $0x80, s15  }
0x347: {  	p0 =	slt.u32 s15, $0x3F00;
	vm4 =	vgt.u32 v36, $0x1;
	vm6 =	vgt.f32 v38, v43;
	vm5 =	vle.u32 v35, v47;
	s16 =	smov.u32 s15;
	s15 =	sadd.s32 $0x100, s15  }
0x348: {  	v43 =	vor.u32 s17, v0;
	v44 =	vor.u32 s17, v1;
	s18 =	sadd.s32 $0xC0, s16;
	v52 =	vsel vm6, $0x1, v4  }
0x349: {  	v40 =	vor.u32 s16, v6;
	v38 =	vor.u32 s17, v2;
	v53 =	vor.u32 s18, v6  }
0x34a: {  	v35 =	vor.u32 s17, v3;
	v36 =	vor.u32 s18, v8;
	v54 =	vadd.s32 v34, v52  }
0x34b: {  	v55 =	vor.u32 s18, v7;
	v34 =	vor.u32 s18, v9;
	v54 =	vadd.s32 v42, v54  }
0x34c: {  	v49 =	vadd.s32 v49, v51;
	vm8 =	vle.u32 v48, v50;
	vm6 =	vgt.u32 v54, $0x1  }
0x34d: {  	v47 =	vadd.s32 v47, v46;
	v29 =	vadd.s32 v29, v45;
	v28 =	vadd.s32 v28, v39;
	v48 =	vld.idx.msk [tilespmem:v43+s29+$0x0], $0xffff  }
0x34e: {  	vm13 =	vlt.u32 v41, $0x2;
	vm11 =	vlt.u32 v29, $0x2;
	v45 =	vadd.s32 v52, v47;
	v39 =	vld.idx.msk [tilespmem:v44+s29+$0x0], $0xffff  }
0x34f: {  	v41 =	vsel vm3, $0x1, v4;
	vm10 =	vlt.u32 v45, $0x2;
	v45 =	vsel vm2, $0x1, v4;
	v29 =	vld.idx.msk [tilespmem:v38+s29+$0x0], $0xffff  }
0x350: {  	v37 =	vadd.s32 v37, v46;
	vm9 =	vgt.u32 v28, v32;
	v28 =	vadd.s32 v27, v41;
	v47 =	vld.idx.msk [tilespmem:v34+s29+$0x0], $0xffff  }
0x351: {  	vm7 =	vgt.u32 v37, v42;
	vm14 =	vle.u32 v28, v31;
	v28 =	vadd.s32 v41, v30;
	v32 =	vld.idx.msk [tilespmem:v35+s29+$0x0], $0xffff  }
0x352: {  	vm12 =	vlt.u32 v49, $0x2;
	v27 =	vadd.s32 v27, v33;
	v28 =	vadd.s32 v45, v28;
	v30 =	vld.idx.msk [tilespmem:v36+s29+$0x0], $0xffff  }
0x353: {  	v46 =	vor.u32 s16, v0;
	v49 =	vor.u32 s16, v3;
	vm2 =	vgt.u32 v28, $0x1;
	v31 =	vld.idx.msk [tilespmem:v53+s29+$0x0], $0xffff  }
0x354: {  	vm3 =	vgt.u32 v27, v45;
	v33 =	vand.u32 $0x7FFFFFFF, v48;
	v28 =	vand.u32 $0x7FFFFFFF, v39;
	v37 =	vld.idx.msk [tilespmem:v55+s29+$0x0], $0xffff  }
0x355: {  	v50 =	vor.u32 s16, v8;
	v51 =	vor.u32 s16, v9;
	v48 =	vor.u32 s16, v7;
	[tilespmem:v13+s29+$0x0] =	vst.idx.msk vm13, v5;
	v13 =	vmovc v53  }
0x356: {  	v52 =	vor.u32 s16, v1;
	v53 =	vor.u32 s16, v2;
	vm13 =	vgt.f32 v33, v28;
	[tilespmem:v10+s29+$0x0] =	vst.idx.msk vm11, v5;
	v10 =	vmovc v43  }
0x357: {  	v27 =	vand.u32 $0x7FFFFFFF, v29;
	v32 =	vand.u32 $0x7FFFFFFF, v32;
	v42 =	vsel vm13, $0x1, v4;
	[tilespmem:v11+s29+$0x0] =	vst.idx.msk vm14, v5;
	v11 =	vmovc v55  }
0x358: {  	v39 =	vand.u32 $0x7FFFFFFF, v47;
	vm13 =	vgt.f32 v28, v27;
	vm11 =	vgt.f32 v33, v32;
	[tilespmem:v26+s29+$0x0] =	vst.idx.msk vm12, v5  }
0x359: {  	vm14 =	vgt.f32 v28, v32;
	v41 =	vand.u32 $0x7FFFFFFF, v30;
	v29 =	vsel vm11, $0x1, v4;
	v26 =	vld.idx.msk [tilespmem:v46+s29+$0x0], $0xffff;
	[tilespmem:v23+s29+$0x0] =	vst.idx.msk vm10, v5  }
0x35a: {  	vm11 =	vgt.f32 v27, v32;
	v30 =	vand.u32 $0x7FFFFFFF, v31;
	v37 =	vand.u32 $0x7FFFFFFF, v37;
	v23 =	vld.idx.msk [tilespmem:v51+s29+$0x0], $0xffff;
	[tilespmem:v18+s29+$0x0] =	vst.idx.msk vm0, v5  }
0x35b: {  	v28 =	vsel vm13, $0x1, v4;
	vm12 =	vgt.u32 v25, $0x1;
	vm0 =	vgt.f32 v37, v41;
	v18 =	vld.idx.msk [tilespmem:v48+s29+$0x0], $0xffff;
	[tilespmem:v22+s29+$0x0] =	vst.idx.msk vm3, v5  }
0x35c: {  	v25 =	vsel vm14, $0x1, v4;
	vm10 =	vgt.f32 v33, v27;
	v27 =	vsel vm0, $0x1, v4;
	v22 =	vld.idx.msk [tilespmem:v49+s29+$0x0], $0xffff;
	[tilespmem:v21+s29+$0x0] =	vst.idx.msk vm2, v5  }
0x35d: {  	v31 =	vadd.s32 v28, v25;
	v25 =	vadd.s32 v25, v29;
	vm13 =	vgt.f32 v30, v41;
	v21 =	vld.idx.msk [tilespmem:v50+s29+$0x0], $0xffff  }
0x35e: {  	vm0 =	vle.u32 v31, v42;
	vm3 =	vgt.f32 v30, v39;
	vm2 =	vgt.f32 v30, v37;
	v45 =	vld.idx.msk [tilespmem:v53+s29+$0x0], $0xffff  }
0x35f: {  	v30 =	vsel vm3, $0x1, v4;
	v31 =	vsel vm2, $0x1, v4;
	vm2 =	vgt.f32 v41, v39;
	v47 =	vld.idx.msk [tilespmem:v52+s29+$0x0], $0xffff;
	[tilespmem:v24+s29+$0x0] =	vst.idx.msk vm8, v5  }
0x360: {  	v32 =	vsel vm11, $0x1, v4;
	vm3 =	vgt.f32 v37, v39;
	v43 =	vand.u32 $0x7FFFFFFF, v23;
	v24 =	vld.idx.msk [tilespmem:v40+s29+$0x0], $0xffff;
	[tilespmem:v12+s29+$0x0] =	vst.idx.msk vm9, v5  }
0x361: {  	v25 =	vadd.s32 v32, v25;
	v33 =	vsel vm13, $0x1, v4;
	v54 =	vand.u32 $0x7FFFFFFF, v18;
	v18 =	vmovc v44;
	[tilespmem:v14+s29+$0x0] =	vst.idx.msk vm12, v5  }
0x362: {  	v12 =	vadd.s32 v31, v33;
	v44 =	vand.u32 $0x7FFFFFFF, v22;
	vm8 =	vgt.f32 v54, v43;
	[tilespmem:v19+s29+$0x0] =	vst.idx.msk vm5, v5  }
0x363: {  	v55 =	vand.u32 $0x7FFFFFFF, v26;
	v23 =	vmovc v40;
	v41 =	vadd.s32 v30, v12;
	v56 =	vand.u32 $0x7FFFFFFF, v21;
	[tilespmem:v20+s29+$0x0] =	vst.idx.msk vm1, v5  }
0x364: {  	v39 =	vsel vm10, $0x1, v4;
	vm1 =	vgt.f32 v55, v44;
	vm5 =	vgt.f32 v54, v56;
	[tilespmem:v15+s29+$0x0] =	vst.idx.msk vm4, v5  }
0x365: {  	v12 =	vmovc v38;
	v20 =	vand.u32 $0x7FFFFFFF, v47;
	v15 =	vand.u32 $0x7FFFFFFF, v45;
	vm4 =	vgt.f32 v56, v43;
	[tilespmem:v16+s29+$0x0] =	vst.idx.msk vm7, v5  }
0x366: {  	v37 =	vsel vm5, $0x1, v4;
	vm7 =	vgt.f32 v55, v15;
	vm9 =	vgt.f32 v20, v15;
	[tilespmem:v17+s29+$0x0] =	vst.idx.msk vm6, v5  }
0x367: {  	v14 =	vmovc v35;
	v22 =	vmovc v36;
	v38 =	vand.u32 $0x7FFFFFFF, v24;
	v40 =	vsel vm7, $0x1, v4;
	v17 =	vsel vm9, $0x1, v4  }
0x368: {  	v21 =	vmovc v34;
	v45 =	vadd.s32 v42, v39;
	vm5 =	vgt.f32 v15, v44;
	v36 =	vadd.s32 v17, v40  }
0x369: {  	v26 =	vmovc v46;
	v34 =	vsel vm8, $0x1, v4;
	v42 =	vsel vm4, $0x1, v4;
	vm6 =	vgt.f32 v20, v44;
	v15 =	vmovc v49  }
.Ltmp7:
0x36a: {  	v19 =	vmovc v48;
	v35 =	vadd.s32 v37, v34;
	v16 =	vmovc v50;
	v49 =	vsel vm1, $0x1, v4;
	v44 =	vsel vm6, $0x1, v4;
	(pc) =	sbr.rel @p0 .LBB2_17-.Ltmp7, $4  }
0x36b: {  	vm4 =	vgt.f32 v38, v54;
	vm1 =	vgt.f32 v55, v20;
	v48 =	vadd.s32 v17, v44;
	v17 =	vmovc v51  }
0x36c: {  	v24 =	vmovc v52;
	v47 =	vsel vm4, $0x1, v4;
	vm4 =	vgt.f32 v38, v56;
	v20 =	vmovc v53;
	v50 =	vsel vm1, $0x1, v4  }
0x36d: {  	v46 =	vsel vm5, $0x1, v4;
	v51 =	vadd.s32 v50, v40;
	v40 =	vadd.s32 v44, v49  }
0x36e: {  	vm1 =	vgt.u32 v36, v46;
	v36 =	vadd.s32 v46, v40;
	v46 =	vsel vm4, $0x1, v4  }
0x36f: {  	v29 =	vadd.s32 v29, v45;
	vm5 =	vlt.u32 v41, $0x2  }
0x370: {  	v57 =	vsel vm3, $0x1, v4;
	v59 =	vadd.s32 v49, v51;
	vm13 =	vlt.u32 v29, $0x2  }
0x371: {  	v58 =	vadd.s32 v27, v57;
	vm6 =	vlt.u32 v59, $0x2  }
0x372: {  	vm4 =	vgt.f32 v38, v43;
	vm14 =	vle.u32 v58, v31  }
0x373: {  	v60 =	vadd.s32 v47, v46;
	v40 =	vsel vm4, $0x1, v4  }
0x374: {  	vm9 =	vle.u32 v48, v50;
	v61 =	vadd.s32 v40, v60  }
0x375: {  	v62 =	vsel vm2, $0x1, v4;
	v63 =	vadd.s32 v27, v33;
	vm7 =	vlt.u32 v61, $0x2;
	[tilespmem:v13+s29+$0x0] =	vst.idx.msk vm5, v5  }
0x376: {  	v30 =	vadd.s32 v57, v30;
	vm2 =	vgt.u32 v63, v62;
	[tilespmem:v10+s29+$0x0] =	vst.idx.msk vm13, v5  }
0x377: {  	v30 =	vadd.s32 v62, v30;
	[tilespmem:v26+s29+$0x0] =	vst.idx.msk vm6, v5  }
0x378: {  	vm15 =	vgt.u32 v30, $0x1;
	[tilespmem:v11+s29+$0x0] =	vst.idx.msk vm14, v5  }
0x379: {  	vm12 =	vle.u32 v35, v47;
	[tilespmem:v18+s29+$0x0] =	vst.idx.msk vm0, v5  }
0x37a: {  	v10 =	vadd.s32 v28, v39;
	vm13 =	vgt.u32 v36, $0x1;
	[tilespmem:v24+s29+$0x0] =	vst.idx.msk vm9, v5  }
0x37b: {  	vm10 =	vgt.u32 v10, v32;
	[tilespmem:v23+s29+$0x0] =	vst.idx.msk vm7, v5  }
0x37c: {  	vm11 =	vgt.u32 v25, $0x1;
	v10 =	vadd.s32 v34, v40;
	v11 =	vadd.s32 v37, v46;
	[tilespmem:v22+s29+$0x0] =	vst.idx.msk vm2, v5  }
0x37d: {  	v10 =	vadd.s32 v42, v10;
	vm14 =	vgt.u32 v11, v42;
	[tilespmem:v20+s29+$0x0] =	vst.idx.msk vm1, v5  }
0x37e: {  	[tilespmem:v21+s29+$0x0] =	vst.idx.msk vm15, v5;
	vm15 =	vgt.u32 v10, $0x1  }
0x37f: {  	[tilespmem:v19+s29+$0x0] =	vst.idx.msk vm12, v5  }
0x380: {  	[tilespmem:v15+s29+$0x0] =	vst.idx.msk vm13, v5  }
0x381: {  	[tilespmem:v12+s29+$0x0] =	vst.idx.msk vm10, v5  }
0x382: {  	[tilespmem:v14+s29+$0x0] =	vst.idx.msk vm11, v5  }
0x383: {  	s12 =	sadd.s32 $0x1, s12;
	[tilespmem:v16+s29+$0x0] =	vst.idx.msk vm14, v5  }
0x384: {  	s14 =	sadd.s32 s3, s14;
	s13 =	sadd.s32 $0x6, s13;
	p0 =	sne.s32 s12, $0x1F;
	[tilespmem:v17+s29+$0x0] =	vst.idx.msk vm15, v5  }
0x385: {  	[hbm4b:s14+s23] =	stream.strided.scatter [tilespmem:s29], [sflag:$0x8], $0x4000, s24, s23, $0x38;
	[tilespmem:$0x10000] =	vst v63  }
.Ltmp8:
0x386: {  	s20 =	sadd.s32 s5, s13;
	s13 =	sshll.u32 s13, $0x4;
	(pc) =	sbr.rel @p0 .LBB2_10-.Ltmp8, $4  }
0x387: {  	s13 =	sand.u32 $0x60, s13;
	s14 =	sshll.u32 s20, $0xB;
	_ =	swait.ge [sflag:s8], $0x4000  }
0x388: {  	s13 =	sadd.s32 s2, s13;
	s14 =	sand.u32 $0xFFC000, s14;
	[sflag:s8] =	ssyncset.done $0x0  }
0x389: {  	s13 =	sadd.s32 s14, s13;
	[sflag:s8] =	ssyncadd.s32 $0xFFFFC000  }
0x38a: {  	[tilespmem:s26], [sflag:$0x3] =	stream.strided.gather [hbm4b:s13+s23], $0x4000, s24, s23, $0x38;
	[tilespmem:$0x10000] =	vst v63  }
0x38b: {  	s12 =	simm.s32 $0x80  }
0x38c: {  	v10 =	vor.u32 s12, v0  }
0x38d: {  	v18 =	vor.u32 s12, v1  }
0x38e: {  	_ =	swait.ge [sflag:s28], $0x4000;
	v12 =	vor.u32 s12, v2  }
0x38f: {  	s13 =	simm.s32 $0xC0;
	[sflag:s28] =	ssyncset.done $0x0;
	v14 =	vor.u32 s12, v3  }
0x390: {  	v21 =	vor.u32 s13, v9;
	[sflag:s28] =	ssyncadd.s32 $0xFFFFC000  }
0x391: {  	v22 =	vor.u32 s13, v8;
	v16 =	vld.idx.msk [tilespmem:v10+s4+$0x0], $0xffff  }
0x392: {  	v11 =	vor.u32 s13, v7;
	v17 =	vld.idx.msk [tilespmem:v18+s4+$0x0], $0xffff  }
0x393: {  	s20 =	simm.s32 $0x0;
	v13 =	vor.u32 s13, v6;
	v25 =	vld.idx.msk [tilespmem:v12+s4+$0x0], $0xffff  }
0x394: {  	v26 =	vor.u32 s20, v0;
	v27 =	vld.idx.msk [tilespmem:v14+s4+$0x0], $0xffff  }
0x395: {  	v19 =	vor.u32 s20, v7;
	v28 =	vld.idx.msk [tilespmem:v21+s4+$0x0], $0xffff  }
0x396: {  	v15 =	vor.u32 s20, v3;
	v30 =	vld.idx.msk [tilespmem:v22+s4+$0x0], $0xffff  }
0x397: {  	v20 =	vor.u32 s20, v2;
	v33 =	vld.idx.msk [tilespmem:v11+s4+$0x0], $0xffff  }
0x398: {  	v24 =	vor.u32 s20, v1;
	v34 =	vld.idx.msk [tilespmem:v13+s4+$0x0], $0xffff  }
0x399: {  	v37 =	vld.idx.msk [tilespmem:v26+s4+$0x0], $0xffff  }
0x39a: {  	v58 =	vld.idx.msk [tilespmem:v19+s4+$0x0], $0xffff  }
0x39b: {  	v39 =	vld.idx.msk [tilespmem:v15+s4+$0x0], $0xffff  }
0x39c: {  	v42 =	vld.idx.msk [tilespmem:v20+s4+$0x0], $0xffff  }
0x39d: {  	v23 =	vor.u32 s20, v6;
	v44 =	vld.idx.msk [tilespmem:v24+s4+$0x0], $0xffff;
	v31 =	vand.u32 $0x7FFFFFFF, v16  }
0x39e: {  	v32 =	vand.u32 $0x7FFFFFFF, v17;
	v16 =	vor.u32 s20, v8;
	v17 =	vor.u32 s20, v9  }
0x39f: {  	v25 =	vand.u32 $0x7FFFFFFF, v25;
	v27 =	vand.u32 $0x7FFFFFFF, v27;
	v36 =	vand.u32 $0x7FFFFFFF, v28  }
0x3a0: {  	v57 =	vand.u32 $0x7FFFFFFF, v30;
	v33 =	vand.u32 $0x7FFFFFFF, v33;
	v30 =	vand.u32 $0x7FFFFFFF, v34  }
0x3a1: {  	v59 =	vand.u32 $0x7FFFFFFF, v58;
	v46 =	vand.u32 $0x7FFFFFFF, v39;
	v47 =	vand.u32 $0x7FFFFFFF, v37  }
0x3a2: {  	v44 =	vand.u32 $0x7FFFFFFF, v44;
	v42 =	vand.u32 $0x7FFFFFFF, v42;
	vm0 =	vgt.f32 v31, v32  }
0x3a3: {  	vm1 =	vgt.f32 v32, v25;
	vm3 =	vgt.f32 v25, v27;
	vm4 =	vgt.f32 v31, v25  }
0x3a4: {  	vm2 =	vgt.f32 v30, v33;
	vm5 =	vgt.f32 v30, v36;
	vm7 =	vgt.f32 v47, v42  }
0x3a5: {  	vm8 =	vgt.f32 v44, v42;
	vm14 =	vgt.f32 v42, v46;
	vm15 =	vgt.f32 v44, v46  }
0x3a6: {  	v35 =	vsel vm0, $0x1, v4;
	vm0 =	vgt.f32 v31, v27;
	v28 =	vsel vm1, $0x1, v4  }
0x3a7: {  	vm1 =	vgt.f32 v33, v57;
	v39 =	vsel vm4, $0x1, v4;
	v51 =	vsel vm7, $0x1, v4  }
0x3a8: {  	v48 =	vsel vm8, $0x1, v4;
	v62 =	vsel vm14, $0x1, v4;
	v29 =	vsel vm0, $0x1, v4  }
0x3a9: {  	vm0 =	vgt.f32 v32, v27;
	v27 =	vsel vm1, $0x1, v4;
	vm1 =	vgt.f32 v30, v57  }
0x3aa: {  	v60 =	vld.idx.msk [tilespmem:v23+s4+$0x0], $0xffff;
	v30 =	vsel vm5, $0x1, v4;
	v32 =	vsel vm3, $0x1, v4;
	vm3 =	vgt.f32 v33, v36  }
0x3ab: {  	vm5 =	vgt.f32 v47, v46;
	v52 =	vadd.s32 v48, v51;
	v45 =	vadd.s32 v35, v39;
	v38 =	vld.idx.msk [tilespmem:v17+s4+$0x0], $0xffff  }
0x3ac: {  	v46 =	vsel vm15, $0x1, v4;
	v25 =	vsel vm0, $0x1, v4;
	v33 =	vsel vm1, $0x1, v4;
	v40 =	vld.idx.msk [tilespmem:v16+s4+$0x0], $0xffff  }
0x3ad: {  	v49 =	vsel vm5, $0x1, v4;
	v48 =	vadd.s32 v48, v46;
	v31 =	vadd.s32 v28, v25  }
0x3ae: {  	v25 =	vadd.s32 v25, v29;
	vm0 =	vle.u32 v31, v35;
	v31 =	vsel vm2, $0x1, v4  }
0x3af: {  	v63 =	vadd.s32 v46, v49;
	vm2 =	vgt.f32 v57, v36;
	v61 =	vadd.s32 v31, v33  }
0x3b0: {  	v25 =	vadd.s32 v32, v25;
	v36 =	vadd.s32 v62, v63;
	v41 =	vadd.s32 v30, v61  }
0x3b1: {  	v43 =	vand.u32 $0x7FFFFFFF, v38;
	v40 =	vand.u32 $0x7FFFFFFF, v40;
	v38 =	vand.u32 $0x7FFFFFFF, v60  }
0x3b2: {  	vm1 =	vgt.f32 v59, v43;
	vm6 =	vgt.f32 v59, v40;
	vm4 =	vgt.f32 v40, v43  }
0x3b3: {  	v37 =	vsel vm6, $0x1, v4;
	v34 =	vsel vm1, $0x1, v4;
	v42 =	vsel vm4, $0x1, v4  }
0x3b4: {  	vm1 =	vgt.f32 v47, v44;
	vm4 =	vgt.f32 v38, v59;
	v35 =	vadd.s32 v37, v34  }
0x3b5: {  	v50 =	vsel vm1, $0x1, v4;
	v47 =	vsel vm4, $0x1, v4;
	vm4 =	vgt.f32 v38, v40  }
0x3b6: {  	s12 =	simm.s32 $0x100;
	vm1 =	vgt.u32 v52, v62;
	v51 =	vadd.s32 v50, v51;
	v46 =	vsel vm4, $0x1, v4  }
.LBB2_20:
0x3b7: {  	s14 =	sadd.s32 $0x80, s12  }
0x3b8: {  	p0 =	slt.u32 s12, $0x3F00;
	vm4 =	vgt.u32 v36, $0x1;
	vm6 =	vgt.f32 v38, v43;
	vm5 =	vle.u32 v35, v47;
	s13 =	smov.u32 s12;
	s12 =	sadd.s32 $0x100, s12  }
0x3b9: {  	v43 =	vor.u32 s14, v0;
	v44 =	vor.u32 s14, v1;
	s15 =	sadd.s32 $0xC0, s13;
	v52 =	vsel vm6, $0x1, v4  }
0x3ba: {  	v40 =	vor.u32 s13, v6;
	v38 =	vor.u32 s14, v2;
	v53 =	vor.u32 s15, v6  }
0x3bb: {  	v35 =	vor.u32 s14, v3;
	v36 =	vor.u32 s15, v8;
	v54 =	vadd.s32 v34, v52  }
0x3bc: {  	v55 =	vor.u32 s15, v7;
	v34 =	vor.u32 s15, v9;
	v54 =	vadd.s32 v42, v54  }
0x3bd: {  	v49 =	vadd.s32 v49, v51;
	vm8 =	vle.u32 v48, v50;
	vm6 =	vgt.u32 v54, $0x1  }
0x3be: {  	v47 =	vadd.s32 v47, v46;
	v29 =	vadd.s32 v29, v45;
	v28 =	vadd.s32 v28, v39;
	v48 =	vld.idx.msk [tilespmem:v43+s4+$0x0], $0xffff  }
0x3bf: {  	vm13 =	vlt.u32 v41, $0x2;
	vm11 =	vlt.u32 v29, $0x2;
	v45 =	vadd.s32 v52, v47;
	v39 =	vld.idx.msk [tilespmem:v44+s4+$0x0], $0xffff  }
0x3c0: {  	v41 =	vsel vm3, $0x1, v4;
	vm10 =	vlt.u32 v45, $0x2;
	v45 =	vsel vm2, $0x1, v4;
	v29 =	vld.idx.msk [tilespmem:v38+s4+$0x0], $0xffff  }
0x3c1: {  	v37 =	vadd.s32 v37, v46;
	vm9 =	vgt.u32 v28, v32;
	v28 =	vadd.s32 v27, v41;
	v47 =	vld.idx.msk [tilespmem:v34+s4+$0x0], $0xffff  }
0x3c2: {  	vm7 =	vgt.u32 v37, v42;
	vm14 =	vle.u32 v28, v31;
	v28 =	vadd.s32 v41, v30;
	v32 =	vld.idx.msk [tilespmem:v35+s4+$0x0], $0xffff  }
0x3c3: {  	vm12 =	vlt.u32 v49, $0x2;
	v27 =	vadd.s32 v27, v33;
	v28 =	vadd.s32 v45, v28;
	v30 =	vld.idx.msk [tilespmem:v36+s4+$0x0], $0xffff  }
0x3c4: {  	v46 =	vor.u32 s13, v0;
	v49 =	vor.u32 s13, v3;
	vm2 =	vgt.u32 v28, $0x1;
	v31 =	vld.idx.msk [tilespmem:v53+s4+$0x0], $0xffff  }
0x3c5: {  	vm3 =	vgt.u32 v27, v45;
	v33 =	vand.u32 $0x7FFFFFFF, v48;
	v28 =	vand.u32 $0x7FFFFFFF, v39;
	v37 =	vld.idx.msk [tilespmem:v55+s4+$0x0], $0xffff  }
0x3c6: {  	v50 =	vor.u32 s13, v8;
	v51 =	vor.u32 s13, v9;
	v48 =	vor.u32 s13, v7;
	[tilespmem:v13+s4+$0x0] =	vst.idx.msk vm13, v5;
	v13 =	vmovc v53  }
0x3c7: {  	v52 =	vor.u32 s13, v1;
	v53 =	vor.u32 s13, v2;
	vm13 =	vgt.f32 v33, v28;
	[tilespmem:v10+s4+$0x0] =	vst.idx.msk vm11, v5;
	v10 =	vmovc v43  }
0x3c8: {  	v27 =	vand.u32 $0x7FFFFFFF, v29;
	v32 =	vand.u32 $0x7FFFFFFF, v32;
	v42 =	vsel vm13, $0x1, v4;
	[tilespmem:v11+s4+$0x0] =	vst.idx.msk vm14, v5;
	v11 =	vmovc v55  }
0x3c9: {  	v39 =	vand.u32 $0x7FFFFFFF, v47;
	vm13 =	vgt.f32 v28, v27;
	vm11 =	vgt.f32 v33, v32;
	[tilespmem:v26+s4+$0x0] =	vst.idx.msk vm12, v5  }
0x3ca: {  	vm14 =	vgt.f32 v28, v32;
	v41 =	vand.u32 $0x7FFFFFFF, v30;
	v29 =	vsel vm11, $0x1, v4;
	v26 =	vld.idx.msk [tilespmem:v46+s4+$0x0], $0xffff;
	[tilespmem:v23+s4+$0x0] =	vst.idx.msk vm10, v5  }
0x3cb: {  	vm11 =	vgt.f32 v27, v32;
	v30 =	vand.u32 $0x7FFFFFFF, v31;
	v37 =	vand.u32 $0x7FFFFFFF, v37;
	v23 =	vld.idx.msk [tilespmem:v51+s4+$0x0], $0xffff;
	[tilespmem:v18+s4+$0x0] =	vst.idx.msk vm0, v5  }
0x3cc: {  	v28 =	vsel vm13, $0x1, v4;
	vm12 =	vgt.u32 v25, $0x1;
	vm0 =	vgt.f32 v37, v41;
	v18 =	vld.idx.msk [tilespmem:v48+s4+$0x0], $0xffff;
	[tilespmem:v22+s4+$0x0] =	vst.idx.msk vm3, v5  }
0x3cd: {  	v25 =	vsel vm14, $0x1, v4;
	vm10 =	vgt.f32 v33, v27;
	v27 =	vsel vm0, $0x1, v4;
	v22 =	vld.idx.msk [tilespmem:v49+s4+$0x0], $0xffff;
	[tilespmem:v21+s4+$0x0] =	vst.idx.msk vm2, v5  }
0x3ce: {  	v31 =	vadd.s32 v28, v25;
	v25 =	vadd.s32 v25, v29;
	vm13 =	vgt.f32 v30, v41;
	v21 =	vld.idx.msk [tilespmem:v50+s4+$0x0], $0xffff  }
0x3cf: {  	vm0 =	vle.u32 v31, v42;
	vm3 =	vgt.f32 v30, v39;
	vm2 =	vgt.f32 v30, v37;
	v45 =	vld.idx.msk [tilespmem:v53+s4+$0x0], $0xffff  }
0x3d0: {  	v30 =	vsel vm3, $0x1, v4;
	v31 =	vsel vm2, $0x1, v4;
	vm2 =	vgt.f32 v41, v39;
	v47 =	vld.idx.msk [tilespmem:v52+s4+$0x0], $0xffff;
	[tilespmem:v24+s4+$0x0] =	vst.idx.msk vm8, v5  }
0x3d1: {  	v32 =	vsel vm11, $0x1, v4;
	vm3 =	vgt.f32 v37, v39;
	v43 =	vand.u32 $0x7FFFFFFF, v23;
	v24 =	vld.idx.msk [tilespmem:v40+s4+$0x0], $0xffff;
	[tilespmem:v12+s4+$0x0] =	vst.idx.msk vm9, v5  }
0x3d2: {  	v25 =	vadd.s32 v32, v25;
	v33 =	vsel vm13, $0x1, v4;
	v54 =	vand.u32 $0x7FFFFFFF, v18;
	v18 =	vmovc v44;
	[tilespmem:v14+s4+$0x0] =	vst.idx.msk vm12, v5  }
0x3d3: {  	v12 =	vadd.s32 v31, v33;
	v44 =	vand.u32 $0x7FFFFFFF, v22;
	vm8 =	vgt.f32 v54, v43;
	[tilespmem:v19+s4+$0x0] =	vst.idx.msk vm5, v5  }
0x3d4: {  	v55 =	vand.u32 $0x7FFFFFFF, v26;
	v23 =	vmovc v40;
	v41 =	vadd.s32 v30, v12;
	v56 =	vand.u32 $0x7FFFFFFF, v21;
	[tilespmem:v20+s4+$0x0] =	vst.idx.msk vm1, v5  }
0x3d5: {  	v39 =	vsel vm10, $0x1, v4;
	vm1 =	vgt.f32 v55, v44;
	vm5 =	vgt.f32 v54, v56;
	[tilespmem:v15+s4+$0x0] =	vst.idx.msk vm4, v5  }
0x3d6: {  	v12 =	vmovc v38;
	v20 =	vand.u32 $0x7FFFFFFF, v47;
	v15 =	vand.u32 $0x7FFFFFFF, v45;
	vm4 =	vgt.f32 v56, v43;
	[tilespmem:v16+s4+$0x0] =	vst.idx.msk vm7, v5  }
0x3d7: {  	v37 =	vsel vm5, $0x1, v4;
	vm7 =	vgt.f32 v55, v15;
	vm9 =	vgt.f32 v20, v15;
	[tilespmem:v17+s4+$0x0] =	vst.idx.msk vm6, v5  }
0x3d8: {  	v14 =	vmovc v35;
	v22 =	vmovc v36;
	v38 =	vand.u32 $0x7FFFFFFF, v24;
	v40 =	vsel vm7, $0x1, v4;
	v17 =	vsel vm9, $0x1, v4  }
0x3d9: {  	v21 =	vmovc v34;
	v45 =	vadd.s32 v42, v39;
	vm5 =	vgt.f32 v15, v44;
	v36 =	vadd.s32 v17, v40  }
0x3da: {  	v26 =	vmovc v46;
	v34 =	vsel vm8, $0x1, v4;
	v42 =	vsel vm4, $0x1, v4;
	vm6 =	vgt.f32 v20, v44;
	v15 =	vmovc v49  }
.Ltmp9:
0x3db: {  	v19 =	vmovc v48;
	v35 =	vadd.s32 v37, v34;
	v16 =	vmovc v50;
	v49 =	vsel vm1, $0x1, v4;
	v44 =	vsel vm6, $0x1, v4;
	(pc) =	sbr.rel @p0 .LBB2_20-.Ltmp9, $4  }
0x3dc: {  	vm4 =	vgt.f32 v38, v54;
	vm1 =	vgt.f32 v55, v20;
	v48 =	vadd.s32 v17, v44;
	v17 =	vmovc v51  }
0x3dd: {  	v24 =	vmovc v52;
	v47 =	vsel vm4, $0x1, v4;
	vm4 =	vgt.f32 v38, v56;
	v20 =	vmovc v53;
	v50 =	vsel vm1, $0x1, v4  }
0x3de: {  	v46 =	vsel vm5, $0x1, v4;
	v51 =	vadd.s32 v50, v40;
	v40 =	vadd.s32 v44, v49  }
0x3df: {  	vm1 =	vgt.u32 v36, v46;
	v36 =	vadd.s32 v46, v40;
	v46 =	vsel vm4, $0x1, v4  }
0x3e0: {  	v29 =	vadd.s32 v29, v45;
	vm5 =	vlt.u32 v41, $0x2  }
0x3e1: {  	v63 =	vsel vm3, $0x1, v4;
	v45 =	vadd.s32 v49, v51;
	vm3 =	vlt.u32 v29, $0x2  }
0x3e2: {  	vm4 =	vgt.f32 v38, v43;
	v29 =	vadd.s32 v27, v63;
	vm6 =	vlt.u32 v45, $0x2  }
0x3e3: {  	v49 =	vadd.s32 v47, v46;
	v40 =	vsel vm4, $0x1, v4;
	vm4 =	vle.u32 v29, v31  }
0x3e4: {  	v29 =	vadd.s32 v40, v49  }
0x3e5: {  	v27 =	vadd.s32 v27, v33;
	vm7 =	vlt.u32 v29, $0x2;
	v29 =	vsel vm2, $0x1, v4  }
0x3e6: {  	v30 =	vadd.s32 v63, v30;
	vm2 =	vgt.u32 v27, v29;
	[tilespmem:v13+s4+$0x0] =	vst.idx.msk vm5, v5  }
0x3e7: {  	vm11 =	vle.u32 v35, v47;
	v30 =	vadd.s32 v29, v30;
	[tilespmem:v10+s4+$0x0] =	vst.idx.msk vm3, v5  }
0x3e8: {  	vm5 =	vgt.u32 v30, $0x1;
	[tilespmem:v26+s4+$0x0] =	vst.idx.msk vm6, v5  }
0x3e9: {  	vm3 =	vle.u32 v48, v50;
	v10 =	vadd.s32 v28, v39;
	[tilespmem:v11+s4+$0x0] =	vst.idx.msk vm4, v5  }
0x3ea: {  	vm4 =	vgt.u32 v10, v32;
	[tilespmem:v18+s4+$0x0] =	vst.idx.msk vm0, v5  }
0x3eb: {  	[tilespmem:v23+s4+$0x0] =	vst.idx.msk vm7, v5  }
0x3ec: {  	vm10 =	vgt.u32 v25, $0x1;
	[tilespmem:v22+s4+$0x0] =	vst.idx.msk vm2, v5  }
0x3ed: {  	vm0 =	vgt.u32 v36, $0x1;
	v10 =	vadd.s32 v34, v40;
	v11 =	vadd.s32 v37, v46;
	[tilespmem:v19+s4+$0x0] =	vst.idx.msk vm11, v5  }
0x3ee: {  	v10 =	vadd.s32 v42, v10;
	vm2 =	vgt.u32 v11, v42;
	[tilespmem:v21+s4+$0x0] =	vst.idx.msk vm5, v5  }
0x3ef: {  	[tilespmem:v24+s4+$0x0] =	vst.idx.msk vm3, v5;
	vm3 =	vgt.u32 v10, $0x1  }
0x3f0: {  	[tilespmem:v12+s4+$0x0] =	vst.idx.msk vm4, v5  }
0x3f1: {  	[tilespmem:v20+s4+$0x0] =	vst.idx.msk vm1, v5  }
0x3f2: {  	[tilespmem:v14+s4+$0x0] =	vst.idx.msk vm10, v5  }
0x3f3: {  	[tilespmem:v15+s4+$0x0] =	vst.idx.msk vm0, v5  }
0x3f4: {  	[tilespmem:v16+s4+$0x0] =	vst.idx.msk vm2, v5  }
0x3f5: {  	[tilespmem:v17+s4+$0x0] =	vst.idx.msk vm3, v5  }
0x3f6: {  	s12 =	simm.s32 $0x0;
	s13 =	rddreg [dreg:$0xc]  }
0x3f7: {  	[hbm4b:s13+s23] =	stream.strided.scatter [tilespmem:s12], [sflag:$0x5], $0x4000, s24, s23, $0x38;
	[tilespmem:$0x10000] =	vst v63  }
0x3f8: {  	_ =	swait.ge [sflag:s10], $0x4000  }
0x3f9: {  	s19 =	simm.s32 $0x80;
	[sflag:s10] =	ssyncset.done $0x0  }
0x3fa: {  	v10 =	vor.u32 s19, v0;
	s14 =	rddreg [dreg:$0xd];
	[sflag:s10] =	ssyncadd.s32 $0xFFFFC000  }
0x3fb: {  	v18 =	vor.u32 s19, v1;
	[tilespmem:s29], [sflag:$0x4] =	stream.strided.gather [hbm4b:s14+s23], $0x4000, s24, s23, $0x38;
	[tilespmem:$0x10000] =	vst v63  }
0x3fc: {  	v12 =	vor.u32 s19, v2;
	_ =	swait.ge [sflag:s30], $0x4000  }
0x3fd: {  	s20 =	simm.s32 $0xC0;
	v14 =	vor.u32 s19, v3;
	[sflag:s30] =	ssyncset.done $0x0  }
0x3fe: {  	v21 =	vor.u32 s20, v9;
	[sflag:s30] =	ssyncadd.s32 $0xFFFFC000  }
0x3ff: {  	v22 =	vor.u32 s20, v8;
	v16 =	vld.idx.msk [tilespmem:v10+s25+$0x0], $0xffff  }
0x400: {  	v11 =	vor.u32 s20, v7;
	v17 =	vld.idx.msk [tilespmem:v18+s25+$0x0], $0xffff  }
0x401: {  	v13 =	vor.u32 s20, v6;
	v25 =	vld.idx.msk [tilespmem:v12+s25+$0x0], $0xffff  }
0x402: {  	v26 =	vor.u32 s12, v0;
	v27 =	vld.idx.msk [tilespmem:v14+s25+$0x0], $0xffff  }
0x403: {  	v19 =	vor.u32 s12, v7;
	v28 =	vld.idx.msk [tilespmem:v21+s25+$0x0], $0xffff  }
0x404: {  	v20 =	vor.u32 s12, v2;
	v30 =	vld.idx.msk [tilespmem:v22+s25+$0x0], $0xffff  }
0x405: {  	v24 =	vor.u32 s12, v1;
	v52 =	vld.idx.msk [tilespmem:v11+s25+$0x0], $0xffff  }
0x406: {  	v23 =	vor.u32 s12, v6;
	v53 =	vld.idx.msk [tilespmem:v13+s25+$0x0], $0xffff  }
0x407: {  	v55 =	vld.idx.msk [tilespmem:v26+s25+$0x0], $0xffff  }
0x408: {  	v59 =	vld.idx.msk [tilespmem:v19+s25+$0x0], $0xffff  }
0x409: {  	v62 =	vld.idx.msk [tilespmem:v20+s25+$0x0], $0xffff  }
0x40a: {  	v44 =	vld.idx.msk [tilespmem:v24+s25+$0x0], $0xffff  }
0x40b: {  	v15 =	vor.u32 s12, v3;
	v56 =	vld.idx.msk [tilespmem:v23+s25+$0x0], $0xffff;
	v31 =	vand.u32 $0x7FFFFFFF, v16  }
0x40c: {  	v51 =	vand.u32 $0x7FFFFFFF, v17;
	v16 =	vor.u32 s12, v8;
	v17 =	vor.u32 s12, v9  }
0x40d: {  	v25 =	vand.u32 $0x7FFFFFFF, v25;
	v27 =	vand.u32 $0x7FFFFFFF, v27;
	v54 =	vand.u32 $0x7FFFFFFF, v28  }
0x40e: {  	v57 =	vand.u32 $0x7FFFFFFF, v30;
	v33 =	vand.u32 $0x7FFFFFFF, v52;
	v30 =	vand.u32 $0x7FFFFFFF, v53  }
0x40f: {  	v63 =	vand.u32 $0x7FFFFFFF, v59;
	v59 =	vand.u32 $0x7FFFFFFF, v55;
	v44 =	vand.u32 $0x7FFFFFFF, v44  }
0x410: {  	v42 =	vand.u32 $0x7FFFFFFF, v62;
	v38 =	vand.u32 $0x7FFFFFFF, v56;
	vm0 =	vgt.f32 v31, v51  }
0x411: {  	vm1 =	vgt.f32 v51, v25;
	vm3 =	vgt.f32 v25, v27;
	vm4 =	vgt.f32 v31, v25  }
0x412: {  	vm2 =	vgt.f32 v30, v33;
	vm5 =	vgt.f32 v30, v54;
	vm13 =	vgt.f32 v59, v42  }
0x413: {  	vm8 =	vgt.f32 v44, v42;
	v35 =	vsel vm0, $0x1, v4;
	vm0 =	vgt.f32 v31, v27  }
0x414: {  	v28 =	vsel vm1, $0x1, v4;
	vm1 =	vgt.f32 v33, v57;
	v32 =	vsel vm3, $0x1, v4  }
0x415: {  	v60 =	vld.idx.msk [tilespmem:v15+s25+$0x0], $0xffff;
	vm3 =	vgt.f32 v33, v54;
	v39 =	vsel vm4, $0x1, v4;
	v29 =	vsel vm0, $0x1, v4  }
0x416: {  	vm0 =	vgt.f32 v51, v27;
	v27 =	vsel vm1, $0x1, v4;
	vm1 =	vgt.f32 v30, v57  }
0x417: {  	v30 =	vsel vm5, $0x1, v4;
	v45 =	vadd.s32 v35, v39;
	v25 =	vsel vm0, $0x1, v4;
	v58 =	vld.idx.msk [tilespmem:v17+s25+$0x0], $0xffff  }
0x418: {  	v33 =	vsel vm1, $0x1, v4;
	v31 =	vadd.s32 v28, v25;
	v25 =	vadd.s32 v25, v29;
	v61 =	vld.idx.msk [tilespmem:v16+s25+$0x0], $0xffff  }
0x419: {  	vm0 =	vle.u32 v31, v35;
	v31 =	vsel vm2, $0x1, v4;
	vm2 =	vgt.f32 v57, v54  }
0x41a: {  	v25 =	vadd.s32 v32, v25;
	v57 =	vand.u32 $0x7FFFFFFF, v60;
	v60 =	vsel vm13, $0x1, v4  }
0x41b: {  	vm5 =	vgt.f32 v59, v57;
	vm14 =	vgt.f32 v42, v57;
	vm15 =	vgt.f32 v44, v57  }
0x41c: {  	v49 =	vsel vm5, $0x1, v4;
	v46 =	vsel vm15, $0x1, v4;
	v62 =	vsel vm14, $0x1, v4  }
0x41d: {  	v43 =	vand.u32 $0x7FFFFFFF, v58;
	v58 =	vadd.s32 v31, v33;
	v40 =	vand.u32 $0x7FFFFFFF, v61  }
0x41e: {  	v61 =	vsel vm8, $0x1, v4;
	vm1 =	vgt.f32 v63, v43;
	v41 =	vadd.s32 v30, v58  }
0x41f: {  	vm12 =	vgt.f32 v63, v40;
	vm4 =	vgt.f32 v40, v43;
	v52 =	vadd.s32 v61, v60  }
0x420: {  	v48 =	vadd.s32 v61, v46;
	v37 =	vsel vm12, $0x1, v4;
	v34 =	vsel vm1, $0x1, v4  }
0x421: {  	v42 =	vsel vm4, $0x1, v4;
	vm1 =	vgt.f32 v59, v44;
	vm4 =	vgt.f32 v38, v63  }
0x422: {  	v63 =	vadd.s32 v46, v49;
	v35 =	vadd.s32 v37, v34;
	v50 =	vsel vm1, $0x1, v4  }
0x423: {  	v47 =	vsel vm4, $0x1, v4;
	vm4 =	vgt.f32 v38, v40;
	vm1 =	vgt.u32 v52, v62  }
0x424: {  	s12 =	simm.s32 $0x100;
	v36 =	vadd.s32 v62, v63;
	v51 =	vadd.s32 v50, v60;
	v46 =	vsel vm4, $0x1, v4  }
.LBB2_22:
0x425: {  	s14 =	sadd.s32 $0x80, s12  }
0x426: {  	p0 =	slt.u32 s12, $0x3F00;
	vm4 =	vgt.u32 v36, $0x1;
	vm6 =	vgt.f32 v38, v43;
	vm5 =	vle.u32 v35, v47;
	s13 =	smov.u32 s12;
	s12 =	sadd.s32 $0x100, s12  }
0x427: {  	v43 =	vor.u32 s14, v0;
	v44 =	vor.u32 s14, v1;
	s15 =	sadd.s32 $0xC0, s13;
	v52 =	vsel vm6, $0x1, v4  }
0x428: {  	v40 =	vor.u32 s13, v6;
	v38 =	vor.u32 s14, v2;
	v53 =	vor.u32 s15, v6  }
0x429: {  	v35 =	vor.u32 s14, v3;
	v36 =	vor.u32 s15, v8;
	v54 =	vadd.s32 v34, v52  }
0x42a: {  	v55 =	vor.u32 s15, v7;
	v34 =	vor.u32 s15, v9;
	v54 =	vadd.s32 v42, v54  }
0x42b: {  	v49 =	vadd.s32 v49, v51;
	vm8 =	vle.u32 v48, v50;
	vm6 =	vgt.u32 v54, $0x1  }
0x42c: {  	v47 =	vadd.s32 v47, v46;
	v29 =	vadd.s32 v29, v45;
	v28 =	vadd.s32 v28, v39;
	v48 =	vld.idx.msk [tilespmem:v43+s25+$0x0], $0xffff  }
0x42d: {  	vm13 =	vlt.u32 v41, $0x2;
	vm11 =	vlt.u32 v29, $0x2;
	v45 =	vadd.s32 v52, v47;
	v39 =	vld.idx.msk [tilespmem:v44+s25+$0x0], $0xffff  }
0x42e: {  	v41 =	vsel vm3, $0x1, v4;
	vm10 =	vlt.u32 v45, $0x2;
	v45 =	vsel vm2, $0x1, v4;
	v29 =	vld.idx.msk [tilespmem:v38+s25+$0x0], $0xffff  }
0x42f: {  	v37 =	vadd.s32 v37, v46;
	vm9 =	vgt.u32 v28, v32;
	v28 =	vadd.s32 v27, v41;
	v47 =	vld.idx.msk [tilespmem:v34+s25+$0x0], $0xffff  }
0x430: {  	vm7 =	vgt.u32 v37, v42;
	vm14 =	vle.u32 v28, v31;
	v28 =	vadd.s32 v41, v30;
	v32 =	vld.idx.msk [tilespmem:v35+s25+$0x0], $0xffff  }
0x431: {  	vm12 =	vlt.u32 v49, $0x2;
	v27 =	vadd.s32 v27, v33;
	v28 =	vadd.s32 v45, v28;
	v30 =	vld.idx.msk [tilespmem:v36+s25+$0x0], $0xffff  }
0x432: {  	v46 =	vor.u32 s13, v0;
	v49 =	vor.u32 s13, v3;
	vm2 =	vgt.u32 v28, $0x1;
	v31 =	vld.idx.msk [tilespmem:v53+s25+$0x0], $0xffff  }
0x433: {  	vm3 =	vgt.u32 v27, v45;
	v33 =	vand.u32 $0x7FFFFFFF, v48;
	v28 =	vand.u32 $0x7FFFFFFF, v39;
	v37 =	vld.idx.msk [tilespmem:v55+s25+$0x0], $0xffff  }
0x434: {  	v50 =	vor.u32 s13, v8;
	v51 =	vor.u32 s13, v9;
	v48 =	vor.u32 s13, v7;
	[tilespmem:v13+s25+$0x0] =	vst.idx.msk vm13, v5;
	v13 =	vmovc v53  }
0x435: {  	v52 =	vor.u32 s13, v1;
	v53 =	vor.u32 s13, v2;
	vm13 =	vgt.f32 v33, v28;
	[tilespmem:v10+s25+$0x0] =	vst.idx.msk vm11, v5;
	v10 =	vmovc v43  }
0x436: {  	v27 =	vand.u32 $0x7FFFFFFF, v29;
	v32 =	vand.u32 $0x7FFFFFFF, v32;
	v42 =	vsel vm13, $0x1, v4;
	[tilespmem:v11+s25+$0x0] =	vst.idx.msk vm14, v5;
	v11 =	vmovc v55  }
0x437: {  	v39 =	vand.u32 $0x7FFFFFFF, v47;
	vm13 =	vgt.f32 v28, v27;
	vm11 =	vgt.f32 v33, v32;
	[tilespmem:v26+s25+$0x0] =	vst.idx.msk vm12, v5  }
0x438: {  	vm14 =	vgt.f32 v28, v32;
	v41 =	vand.u32 $0x7FFFFFFF, v30;
	v29 =	vsel vm11, $0x1, v4;
	v26 =	vld.idx.msk [tilespmem:v46+s25+$0x0], $0xffff;
	[tilespmem:v23+s25+$0x0] =	vst.idx.msk vm10, v5  }
0x439: {  	vm11 =	vgt.f32 v27, v32;
	v30 =	vand.u32 $0x7FFFFFFF, v31;
	v37 =	vand.u32 $0x7FFFFFFF, v37;
	v23 =	vld.idx.msk [tilespmem:v51+s25+$0x0], $0xffff;
	[tilespmem:v18+s25+$0x0] =	vst.idx.msk vm0, v5  }
0x43a: {  	v28 =	vsel vm13, $0x1, v4;
	vm12 =	vgt.u32 v25, $0x1;
	vm0 =	vgt.f32 v37, v41;
	v18 =	vld.idx.msk [tilespmem:v48+s25+$0x0], $0xffff;
	[tilespmem:v22+s25+$0x0] =	vst.idx.msk vm3, v5  }
0x43b: {  	v25 =	vsel vm14, $0x1, v4;
	vm10 =	vgt.f32 v33, v27;
	v27 =	vsel vm0, $0x1, v4;
	v22 =	vld.idx.msk [tilespmem:v49+s25+$0x0], $0xffff;
	[tilespmem:v21+s25+$0x0] =	vst.idx.msk vm2, v5  }
0x43c: {  	v31 =	vadd.s32 v28, v25;
	v25 =	vadd.s32 v25, v29;
	vm13 =	vgt.f32 v30, v41;
	v21 =	vld.idx.msk [tilespmem:v50+s25+$0x0], $0xffff  }
0x43d: {  	vm0 =	vle.u32 v31, v42;
	vm3 =	vgt.f32 v30, v39;
	vm2 =	vgt.f32 v30, v37;
	v45 =	vld.idx.msk [tilespmem:v53+s25+$0x0], $0xffff  }
0x43e: {  	v30 =	vsel vm3, $0x1, v4;
	v31 =	vsel vm2, $0x1, v4;
	vm2 =	vgt.f32 v41, v39;
	v47 =	vld.idx.msk [tilespmem:v52+s25+$0x0], $0xffff;
	[tilespmem:v24+s25+$0x0] =	vst.idx.msk vm8, v5  }
0x43f: {  	v32 =	vsel vm11, $0x1, v4;
	vm3 =	vgt.f32 v37, v39;
	v43 =	vand.u32 $0x7FFFFFFF, v23;
	v24 =	vld.idx.msk [tilespmem:v40+s25+$0x0], $0xffff;
	[tilespmem:v12+s25+$0x0] =	vst.idx.msk vm9, v5  }
0x440: {  	v25 =	vadd.s32 v32, v25;
	v33 =	vsel vm13, $0x1, v4;
	v54 =	vand.u32 $0x7FFFFFFF, v18;
	v18 =	vmovc v44;
	[tilespmem:v14+s25+$0x0] =	vst.idx.msk vm12, v5  }
0x441: {  	v12 =	vadd.s32 v31, v33;
	v44 =	vand.u32 $0x7FFFFFFF, v22;
	vm8 =	vgt.f32 v54, v43;
	[tilespmem:v19+s25+$0x0] =	vst.idx.msk vm5, v5  }
0x442: {  	v55 =	vand.u32 $0x7FFFFFFF, v26;
	v23 =	vmovc v40;
	v41 =	vadd.s32 v30, v12;
	v56 =	vand.u32 $0x7FFFFFFF, v21;
	[tilespmem:v20+s25+$0x0] =	vst.idx.msk vm1, v5  }
0x443: {  	v39 =	vsel vm10, $0x1, v4;
	vm1 =	vgt.f32 v55, v44;
	vm5 =	vgt.f32 v54, v56;
	[tilespmem:v15+s25+$0x0] =	vst.idx.msk vm4, v5  }
0x444: {  	v12 =	vmovc v38;
	v20 =	vand.u32 $0x7FFFFFFF, v47;
	v15 =	vand.u32 $0x7FFFFFFF, v45;
	vm4 =	vgt.f32 v56, v43;
	[tilespmem:v16+s25+$0x0] =	vst.idx.msk vm7, v5  }
0x445: {  	v37 =	vsel vm5, $0x1, v4;
	vm7 =	vgt.f32 v55, v15;
	vm9 =	vgt.f32 v20, v15;
	[tilespmem:v17+s25+$0x0] =	vst.idx.msk vm6, v5  }
0x446: {  	v14 =	vmovc v35;
	v22 =	vmovc v36;
	v38 =	vand.u32 $0x7FFFFFFF, v24;
	v40 =	vsel vm7, $0x1, v4;
	v17 =	vsel vm9, $0x1, v4  }
0x447: {  	v21 =	vmovc v34;
	v45 =	vadd.s32 v42, v39;
	vm5 =	vgt.f32 v15, v44;
	v36 =	vadd.s32 v17, v40  }
0x448: {  	v26 =	vmovc v46;
	v34 =	vsel vm8, $0x1, v4;
	v42 =	vsel vm4, $0x1, v4;
	vm6 =	vgt.f32 v20, v44;
	v15 =	vmovc v49  }
.Ltmp10:
0x449: {  	v19 =	vmovc v48;
	v35 =	vadd.s32 v37, v34;
	v16 =	vmovc v50;
	v49 =	vsel vm1, $0x1, v4;
	v44 =	vsel vm6, $0x1, v4;
	(pc) =	sbr.rel @p0 .LBB2_22-.Ltmp10, $4  }
0x44a: {  	vm4 =	vgt.f32 v38, v54;
	vm1 =	vgt.f32 v55, v20;
	v48 =	vadd.s32 v17, v44;
	v17 =	vmovc v51  }
0x44b: {  	v24 =	vmovc v52;
	v47 =	vsel vm4, $0x1, v4;
	vm4 =	vgt.f32 v38, v56;
	v20 =	vmovc v53;
	v50 =	vsel vm1, $0x1, v4  }
0x44c: {  	v46 =	vsel vm5, $0x1, v4;
	v51 =	vadd.s32 v50, v40;
	v40 =	vadd.s32 v44, v49  }
0x44d: {  	vm1 =	vgt.u32 v36, v46;
	v36 =	vadd.s32 v46, v40;
	v46 =	vsel vm4, $0x1, v4  }
0x44e: {  	v29 =	vadd.s32 v29, v45;
	vm5 =	vlt.u32 v41, $0x2  }
0x44f: {  	v63 =	vsel vm3, $0x1, v4;
	v45 =	vadd.s32 v49, v51;
	vm3 =	vlt.u32 v29, $0x2  }
0x450: {  	vm4 =	vgt.f32 v38, v43;
	v29 =	vadd.s32 v27, v63;
	vm6 =	vlt.u32 v45, $0x2  }
0x451: {  	v49 =	vadd.s32 v47, v46;
	v40 =	vsel vm4, $0x1, v4;
	vm4 =	vle.u32 v29, v31  }
0x452: {  	v29 =	vadd.s32 v40, v49  }
0x453: {  	v27 =	vadd.s32 v27, v33;
	vm7 =	vlt.u32 v29, $0x2;
	v29 =	vsel vm2, $0x1, v4  }
0x454: {  	v30 =	vadd.s32 v63, v30;
	vm2 =	vgt.u32 v27, v29;
	[tilespmem:v13+s25+$0x0] =	vst.idx.msk vm5, v5  }
0x455: {  	vm11 =	vle.u32 v35, v47;
	v30 =	vadd.s32 v29, v30;
	[tilespmem:v10+s25+$0x0] =	vst.idx.msk vm3, v5  }
0x456: {  	vm5 =	vgt.u32 v30, $0x1;
	[tilespmem:v26+s25+$0x0] =	vst.idx.msk vm6, v5  }
0x457: {  	vm3 =	vle.u32 v48, v50;
	v10 =	vadd.s32 v28, v39;
	[tilespmem:v11+s25+$0x0] =	vst.idx.msk vm4, v5  }
0x458: {  	vm4 =	vgt.u32 v10, v32;
	[tilespmem:v18+s25+$0x0] =	vst.idx.msk vm0, v5  }
0x459: {  	[tilespmem:v23+s25+$0x0] =	vst.idx.msk vm7, v5  }
0x45a: {  	vm10 =	vgt.u32 v25, $0x1;
	[tilespmem:v22+s25+$0x0] =	vst.idx.msk vm2, v5  }
0x45b: {  	vm0 =	vgt.u32 v36, $0x1;
	v10 =	vadd.s32 v34, v40;
	v11 =	vadd.s32 v37, v46;
	[tilespmem:v19+s25+$0x0] =	vst.idx.msk vm11, v5  }
0x45c: {  	v10 =	vadd.s32 v42, v10;
	vm2 =	vgt.u32 v11, v42;
	[tilespmem:v21+s25+$0x0] =	vst.idx.msk vm5, v5  }
0x45d: {  	[tilespmem:v24+s25+$0x0] =	vst.idx.msk vm3, v5;
	vm3 =	vgt.u32 v10, $0x1  }
0x45e: {  	[tilespmem:v12+s25+$0x0] =	vst.idx.msk vm4, v5  }
0x45f: {  	[tilespmem:v20+s25+$0x0] =	vst.idx.msk vm1, v5  }
0x460: {  	[tilespmem:v14+s25+$0x0] =	vst.idx.msk vm10, v5  }
0x461: {  	[tilespmem:v15+s25+$0x0] =	vst.idx.msk vm0, v5  }
0x462: {  	[tilespmem:v16+s25+$0x0] =	vst.idx.msk vm2, v5  }
0x463: {  	[tilespmem:v17+s25+$0x0] =	vst.idx.msk vm3, v5  }
0x464: {  	s12 =	rddreg [dreg:$0xe]  }
0x465: {  	[hbm4b:s12+s23] =	stream.strided.scatter [tilespmem:s25], [sflag:$0x6], $0x4000, s24, s23, $0x38;
	[tilespmem:$0x10000] =	vst v63  }
0x466: {  	s19 =	simm.s32 $0x80;
	_ =	swait.ge [sflag:s31], $0x4000  }
0x467: {  	v10 =	vor.u32 s19, v0;
	[sflag:s31] =	ssyncset.done $0x0  }
0x468: {  	v18 =	vor.u32 s19, v1;
	[sflag:s31] =	ssyncadd.s32 $0xFFFFC000  }
0x469: {  	v12 =	vor.u32 s19, v2;
	_ =	swait.ge [sflag:s0], $0x4000  }
0x46a: {  	s13 =	simm.s32 $0xC0;
	v14 =	vor.u32 s19, v3;
	[sflag:s0] =	ssyncset.done $0x0  }
0x46b: {  	v21 =	vor.u32 s13, v9;
	[sflag:s0] =	ssyncadd.s32 $0xFFFFC000  }
0x46c: {  	v22 =	vor.u32 s13, v8;
	v16 =	vld.idx.msk [tilespmem:v10+s26+$0x0], $0xffff  }
0x46d: {  	v11 =	vor.u32 s13, v7;
	v17 =	vld.idx.msk [tilespmem:v18+s26+$0x0], $0xffff  }
0x46e: {  	s20 =	simm.s32 $0x0;
	v13 =	vor.u32 s13, v6;
	v25 =	vld.idx.msk [tilespmem:v12+s26+$0x0], $0xffff  }
0x46f: {  	v26 =	vor.u32 s20, v0;
	v27 =	vld.idx.msk [tilespmem:v14+s26+$0x0], $0xffff  }
0x470: {  	v19 =	vor.u32 s20, v7;
	v28 =	vld.idx.msk [tilespmem:v21+s26+$0x0], $0xffff  }
0x471: {  	v20 =	vor.u32 s20, v2;
	v30 =	vld.idx.msk [tilespmem:v22+s26+$0x0], $0xffff  }
0x472: {  	v24 =	vor.u32 s20, v1;
	v52 =	vld.idx.msk [tilespmem:v11+s26+$0x0], $0xffff  }
0x473: {  	v23 =	vor.u32 s20, v6;
	v53 =	vld.idx.msk [tilespmem:v13+s26+$0x0], $0xffff  }
0x474: {  	v55 =	vld.idx.msk [tilespmem:v26+s26+$0x0], $0xffff  }
0x475: {  	v59 =	vld.idx.msk [tilespmem:v19+s26+$0x0], $0xffff  }
0x476: {  	v62 =	vld.idx.msk [tilespmem:v20+s26+$0x0], $0xffff  }
0x477: {  	v44 =	vld.idx.msk [tilespmem:v24+s26+$0x0], $0xffff  }
0x478: {  	v15 =	vor.u32 s20, v3;
	v56 =	vld.idx.msk [tilespmem:v23+s26+$0x0], $0xffff;
	v31 =	vand.u32 $0x7FFFFFFF, v16  }
0x479: {  	v51 =	vand.u32 $0x7FFFFFFF, v17;
	v16 =	vor.u32 s20, v8;
	v17 =	vor.u32 s20, v9  }
0x47a: {  	v25 =	vand.u32 $0x7FFFFFFF, v25;
	v27 =	vand.u32 $0x7FFFFFFF, v27;
	v54 =	vand.u32 $0x7FFFFFFF, v28  }
0x47b: {  	v57 =	vand.u32 $0x7FFFFFFF, v30;
	v33 =	vand.u32 $0x7FFFFFFF, v52;
	v30 =	vand.u32 $0x7FFFFFFF, v53  }
0x47c: {  	v63 =	vand.u32 $0x7FFFFFFF, v59;
	v59 =	vand.u32 $0x7FFFFFFF, v55;
	v44 =	vand.u32 $0x7FFFFFFF, v44  }
0x47d: {  	v42 =	vand.u32 $0x7FFFFFFF, v62;
	v38 =	vand.u32 $0x7FFFFFFF, v56;
	vm0 =	vgt.f32 v31, v51  }
0x47e: {  	vm1 =	vgt.f32 v51, v25;
	vm3 =	vgt.f32 v25, v27;
	vm4 =	vgt.f32 v31, v25  }
0x47f: {  	vm2 =	vgt.f32 v30, v33;
	vm5 =	vgt.f32 v30, v54;
	vm13 =	vgt.f32 v59, v42  }
0x480: {  	vm8 =	vgt.f32 v44, v42;
	v35 =	vsel vm0, $0x1, v4;
	vm0 =	vgt.f32 v31, v27  }
0x481: {  	v28 =	vsel vm1, $0x1, v4;
	vm1 =	vgt.f32 v33, v57;
	v32 =	vsel vm3, $0x1, v4  }
0x482: {  	v60 =	vld.idx.msk [tilespmem:v15+s26+$0x0], $0xffff;
	vm3 =	vgt.f32 v33, v54;
	v39 =	vsel vm4, $0x1, v4;
	v29 =	vsel vm0, $0x1, v4  }
0x483: {  	vm0 =	vgt.f32 v51, v27;
	v27 =	vsel vm1, $0x1, v4;
	vm1 =	vgt.f32 v30, v57  }
0x484: {  	v30 =	vsel vm5, $0x1, v4;
	v45 =	vadd.s32 v35, v39;
	v25 =	vsel vm0, $0x1, v4;
	v58 =	vld.idx.msk [tilespmem:v17+s26+$0x0], $0xffff  }
0x485: {  	v33 =	vsel vm1, $0x1, v4;
	v31 =	vadd.s32 v28, v25;
	v25 =	vadd.s32 v25, v29;
	v61 =	vld.idx.msk [tilespmem:v16+s26+$0x0], $0xffff  }
0x486: {  	vm0 =	vle.u32 v31, v35;
	v31 =	vsel vm2, $0x1, v4;
	vm2 =	vgt.f32 v57, v54  }
0x487: {  	v25 =	vadd.s32 v32, v25;
	v57 =	vand.u32 $0x7FFFFFFF, v60;
	v60 =	vsel vm13, $0x1, v4  }
0x488: {  	vm5 =	vgt.f32 v59, v57;
	vm14 =	vgt.f32 v42, v57;
	vm15 =	vgt.f32 v44, v57  }
0x489: {  	v49 =	vsel vm5, $0x1, v4;
	v46 =	vsel vm15, $0x1, v4;
	v62 =	vsel vm14, $0x1, v4  }
0x48a: {  	v43 =	vand.u32 $0x7FFFFFFF, v58;
	v58 =	vadd.s32 v31, v33;
	v40 =	vand.u32 $0x7FFFFFFF, v61  }
0x48b: {  	v61 =	vsel vm8, $0x1, v4;
	vm1 =	vgt.f32 v63, v43;
	v41 =	vadd.s32 v30, v58  }
0x48c: {  	vm12 =	vgt.f32 v63, v40;
	vm4 =	vgt.f32 v40, v43;
	v52 =	vadd.s32 v61, v60  }
0x48d: {  	v48 =	vadd.s32 v61, v46;
	v37 =	vsel vm12, $0x1, v4;
	v34 =	vsel vm1, $0x1, v4  }
0x48e: {  	v42 =	vsel vm4, $0x1, v4;
	vm1 =	vgt.f32 v59, v44;
	vm4 =	vgt.f32 v38, v63  }
0x48f: {  	v63 =	vadd.s32 v46, v49;
	v35 =	vadd.s32 v37, v34;
	v50 =	vsel vm1, $0x1, v4  }
0x490: {  	v47 =	vsel vm4, $0x1, v4;
	vm4 =	vgt.f32 v38, v40;
	vm1 =	vgt.u32 v52, v62  }
0x491: {  	s12 =	simm.s32 $0x100;
	v36 =	vadd.s32 v62, v63;
	v51 =	vadd.s32 v50, v60;
	v46 =	vsel vm4, $0x1, v4  }
.LBB2_24:
0x492: {  	s14 =	sadd.s32 $0x80, s12  }
0x493: {  	p0 =	slt.u32 s12, $0x3F00;
	vm4 =	vgt.u32 v36, $0x1;
	vm6 =	vgt.f32 v38, v43;
	vm5 =	vle.u32 v35, v47;
	s13 =	smov.u32 s12;
	s12 =	sadd.s32 $0x100, s12  }
0x494: {  	v43 =	vor.u32 s14, v0;
	v44 =	vor.u32 s14, v1;
	s15 =	sadd.s32 $0xC0, s13;
	v52 =	vsel vm6, $0x1, v4  }
0x495: {  	v40 =	vor.u32 s13, v6;
	v38 =	vor.u32 s14, v2;
	v53 =	vor.u32 s15, v6  }
0x496: {  	v35 =	vor.u32 s14, v3;
	v36 =	vor.u32 s15, v8;
	v54 =	vadd.s32 v34, v52  }
0x497: {  	v55 =	vor.u32 s15, v7;
	v34 =	vor.u32 s15, v9;
	v54 =	vadd.s32 v42, v54  }
0x498: {  	v49 =	vadd.s32 v49, v51;
	vm8 =	vle.u32 v48, v50;
	vm6 =	vgt.u32 v54, $0x1  }
0x499: {  	v47 =	vadd.s32 v47, v46;
	v29 =	vadd.s32 v29, v45;
	v28 =	vadd.s32 v28, v39;
	v48 =	vld.idx.msk [tilespmem:v43+s26+$0x0], $0xffff  }
0x49a: {  	vm13 =	vlt.u32 v41, $0x2;
	vm11 =	vlt.u32 v29, $0x2;
	v45 =	vadd.s32 v52, v47;
	v39 =	vld.idx.msk [tilespmem:v44+s26+$0x0], $0xffff  }
0x49b: {  	v41 =	vsel vm3, $0x1, v4;
	vm10 =	vlt.u32 v45, $0x2;
	v45 =	vsel vm2, $0x1, v4;
	v29 =	vld.idx.msk [tilespmem:v38+s26+$0x0], $0xffff  }
0x49c: {  	v37 =	vadd.s32 v37, v46;
	vm9 =	vgt.u32 v28, v32;
	v28 =	vadd.s32 v27, v41;
	v47 =	vld.idx.msk [tilespmem:v34+s26+$0x0], $0xffff  }
0x49d: {  	vm7 =	vgt.u32 v37, v42;
	vm14 =	vle.u32 v28, v31;
	v28 =	vadd.s32 v41, v30;
	v32 =	vld.idx.msk [tilespmem:v35+s26+$0x0], $0xffff  }
0x49e: {  	vm12 =	vlt.u32 v49, $0x2;
	v27 =	vadd.s32 v27, v33;
	v28 =	vadd.s32 v45, v28;
	v30 =	vld.idx.msk [tilespmem:v36+s26+$0x0], $0xffff  }
0x49f: {  	v46 =	vor.u32 s13, v0;
	v49 =	vor.u32 s13, v3;
	vm2 =	vgt.u32 v28, $0x1;
	v31 =	vld.idx.msk [tilespmem:v53+s26+$0x0], $0xffff  }
0x4a0: {  	vm3 =	vgt.u32 v27, v45;
	v33 =	vand.u32 $0x7FFFFFFF, v48;
	v28 =	vand.u32 $0x7FFFFFFF, v39;
	v37 =	vld.idx.msk [tilespmem:v55+s26+$0x0], $0xffff  }
0x4a1: {  	v50 =	vor.u32 s13, v8;
	v51 =	vor.u32 s13, v9;
	v48 =	vor.u32 s13, v7;
	[tilespmem:v13+s26+$0x0] =	vst.idx.msk vm13, v5;
	v13 =	vmovc v53  }
0x4a2: {  	v52 =	vor.u32 s13, v1;
	v53 =	vor.u32 s13, v2;
	vm13 =	vgt.f32 v33, v28;
	[tilespmem:v10+s26+$0x0] =	vst.idx.msk vm11, v5;
	v10 =	vmovc v43  }
0x4a3: {  	v27 =	vand.u32 $0x7FFFFFFF, v29;
	v32 =	vand.u32 $0x7FFFFFFF, v32;
	v42 =	vsel vm13, $0x1, v4;
	[tilespmem:v11+s26+$0x0] =	vst.idx.msk vm14, v5;
	v11 =	vmovc v55  }
0x4a4: {  	v39 =	vand.u32 $0x7FFFFFFF, v47;
	vm13 =	vgt.f32 v28, v27;
	vm11 =	vgt.f32 v33, v32;
	[tilespmem:v26+s26+$0x0] =	vst.idx.msk vm12, v5  }
0x4a5: {  	vm14 =	vgt.f32 v28, v32;
	v41 =	vand.u32 $0x7FFFFFFF, v30;
	v29 =	vsel vm11, $0x1, v4;
	v26 =	vld.idx.msk [tilespmem:v46+s26+$0x0], $0xffff;
	[tilespmem:v23+s26+$0x0] =	vst.idx.msk vm10, v5  }
0x4a6: {  	vm11 =	vgt.f32 v27, v32;
	v30 =	vand.u32 $0x7FFFFFFF, v31;
	v37 =	vand.u32 $0x7FFFFFFF, v37;
	v23 =	vld.idx.msk [tilespmem:v51+s26+$0x0], $0xffff;
	[tilespmem:v18+s26+$0x0] =	vst.idx.msk vm0, v5  }
0x4a7: {  	v28 =	vsel vm13, $0x1, v4;
	vm12 =	vgt.u32 v25, $0x1;
	vm0 =	vgt.f32 v37, v41;
	v18 =	vld.idx.msk [tilespmem:v48+s26+$0x0], $0xffff;
	[tilespmem:v22+s26+$0x0] =	vst.idx.msk vm3, v5  }
0x4a8: {  	v25 =	vsel vm14, $0x1, v4;
	vm10 =	vgt.f32 v33, v27;
	v27 =	vsel vm0, $0x1, v4;
	v22 =	vld.idx.msk [tilespmem:v49+s26+$0x0], $0xffff;
	[tilespmem:v21+s26+$0x0] =	vst.idx.msk vm2, v5  }
0x4a9: {  	v31 =	vadd.s32 v28, v25;
	v25 =	vadd.s32 v25, v29;
	vm13 =	vgt.f32 v30, v41;
	v21 =	vld.idx.msk [tilespmem:v50+s26+$0x0], $0xffff  }
0x4aa: {  	vm0 =	vle.u32 v31, v42;
	vm3 =	vgt.f32 v30, v39;
	vm2 =	vgt.f32 v30, v37;
	v45 =	vld.idx.msk [tilespmem:v53+s26+$0x0], $0xffff  }
0x4ab: {  	v30 =	vsel vm3, $0x1, v4;
	v31 =	vsel vm2, $0x1, v4;
	vm2 =	vgt.f32 v41, v39;
	v47 =	vld.idx.msk [tilespmem:v52+s26+$0x0], $0xffff;
	[tilespmem:v24+s26+$0x0] =	vst.idx.msk vm8, v5  }
0x4ac: {  	v32 =	vsel vm11, $0x1, v4;
	vm3 =	vgt.f32 v37, v39;
	v43 =	vand.u32 $0x7FFFFFFF, v23;
	v24 =	vld.idx.msk [tilespmem:v40+s26+$0x0], $0xffff;
	[tilespmem:v12+s26+$0x0] =	vst.idx.msk vm9, v5  }
0x4ad: {  	v25 =	vadd.s32 v32, v25;
	v33 =	vsel vm13, $0x1, v4;
	v54 =	vand.u32 $0x7FFFFFFF, v18;
	v18 =	vmovc v44;
	[tilespmem:v14+s26+$0x0] =	vst.idx.msk vm12, v5  }
0x4ae: {  	v12 =	vadd.s32 v31, v33;
	v44 =	vand.u32 $0x7FFFFFFF, v22;
	vm8 =	vgt.f32 v54, v43;
	[tilespmem:v19+s26+$0x0] =	vst.idx.msk vm5, v5  }
0x4af: {  	v55 =	vand.u32 $0x7FFFFFFF, v26;
	v23 =	vmovc v40;
	v41 =	vadd.s32 v30, v12;
	v56 =	vand.u32 $0x7FFFFFFF, v21;
	[tilespmem:v20+s26+$0x0] =	vst.idx.msk vm1, v5  }
0x4b0: {  	v39 =	vsel vm10, $0x1, v4;
	vm1 =	vgt.f32 v55, v44;
	vm5 =	vgt.f32 v54, v56;
	[tilespmem:v15+s26+$0x0] =	vst.idx.msk vm4, v5  }
0x4b1: {  	v12 =	vmovc v38;
	v20 =	vand.u32 $0x7FFFFFFF, v47;
	v15 =	vand.u32 $0x7FFFFFFF, v45;
	vm4 =	vgt.f32 v56, v43;
	[tilespmem:v16+s26+$0x0] =	vst.idx.msk vm7, v5  }
0x4b2: {  	v37 =	vsel vm5, $0x1, v4;
	vm7 =	vgt.f32 v55, v15;
	vm9 =	vgt.f32 v20, v15;
	[tilespmem:v17+s26+$0x0] =	vst.idx.msk vm6, v5  }
0x4b3: {  	v14 =	vmovc v35;
	v22 =	vmovc v36;
	v38 =	vand.u32 $0x7FFFFFFF, v24;
	v40 =	vsel vm7, $0x1, v4;
	v17 =	vsel vm9, $0x1, v4  }
0x4b4: {  	v21 =	vmovc v34;
	v45 =	vadd.s32 v42, v39;
	vm5 =	vgt.f32 v15, v44;
	v36 =	vadd.s32 v17, v40  }
0x4b5: {  	v26 =	vmovc v46;
	v34 =	vsel vm8, $0x1, v4;
	v42 =	vsel vm4, $0x1, v4;
	vm6 =	vgt.f32 v20, v44;
	v15 =	vmovc v49  }
.Ltmp11:
0x4b6: {  	v19 =	vmovc v48;
	v35 =	vadd.s32 v37, v34;
	v16 =	vmovc v50;
	v49 =	vsel vm1, $0x1, v4;
	v44 =	vsel vm6, $0x1, v4;
	(pc) =	sbr.rel @p0 .LBB2_24-.Ltmp11, $4  }
0x4b7: {  	vm4 =	vgt.f32 v38, v54;
	vm1 =	vgt.f32 v55, v20;
	v48 =	vadd.s32 v17, v44;
	v17 =	vmovc v51  }
0x4b8: {  	v24 =	vmovc v52;
	v47 =	vsel vm4, $0x1, v4;
	vm4 =	vgt.f32 v38, v56;
	v20 =	vmovc v53;
	v50 =	vsel vm1, $0x1, v4  }
0x4b9: {  	v46 =	vsel vm5, $0x1, v4;
	v51 =	vadd.s32 v50, v40;
	v40 =	vadd.s32 v44, v49  }
0x4ba: {  	vm1 =	vgt.u32 v36, v46;
	v36 =	vadd.s32 v46, v40;
	v46 =	vsel vm4, $0x1, v4  }
0x4bb: {  	v29 =	vadd.s32 v29, v45;
	vm5 =	vlt.u32 v41, $0x2  }
0x4bc: {  	v63 =	vsel vm3, $0x1, v4;
	v45 =	vadd.s32 v49, v51;
	vm3 =	vlt.u32 v29, $0x2  }
0x4bd: {  	vm4 =	vgt.f32 v38, v43;
	v29 =	vadd.s32 v27, v63;
	vm6 =	vlt.u32 v45, $0x2  }
0x4be: {  	v49 =	vadd.s32 v47, v46;
	v40 =	vsel vm4, $0x1, v4;
	vm4 =	vle.u32 v29, v31  }
0x4bf: {  	v29 =	vadd.s32 v40, v49  }
0x4c0: {  	v27 =	vadd.s32 v27, v33;
	vm7 =	vlt.u32 v29, $0x2;
	v29 =	vsel vm2, $0x1, v4  }
0x4c1: {  	v30 =	vadd.s32 v63, v30;
	vm2 =	vgt.u32 v27, v29;
	[tilespmem:v13+s26+$0x0] =	vst.idx.msk vm5, v5  }
0x4c2: {  	vm11 =	vle.u32 v35, v47;
	v30 =	vadd.s32 v29, v30;
	[tilespmem:v10+s26+$0x0] =	vst.idx.msk vm3, v5  }
0x4c3: {  	vm5 =	vgt.u32 v30, $0x1;
	[tilespmem:v26+s26+$0x0] =	vst.idx.msk vm6, v5  }
0x4c4: {  	vm3 =	vle.u32 v48, v50;
	v10 =	vadd.s32 v28, v39;
	[tilespmem:v11+s26+$0x0] =	vst.idx.msk vm4, v5  }
0x4c5: {  	vm4 =	vgt.u32 v10, v32;
	[tilespmem:v18+s26+$0x0] =	vst.idx.msk vm0, v5  }
0x4c6: {  	[tilespmem:v23+s26+$0x0] =	vst.idx.msk vm7, v5  }
0x4c7: {  	vm10 =	vgt.u32 v25, $0x1;
	[tilespmem:v22+s26+$0x0] =	vst.idx.msk vm2, v5  }
0x4c8: {  	vm0 =	vgt.u32 v36, $0x1;
	v10 =	vadd.s32 v34, v40;
	v11 =	vadd.s32 v37, v46;
	[tilespmem:v19+s26+$0x0] =	vst.idx.msk vm11, v5  }
0x4c9: {  	v10 =	vadd.s32 v42, v10;
	vm2 =	vgt.u32 v11, v42;
	[tilespmem:v21+s26+$0x0] =	vst.idx.msk vm5, v5  }
0x4ca: {  	[tilespmem:v24+s26+$0x0] =	vst.idx.msk vm3, v5;
	vm3 =	vgt.u32 v10, $0x1  }
0x4cb: {  	[tilespmem:v12+s26+$0x0] =	vst.idx.msk vm4, v5  }
0x4cc: {  	[tilespmem:v20+s26+$0x0] =	vst.idx.msk vm1, v5  }
0x4cd: {  	[tilespmem:v14+s26+$0x0] =	vst.idx.msk vm10, v5  }
0x4ce: {  	[tilespmem:v15+s26+$0x0] =	vst.idx.msk vm0, v5  }
0x4cf: {  	[tilespmem:v16+s26+$0x0] =	vst.idx.msk vm2, v5  }
0x4d0: {  	[tilespmem:v17+s26+$0x0] =	vst.idx.msk vm3, v5  }
0x4d1: {  	s12 =	rddreg [dreg:$0xf]  }
0x4d2: {  	[hbm4b:s12+s23] =	stream.strided.scatter [tilespmem:s26], [sflag:$0x7], $0x4000, s24, s23, $0x38;
	[tilespmem:$0x10000] =	vst v63  }
0x4d3: {  	s19 =	simm.s32 $0x80;
	_ =	swait.ge [sflag:s1], $0x4000  }
0x4d4: {  	v10 =	vor.u32 s19, v0;
	[sflag:s1] =	ssyncset.done $0x0  }
0x4d5: {  	v18 =	vor.u32 s19, v1;
	[sflag:s1] =	ssyncadd.s32 $0xFFFFC000  }
0x4d6: {  	v12 =	vor.u32 s19, v2;
	_ =	swait.ge [sflag:s7], $0x4000  }
0x4d7: {  	s13 =	simm.s32 $0xC0;
	v14 =	vor.u32 s19, v3;
	[sflag:s7] =	ssyncset.done $0x0  }
0x4d8: {  	v21 =	vor.u32 s13, v9;
	[sflag:s7] =	ssyncadd.s32 $0xFFFFC000  }
0x4d9: {  	v22 =	vor.u32 s13, v8;
	v16 =	vld.idx.msk [tilespmem:v10+s29+$0x0], $0xffff  }
0x4da: {  	v11 =	vor.u32 s13, v7;
	v17 =	vld.idx.msk [tilespmem:v18+s29+$0x0], $0xffff  }
0x4db: {  	s20 =	simm.s32 $0x0;
	v13 =	vor.u32 s13, v6;
	v25 =	vld.idx.msk [tilespmem:v12+s29+$0x0], $0xffff  }
0x4dc: {  	v26 =	vor.u32 s20, v0;
	v27 =	vld.idx.msk [tilespmem:v14+s29+$0x0], $0xffff  }
0x4dd: {  	v19 =	vor.u32 s20, v7;
	v28 =	vld.idx.msk [tilespmem:v21+s29+$0x0], $0xffff  }
0x4de: {  	v20 =	vor.u32 s20, v2;
	v30 =	vld.idx.msk [tilespmem:v22+s29+$0x0], $0xffff  }
0x4df: {  	v24 =	vor.u32 s20, v1;
	v52 =	vld.idx.msk [tilespmem:v11+s29+$0x0], $0xffff  }
0x4e0: {  	v23 =	vor.u32 s20, v6;
	v53 =	vld.idx.msk [tilespmem:v13+s29+$0x0], $0xffff  }
0x4e1: {  	v55 =	vld.idx.msk [tilespmem:v26+s29+$0x0], $0xffff  }
0x4e2: {  	v59 =	vld.idx.msk [tilespmem:v19+s29+$0x0], $0xffff  }
0x4e3: {  	v62 =	vld.idx.msk [tilespmem:v20+s29+$0x0], $0xffff  }
0x4e4: {  	v44 =	vld.idx.msk [tilespmem:v24+s29+$0x0], $0xffff  }
0x4e5: {  	v15 =	vor.u32 s20, v3;
	v56 =	vld.idx.msk [tilespmem:v23+s29+$0x0], $0xffff;
	v31 =	vand.u32 $0x7FFFFFFF, v16  }
0x4e6: {  	v51 =	vand.u32 $0x7FFFFFFF, v17;
	v16 =	vor.u32 s20, v8;
	v17 =	vor.u32 s20, v9  }
0x4e7: {  	v25 =	vand.u32 $0x7FFFFFFF, v25;
	v27 =	vand.u32 $0x7FFFFFFF, v27;
	v54 =	vand.u32 $0x7FFFFFFF, v28  }
0x4e8: {  	v57 =	vand.u32 $0x7FFFFFFF, v30;
	v33 =	vand.u32 $0x7FFFFFFF, v52;
	v30 =	vand.u32 $0x7FFFFFFF, v53  }
0x4e9: {  	v63 =	vand.u32 $0x7FFFFFFF, v59;
	v59 =	vand.u32 $0x7FFFFFFF, v55;
	v44 =	vand.u32 $0x7FFFFFFF, v44  }
0x4ea: {  	v42 =	vand.u32 $0x7FFFFFFF, v62;
	v38 =	vand.u32 $0x7FFFFFFF, v56;
	vm0 =	vgt.f32 v31, v51  }
0x4eb: {  	vm1 =	vgt.f32 v51, v25;
	vm3 =	vgt.f32 v25, v27;
	vm4 =	vgt.f32 v31, v25  }
0x4ec: {  	vm2 =	vgt.f32 v30, v33;
	vm5 =	vgt.f32 v30, v54;
	vm13 =	vgt.f32 v59, v42  }
0x4ed: {  	vm8 =	vgt.f32 v44, v42;
	v35 =	vsel vm0, $0x1, v4;
	vm0 =	vgt.f32 v31, v27  }
0x4ee: {  	v28 =	vsel vm1, $0x1, v4;
	vm1 =	vgt.f32 v33, v57;
	v32 =	vsel vm3, $0x1, v4  }
0x4ef: {  	v60 =	vld.idx.msk [tilespmem:v15+s29+$0x0], $0xffff;
	vm3 =	vgt.f32 v33, v54;
	v39 =	vsel vm4, $0x1, v4;
	v29 =	vsel vm0, $0x1, v4  }
0x4f0: {  	vm0 =	vgt.f32 v51, v27;
	v27 =	vsel vm1, $0x1, v4;
	vm1 =	vgt.f32 v30, v57  }
0x4f1: {  	v30 =	vsel vm5, $0x1, v4;
	v45 =	vadd.s32 v35, v39;
	v25 =	vsel vm0, $0x1, v4;
	v58 =	vld.idx.msk [tilespmem:v17+s29+$0x0], $0xffff  }
0x4f2: {  	v33 =	vsel vm1, $0x1, v4;
	v31 =	vadd.s32 v28, v25;
	v25 =	vadd.s32 v25, v29;
	v61 =	vld.idx.msk [tilespmem:v16+s29+$0x0], $0xffff  }
0x4f3: {  	vm0 =	vle.u32 v31, v35;
	v31 =	vsel vm2, $0x1, v4;
	vm2 =	vgt.f32 v57, v54  }
0x4f4: {  	v25 =	vadd.s32 v32, v25;
	v57 =	vand.u32 $0x7FFFFFFF, v60;
	v60 =	vsel vm13, $0x1, v4  }
0x4f5: {  	vm5 =	vgt.f32 v59, v57;
	vm14 =	vgt.f32 v42, v57;
	vm15 =	vgt.f32 v44, v57  }
0x4f6: {  	v49 =	vsel vm5, $0x1, v4;
	v46 =	vsel vm15, $0x1, v4;
	v62 =	vsel vm14, $0x1, v4  }
0x4f7: {  	v43 =	vand.u32 $0x7FFFFFFF, v58;
	v58 =	vadd.s32 v31, v33;
	v40 =	vand.u32 $0x7FFFFFFF, v61  }
0x4f8: {  	v61 =	vsel vm8, $0x1, v4;
	vm1 =	vgt.f32 v63, v43;
	v41 =	vadd.s32 v30, v58  }
0x4f9: {  	vm12 =	vgt.f32 v63, v40;
	vm4 =	vgt.f32 v40, v43;
	v52 =	vadd.s32 v61, v60  }
0x4fa: {  	v48 =	vadd.s32 v61, v46;
	v37 =	vsel vm12, $0x1, v4;
	v34 =	vsel vm1, $0x1, v4  }
0x4fb: {  	v42 =	vsel vm4, $0x1, v4;
	vm1 =	vgt.f32 v59, v44;
	vm4 =	vgt.f32 v38, v63  }
0x4fc: {  	v63 =	vadd.s32 v46, v49;
	v35 =	vadd.s32 v37, v34;
	v50 =	vsel vm1, $0x1, v4  }
0x4fd: {  	v47 =	vsel vm4, $0x1, v4;
	vm4 =	vgt.f32 v38, v40;
	vm1 =	vgt.u32 v52, v62  }
0x4fe: {  	s12 =	simm.s32 $0x100;
	v36 =	vadd.s32 v62, v63;
	v51 =	vadd.s32 v50, v60;
	v46 =	vsel vm4, $0x1, v4  }
.LBB2_26:
0x4ff: {  	s14 =	sadd.s32 $0x80, s12  }
0x500: {  	p0 =	slt.u32 s12, $0x3F00;
	vm4 =	vgt.u32 v36, $0x1;
	vm6 =	vgt.f32 v38, v43;
	vm5 =	vle.u32 v35, v47;
	s13 =	smov.u32 s12;
	s12 =	sadd.s32 $0x100, s12  }
0x501: {  	v43 =	vor.u32 s14, v0;
	v44 =	vor.u32 s14, v1;
	s15 =	sadd.s32 $0xC0, s13;
	v52 =	vsel vm6, $0x1, v4  }
0x502: {  	v40 =	vor.u32 s13, v6;
	v38 =	vor.u32 s14, v2;
	v53 =	vor.u32 s15, v6  }
0x503: {  	v35 =	vor.u32 s14, v3;
	v36 =	vor.u32 s15, v8;
	v54 =	vadd.s32 v34, v52  }
0x504: {  	v55 =	vor.u32 s15, v7;
	v34 =	vor.u32 s15, v9;
	v54 =	vadd.s32 v42, v54  }
0x505: {  	v49 =	vadd.s32 v49, v51;
	vm8 =	vle.u32 v48, v50;
	vm6 =	vgt.u32 v54, $0x1  }
0x506: {  	v47 =	vadd.s32 v47, v46;
	v29 =	vadd.s32 v29, v45;
	v28 =	vadd.s32 v28, v39;
	v48 =	vld.idx.msk [tilespmem:v43+s29+$0x0], $0xffff  }
0x507: {  	vm13 =	vlt.u32 v41, $0x2;
	vm11 =	vlt.u32 v29, $0x2;
	v45 =	vadd.s32 v52, v47;
	v39 =	vld.idx.msk [tilespmem:v44+s29+$0x0], $0xffff  }
0x508: {  	v41 =	vsel vm3, $0x1, v4;
	vm10 =	vlt.u32 v45, $0x2;
	v45 =	vsel vm2, $0x1, v4;
	v29 =	vld.idx.msk [tilespmem:v38+s29+$0x0], $0xffff  }
0x509: {  	v37 =	vadd.s32 v37, v46;
	vm9 =	vgt.u32 v28, v32;
	v28 =	vadd.s32 v27, v41;
	v47 =	vld.idx.msk [tilespmem:v34+s29+$0x0], $0xffff  }
0x50a: {  	vm7 =	vgt.u32 v37, v42;
	vm14 =	vle.u32 v28, v31;
	v28 =	vadd.s32 v41, v30;
	v32 =	vld.idx.msk [tilespmem:v35+s29+$0x0], $0xffff  }
0x50b: {  	vm12 =	vlt.u32 v49, $0x2;
	v27 =	vadd.s32 v27, v33;
	v28 =	vadd.s32 v45, v28;
	v30 =	vld.idx.msk [tilespmem:v36+s29+$0x0], $0xffff  }
0x50c: {  	v46 =	vor.u32 s13, v0;
	v49 =	vor.u32 s13, v3;
	vm2 =	vgt.u32 v28, $0x1;
	v31 =	vld.idx.msk [tilespmem:v53+s29+$0x0], $0xffff  }
0x50d: {  	vm3 =	vgt.u32 v27, v45;
	v33 =	vand.u32 $0x7FFFFFFF, v48;
	v28 =	vand.u32 $0x7FFFFFFF, v39;
	v37 =	vld.idx.msk [tilespmem:v55+s29+$0x0], $0xffff  }
0x50e: {  	v50 =	vor.u32 s13, v8;
	v51 =	vor.u32 s13, v9;
	v48 =	vor.u32 s13, v7;
	[tilespmem:v13+s29+$0x0] =	vst.idx.msk vm13, v5;
	v13 =	vmovc v53  }
0x50f: {  	v52 =	vor.u32 s13, v1;
	v53 =	vor.u32 s13, v2;
	vm13 =	vgt.f32 v33, v28;
	[tilespmem:v10+s29+$0x0] =	vst.idx.msk vm11, v5;
	v10 =	vmovc v43  }
0x510: {  	v27 =	vand.u32 $0x7FFFFFFF, v29;
	v32 =	vand.u32 $0x7FFFFFFF, v32;
	v42 =	vsel vm13, $0x1, v4;
	[tilespmem:v11+s29+$0x0] =	vst.idx.msk vm14, v5;
	v11 =	vmovc v55  }
0x511: {  	v39 =	vand.u32 $0x7FFFFFFF, v47;
	vm13 =	vgt.f32 v28, v27;
	vm11 =	vgt.f32 v33, v32;
	[tilespmem:v26+s29+$0x0] =	vst.idx.msk vm12, v5  }
0x512: {  	vm14 =	vgt.f32 v28, v32;
	v41 =	vand.u32 $0x7FFFFFFF, v30;
	v29 =	vsel vm11, $0x1, v4;
	v26 =	vld.idx.msk [tilespmem:v46+s29+$0x0], $0xffff;
	[tilespmem:v23+s29+$0x0] =	vst.idx.msk vm10, v5  }
0x513: {  	vm11 =	vgt.f32 v27, v32;
	v30 =	vand.u32 $0x7FFFFFFF, v31;
	v37 =	vand.u32 $0x7FFFFFFF, v37;
	v23 =	vld.idx.msk [tilespmem:v51+s29+$0x0], $0xffff;
	[tilespmem:v18+s29+$0x0] =	vst.idx.msk vm0, v5  }
0x514: {  	v28 =	vsel vm13, $0x1, v4;
	vm12 =	vgt.u32 v25, $0x1;
	vm0 =	vgt.f32 v37, v41;
	v18 =	vld.idx.msk [tilespmem:v48+s29+$0x0], $0xffff;
	[tilespmem:v22+s29+$0x0] =	vst.idx.msk vm3, v5  }
0x515: {  	v25 =	vsel vm14, $0x1, v4;
	vm10 =	vgt.f32 v33, v27;
	v27 =	vsel vm0, $0x1, v4;
	v22 =	vld.idx.msk [tilespmem:v49+s29+$0x0], $0xffff;
	[tilespmem:v21+s29+$0x0] =	vst.idx.msk vm2, v5  }
0x516: {  	v31 =	vadd.s32 v28, v25;
	v25 =	vadd.s32 v25, v29;
	vm13 =	vgt.f32 v30, v41;
	v21 =	vld.idx.msk [tilespmem:v50+s29+$0x0], $0xffff  }
0x517: {  	vm0 =	vle.u32 v31, v42;
	vm3 =	vgt.f32 v30, v39;
	vm2 =	vgt.f32 v30, v37;
	v45 =	vld.idx.msk [tilespmem:v53+s29+$0x0], $0xffff  }
0x518: {  	v30 =	vsel vm3, $0x1, v4;
	v31 =	vsel vm2, $0x1, v4;
	vm2 =	vgt.f32 v41, v39;
	v47 =	vld.idx.msk [tilespmem:v52+s29+$0x0], $0xffff;
	[tilespmem:v24+s29+$0x0] =	vst.idx.msk vm8, v5  }
0x519: {  	v32 =	vsel vm11, $0x1, v4;
	vm3 =	vgt.f32 v37, v39;
	v43 =	vand.u32 $0x7FFFFFFF, v23;
	v24 =	vld.idx.msk [tilespmem:v40+s29+$0x0], $0xffff;
	[tilespmem:v12+s29+$0x0] =	vst.idx.msk vm9, v5  }
0x51a: {  	v25 =	vadd.s32 v32, v25;
	v33 =	vsel vm13, $0x1, v4;
	v54 =	vand.u32 $0x7FFFFFFF, v18;
	v18 =	vmovc v44;
	[tilespmem:v14+s29+$0x0] =	vst.idx.msk vm12, v5  }
0x51b: {  	v12 =	vadd.s32 v31, v33;
	v44 =	vand.u32 $0x7FFFFFFF, v22;
	vm8 =	vgt.f32 v54, v43;
	[tilespmem:v19+s29+$0x0] =	vst.idx.msk vm5, v5  }
0x51c: {  	v55 =	vand.u32 $0x7FFFFFFF, v26;
	v23 =	vmovc v40;
	v41 =	vadd.s32 v30, v12;
	v56 =	vand.u32 $0x7FFFFFFF, v21;
	[tilespmem:v20+s29+$0x0] =	vst.idx.msk vm1, v5  }
0x51d: {  	v39 =	vsel vm10, $0x1, v4;
	vm1 =	vgt.f32 v55, v44;
	vm5 =	vgt.f32 v54, v56;
	[tilespmem:v15+s29+$0x0] =	vst.idx.msk vm4, v5  }
0x51e: {  	v12 =	vmovc v38;
	v20 =	vand.u32 $0x7FFFFFFF, v47;
	v15 =	vand.u32 $0x7FFFFFFF, v45;
	vm4 =	vgt.f32 v56, v43;
	[tilespmem:v16+s29+$0x0] =	vst.idx.msk vm7, v5  }
0x51f: {  	v37 =	vsel vm5, $0x1, v4;
	vm7 =	vgt.f32 v55, v15;
	vm9 =	vgt.f32 v20, v15;
	[tilespmem:v17+s29+$0x0] =	vst.idx.msk vm6, v5  }
0x520: {  	v14 =	vmovc v35;
	v22 =	vmovc v36;
	v38 =	vand.u32 $0x7FFFFFFF, v24;
	v40 =	vsel vm7, $0x1, v4;
	v17 =	vsel vm9, $0x1, v4  }
0x521: {  	v21 =	vmovc v34;
	v45 =	vadd.s32 v42, v39;
	vm5 =	vgt.f32 v15, v44;
	v36 =	vadd.s32 v17, v40  }
0x522: {  	v26 =	vmovc v46;
	v34 =	vsel vm8, $0x1, v4;
	v42 =	vsel vm4, $0x1, v4;
	vm6 =	vgt.f32 v20, v44;
	v15 =	vmovc v49  }
.Ltmp12:
0x523: {  	v19 =	vmovc v48;
	v35 =	vadd.s32 v37, v34;
	v16 =	vmovc v50;
	v49 =	vsel vm1, $0x1, v4;
	v44 =	vsel vm6, $0x1, v4;
	(pc) =	sbr.rel @p0 .LBB2_26-.Ltmp12, $4  }
0x524: {  	vm4 =	vgt.f32 v38, v54;
	vm1 =	vgt.f32 v55, v20;
	v48 =	vadd.s32 v17, v44;
	v17 =	vmovc v51  }
0x525: {  	v24 =	vmovc v52;
	v47 =	vsel vm4, $0x1, v4;
	vm4 =	vgt.f32 v38, v56;
	v20 =	vmovc v53;
	v50 =	vsel vm1, $0x1, v4  }
0x526: {  	v46 =	vsel vm5, $0x1, v4;
	v51 =	vadd.s32 v50, v40;
	v40 =	vadd.s32 v44, v49  }
0x527: {  	vm1 =	vgt.u32 v36, v46;
	v36 =	vadd.s32 v46, v40;
	v46 =	vsel vm4, $0x1, v4  }
0x528: {  	v29 =	vadd.s32 v29, v45;
	vm5 =	vlt.u32 v41, $0x2  }
0x529: {  	v57 =	vsel vm3, $0x1, v4;
	v59 =	vadd.s32 v49, v51;
	vm13 =	vlt.u32 v29, $0x2  }
0x52a: {  	v58 =	vadd.s32 v27, v57;
	vm6 =	vlt.u32 v59, $0x2  }
0x52b: {  	vm4 =	vgt.f32 v38, v43;
	vm14 =	vle.u32 v58, v31  }
0x52c: {  	v60 =	vadd.s32 v47, v46;
	v40 =	vsel vm4, $0x1, v4  }
0x52d: {  	vm9 =	vle.u32 v48, v50;
	v61 =	vadd.s32 v40, v60  }
0x52e: {  	v62 =	vsel vm2, $0x1, v4;
	v63 =	vadd.s32 v27, v33;
	vm7 =	vlt.u32 v61, $0x2;
	[tilespmem:v13+s29+$0x0] =	vst.idx.msk vm5, v5  }
0x52f: {  	v30 =	vadd.s32 v57, v30;
	vm2 =	vgt.u32 v63, v62;
	[tilespmem:v10+s29+$0x0] =	vst.idx.msk vm13, v5  }
0x530: {  	v30 =	vadd.s32 v62, v30;
	[tilespmem:v26+s29+$0x0] =	vst.idx.msk vm6, v5  }
0x531: {  	vm15 =	vgt.u32 v30, $0x1;
	[tilespmem:v11+s29+$0x0] =	vst.idx.msk vm14, v5  }
0x532: {  	vm12 =	vle.u32 v35, v47;
	[tilespmem:v18+s29+$0x0] =	vst.idx.msk vm0, v5  }
0x533: {  	v10 =	vadd.s32 v28, v39;
	vm13 =	vgt.u32 v36, $0x1;
	[tilespmem:v24+s29+$0x0] =	vst.idx.msk vm9, v5  }
0x534: {  	vm10 =	vgt.u32 v10, v32;
	[tilespmem:v23+s29+$0x0] =	vst.idx.msk vm7, v5  }
0x535: {  	vm11 =	vgt.u32 v25, $0x1;
	v10 =	vadd.s32 v34, v40;
	v11 =	vadd.s32 v37, v46;
	[tilespmem:v22+s29+$0x0] =	vst.idx.msk vm2, v5  }
0x536: {  	v10 =	vadd.s32 v42, v10;
	vm14 =	vgt.u32 v11, v42;
	[tilespmem:v20+s29+$0x0] =	vst.idx.msk vm1, v5  }
0x537: {  	[tilespmem:v21+s29+$0x0] =	vst.idx.msk vm15, v5;
	vm15 =	vgt.u32 v10, $0x1  }
0x538: {  	[tilespmem:v19+s29+$0x0] =	vst.idx.msk vm12, v5  }
0x539: {  	[tilespmem:v15+s29+$0x0] =	vst.idx.msk vm13, v5  }
0x53a: {  	[tilespmem:v12+s29+$0x0] =	vst.idx.msk vm10, v5  }
0x53b: {  	[tilespmem:v14+s29+$0x0] =	vst.idx.msk vm11, v5  }
0x53c: {  	[tilespmem:v16+s29+$0x0] =	vst.idx.msk vm14, v5  }
0x53d: {  	s11 =	sadd.s32 $0x1, s11;
	[tilespmem:v17+s29+$0x0] =	vst.idx.msk vm15, v5  }
0x53e: {  	[hbm4b:s21+s23] =	stream.strided.scatter [tilespmem:s29], [sflag:$0x8], $0x4000, s24, s23, $0x38;
	[tilespmem:$0x10000] =	vst v63  }
0x53f: {  	p0 =	sne.s32 s11, s22;
	_ =	swait.ge [sflag:s8], $0x4000  }
.Ltmp13:
0x540: {  	[sflag:s8] =	ssyncset.done $0x0;
	(pc) =	sbr.rel @p0 .LBB2_1-.Ltmp13, $4  }
0x541: {  	[sflag:s8] =	ssyncadd.s32 $0xFFFFC000  }
0x542: {  	_ =	swait.ge [sflag:s10], $0x4000  }
0x543: {  	[sflag:s10] =	ssyncset.done $0x0  }
0x544: {  	[sflag:s10] =	ssyncadd.s32 $0xFFFFC000  }
0x545: {  	_ =	sfence.sel $0x180000  }
0x546: {  	[bflag:$0x0] =	sbarrier.arrive $0xFFFF  }
0x547: {  	_ =	strace $0x90000047  }
0x548: {  	s0 =	stileid.u32;
	[bflag:$0x2] =	sbarrier.arrive $0xFFFF  }
0x549: {  	p0 =	sne.s32 s0, $0x0;
	s0 =	rddreg [dreg:$0x2]  }
0x54a: {  	s0 =	sadd.s32 @!p0 $0x100000, s0  }
0x54b: {  	[sflag:s0] =	ssyncadd.tile.s32 @!p0 $0x1;
	_ =	shalt  }
.Lfunc_end2:
_tile_overlayer_lowered:
.L_overlay_start_2:
0x54c: {  	(tag) =	ssettag $0x2  }
0x54d: {  	s0 =	rddreg [dreg:$0x0];
	s2 =	stileid.u32  }
0x54e: {  	s1 =	rddreg [dreg:$0x1];
	p0 =	sne.s32 s2, $0x0  }
0x54f: {  	s3 =	rddreg [dreg:$0x2];
	[bflag:$0x3] =	sbarrier.arrive $0xFFFF;
	s2 =	simm.s32 @!p0 $0x1C09  }
0x550: {  	[timem:s3], [sflag:s2] =	dma.local @!p0 [hbm:s0], s1  }
0x551: {  	s0 =	simm.s32 @!p0 $0x9  }
0x552: {  	_ =	swait.ge @!p0 [sflag:s0], s1  }
0x553: {  	s1 =	ssub.s32 @!p0 $0x0, s1;
	[sflag:s0] =	ssyncset.done @!p0 $0x0  }
0x554: {  	[sflag:s0] =	ssyncadd.s32 @!p0 s1  }
0x555: {  	[bflag:$0x3] =	sbarrier.arrive $0xFFFF  }
0x556: {  	_ =	shalt  }

</sc_bundles>
